<compile_context>
chip_gen: v7x
topology: tpu7x:2x2x1
jax: 0.10.2.dev20260603
libtpu: 0.0.44.dev20260713+nightly
codegen_flags: <defaults>
</compile_context>

<pallas_src>
import jax
import jax.numpy as jnp
from jax import lax
from jax.experimental import pallas as pl
from jax.experimental.pallas import tpu as pltpu
from jax.experimental.pallas import tpu_sc as plsc

BATCH = 1024
SEQ = 50
DIM = 1024
LANES = 16
NUM_CORES = 2
NUM_SUBCORES = 16
NUM_WORKERS = NUM_CORES * NUM_SUBCORES
BPW = BATCH // NUM_WORKERS
IDX_PER_W = BPW * SEQ
CHUNK = 32
NCH = IDX_PER_W // CHUNK
NBUF = 3
NMAIN = NCH - 2
NSTAGE = 16


def _sc_encode(x_hbm, table_hbm, out_hbm, idx_v, rows_a, rows_b, rows_c,
               acc_v, stage_v, sem_a, sem_b, sem_c, sem_o):
    wid = lax.axis_index("s") * NUM_CORES + lax.axis_index("c")
    base = wid * BPW
    pltpu.sync_copy(x_hbm.at[wid], idx_v)

    bufs = (rows_a, rows_b, rows_c)
    sems = (sem_a, sem_b, sem_c)

    for k in range(2):
        pltpu.make_async_copy(
            table_hbm.at[idx_v.at[pl.ds(CHUNK * k, CHUNK)]], bufs[k],
            sems[k]).start()

    def zero_body(c, carry):
        acc_v[pl.ds(c * LANES, LANES)] = jnp.zeros((LANES,), jnp.float32)
        return carry

    lax.fori_loop(0, DIM // LANES, zero_body, 0)

    def do_chunk(buf, sem, b0, p):
        pltpu.make_async_copy(table_hbm.at[pl.ds(0, CHUNK)], buf, sem).wait()

        hci = 1 + ((CHUNK - p) >> 31)
        srow = b0 & (NSTAGE - 1)
        row_masks = [
            jnp.full((LANES,), (r - p) >> 31, jnp.int32)
            for r in range(CHUNK)
        ]
        hmask = jnp.full((LANES,), -hci, jnp.int32)

        @plsc.parallel_loop(0, DIM // LANES, unroll=8)
        def c_body(c, _buf=buf, _masks=row_masks, _hmask=hmask, _srow=srow):
            off = c * LANES
            zero = jnp.zeros((LANES,), jnp.float32)
            t0 = t1 = t2 = t3 = zero
            a0 = a1c = zero
            for r in range(CHUNK):
                x = _buf[r, pl.ds(off, LANES)]
                if r % 4 == 0:
                    t0 = t0 + x
                elif r % 4 == 1:
                    t1 = t1 + x
                elif r % 4 == 2:
                    t2 = t2 + x
                else:
                    t3 = t3 + x
                xm = lax.bitcast_convert_type(
                    lax.bitcast_convert_type(x, jnp.int32) & _masks[r],
                    jnp.float32)
                if r % 2 == 0:
                    a0 = a0 + xm
                else:
                    a1c = a1c + xm
            total = (t0 + t1) + (t2 + t3)
            pre = a0 + a1c
            acc = acc_v[pl.ds(off, LANES)]
            fin = acc + pre
            stage_v[_srow, pl.ds(off, LANES)] = jnp.where(
                fin > 0.0, 1.0, -1.0)
            b_acc = lax.bitcast_convert_type(acc, jnp.int32)
            b_np = lax.bitcast_convert_type(-pre, jnp.int32)
            blend = b_acc ^ ((b_acc ^ b_np) & _hmask)
            acc_v[pl.ds(off, LANES)] = total + lax.bitcast_convert_type(
                blend, jnp.float32)

        @pl.when(hci > 0)
        def _():
            pltpu.make_async_copy(
                stage_v.at[srow], out_hbm.at[base + b0], sem_o).start()

        return b0 + hci, p + SEQ * hci - CHUNK

    def outer_body(i, carry):
        b0, p = carry
        for j in range(NBUF):
            kk = i * NBUF + j
            nslot = (j + 2) % NBUF
            pltpu.make_async_copy(
                table_hbm.at[idx_v.at[pl.ds(CHUNK * (kk + 2), CHUNK)]],
                bufs[nslot], sems[nslot]).start()
            b0, p = do_chunk(bufs[j], sems[j], b0, p)
        return b0, p

    b0, p = lax.fori_loop(0, NMAIN // NBUF, outer_body,
                          (jnp.int32(0), jnp.int32(SEQ)))

    b0, p = do_chunk(bufs[0], sems[0], b0, p)
    b0, p = do_chunk(bufs[1], sems[1], b0, p)

    for half in range(2):
        pltpu.make_async_copy(
            stage_v, out_hbm.at[pl.ds(base, NSTAGE)], sem_o).wait()


@jax.jit
def kernel(x, symbol):
    mesh = plsc.VectorSubcoreMesh(core_axis_name="c", subcore_axis_name="s")
    f = pl.kernel(
        _sc_encode,
        mesh=mesh,
        out_type=jax.ShapeDtypeStruct((BATCH, DIM), jnp.float32),
        scratch_types=[
            pltpu.VMEM((IDX_PER_W,), jnp.int32),
            pltpu.VMEM((CHUNK, DIM), jnp.float32),
            pltpu.VMEM((CHUNK, DIM), jnp.float32),
            pltpu.VMEM((CHUNK, DIM), jnp.float32),
            pltpu.VMEM((DIM,), jnp.float32),
            pltpu.VMEM((NSTAGE, DIM), jnp.float32),
            pltpu.SemaphoreType.DMA,
            pltpu.SemaphoreType.DMA,
            pltpu.SemaphoreType.DMA,
            pltpu.SemaphoreType.DMA,
        ],
    )
    return f(x.reshape(NUM_WORKERS, IDX_PER_W), symbol)

# --- scband reference (transcript-rebuilt; emitter-appended) ---
"""Pipeline reference for scband-encoder-13950053777987 (READ-ONLY COPY).

The authoritative reference and input builder live on the scoring server;
editing this copy changes nothing except your own understanding.
"""

import jax, jax.numpy as jnp
import numpy as np

SIZE = 100000
DIM = 1024
BATCH = 1024
SEQ = 50

def setup_inputs(seed: int = 0) -> dict:
    key = jax.random.key(seed)
    k1, k2 = jax.random.split(key)
    # forward input: integer symbol ids (Encoder casts to long internally)
    x = jax.random.randint(k1, (BATCH, SEQ), 0, SIZE, dtype=jnp.int32)
    # embeddings.Random produces random bipolar (+1/-1) MAP hypervectors
    symbol = jnp.where(jax.random.normal(k2, (SIZE, DIM)) >= 0.0, 1.0, -1.0).astype(jnp.float32)
    return {"x": x, "symbol": symbol}

def reference(x, symbol):
    # forward: x = flatten(x).float(); flatten keeps batch dim, here [B, S] is unchanged
    idx = x.reshape(x.shape[0], -1)
    # self.symbol(x.long()) -> embedding lookup [B, S, D]
    hv = jnp.take(symbol, idx, axis=0)
    # torchhd.multiset: elementwise sum over the sequence (dim=-2)
    s = jnp.sum(hv, axis=-2)
    # torchhd.hard_quantize: where(x > 0, 1, -1)
    return jnp.where(s > 0.0, 1.0, -1.0).astype(jnp.float32)

if __name__ == "__main__":
    import jax
    _d = setup_inputs()
    print(jax.jit(kernel)(*tuple(_d.values())))

</pallas_src>

<mosaic_0001>
#map = affine_map<(d0, d1) -> (0, 0)>
module attributes {stable_mosaic.version = 14 : i64} {
  func.func @_sc_encode(%arg0: i32, %arg1: i32, %arg2: memref<32x1600xi32, #tpu.memory_space<hbm>>, %arg3: memref<100000x1024xf32, #tpu.memory_space<hbm>>, %arg4: memref<1024x1024xf32, #tpu.memory_space<hbm>>, %arg5: memref<1600xi32, #tpu.memory_space<vmem>>, %arg6: memref<32x1024xf32, #tpu.memory_space<vmem>>, %arg7: memref<32x1024xf32, #tpu.memory_space<vmem>>, %arg8: memref<32x1024xf32, #tpu.memory_space<vmem>>, %arg9: memref<1024xf32, #tpu.memory_space<vmem>>, %arg10: memref<16x1024xf32, #tpu.memory_space<vmem>>, %arg11: memref<!tpu.dma_semaphore, #tpu.memory_space<semaphore_mem>>, %arg12: memref<!tpu.dma_semaphore, #tpu.memory_space<semaphore_mem>>, %arg13: memref<!tpu.dma_semaphore, #tpu.memory_space<semaphore_mem>>, %arg14: memref<!tpu.dma_semaphore, #tpu.memory_space<semaphore_mem>>) attributes {dimension_semantics = [#tpu.dimension_semantics<core_parallel>, #tpu.dimension_semantics<subcore_parallel>], iteration_bounds = array<i64: 2, 16>, scalar_prefetch = 0 : i64, scratch_operands = 10 : i64, tpu.core_type = #tpu.core_type<sc_vector_subcore>, window_params = [{transform_indices = #map}, {transform_indices = #map}, {transform_indices = #map}]} {
    %mul3A = arith.constant 2 : i32
    %mul3A_0 = arith.muli %arg1, %mul3A : i32
    %add3A = arith.addi %mul3A_0, %arg0 : i32
    %mul3A_1 = arith.constant 32 : i32
    %mul3A_2 = arith.muli %add3A, %mul3A_1 : i32
    "tpu.region"() ({
      %run_scoped3A = tpu.sem_alloc : memref<!tpu.dma_semaphore, #tpu.memory_space<semaphore_mem>>
      %dma_start3A_405 = arith.constant 0 : i32
      %dma_start3A_406 = tpu.memref_slice %arg2[%add3A, %dma_start3A_405] : memref<32x1600xi32, #tpu.memory_space<hbm>> -> memref<1x1600xi32, #tpu.memory_space<hbm>>
      %dma_start3A_407 = tpu.memref_squeeze %dma_start3A_406 : memref<1x1600xi32, #tpu.memory_space<hbm>> -> memref<1600xi32, #tpu.memory_space<hbm>>
      %dma_start3A_408 = arith.constant 0 : i32
      %dma_start3A_409 = tpu.memref_slice %arg2[%add3A, %dma_start3A_408] : memref<32x1600xi32, #tpu.memory_space<hbm>> -> memref<1x1600xi32, #tpu.memory_space<hbm>>
      %dma_start3A_410 = tpu.memref_squeeze %dma_start3A_409 : memref<1x1600xi32, #tpu.memory_space<hbm>> -> memref<1600xi32, #tpu.memory_space<hbm>>
      tpu.enqueue_dma source(%dma_start3A_410 : memref<1600xi32, #tpu.memory_space<hbm>>) target(%arg5 : memref<1600xi32, #tpu.memory_space<vmem>>) target_semaphore(%run_scoped3A : memref<!tpu.dma_semaphore, #tpu.memory_space<semaphore_mem>>)
      %dma_wait3A_411 = arith.constant 0 : i32
      %dma_wait3A_412 = tpu.memref_slice %arg2[%add3A, %dma_wait3A_411] : memref<32x1600xi32, #tpu.memory_space<hbm>> -> memref<1x1600xi32, #tpu.memory_space<hbm>>
      %dma_wait3A_413 = tpu.memref_squeeze %dma_wait3A_412 : memref<1x1600xi32, #tpu.memory_space<hbm>> -> memref<1600xi32, #tpu.memory_space<hbm>>
      %dma_wait3A_414 = arith.constant 0 : i32
      %dma_wait3A_415 = tpu.memref_slice %arg2[%add3A, %dma_wait3A_414] : memref<32x1600xi32, #tpu.memory_space<hbm>> -> memref<1x1600xi32, #tpu.memory_space<hbm>>
      %dma_wait3A_416 = tpu.memref_squeeze %dma_wait3A_415 : memref<1x1600xi32, #tpu.memory_space<hbm>> -> memref<1600xi32, #tpu.memory_space<hbm>>
      tpu.wait_dma2 semaphore(%run_scoped3A : memref<!tpu.dma_semaphore, #tpu.memory_space<semaphore_mem>>) src(%dma_wait3A_416 : memref<1600xi32, #tpu.memory_space<hbm>>) dst(%arg5 : memref<1600xi32, #tpu.memory_space<vmem>>)
      tpu.yield
    }) : () -> ()
    %dma_start3A = arith.constant 0 : i32
    %dma_start3A_3 = tpu.memref_slice %arg5[%dma_start3A] : memref<1600xi32, #tpu.memory_space<vmem>> -> memref<32xi32, #tpu.memory_space<vmem>>
    %dma_start3A_4 = arith.constant 0 : i32
    %dma_start3A_5 = arith.constant 0 : i32
    %dma_start3A_6 = tpu.memref_slice %arg3[%dma_start3A_4, %dma_start3A_5] : memref<100000x1024xf32, #tpu.memory_space<hbm>> -> memref<100000x1024xf32, #tpu.memory_space<hbm>>
    tpu.enqueue_indirect_dma source(%dma_start3A_6 : memref<100000x1024xf32, #tpu.memory_space<hbm>>) target(%arg6 : memref<32x1024xf32, #tpu.memory_space<vmem>>) offsets(%dma_start3A_3 : memref<32xi32, #tpu.memory_space<vmem>>) semaphore(%arg11 : memref<!tpu.dma_semaphore, #tpu.memory_space<semaphore_mem>>)
    %dma_start3A_7 = arith.constant 32 : i32
    %dma_start3A_8 = tpu.memref_slice %arg5[%dma_start3A_7] : memref<1600xi32, #tpu.memory_space<vmem>> -> memref<32xi32, #tpu.memory_space<vmem>>
    %dma_start3A_9 = arith.constant 0 : i32
    %dma_start3A_10 = arith.constant 0 : i32
    %dma_start3A_11 = tpu.memref_slice %arg3[%dma_start3A_9, %dma_start3A_10] : memref<100000x1024xf32, #tpu.memory_space<hbm>> -> memref<100000x1024xf32, #tpu.memory_space<hbm>>
    tpu.enqueue_indirect_dma source(%dma_start3A_11 : memref<100000x1024xf32, #tpu.memory_space<hbm>>) target(%arg7 : memref<32x1024xf32, #tpu.memory_space<vmem>>) offsets(%dma_start3A_8 : memref<32xi32, #tpu.memory_space<vmem>>) semaphore(%arg12 : memref<!tpu.dma_semaphore, #tpu.memory_space<semaphore_mem>>)
    %scan3A = arith.constant 0 : i32
    %scan3A_12 = arith.constant 0 : i32
    %scan3A_13 = arith.constant 64 : i32
    %scan3A_14 = arith.addi %scan3A_12, %scan3A_13 : i32
    %scan3A_15 = arith.constant 1 : i32
    scf.for %scan3A_405 = %scan3A_12 to %scan3A_14 step %scan3A_15  : i32 {
      %broadcast_in_dim3A_406 = arith.constant 0.000000e+00 : f32
      %broadcast_in_dim3A_407 = vector.broadcast %broadcast_in_dim3A_406 : f32 to vector<16xf32>
      %mul3A_408 = arith.constant 16 : i32
      %mul3A_409 = arith.muli %scan3A_405, %mul3A_408 : i32
      %swap3A = arith.index_cast %mul3A_409 : i32 to index
      %swap3A_410 = tpu.vector_load %arg9[%swap3A] {strides = array<i32>} : memref<1024xf32, #tpu.memory_space<vmem>>, vector<16xf32>,
      %swap3A_411 = vector.shape_cast %swap3A_410 : vector<16xf32> to vector<16xf32>
      %swap3A_412 = vector.shape_cast %broadcast_in_dim3A_407 : vector<16xf32> to vector<16xf32>
      tpu.vector_store %arg9[%swap3A], %swap3A_412 {strides = array<i32>} : memref<1024xf32, #tpu.memory_space<vmem>>, vector<16xf32>,
    }
    %scan3A_16 = arith.constant 64 : i32
    %scan3A_17 = arith.constant 0 : i32
    %scan3A_18 = arith.constant 50 : i32
    %scan3A_19 = arith.constant 0 : i32
    %scan3A_20 = arith.constant 16 : i32
    %scan3A_21 = arith.addi %scan3A_19, %scan3A_20 : i32
    %scan3A_22 = arith.constant 1 : i32
    %scan3A_23:2 = scf.for %scan3A_405 = %scan3A_19 to %scan3A_21 step %scan3A_22 iter_args(%scan3A_406 = %scan3A_17, %scan3A_407 = %scan3A_18) -> (i32, i32)  : i32 {
      %mul3A_408 = arith.constant 3 : i32
      %mul3A_409 = arith.muli %scan3A_405, %mul3A_408 : i32
      %add3A_410 = arith.constant 0 : i32
      %add3A_411 = arith.addi %mul3A_409, %add3A_410 : i32
      %add3A_412 = arith.constant 2 : i32
      %add3A_413 = arith.addi %add3A_411, %add3A_412 : i32
      %mul3A_414 = arith.constant 32 : i32
      %mul3A_415 = arith.muli %mul3A_414, %add3A_413 : i32
      %dma_start3A_416 = tpu.memref_slice %arg5[%mul3A_415] : memref<1600xi32, #tpu.memory_space<vmem>> -> memref<32xi32, #tpu.memory_space<vmem>>
      %dma_start3A_417 = arith.constant 0 : i32
      %dma_start3A_418 = arith.constant 0 : i32
      %dma_start3A_419 = tpu.memref_slice %arg3[%dma_start3A_417, %dma_start3A_418] : memref<100000x1024xf32, #tpu.memory_space<hbm>> -> memref<100000x1024xf32, #tpu.memory_space<hbm>>
      tpu.enqueue_indirect_dma source(%dma_start3A_419 : memref<100000x1024xf32, #tpu.memory_space<hbm>>) target(%arg8 : memref<32x1024xf32, #tpu.memory_space<vmem>>) offsets(%dma_start3A_416 : memref<32xi32, #tpu.memory_space<vmem>>) semaphore(%arg13 : memref<!tpu.dma_semaphore, #tpu.memory_space<semaphore_mem>>)
      %dma_wait3A_420 = arith.constant 0 : i32
      %dma_wait3A_421 = arith.constant 0 : i32
      %dma_wait3A_422 = tpu.memref_slice %arg3[%dma_wait3A_420, %dma_wait3A_421] : memref<100000x1024xf32, #tpu.memory_space<hbm>> -> memref<32x1024xf32, #tpu.memory_space<hbm>>
      %dma_wait3A_423 = arith.constant 0 : i32
      %dma_wait3A_424 = arith.constant 0 : i32
      %dma_wait3A_425 = tpu.memref_slice %arg3[%dma_wait3A_423, %dma_wait3A_424] : memref<100000x1024xf32, #tpu.memory_space<hbm>> -> memref<32x1024xf32, #tpu.memory_space<hbm>>
      tpu.wait_dma2 semaphore(%arg11 : memref<!tpu.dma_semaphore, #tpu.memory_space<semaphore_mem>>) src(%dma_wait3A_425 : memref<32x1024xf32, #tpu.memory_space<hbm>>) dst(%arg6 : memref<32x1024xf32, #tpu.memory_space<vmem>>)
      %sub3A_426 = arith.constant 32 : i32
      %sub3A_427 = arith.subi %sub3A_426, %scan3A_407 : i32
      %shift_right_arithmetic3A_428 = arith.constant 31 : i32
      %shift_right_arithmetic3A_429 = arith.shrsi %sub3A_427, %shift_right_arithmetic3A_428 : i32
      %add3A_430 = arith.constant 1 : i32
      %add3A_431 = arith.addi %add3A_430, %shift_right_arithmetic3A_429 : i32
      %and3A_432 = arith.constant 15 : i32
      %and3A_433 = arith.andi %scan3A_406, %and3A_432 : i32
      %sub3A_434 = arith.constant 0 : i32
      %sub3A_435 = arith.subi %sub3A_434, %scan3A_407 : i32
      %shift_right_arithmetic3A_436 = arith.constant 31 : i32
      %shift_right_arithmetic3A_437 = arith.shrsi %sub3A_435, %shift_right_arithmetic3A_436 : i32
      %broadcast_in_dim3A_438 = vector.broadcast %shift_right_arithmetic3A_437 : i32 to vector<16xi32>
      %sub3A_439 = arith.constant 1 : i32
      %sub3A_440 = arith.subi %sub3A_439, %scan3A_407 : i32
      %shift_right_arithmetic3A_441 = arith.constant 31 : i32
      %shift_right_arithmetic3A_442 = arith.shrsi %sub3A_440, %shift_right_arithmetic3A_441 : i32
      %broadcast_in_dim3A_443 = vector.broadcast %shift_right_arithmetic3A_442 : i32 to vector<16xi32>
      %sub3A_444 = arith.constant 2 : i32
      %sub3A_445 = arith.subi %sub3A_444, %scan3A_407 : i32
      %shift_right_arithmetic3A_446 = arith.constant 31 : i32
      %shift_right_arithmetic3A_447 = arith.shrsi %sub3A_445, %shift_right_arithmetic3A_446 : i32
      %broadcast_in_dim3A_448 = vector.broadcast %shift_right_arithmetic3A_447 : i32 to vector<16xi32>
      %sub3A_449 = arith.constant 3 : i32
      %sub3A_450 = arith.subi %sub3A_449, %scan3A_407 : i32
      %shift_right_arithmetic3A_451 = arith.constant 31 : i32
      %shift_right_arithmetic3A_452 = arith.shrsi %sub3A_450, %shift_right_arithmetic3A_451 : i32
      %broadcast_in_dim3A_453 = vector.broadcast %shift_right_arithmetic3A_452 : i32 to vector<16xi32>
      %sub3A_454 = arith.constant 4 : i32
      %sub3A_455 = arith.subi %sub3A_454, %scan3A_407 : i32
      %shift_right_arithmetic3A_456 = arith.constant 31 : i32
      %shift_right_arithmetic3A_457 = arith.shrsi %sub3A_455, %shift_right_arithmetic3A_456 : i32
      %broadcast_in_dim3A_458 = vector.broadcast %shift_right_arithmetic3A_457 : i32 to vector<16xi32>
      %sub3A_459 = arith.constant 5 : i32
      %sub3A_460 = arith.subi %sub3A_459, %scan3A_407 : i32
      %shift_right_arithmetic3A_461 = arith.constant 31 : i32
      %shift_right_arithmetic3A_462 = arith.shrsi %sub3A_460, %shift_right_arithmetic3A_461 : i32
      %broadcast_in_dim3A_463 = vector.broadcast %shift_right_arithmetic3A_462 : i32 to vector<16xi32>
      %sub3A_464 = arith.constant 6 : i32
      %sub3A_465 = arith.subi %sub3A_464, %scan3A_407 : i32
      %shift_right_arithmetic3A_466 = arith.constant 31 : i32
      %shift_right_arithmetic3A_467 = arith.shrsi %sub3A_465, %shift_right_arithmetic3A_466 : i32
      %broadcast_in_dim3A_468 = vector.broadcast %shift_right_arithmetic3A_467 : i32 to vector<16xi32>
      %sub3A_469 = arith.constant 7 : i32
      %sub3A_470 = arith.subi %sub3A_469, %scan3A_407 : i32
      %shift_right_arithmetic3A_471 = arith.constant 31 : i32
      %shift_right_arithmetic3A_472 = arith.shrsi %sub3A_470, %shift_right_arithmetic3A_471 : i32
      %broadcast_in_dim3A_473 = vector.broadcast %shift_right_arithmetic3A_472 : i32 to vector<16xi32>
      %sub3A_474 = arith.constant 8 : i32
      %sub3A_475 = arith.subi %sub3A_474, %scan3A_407 : i32
      %shift_right_arithmetic3A_476 = arith.constant 31 : i32
      %shift_right_arithmetic3A_477 = arith.shrsi %sub3A_475, %shift_right_arithmetic3A_476 : i32
      %broadcast_in_dim3A_478 = vector.broadcast %shift_right_arithmetic3A_477 : i32 to vector<16xi32>
      %sub3A_479 = arith.constant 9 : i32
      %sub3A_480 = arith.subi %sub3A_479, %scan3A_407 : i32
      %shift_right_arithmetic3A_481 = arith.constant 31 : i32
      %shift_right_arithmetic3A_482 = arith.shrsi %sub3A_480, %shift_right_arithmetic3A_481 : i32
      %broadcast_in_dim3A_483 = vector.broadcast %shift_right_arithmetic3A_482 : i32 to vector<16xi32>
      %sub3A_484 = arith.constant 10 : i32
      %sub3A_485 = arith.subi %sub3A_484, %scan3A_407 : i32
      %shift_right_arithmetic3A_486 = arith.constant 31 : i32
      %shift_right_arithmetic3A_487 = arith.shrsi %sub3A_485, %shift_right_arithmetic3A_486 : i32
      %broadcast_in_dim3A_488 = vector.broadcast %shift_right_arithmetic3A_487 : i32 to vector<16xi32>
      %sub3A_489 = arith.constant 11 : i32
      %sub3A_490 = arith.subi %sub3A_489, %scan3A_407 : i32
      %shift_right_arithmetic3A_491 = arith.constant 31 : i32
      %shift_right_arithmetic3A_492 = arith.shrsi %sub3A_490, %shift_right_arithmetic3A_491 : i32
      %broadcast_in_dim3A_493 = vector.broadcast %shift_right_arithmetic3A_492 : i32 to vector<16xi32>
      %sub3A_494 = arith.constant 12 : i32
      %sub3A_495 = arith.subi %sub3A_494, %scan3A_407 : i32
      %shift_right_arithmetic3A_496 = arith.constant 31 : i32
      %shift_right_arithmetic3A_497 = arith.shrsi %sub3A_495, %shift_right_arithmetic3A_496 : i32
      %broadcast_in_dim3A_498 = vector.broadcast %shift_right_arithmetic3A_497 : i32 to vector<16xi32>
      %sub3A_499 = arith.constant 13 : i32
      %sub3A_500 = arith.subi %sub3A_499, %scan3A_407 : i32
      %shift_right_arithmetic3A_501 = arith.constant 31 : i32
      %shift_right_arithmetic3A_502 = arith.shrsi %sub3A_500, %shift_right_arithmetic3A_501 : i32
      %broadcast_in_dim3A_503 = vector.broadcast %shift_right_arithmetic3A_502 : i32 to vector<16xi32>
      %sub3A_504 = arith.constant 14 : i32
      %sub3A_505 = arith.subi %sub3A_504, %scan3A_407 : i32
      %shift_right_arithmetic3A_506 = arith.constant 31 : i32
      %shift_right_arithmetic3A_507 = arith.shrsi %sub3A_505, %shift_right_arithmetic3A_506 : i32
      %broadcast_in_dim3A_508 = vector.broadcast %shift_right_arithmetic3A_507 : i32 to vector<16xi32>
      %sub3A_509 = arith.constant 15 : i32
      %sub3A_510 = arith.subi %sub3A_509, %scan3A_407 : i32
      %shift_right_arithmetic3A_511 = arith.constant 31 : i32
      %shift_right_arithmetic3A_512 = arith.shrsi %sub3A_510, %shift_right_arithmetic3A_511 : i32
      %broadcast_in_dim3A_513 = vector.broadcast %shift_right_arithmetic3A_512 : i32 to vector<16xi32>
      %sub3A_514 = arith.constant 16 : i32
      %sub3A_515 = arith.subi %sub3A_514, %scan3A_407 : i32
      %shift_right_arithmetic3A_516 = arith.constant 31 : i32
      %shift_right_arithmetic3A_517 = arith.shrsi %sub3A_515, %shift_right_arithmetic3A_516 : i32
      %broadcast_in_dim3A_518 = vector.broadcast %shift_right_arithmetic3A_517 : i32 to vector<16xi32>
      %sub3A_519 = arith.constant 17 : i32
      %sub3A_520 = arith.subi %sub3A_519, %scan3A_407 : i32
      %shift_right_arithmetic3A_521 = arith.constant 31 : i32
      %shift_right_arithmetic3A_522 = arith.shrsi %sub3A_520, %shift_right_arithmetic3A_521 : i32
      %broadcast_in_dim3A_523 = vector.broadcast %shift_right_arithmetic3A_522 : i32 to vector<16xi32>
      %sub3A_524 = arith.constant 18 : i32
      %sub3A_525 = arith.subi %sub3A_524, %scan3A_407 : i32
      %shift_right_arithmetic3A_526 = arith.constant 31 : i32
      %shift_right_arithmetic3A_527 = arith.shrsi %sub3A_525, %shift_right_arithmetic3A_526 : i32
      %broadcast_in_dim3A_528 = vector.broadcast %shift_right_arithmetic3A_527 : i32 to vector<16xi32>
      %sub3A_529 = arith.constant 19 : i32
      %sub3A_530 = arith.subi %sub3A_529, %scan3A_407 : i32
      %shift_right_arithmetic3A_531 = arith.constant 31 : i32
      %shift_right_arithmetic3A_532 = arith.shrsi %sub3A_530, %shift_right_arithmetic3A_531 : i32
      %broadcast_in_dim3A_533 = vector.broadcast %shift_right_arithmetic3A_532 : i32 to vector<16xi32>
      %sub3A_534 = arith.constant 20 : i32
      %sub3A_535 = arith.subi %sub3A_534, %scan3A_407 : i32
      %shift_right_arithmetic3A_536 = arith.constant 31 : i32
      %shift_right_arithmetic3A_537 = arith.shrsi %sub3A_535, %shift_right_arithmetic3A_536 : i32
      %broadcast_in_dim3A_538 = vector.broadcast %shift_right_arithmetic3A_537 : i32 to vector<16xi32>
      %sub3A_539 = arith.constant 21 : i32
      %sub3A_540 = arith.subi %sub3A_539, %scan3A_407 : i32
      %shift_right_arithmetic3A_541 = arith.constant 31 : i32
      %shift_right_arithmetic3A_542 = arith.shrsi %sub3A_540, %shift_right_arithmetic3A_541 : i32
      %broadcast_in_dim3A_543 = vector.broadcast %shift_right_arithmetic3A_542 : i32 to vector<16xi32>
      %sub3A_544 = arith.constant 22 : i32
      %sub3A_545 = arith.subi %sub3A_544, %scan3A_407 : i32
      %shift_right_arithmetic3A_546 = arith.constant 31 : i32
      %shift_right_arithmetic3A_547 = arith.shrsi %sub3A_545, %shift_right_arithmetic3A_546 : i32
      %broadcast_in_dim3A_548 = vector.broadcast %shift_right_arithmetic3A_547 : i32 to vector<16xi32>
      %sub3A_549 = arith.constant 23 : i32
      %sub3A_550 = arith.subi %sub3A_549, %scan3A_407 : i32
      %shift_right_arithmetic3A_551 = arith.constant 31 : i32
      %shift_right_arithmetic3A_552 = arith.shrsi %sub3A_550, %shift_right_arithmetic3A_551 : i32
      %broadcast_in_dim3A_553 = vector.broadcast %shift_right_arithmetic3A_552 : i32 to vector<16xi32>
      %sub3A_554 = arith.constant 24 : i32
      %sub3A_555 = arith.subi %sub3A_554, %scan3A_407 : i32
      %shift_right_arithmetic3A_556 = arith.constant 31 : i32
      %shift_right_arithmetic3A_557 = arith.shrsi %sub3A_555, %shift_right_arithmetic3A_556 : i32
      %broadcast_in_dim3A_558 = vector.broadcast %shift_right_arithmetic3A_557 : i32 to vector<16xi32>
      %sub3A_559 = arith.constant 25 : i32
      %sub3A_560 = arith.subi %sub3A_559, %scan3A_407 : i32
      %shift_right_arithmetic3A_561 = arith.constant 31 : i32
      %shift_right_arithmetic3A_562 = arith.shrsi %sub3A_560, %shift_right_arithmetic3A_561 : i32
      %broadcast_in_dim3A_563 = vector.broadcast %shift_right_arithmetic3A_562 : i32 to vector<16xi32>
      %sub3A_564 = arith.constant 26 : i32
      %sub3A_565 = arith.subi %sub3A_564, %scan3A_407 : i32
      %shift_right_arithmetic3A_566 = arith.constant 31 : i32
      %shift_right_arithmetic3A_567 = arith.shrsi %sub3A_565, %shift_right_arithmetic3A_566 : i32
      %broadcast_in_dim3A_568 = vector.broadcast %shift_right_arithmetic3A_567 : i32 to vector<16xi32>
      %sub3A_569 = arith.constant 27 : i32
      %sub3A_570 = arith.subi %sub3A_569, %scan3A_407 : i32
      %shift_right_arithmetic3A_571 = arith.constant 31 : i32
      %shift_right_arithmetic3A_572 = arith.shrsi %sub3A_570, %shift_right_arithmetic3A_571 : i32
      %broadcast_in_dim3A_573 = vector.broadcast %shift_right_arithmetic3A_572 : i32 to vector<16xi32>
      %sub3A_574 = arith.constant 28 : i32
      %sub3A_575 = arith.subi %sub3A_574, %scan3A_407 : i32
      %shift_right_arithmetic3A_576 = arith.constant 31 : i32
      %shift_right_arithmetic3A_577 = arith.shrsi %sub3A_575, %shift_right_arithmetic3A_576 : i32
      %broadcast_in_dim3A_578 = vector.broadcast %shift_right_arithmetic3A_577 : i32 to vector<16xi32>
      %sub3A_579 = arith.constant 29 : i32
      %sub3A_580 = arith.subi %sub3A_579, %scan3A_407 : i32
      %shift_right_arithmetic3A_581 = arith.constant 31 : i32
      %shift_right_arithmetic3A_582 = arith.shrsi %sub3A_580, %shift_right_arithmetic3A_581 : i32
      %broadcast_in_dim3A_583 = vector.broadcast %shift_right_arithmetic3A_582 : i32 to vector<16xi32>
      %sub3A_584 = arith.constant 30 : i32
      %sub3A_585 = arith.subi %sub3A_584, %scan3A_407 : i32
      %shift_right_arithmetic3A_586 = arith.constant 31 : i32
      %shift_right_arithmetic3A_587 = arith.shrsi %sub3A_585, %shift_right_arithmetic3A_586 : i32
      %broadcast_in_dim3A_588 = vector.broadcast %shift_right_arithmetic3A_587 : i32 to vector<16xi32>
      %sub3A_589 = arith.constant 31 : i32
      %sub3A_590 = arith.subi %sub3A_589, %scan3A_407 : i32
      %shift_right_arithmetic3A_591 = arith.constant 31 : i32
      %shift_right_arithmetic3A_592 = arith.shrsi %sub3A_590, %shift_right_arithmetic3A_591 : i32
      %broadcast_in_dim3A_593 = vector.broadcast %shift_right_arithmetic3A_592 : i32 to vector<16xi32>
      %neg3A_594 = arith.constant 0 : i32
      %neg3A_595 = arith.subi %neg3A_594, %add3A_431 : i32
      %broadcast_in_dim3A_596 = vector.broadcast %neg3A_595 : i32 to vector<16xi32>
      %parallel_loop3A_597 = arith.constant 0 : i32
      %parallel_loop3A_598 = arith.constant 64 : i32
      %parallel_loop3A_599 = arith.constant 1 : i32
      scf.for %parallel_loop3A_1017 = %parallel_loop3A_597 to %parallel_loop3A_598 step %parallel_loop3A_599  : i32 {
        %parallel_loop3A_1018 = arith.constant 16 : i32
        %parallel_loop3A_1019 = arith.muli %parallel_loop3A_1017, %parallel_loop3A_1018 : i32
        %parallel_loop3A_1020 = arith.constant 0.000000e+00 : f32
        %parallel_loop3A_1021 = vector.broadcast %parallel_loop3A_1020 : f32 to vector<16xf32>
        %parallel_loop3A_1022 = arith.constant 0 : i32
        %parallel_loop3A_1023 = arith.index_cast %parallel_loop3A_1022 : i32 to index
        %parallel_loop3A_1024 = arith.index_cast %parallel_loop3A_1019 : i32 to index
        %parallel_loop3A_1025 = tpu.vector_load %arg6[%parallel_loop3A_1023, %parallel_loop3A_1024] {strides = array<i32>} : memref<32x1024xf32, #tpu.memory_space<vmem>>, vector<1x16xf32>,
        %parallel_loop3A_1026 = vector.shape_cast %parallel_loop3A_1025 : vector<1x16xf32> to vector<16xf32>
        %parallel_loop3A_1027 = arith.addf %parallel_loop3A_1021, %parallel_loop3A_1026 : vector<16xf32>
        %parallel_loop3A_1028 = tpu.bitcast %parallel_loop3A_1026 : vector<16xf32> -> vector<16xi32>
        %parallel_loop3A_1029 = arith.andi %parallel_loop3A_1028, %broadcast_in_dim3A_438 : vector<16xi32>
        %parallel_loop3A_1030 = tpu.bitcast %parallel_loop3A_1029 : vector<16xi32> -> vector<16xf32>
        %parallel_loop3A_1031 = arith.addf %parallel_loop3A_1021, %parallel_loop3A_1030 : vector<16xf32>
        %parallel_loop3A_1032 = arith.constant 1 : i32
        %parallel_loop3A_1033 = arith.index_cast %parallel_loop3A_1032 : i32 to index
        %parallel_loop3A_1034 = arith.index_cast %parallel_loop3A_1019 : i32 to index
        %parallel_loop3A_1035 = tpu.vector_load %arg6[%parallel_loop3A_1033, %parallel_loop3A_1034] {strides = array<i32>} : memref<32x1024xf32, #tpu.memory_space<vmem>>, vector<1x16xf32>,
        %parallel_loop3A_1036 = vector.shape_cast %parallel_loop3A_1035 : vector<1x16xf32> to vector<16xf32>
        %parallel_loop3A_1037 = arith.addf %parallel_loop3A_1021, %parallel_loop3A_1036 : vector<16xf32>
        %parallel_loop3A_1038 = tpu.bitcast %parallel_loop3A_1036 : vector<16xf32> -> vector<16xi32>
        %parallel_loop3A_1039 = arith.andi %parallel_loop3A_1038, %broadcast_in_dim3A_443 : vector<16xi32>
        %parallel_loop3A_1040 = tpu.bitcast %parallel_loop3A_1039 : vector<16xi32> -> vector<16xf32>
        %parallel_loop3A_1041 = arith.addf %parallel_loop3A_1021, %parallel_loop3A_1040 : vector<16xf32>
        %parallel_loop3A_1042 = arith.constant 2 : i32
        %parallel_loop3A_1043 = arith.index_cast %parallel_loop3A_1042 : i32 to index
        %parallel_loop3A_1044 = arith.index_cast %parallel_loop3A_1019 : i32 to index
        %parallel_loop3A_1045 = tpu.vector_load %arg6[%parallel_loop3A_1043, %parallel_loop3A_1044] {strides = array<i32>} : memref<32x1024xf32, #tpu.memory_space<vmem>>, vector<1x16xf32>,
        %parallel_loop3A_1046 = vector.shape_cast %parallel_loop3A_1045 : vector<1x16xf32> to vector<16xf32>
        %parallel_loop3A_1047 = arith.addf %parallel_loop3A_1021, %parallel_loop3A_1046 : vector<16xf32>
        %parallel_loop3A_1048 = tpu.bitcast %parallel_loop3A_1046 : vector<16xf32> -> vector<16xi32>
        %parallel_loop3A_1049 = arith.andi %parallel_loop3A_1048, %broadcast_in_dim3A_448 : vector<16xi32>
        %parallel_loop3A_1050 = tpu.bitcast %parallel_loop3A_1049 : vector<16xi32> -> vector<16xf32>
        %parallel_loop3A_1051 = arith.addf %parallel_loop3A_1031, %parallel_loop3A_1050 : vector<16xf32>
        %parallel_loop3A_1052 = arith.constant 3 : i32
        %parallel_loop3A_1053 = arith.index_cast %parallel_loop3A_1052 : i32 to index
        %parallel_loop3A_1054 = arith.index_cast %parallel_loop3A_1019 : i32 to index
        %parallel_loop3A_1055 = tpu.vector_load %arg6[%parallel_loop3A_1053, %parallel_loop3A_1054] {strides = array<i32>} : memref<32x1024xf32, #tpu.memory_space<vmem>>, vector<1x16xf32>,
        %parallel_loop3A_1056 = vector.shape_cast %parallel_loop3A_1055 : vector<1x16xf32> to vector<16xf32>
        %parallel_loop3A_1057 = arith.addf %parallel_loop3A_1021, %parallel_loop3A_1056 : vector<16xf32>
        %parallel_loop3A_1058 = tpu.bitcast %parallel_loop3A_1056 : vector<16xf32> -> vector<16xi32>
        %parallel_loop3A_1059 = arith.andi %parallel_loop3A_1058, %broadcast_in_dim3A_453 : vector<16xi32>
        %parallel_loop3A_1060 = tpu.bitcast %parallel_loop3A_1059 : vector<16xi32> -> vector<16xf32>
        %parallel_loop3A_1061 = arith.addf %parallel_loop3A_1041, %parallel_loop3A_1060 : vector<16xf32>
        %parallel_loop3A_1062 = arith.constant 4 : i32
        %parallel_loop3A_1063 = arith.index_cast %parallel_loop3A_1062 : i32 to index
        %parallel_loop3A_1064 = arith.index_cast %parallel_loop3A_1019 : i32 to index
        %parallel_loop3A_1065 = tpu.vector_load %arg6[%parallel_loop3A_1063, %parallel_loop3A_1064] {strides = array<i32>} : memref<32x1024xf32, #tpu.memory_space<vmem>>, vector<1x16xf32>,
        %parallel_loop3A_1066 = vector.shape_cast %parallel_loop3A_1065 : vector<1x16xf32> to vector<16xf32>
        %parallel_loop3A_1067 = arith.addf %parallel_loop3A_1027, %parallel_loop3A_1066 : vector<16xf32>
        %parallel_loop3A_1068 = tpu.bitcast %parallel_loop3A_1066 : vector<16xf32> -> vector<16xi32>
        %parallel_loop3A_1069 = arith.andi %parallel_loop3A_1068, %broadcast_in_dim3A_458 : vector<16xi32>
        %parallel_loop3A_1070 = tpu.bitcast %parallel_loop3A_1069 : vector<16xi32> -> vector<16xf32>
        %parallel_loop3A_1071 = arith.addf %parallel_loop3A_1051, %parallel_loop3A_1070 : vector<16xf32>
        %parallel_loop3A_1072 = arith.constant 5 : i32
        %parallel_loop3A_1073 = arith.index_cast %parallel_loop3A_1072 : i32 to index
        %parallel_loop3A_1074 = arith.index_cast %parallel_loop3A_1019 : i32 to index
        %parallel_loop3A_1075 = tpu.vector_load %arg6[%parallel_loop3A_1073, %parallel_loop3A_1074] {strides = array<i32>} : memref<32x1024xf32, #tpu.memory_space<vmem>>, vector<1x16xf32>,
        %parallel_loop3A_1076 = vector.shape_cast %parallel_loop3A_1075 : vector<1x16xf32> to vector<16xf32>
        %parallel_loop3A_1077 = arith.addf %parallel_loop3A_1037, %parallel_loop3A_1076 : vector<16xf32>
        %parallel_loop3A_1078 = tpu.bitcast %parallel_loop3A_1076 : vector<16xf32> -> vector<16xi32>
        %parallel_loop3A_1079 = arith.andi %parallel_loop3A_1078, %broadcast_in_dim3A_463 : vector<16xi32>
        %parallel_loop3A_1080 = tpu.bitcast %parallel_loop3A_1079 : vector<16xi32> -> vector<16xf32>
        %parallel_loop3A_1081 = arith.addf %parallel_loop3A_1061, %parallel_loop3A_1080 : vector<16xf32>
        %parallel_loop3A_1082 = arith.constant 6 : i32
        %parallel_loop3A_1083 = arith.index_cast %parallel_loop3A_1082 : i32 to index
        %parallel_loop3A_1084 = arith.index_cast %parallel_loop3A_1019 : i32 to index
        %parallel_loop3A_1085 = tpu.vector_load %arg6[%parallel_loop3A_1083, %parallel_loop3A_1084] {strides = array<i32>} : memref<32x1024xf32, #tpu.memory_space<vmem>>, vector<1x16xf32>,
        %parallel_loop3A_1086 = vector.shape_cast %parallel_loop3A_1085 : vector<1x16xf32> to vector<16xf32>
        %parallel_loop3A_1087 = arith.addf %parallel_loop3A_1047, %parallel_loop3A_1086 : vector<16xf32>
        %parallel_loop3A_1088 = tpu.bitcast %parallel_loop3A_1086 : vector<16xf32> -> vector<16xi32>
        %parallel_loop3A_1089 = arith.andi %parallel_loop3A_1088, %broadcast_in_dim3A_468 : vector<16xi32>
        %parallel_loop3A_1090 = tpu.bitcast %parallel_loop3A_1089 : vector<16xi32> -> vector<16xf32>
        %parallel_loop3A_1091 = arith.addf %parallel_loop3A_1071, %parallel_loop3A_1090 : vector<16xf32>
        %parallel_loop3A_1092 = arith.constant 7 : i32
        %parallel_loop3A_1093 = arith.index_cast %parallel_loop3A_1092 : i32 to index
        %parallel_loop3A_1094 = arith.index_cast %parallel_loop3A_1019 : i32 to index
        %parallel_loop3A_1095 = tpu.vector_load %arg6[%parallel_loop3A_1093, %parallel_loop3A_1094] {strides = array<i32>} : memref<32x1024xf32, #tpu.memory_space<vmem>>, vector<1x16xf32>,
        %parallel_loop3A_1096 = vector.shape_cast %parallel_loop3A_1095 : vector<1x16xf32> to vector<16xf32>
        %parallel_loop3A_1097 = arith.addf %parallel_loop3A_1057, %parallel_loop3A_1096 : vector<16xf32>
        %parallel_loop3A_1098 = tpu.bitcast %parallel_loop3A_1096 : vector<16xf32> -> vector<16xi32>
        %parallel_loop3A_1099 = arith.andi %parallel_loop3A_1098, %broadcast_in_dim3A_473 : vector<16xi32>
        %parallel_loop3A_1100 = tpu.bitcast %parallel_loop3A_1099 : vector<16xi32> -> vector<16xf32>
        %parallel_loop3A_1101 = arith.addf %parallel_loop3A_1081, %parallel_loop3A_1100 : vector<16xf32>
        %parallel_loop3A_1102 = arith.constant 8 : i32
        %parallel_loop3A_1103 = arith.index_cast %parallel_loop3A_1102 : i32 to index
        %parallel_loop3A_1104 = arith.index_cast %parallel_loop3A_1019 : i32 to index
        %parallel_loop3A_1105 = tpu.vector_load %arg6[%parallel_loop3A_1103, %parallel_loop3A_1104] {strides = array<i32>} : memref<32x1024xf32, #tpu.memory_space<vmem>>, vector<1x16xf32>,
        %parallel_loop3A_1106 = vector.shape_cast %parallel_loop3A_1105 : vector<1x16xf32> to vector<16xf32>
        %parallel_loop3A_1107 = arith.addf %parallel_loop3A_1067, %parallel_loop3A_1106 : vector<16xf32>
        %parallel_loop3A_1108 = tpu.bitcast %parallel_loop3A_1106 : vector<16xf32> -> vector<16xi32>
        %parallel_loop3A_1109 = arith.andi %parallel_loop3A_1108, %broadcast_in_dim3A_478 : vector<16xi32>
        %parallel_loop3A_1110 = tpu.bitcast %parallel_loop3A_1109 : vector<16xi32> -> vector<16xf32>
        %parallel_loop3A_1111 = arith.addf %parallel_loop3A_1091, %parallel_loop3A_1110 : vector<16xf32>
        %parallel_loop3A_1112 = arith.constant 9 : i32
        %parallel_loop3A_1113 = arith.index_cast %parallel_loop3A_1112 : i32 to index
        %parallel_loop3A_1114 = arith.index_cast %parallel_loop3A_1019 : i32 to index
        %parallel_loop3A_1115 = tpu.vector_load %arg6[%parallel_loop3A_1113, %parallel_loop3A_1114] {strides = array<i32>} : memref<32x1024xf32, #tpu.memory_space<vmem>>, vector<1x16xf32>,
        %parallel_loop3A_1116 = vector.shape_cast %parallel_loop3A_1115 : vector<1x16xf32> to vector<16xf32>
        %parallel_loop3A_1117 = arith.addf %parallel_loop3A_1077, %parallel_loop3A_1116 : vector<16xf32>
        %parallel_loop3A_1118 = tpu.bitcast %parallel_loop3A_1116 : vector<16xf32> -> vector<16xi32>
        %parallel_loop3A_1119 = arith.andi %parallel_loop3A_1118, %broadcast_in_dim3A_483 : vector<16xi32>
        %parallel_loop3A_1120 = tpu.bitcast %parallel_loop3A_1119 : vector<16xi32> -> vector<16xf32>
        %parallel_loop3A_1121 = arith.addf %parallel_loop3A_1101, %parallel_loop3A_1120 : vector<16xf32>
        %parallel_loop3A_1122 = arith.constant 10 : i32
        %parallel_loop3A_1123 = arith.index_cast %parallel_loop3A_1122 : i32 to index
        %parallel_loop3A_1124 = arith.index_cast %parallel_loop3A_1019 : i32 to index
        %parallel_loop3A_1125 = tpu.vector_load %arg6[%parallel_loop3A_1123, %parallel_loop3A_1124] {strides = array<i32>} : memref<32x1024xf32, #tpu.memory_space<vmem>>, vector<1x16xf32>,
        %parallel_loop3A_1126 = vector.shape_cast %parallel_loop3A_1125 : vector<1x16xf32> to vector<16xf32>
        %parallel_loop3A_1127 = arith.addf %parallel_loop3A_1087, %parallel_loop3A_1126 : vector<16xf32>
        %parallel_loop3A_1128 = tpu.bitcast %parallel_loop3A_1126 : vector<16xf32> -> vector<16xi32>
        %parallel_loop3A_1129 = arith.andi %parallel_loop3A_1128, %broadcast_in_dim3A_488 : vector<16xi32>
        %parallel_loop3A_1130 = tpu.bitcast %parallel_loop3A_1129 : vector<16xi32> -> vector<16xf32>
        %parallel_loop3A_1131 = arith.addf %parallel_loop3A_1111, %parallel_loop3A_1130 : vector<16xf32>
        %parallel_loop3A_1132 = arith.constant 11 : i32
        %parallel_loop3A_1133 = arith.index_cast %parallel_loop3A_1132 : i32 to index
        %parallel_loop3A_1134 = arith.index_cast %parallel_loop3A_1019 : i32 to index
        %parallel_loop3A_1135 = tpu.vector_load %arg6[%parallel_loop3A_1133, %parallel_loop3A_1134] {strides = array<i32>} : memref<32x1024xf32, #tpu.memory_space<vmem>>, vector<1x16xf32>,
        %parallel_loop3A_1136 = vector.shape_cast %parallel_loop3A_1135 : vector<1x16xf32> to vector<16xf32>
        %parallel_loop3A_1137 = arith.addf %parallel_loop3A_1097, %parallel_loop3A_1136 : vector<16xf32>
        %parallel_loop3A_1138 = tpu.bitcast %parallel_loop3A_1136 : vector<16xf32> -> vector<16xi32>
        %parallel_loop3A_1139 = arith.andi %parallel_loop3A_1138, %broadcast_in_dim3A_493 : vector<16xi32>
        %parallel_loop3A_1140 = tpu.bitcast %parallel_loop3A_1139 : vector<16xi32> -> vector<16xf32>
        %parallel_loop3A_1141 = arith.addf %parallel_loop3A_1121, %parallel_loop3A_1140 : vector<16xf32>
        %parallel_loop3A_1142 = arith.constant 12 : i32
        %parallel_loop3A_1143 = arith.index_cast %parallel_loop3A_1142 : i32 to index
        %parallel_loop3A_1144 = arith.index_cast %parallel_loop3A_1019 : i32 to index
        %parallel_loop3A_1145 = tpu.vector_load %arg6[%parallel_loop3A_1143, %parallel_loop3A_1144] {strides = array<i32>} : memref<32x1024xf32, #tpu.memory_space<vmem>>, vector<1x16xf32>,
        %parallel_loop3A_1146 = vector.shape_cast %parallel_loop3A_1145 : vector<1x16xf32> to vector<16xf32>
        %parallel_loop3A_1147 = arith.addf %parallel_loop3A_1107, %parallel_loop3A_1146 : vector<16xf32>
        %parallel_loop3A_1148 = tpu.bitcast %parallel_loop3A_1146 : vector<16xf32> -> vector<16xi32>
        %parallel_loop3A_1149 = arith.andi %parallel_loop3A_1148, %broadcast_in_dim3A_498 : vector<16xi32>
        %parallel_loop3A_1150 = tpu.bitcast %parallel_loop3A_1149 : vector<16xi32> -> vector<16xf32>
        %parallel_loop3A_1151 = arith.addf %parallel_loop3A_1131, %parallel_loop3A_1150 : vector<16xf32>
        %parallel_loop3A_1152 = arith.constant 13 : i32
        %parallel_loop3A_1153 = arith.index_cast %parallel_loop3A_1152 : i32 to index
        %parallel_loop3A_1154 = arith.index_cast %parallel_loop3A_1019 : i32 to index
        %parallel_loop3A_1155 = tpu.vector_load %arg6[%parallel_loop3A_1153, %parallel_loop3A_1154] {strides = array<i32>} : memref<32x1024xf32, #tpu.memory_space<vmem>>, vector<1x16xf32>,
        %parallel_loop3A_1156 = vector.shape_cast %parallel_loop3A_1155 : vector<1x16xf32> to vector<16xf32>
        %parallel_loop3A_1157 = arith.addf %parallel_loop3A_1117, %parallel_loop3A_1156 : vector<16xf32>
        %parallel_loop3A_1158 = tpu.bitcast %parallel_loop3A_1156 : vector<16xf32> -> vector<16xi32>
        %parallel_loop3A_1159 = arith.andi %parallel_loop3A_1158, %broadcast_in_dim3A_503 : vector<16xi32>
        %parallel_loop3A_1160 = tpu.bitcast %parallel_loop3A_1159 : vector<16xi32> -> vector<16xf32>
        %parallel_loop3A_1161 = arith.addf %parallel_loop3A_1141, %parallel_loop3A_1160 : vector<16xf32>
        %parallel_loop3A_1162 = arith.constant 14 : i32
        %parallel_loop3A_1163 = arith.index_cast %parallel_loop3A_1162 : i32 to index
        %parallel_loop3A_1164 = arith.index_cast %parallel_loop3A_1019 : i32 to index
        %parallel_loop3A_1165 = tpu.vector_load %arg6[%parallel_loop3A_1163, %parallel_loop3A_1164] {strides = array<i32>} : memref<32x1024xf32, #tpu.memory_space<vmem>>, vector<1x16xf32>,
        %parallel_loop3A_1166 = vector.shape_cast %parallel_loop3A_1165 : vector<1x16xf32> to vector<16xf32>
        %parallel_loop3A_1167 = arith.addf %parallel_loop3A_1127, %parallel_loop3A_1166 : vector<16xf32>
        %parallel_loop3A_1168 = tpu.bitcast %parallel_loop3A_1166 : vector<16xf32> -> vector<16xi32>
        %parallel_loop3A_1169 = arith.andi %parallel_loop3A_1168, %broadcast_in_dim3A_508 : vector<16xi32>
        %parallel_loop3A_1170 = tpu.bitcast %parallel_loop3A_1169 : vector<16xi32> -> vector<16xf32>
        %parallel_loop3A_1171 = arith.addf %parallel_loop3A_1151, %parallel_loop3A_1170 : vector<16xf32>
        %parallel_loop3A_1172 = arith.constant 15 : i32
        %parallel_loop3A_1173 = arith.index_cast %parallel_loop3A_1172 : i32 to index
        %parallel_loop3A_1174 = arith.index_cast %parallel_loop3A_1019 : i32 to index
        %parallel_loop3A_1175 = tpu.vector_load %arg6[%parallel_loop3A_1173, %parallel_loop3A_1174] {strides = array<i32>} : memref<32x1024xf32, #tpu.memory_space<vmem>>, vector<1x16xf32>,
        %parallel_loop3A_1176 = vector.shape_cast %parallel_loop3A_1175 : vector<1x16xf32> to vector<16xf32>
        %parallel_loop3A_1177 = arith.addf %parallel_loop3A_1137, %parallel_loop3A_1176 : vector<16xf32>
        %parallel_loop3A_1178 = tpu.bitcast %parallel_loop3A_1176 : vector<16xf32> -> vector<16xi32>
        %parallel_loop3A_1179 = arith.andi %parallel_loop3A_1178, %broadcast_in_dim3A_513 : vector<16xi32>
        %parallel_loop3A_1180 = tpu.bitcast %parallel_loop3A_1179 : vector<16xi32> -> vector<16xf32>
        %parallel_loop3A_1181 = arith.addf %parallel_loop3A_1161, %parallel_loop3A_1180 : vector<16xf32>
        %parallel_loop3A_1182 = arith.constant 16 : i32
        %parallel_loop3A_1183 = arith.index_cast %parallel_loop3A_1182 : i32 to index
        %parallel_loop3A_1184 = arith.index_cast %parallel_loop3A_1019 : i32 to index
        %parallel_loop3A_1185 = tpu.vector_load %arg6[%parallel_loop3A_1183, %parallel_loop3A_1184] {strides = array<i32>} : memref<32x1024xf32, #tpu.memory_space<vmem>>, vector<1x16xf32>,
        %parallel_loop3A_1186 = vector.shape_cast %parallel_loop3A_1185 : vector<1x16xf32> to vector<16xf32>
        %parallel_loop3A_1187 = arith.addf %parallel_loop3A_1147, %parallel_loop3A_1186 : vector<16xf32>
        %parallel_loop3A_1188 = tpu.bitcast %parallel_loop3A_1186 : vector<16xf32> -> vector<16xi32>
        %parallel_loop3A_1189 = arith.andi %parallel_loop3A_1188, %broadcast_in_dim3A_518 : vector<16xi32>
        %parallel_loop3A_1190 = tpu.bitcast %parallel_loop3A_1189 : vector<16xi32> -> vector<16xf32>
        %parallel_loop3A_1191 = arith.addf %parallel_loop3A_1171, %parallel_loop3A_1190 : vector<16xf32>
        %parallel_loop3A_1192 = arith.constant 17 : i32
        %parallel_loop3A_1193 = arith.index_cast %parallel_loop3A_1192 : i32 to index
        %parallel_loop3A_1194 = arith.index_cast %parallel_loop3A_1019 : i32 to index
        %parallel_loop3A_1195 = tpu.vector_load %arg6[%parallel_loop3A_1193, %parallel_loop3A_1194] {strides = array<i32>} : memref<32x1024xf32, #tpu.memory_space<vmem>>, vector<1x16xf32>,
        %parallel_loop3A_1196 = vector.shape_cast %parallel_loop3A_1195 : vector<1x16xf32> to vector<16xf32>
        %parallel_loop3A_1197 = arith.addf %parallel_loop3A_1157, %parallel_loop3A_1196 : vector<16xf32>
        %parallel_loop3A_1198 = tpu.bitcast %parallel_loop3A_1196 : vector<16xf32> -> vector<16xi32>
        %parallel_loop3A_1199 = arith.andi %parallel_loop3A_1198, %broadcast_in_dim3A_523 : vector<16xi32>
        %parallel_loop3A_1200 = tpu.bitcast %parallel_loop3A_1199 : vector<16xi32> -> vector<16xf32>
        %parallel_loop3A_1201 = arith.addf %parallel_loop3A_1181, %parallel_loop3A_1200 : vector<16xf32>
        %parallel_loop3A_1202 = arith.constant 18 : i32
        %parallel_loop3A_1203 = arith.index_cast %parallel_loop3A_1202 : i32 to index
        %parallel_loop3A_1204 = arith.index_cast %parallel_loop3A_1019 : i32 to index
        %parallel_loop3A_1205 = tpu.vector_load %arg6[%parallel_loop3A_1203, %parallel_loop3A_1204] {strides = array<i32>} : memref<32x1024xf32, #tpu.memory_space<vmem>>, vector<1x16xf32>,
        %parallel_loop3A_1206 = vector.shape_cast %parallel_loop3A_1205 : vector<1x16xf32> to vector<16xf32>
        %parallel_loop3A_1207 = arith.addf %parallel_loop3A_1167, %parallel_loop3A_1206 : vector<16xf32>
        %parallel_loop3A_1208 = tpu.bitcast %parallel_loop3A_1206 : vector<16xf32> -> vector<16xi32>
        %parallel_loop3A_1209 = arith.andi %parallel_loop3A_1208, %broadcast_in_dim3A_528 : vector<16xi32>
        %parallel_loop3A_1210 = tpu.bitcast %parallel_loop3A_1209 : vector<16xi32> -> vector<16xf32>
        %parallel_loop3A_1211 = arith.addf %parallel_loop3A_1191, %parallel_loop3A_1210 : vector<16xf32>
        %parallel_loop3A_1212 = arith.constant 19 : i32
        %parallel_loop3A_1213 = arith.index_cast %parallel_loop3A_1212 : i32 to index
        %parallel_loop3A_1214 = arith.index_cast %parallel_loop3A_1019 : i32 to index
        %parallel_loop3A_1215 = tpu.vector_load %arg6[%parallel_loop3A_1213, %parallel_loop3A_1214] {strides = array<i32>} : memref<32x1024xf32, #tpu.memory_space<vmem>>, vector<1x16xf32>,
        %parallel_loop3A_1216 = vector.shape_cast %parallel_loop3A_1215 : vector<1x16xf32> to vector<16xf32>
        %parallel_loop3A_1217 = arith.addf %parallel_loop3A_1177, %parallel_loop3A_1216 : vector<16xf32>
        %parallel_loop3A_1218 = tpu.bitcast %parallel_loop3A_1216 : vector<16xf32> -> vector<16xi32>
        %parallel_loop3A_1219 = arith.andi %parallel_loop3A_1218, %broadcast_in_dim3A_533 : vector<16xi32>
        %parallel_loop3A_1220 = tpu.bitcast %parallel_loop3A_1219 : vector<16xi32> -> vector<16xf32>
        %parallel_loop3A_1221 = arith.addf %parallel_loop3A_1201, %parallel_loop3A_1220 : vector<16xf32>
        %parallel_loop3A_1222 = arith.constant 20 : i32
        %parallel_loop3A_1223 = arith.index_cast %parallel_loop3A_1222 : i32 to index
        %parallel_loop3A_1224 = arith.index_cast %parallel_loop3A_1019 : i32 to index
        %parallel_loop3A_1225 = tpu.vector_load %arg6[%parallel_loop3A_1223, %parallel_loop3A_1224] {strides = array<i32>} : memref<32x1024xf32, #tpu.memory_space<vmem>>, vector<1x16xf32>,
        %parallel_loop3A_1226 = vector.shape_cast %parallel_loop3A_1225 : vector<1x16xf32> to vector<16xf32>
        %parallel_loop3A_1227 = arith.addf %parallel_loop3A_1187, %parallel_loop3A_1226 : vector<16xf32>
        %parallel_loop3A_1228 = tpu.bitcast %parallel_loop3A_1226 : vector<16xf32> -> vector<16xi32>
        %parallel_loop3A_1229 = arith.andi %parallel_loop3A_1228, %broadcast_in_dim3A_538 : vector<16xi32>
        %parallel_loop3A_1230 = tpu.bitcast %parallel_loop3A_1229 : vector<16xi32> -> vector<16xf32>
        %parallel_loop3A_1231 = arith.addf %parallel_loop3A_1211, %parallel_loop3A_1230 : vector<16xf32>
        %parallel_loop3A_1232 = arith.constant 21 : i32
        %parallel_loop3A_1233 = arith.index_cast %parallel_loop3A_1232 : i32 to index
        %parallel_loop3A_1234 = arith.index_cast %parallel_loop3A_1019 : i32 to index
        %parallel_loop3A_1235 = tpu.vector_load %arg6[%parallel_loop3A_1233, %parallel_loop3A_1234] {strides = array<i32>} : memref<32x1024xf32, #tpu.memory_space<vmem>>, vector<1x16xf32>,
        %parallel_loop3A_1236 = vector.shape_cast %parallel_loop3A_1235 : vector<1x16xf32> to vector<16xf32>
        %parallel_loop3A_1237 = arith.addf %parallel_loop3A_1197, %parallel_loop3A_1236 : vector<16xf32>
        %parallel_loop3A_1238 = tpu.bitcast %parallel_loop3A_1236 : vector<16xf32> -> vector<16xi32>
        %parallel_loop3A_1239 = arith.andi %parallel_loop3A_1238, %broadcast_in_dim3A_543 : vector<16xi32>
        %parallel_loop3A_1240 = tpu.bitcast %parallel_loop3A_1239 : vector<16xi32> -> vector<16xf32>
        %parallel_loop3A_1241 = arith.addf %parallel_loop3A_1221, %parallel_loop3A_1240 : vector<16xf32>
        %parallel_loop3A_1242 = arith.constant 22 : i32
        %parallel_loop3A_1243 = arith.index_cast %parallel_loop3A_1242 : i32 to index
        %parallel_loop3A_1244 = arith.index_cast %parallel_loop3A_1019 : i32 to index
        %parallel_loop3A_1245 = tpu.vector_load %arg6[%parallel_loop3A_1243, %parallel_loop3A_1244] {strides = array<i32>} : memref<32x1024xf32, #tpu.memory_space<vmem>>, vector<1x16xf32>,
        %parallel_loop3A_1246 = vector.shape_cast %parallel_loop3A_1245 : vector<1x16xf32> to vector<16xf32>
        %parallel_loop3A_1247 = arith.addf %parallel_loop3A_1207, %parallel_loop3A_1246 : vector<16xf32>
        %parallel_loop3A_1248 = tpu.bitcast %parallel_loop3A_1246 : vector<16xf32> -> vector<16xi32>
        %parallel_loop3A_1249 = arith.andi %parallel_loop3A_1248, %broadcast_in_dim3A_548 : vector<16xi32>
        %parallel_loop3A_1250 = tpu.bitcast %parallel_loop3A_1249 : vector<16xi32> -> vector<16xf32>
        %parallel_loop3A_1251 = arith.addf %parallel_loop3A_1231, %parallel_loop3A_1250 : vector<16xf32>
        %parallel_loop3A_1252 = arith.constant 23 : i32
        %parallel_loop3A_1253 = arith.index_cast %parallel_loop3A_1252 : i32 to index
        %parallel_loop3A_1254 = arith.index_cast %parallel_loop3A_1019 : i32 to index
        %parallel_loop3A_1255 = tpu.vector_load %arg6[%parallel_loop3A_1253, %parallel_loop3A_1254] {strides = array<i32>} : memref<32x1024xf32, #tpu.memory_space<vmem>>, vector<1x16xf32>,
        %parallel_loop3A_1256 = vector.shape_cast %parallel_loop3A_1255 : vector<1x16xf32> to vector<16xf32>
        %parallel_loop3A_1257 = arith.addf %parallel_loop3A_1217, %parallel_loop3A_1256 : vector<16xf32>
        %parallel_loop3A_1258 = tpu.bitcast %parallel_loop3A_1256 : vector<16xf32> -> vector<16xi32>
        %parallel_loop3A_1259 = arith.andi %parallel_loop3A_1258, %broadcast_in_dim3A_553 : vector<16xi32>
        %parallel_loop3A_1260 = tpu.bitcast %parallel_loop3A_1259 : vector<16xi32> -> vector<16xf32>
        %parallel_loop3A_1261 = arith.addf %parallel_loop3A_1241, %parallel_loop3A_1260 : vector<16xf32>
        %parallel_loop3A_1262 = arith.constant 24 : i32
        %parallel_loop3A_1263 = arith.index_cast %parallel_loop3A_1262 : i32 to index
        %parallel_loop3A_1264 = arith.index_cast %parallel_loop3A_1019 : i32 to index
        %parallel_loop3A_1265 = tpu.vector_load %arg6[%parallel_loop3A_1263, %parallel_loop3A_1264] {strides = array<i32>} : memref<32x1024xf32, #tpu.memory_space<vmem>>, vector<1x16xf32>,
        %parallel_loop3A_1266 = vector.shape_cast %parallel_loop3A_1265 : vector<1x16xf32> to vector<16xf32>
        %parallel_loop3A_1267 = arith.addf %parallel_loop3A_1227, %parallel_loop3A_1266 : vector<16xf32>
        %parallel_loop3A_1268 = tpu.bitcast %parallel_loop3A_1266 : vector<16xf32> -> vector<16xi32>
        %parallel_loop3A_1269 = arith.andi %parallel_loop3A_1268, %broadcast_in_dim3A_558 : vector<16xi32>
        %parallel_loop3A_1270 = tpu.bitcast %parallel_loop3A_1269 : vector<16xi32> -> vector<16xf32>
        %parallel_loop3A_1271 = arith.addf %parallel_loop3A_1251, %parallel_loop3A_1270 : vector<16xf32>
        %parallel_loop3A_1272 = arith.constant 25 : i32
        %parallel_loop3A_1273 = arith.index_cast %parallel_loop3A_1272 : i32 to index
        %parallel_loop3A_1274 = arith.index_cast %parallel_loop3A_1019 : i32 to index
        %parallel_loop3A_1275 = tpu.vector_load %arg6[%parallel_loop3A_1273, %parallel_loop3A_1274] {strides = array<i32>} : memref<32x1024xf32, #tpu.memory_space<vmem>>, vector<1x16xf32>,
        %parallel_loop3A_1276 = vector.shape_cast %parallel_loop3A_1275 : vector<1x16xf32> to vector<16xf32>
        %parallel_loop3A_1277 = arith.addf %parallel_loop3A_1237, %parallel_loop3A_1276 : vector<16xf32>
        %parallel_loop3A_1278 = tpu.bitcast %parallel_loop3A_1276 : vector<16xf32> -> vector<16xi32>
        %parallel_loop3A_1279 = arith.andi %parallel_loop3A_1278, %broadcast_in_dim3A_563 : vector<16xi32>
        %parallel_loop3A_1280 = tpu.bitcast %parallel_loop3A_1279 : vector<16xi32> -> vector<16xf32>
        %parallel_loop3A_1281 = arith.addf %parallel_loop3A_1261, %parallel_loop3A_1280 : vector<16xf32>
        %parallel_loop3A_1282 = arith.constant 26 : i32
        %parallel_loop3A_1283 = arith.index_cast %parallel_loop3A_1282 : i32 to index
        %parallel_loop3A_1284 = arith.index_cast %parallel_loop3A_1019 : i32 to index
        %parallel_loop3A_1285 = tpu.vector_load %arg6[%parallel_loop3A_1283, %parallel_loop3A_1284] {strides = array<i32>} : memref<32x1024xf32, #tpu.memory_space<vmem>>, vector<1x16xf32>,
        %parallel_loop3A_1286 = vector.shape_cast %parallel_loop3A_1285 : vector<1x16xf32> to vector<16xf32>
        %parallel_loop3A_1287 = arith.addf %parallel_loop3A_1247, %parallel_loop3A_1286 : vector<16xf32>
        %parallel_loop3A_1288 = tpu.bitcast %parallel_loop3A_1286 : vector<16xf32> -> vector<16xi32>
        %parallel_loop3A_1289 = arith.andi %parallel_loop3A_1288, %broadcast_in_dim3A_568 : vector<16xi32>
        %parallel_loop3A_1290 = tpu.bitcast %parallel_loop3A_1289 : vector<16xi32> -> vector<16xf32>
        %parallel_loop3A_1291 = arith.addf %parallel_loop3A_1271, %parallel_loop3A_1290 : vector<16xf32>
        %parallel_loop3A_1292 = arith.constant 27 : i32
        %parallel_loop3A_1293 = arith.index_cast %parallel_loop3A_1292 : i32 to index
        %parallel_loop3A_1294 = arith.index_cast %parallel_loop3A_1019 : i32 to index
        %parallel_loop3A_1295 = tpu.vector_load %arg6[%parallel_loop3A_1293, %parallel_loop3A_1294] {strides = array<i32>} : memref<32x1024xf32, #tpu.memory_space<vmem>>, vector<1x16xf32>,
        %parallel_loop3A_1296 = vector.shape_cast %parallel_loop3A_1295 : vector<1x16xf32> to vector<16xf32>
        %parallel_loop3A_1297 = arith.addf %parallel_loop3A_1257, %parallel_loop3A_1296 : vector<16xf32>
        %parallel_loop3A_1298 = tpu.bitcast %parallel_loop3A_1296 : vector<16xf32> -> vector<16xi32>
        %parallel_loop3A_1299 = arith.andi %parallel_loop3A_1298, %broadcast_in_dim3A_573 : vector<16xi32>
        %parallel_loop3A_1300 = tpu.bitcast %parallel_loop3A_1299 : vector<16xi32> -> vector<16xf32>
        %parallel_loop3A_1301 = arith.addf %parallel_loop3A_1281, %parallel_loop3A_1300 : vector<16xf32>
        %parallel_loop3A_1302 = arith.constant 28 : i32
        %parallel_loop3A_1303 = arith.index_cast %parallel_loop3A_1302 : i32 to index
        %parallel_loop3A_1304 = arith.index_cast %parallel_loop3A_1019 : i32 to index
        %parallel_loop3A_1305 = tpu.vector_load %arg6[%parallel_loop3A_1303, %parallel_loop3A_1304] {strides = array<i32>} : memref<32x1024xf32, #tpu.memory_space<vmem>>, vector<1x16xf32>,
        %parallel_loop3A_1306 = vector.shape_cast %parallel_loop3A_1305 : vector<1x16xf32> to vector<16xf32>
        %parallel_loop3A_1307 = arith.addf %parallel_loop3A_1267, %parallel_loop3A_1306 : vector<16xf32>
        %parallel_loop3A_1308 = tpu.bitcast %parallel_loop3A_1306 : vector<16xf32> -> vector<16xi32>
        %parallel_loop3A_1309 = arith.andi %parallel_loop3A_1308, %broadcast_in_dim3A_578 : vector<16xi32>
        %parallel_loop3A_1310 = tpu.bitcast %parallel_loop3A_1309 : vector<16xi32> -> vector<16xf32>
        %parallel_loop3A_1311 = arith.addf %parallel_loop3A_1291, %parallel_loop3A_1310 : vector<16xf32>
        %parallel_loop3A_1312 = arith.constant 29 : i32
        %parallel_loop3A_1313 = arith.index_cast %parallel_loop3A_1312 : i32 to index
        %parallel_loop3A_1314 = arith.index_cast %parallel_loop3A_1019 : i32 to index
        %parallel_loop3A_1315 = tpu.vector_load %arg6[%parallel_loop3A_1313, %parallel_loop3A_1314] {strides = array<i32>} : memref<32x1024xf32, #tpu.memory_space<vmem>>, vector<1x16xf32>,
        %parallel_loop3A_1316 = vector.shape_cast %parallel_loop3A_1315 : vector<1x16xf32> to vector<16xf32>
        %parallel_loop3A_1317 = arith.addf %parallel_loop3A_1277, %parallel_loop3A_1316 : vector<16xf32>
        %parallel_loop3A_1318 = tpu.bitcast %parallel_loop3A_1316 : vector<16xf32> -> vector<16xi32>
        %parallel_loop3A_1319 = arith.andi %parallel_loop3A_1318, %broadcast_in_dim3A_583 : vector<16xi32>
        %parallel_loop3A_1320 = tpu.bitcast %parallel_loop3A_1319 : vector<16xi32> -> vector<16xf32>
        %parallel_loop3A_1321 = arith.addf %parallel_loop3A_1301, %parallel_loop3A_1320 : vector<16xf32>
        %parallel_loop3A_1322 = arith.constant 30 : i32
        %parallel_loop3A_1323 = arith.index_cast %parallel_loop3A_1322 : i32 to index
        %parallel_loop3A_1324 = arith.index_cast %parallel_loop3A_1019 : i32 to index
        %parallel_loop3A_1325 = tpu.vector_load %arg6[%parallel_loop3A_1323, %parallel_loop3A_1324] {strides = array<i32>} : memref<32x1024xf32, #tpu.memory_space<vmem>>, vector<1x16xf32>,
        %parallel_loop3A_1326 = vector.shape_cast %parallel_loop3A_1325 : vector<1x16xf32> to vector<16xf32>
        %parallel_loop3A_1327 = arith.addf %parallel_loop3A_1287, %parallel_loop3A_1326 : vector<16xf32>
        %parallel_loop3A_1328 = tpu.bitcast %parallel_loop3A_1326 : vector<16xf32> -> vector<16xi32>
        %parallel_loop3A_1329 = arith.andi %parallel_loop3A_1328, %broadcast_in_dim3A_588 : vector<16xi32>
        %parallel_loop3A_1330 = tpu.bitcast %parallel_loop3A_1329 : vector<16xi32> -> vector<16xf32>
        %parallel_loop3A_1331 = arith.addf %parallel_loop3A_1311, %parallel_loop3A_1330 : vector<16xf32>
        %parallel_loop3A_1332 = arith.constant 31 : i32
        %parallel_loop3A_1333 = arith.index_cast %parallel_loop3A_1332 : i32 to index
        %parallel_loop3A_1334 = arith.index_cast %parallel_loop3A_1019 : i32 to index
        %parallel_loop3A_1335 = tpu.vector_load %arg6[%parallel_loop3A_1333, %parallel_loop3A_1334] {strides = array<i32>} : memref<32x1024xf32, #tpu.memory_space<vmem>>, vector<1x16xf32>,
        %parallel_loop3A_1336 = vector.shape_cast %parallel_loop3A_1335 : vector<1x16xf32> to vector<16xf32>
        %parallel_loop3A_1337 = arith.addf %parallel_loop3A_1297, %parallel_loop3A_1336 : vector<16xf32>
        %parallel_loop3A_1338 = tpu.bitcast %parallel_loop3A_1336 : vector<16xf32> -> vector<16xi32>
        %parallel_loop3A_1339 = arith.andi %parallel_loop3A_1338, %broadcast_in_dim3A_593 : vector<16xi32>
        %parallel_loop3A_1340 = tpu.bitcast %parallel_loop3A_1339 : vector<16xi32> -> vector<16xf32>
        %parallel_loop3A_1341 = arith.addf %parallel_loop3A_1321, %parallel_loop3A_1340 : vector<16xf32>
        %parallel_loop3A_1342 = arith.addf %parallel_loop3A_1307, %parallel_loop3A_1317 : vector<16xf32>
        %parallel_loop3A_1343 = arith.addf %parallel_loop3A_1327, %parallel_loop3A_1337 : vector<16xf32>
        %parallel_loop3A_1344 = arith.addf %parallel_loop3A_1342, %parallel_loop3A_1343 : vector<16xf32>
        %parallel_loop3A_1345 = arith.addf %parallel_loop3A_1331, %parallel_loop3A_1341 : vector<16xf32>
        %parallel_loop3A_1346 = arith.index_cast %parallel_loop3A_1019 : i32 to index
        %parallel_loop3A_1347 = tpu.vector_load %arg9[%parallel_loop3A_1346] {strides = array<i32>} : memref<1024xf32, #tpu.memory_space<vmem>>, vector<16xf32>,
        %parallel_loop3A_1348 = vector.shape_cast %parallel_loop3A_1347 : vector<16xf32> to vector<16xf32>
        %parallel_loop3A_1349 = arith.addf %parallel_loop3A_1348, %parallel_loop3A_1345 : vector<16xf32>
        %parallel_loop3A_1350 = arith.constant 0.000000e+00 : f32
        %parallel_loop3A_1351 = vector.broadcast %parallel_loop3A_1350 : f32 to vector<16xf32>
        %parallel_loop3A_1352 = arith.cmpf ogt, %parallel_loop3A_1349, %parallel_loop3A_1351 : vector<16xf32>
        %parallel_loop3A_1353 = arith.constant 1.000000e+00 : f32
        %parallel_loop3A_1354 = arith.constant -1.000000e+00 : f32
        %parallel_loop3A_1355 = vector.broadcast %parallel_loop3A_1353 : f32 to vector<16xf32>
        %parallel_loop3A_1356 = vector.broadcast %parallel_loop3A_1354 : f32 to vector<16xf32>
        %parallel_loop3A_1357 = arith.select %parallel_loop3A_1352, %parallel_loop3A_1355, %parallel_loop3A_1356 : vector<16xi1>, vector<16xf32>
        %parallel_loop3A_1358 = arith.index_cast %and3A_433 : i32 to index
        %parallel_loop3A_1359 = arith.index_cast %parallel_loop3A_1019 : i32 to index
        %parallel_loop3A_1360 = tpu.vector_load %arg10[%parallel_loop3A_1358, %parallel_loop3A_1359] {strides = array<i32>} : memref<16x1024xf32, #tpu.memory_space<vmem>>, vector<1x16xf32>,
        %parallel_loop3A_1361 = vector.shape_cast %parallel_loop3A_1360 : vector<1x16xf32> to vector<16xf32>
        %parallel_loop3A_1362 = vector.shape_cast %parallel_loop3A_1357 : vector<16xf32> to vector<1x16xf32>
        tpu.vector_store %arg10[%parallel_loop3A_1358, %parallel_loop3A_1359], %parallel_loop3A_1362 {strides = array<i32>} : memref<16x1024xf32, #tpu.memory_space<vmem>>, vector<1x16xf32>,
        %parallel_loop3A_1363 = tpu.bitcast %parallel_loop3A_1348 : vector<16xf32> -> vector<16xi32>
        %parallel_loop3A_1364 = arith.constant 0.000000e+00 : f32
        %parallel_loop3A_1365 = vector.broadcast %parallel_loop3A_1364 : f32 to vector<16xf32>
        %parallel_loop3A_1366 = arith.subf %parallel_loop3A_1365, %parallel_loop3A_1345 : vector<16xf32>
        %parallel_loop3A_1367 = tpu.bitcast %parallel_loop3A_1366 : vector<16xf32> -> vector<16xi32>
        %parallel_loop3A_1368 = arith.xori %parallel_loop3A_1363, %parallel_loop3A_1367 : vector<16xi32>
        %parallel_loop3A_1369 = arith.andi %parallel_loop3A_1368, %broadcast_in_dim3A_596 : vector<16xi32>
        %parallel_loop3A_1370 = arith.xori %parallel_loop3A_1363, %parallel_loop3A_1369 : vector<16xi32>
        %parallel_loop3A_1371 = tpu.bitcast %parallel_loop3A_1370 : vector<16xi32> -> vector<16xf32>
        %parallel_loop3A_1372 = arith.addf %parallel_loop3A_1344, %parallel_loop3A_1371 : vector<16xf32>
        %parallel_loop3A_1373 = arith.index_cast %parallel_loop3A_1019 : i32 to index
        %parallel_loop3A_1374 = tpu.vector_load %arg9[%parallel_loop3A_1373] {strides = array<i32>} : memref<1024xf32, #tpu.memory_space<vmem>>, vector<16xf32>,
        %parallel_loop3A_1375 = vector.shape_cast %parallel_loop3A_1374 : vector<16xf32> to vector<16xf32>
        %parallel_loop3A_1376 = vector.shape_cast %parallel_loop3A_1372 : vector<16xf32> to vector<16xf32>
        tpu.vector_store %arg9[%parallel_loop3A_1373], %parallel_loop3A_1376 {strides = array<i32>} : memref<1024xf32, #tpu.memory_space<vmem>>, vector<16xf32>,
      } {sc.loop_unroll_factor = 8 : i64, sc.parallel_access}
      %gt3A_600 = arith.constant 0 : i32
      %gt3A_601 = arith.cmpi sgt, %add3A_431, %gt3A_600 : i32
      %convert_element_type3A_602 = arith.extui %gt3A_601 : i1 to i32
      %cond3A_603 = arith.constant 0 : i32
      %cond3A_604 = arith.cmpi ne, %convert_element_type3A_602, %cond3A_603 : i32
      scf.if %cond3A_604 {
        %add3A_1017 = arith.addi %mul3A_2, %scan3A_406 : i32
        %dma_start3A_1018 = arith.constant 0 : i32
        %dma_start3A_1019 = tpu.memref_slice %arg10[%and3A_433, %dma_start3A_1018] : memref<16x1024xf32, #tpu.memory_space<vmem>> -> memref<1x1024xf32, #tpu.memory_space<vmem>>
        %dma_start3A_1020 = tpu.memref_squeeze %dma_start3A_1019 : memref<1x1024xf32, #tpu.memory_space<vmem>> -> memref<1024xf32, #tpu.memory_space<vmem>>
        %dma_start3A_1021 = arith.constant 0 : i32
        %dma_start3A_1022 = tpu.memref_slice %arg4[%add3A_1017, %dma_start3A_1021] : memref<1024x1024xf32, #tpu.memory_space<hbm>> -> memref<1x1024xf32, #tpu.memory_space<hbm>>
        %dma_start3A_1023 = tpu.memref_squeeze %dma_start3A_1022 : memref<1x1024xf32, #tpu.memory_space<hbm>> -> memref<1024xf32, #tpu.memory_space<hbm>>
        %dma_start3A_1024 = arith.constant 0 : i32
        %dma_start3A_1025 = tpu.memref_slice %arg4[%add3A_1017, %dma_start3A_1024] : memref<1024x1024xf32, #tpu.memory_space<hbm>> -> memref<1x1024xf32, #tpu.memory_space<hbm>>
        %dma_start3A_1026 = tpu.memref_squeeze %dma_start3A_1025 : memref<1x1024xf32, #tpu.memory_space<hbm>> -> memref<1024xf32, #tpu.memory_space<hbm>>
        %dma_start3A_1027 = arith.constant 0 : i32
        %dma_start3A_1028 = tpu.memref_slice %arg10[%and3A_433, %dma_start3A_1027] : memref<16x1024xf32, #tpu.memory_space<vmem>> -> memref<1x1024xf32, #tpu.memory_space<vmem>>
        %dma_start3A_1029 = tpu.memref_squeeze %dma_start3A_1028 : memref<1x1024xf32, #tpu.memory_space<vmem>> -> memref<1024xf32, #tpu.memory_space<vmem>>
        tpu.enqueue_dma source(%dma_start3A_1029 : memref<1024xf32, #tpu.memory_space<vmem>>) target(%dma_start3A_1026 : memref<1024xf32, #tpu.memory_space<hbm>>) target_semaphore(%arg14 : memref<!tpu.dma_semaphore, #tpu.memory_space<semaphore_mem>>)
      } else {
      }
      %add3A_605 = arith.addi %scan3A_406, %add3A_431 : i32
      %mul3A_606 = arith.constant 50 : i32
      %mul3A_607 = arith.muli %mul3A_606, %add3A_431 : i32
      %add3A_608 = arith.addi %scan3A_407, %mul3A_607 : i32
      %sub3A_609 = arith.constant 32 : i32
      %sub3A_610 = arith.subi %add3A_608, %sub3A_609 : i32
      %mul3A_611 = arith.constant 3 : i32
      %mul3A_612 = arith.muli %scan3A_405, %mul3A_611 : i32
      %add3A_613 = arith.constant 1 : i32
      %add3A_614 = arith.addi %mul3A_612, %add3A_613 : i32
      %add3A_615 = arith.constant 2 : i32
      %add3A_616 = arith.addi %add3A_614, %add3A_615 : i32
      %mul3A_617 = arith.constant 32 : i32
      %mul3A_618 = arith.muli %mul3A_617, %add3A_616 : i32
      %dma_start3A_619 = tpu.memref_slice %arg5[%mul3A_618] : memref<1600xi32, #tpu.memory_space<vmem>> -> memref<32xi32, #tpu.memory_space<vmem>>
      %dma_start3A_620 = arith.constant 0 : i32
      %dma_start3A_621 = arith.constant 0 : i32
      %dma_start3A_622 = tpu.memref_slice %arg3[%dma_start3A_620, %dma_start3A_621] : memref<100000x1024xf32, #tpu.memory_space<hbm>> -> memref<100000x1024xf32, #tpu.memory_space<hbm>>
      tpu.enqueue_indirect_dma source(%dma_start3A_622 : memref<100000x1024xf32, #tpu.memory_space<hbm>>) target(%arg6 : memref<32x1024xf32, #tpu.memory_space<vmem>>) offsets(%dma_start3A_619 : memref<32xi32, #tpu.memory_space<vmem>>) semaphore(%arg11 : memref<!tpu.dma_semaphore, #tpu.memory_space<semaphore_mem>>)
      %dma_wait3A_623 = arith.constant 0 : i32
      %dma_wait3A_624 = arith.constant 0 : i32
      %dma_wait3A_625 = tpu.memref_slice %arg3[%dma_wait3A_623, %dma_wait3A_624] : memref<100000x1024xf32, #tpu.memory_space<hbm>> -> memref<32x1024xf32, #tpu.memory_space<hbm>>
      %dma_wait3A_626 = arith.constant 0 : i32
      %dma_wait3A_627 = arith.constant 0 : i32
      %dma_wait3A_628 = tpu.memref_slice %arg3[%dma_wait3A_626, %dma_wait3A_627] : memref<100000x1024xf32, #tpu.memory_space<hbm>> -> memref<32x1024xf32, #tpu.memory_space<hbm>>
      tpu.wait_dma2 semaphore(%arg12 : memref<!tpu.dma_semaphore, #tpu.memory_space<semaphore_mem>>) src(%dma_wait3A_628 : memref<32x1024xf32, #tpu.memory_space<hbm>>) dst(%arg7 : memref<32x1024xf32, #tpu.memory_space<vmem>>)
      %sub3A_629 = arith.constant 32 : i32
      %sub3A_630 = arith.subi %sub3A_629, %sub3A_610 : i32
      %shift_right_arithmetic3A_631 = arith.constant 31 : i32
      %shift_right_arithmetic3A_632 = arith.shrsi %sub3A_630, %shift_right_arithmetic3A_631 : i32
      %add3A_633 = arith.constant 1 : i32
      %add3A_634 = arith.addi %add3A_633, %shift_right_arithmetic3A_632 : i32
      %and3A_635 = arith.constant 15 : i32
      %and3A_636 = arith.andi %add3A_605, %and3A_635 : i32
      %sub3A_637 = arith.constant 0 : i32
      %sub3A_638 = arith.subi %sub3A_637, %sub3A_610 : i32
      %shift_right_arithmetic3A_639 = arith.constant 31 : i32
      %shift_right_arithmetic3A_640 = arith.shrsi %sub3A_638, %shift_right_arithmetic3A_639 : i32
      %broadcast_in_dim3A_641 = vector.broadcast %shift_right_arithmetic3A_640 : i32 to vector<16xi32>
      %sub3A_642 = arith.constant 1 : i32
      %sub3A_643 = arith.subi %sub3A_642, %sub3A_610 : i32
      %shift_right_arithmetic3A_644 = arith.constant 31 : i32
      %shift_right_arithmetic3A_645 = arith.shrsi %sub3A_643, %shift_right_arithmetic3A_644 : i32
      %broadcast_in_dim3A_646 = vector.broadcast %shift_right_arithmetic3A_645 : i32 to vector<16xi32>
      %sub3A_647 = arith.constant 2 : i32
      %sub3A_648 = arith.subi %sub3A_647, %sub3A_610 : i32
      %shift_right_arithmetic3A_649 = arith.constant 31 : i32
      %shift_right_arithmetic3A_650 = arith.shrsi %sub3A_648, %shift_right_arithmetic3A_649 : i32
      %broadcast_in_dim3A_651 = vector.broadcast %shift_right_arithmetic3A_650 : i32 to vector<16xi32>
      %sub3A_652 = arith.constant 3 : i32
      %sub3A_653 = arith.subi %sub3A_652, %sub3A_610 : i32
      %shift_right_arithmetic3A_654 = arith.constant 31 : i32
      %shift_right_arithmetic3A_655 = arith.shrsi %sub3A_653, %shift_right_arithmetic3A_654 : i32
      %broadcast_in_dim3A_656 = vector.broadcast %shift_right_arithmetic3A_655 : i32 to vector<16xi32>
      %sub3A_657 = arith.constant 4 : i32
      %sub3A_658 = arith.subi %sub3A_657, %sub3A_610 : i32
      %shift_right_arithmetic3A_659 = arith.constant 31 : i32
      %shift_right_arithmetic3A_660 = arith.shrsi %sub3A_658, %shift_right_arithmetic3A_659 : i32
      %broadcast_in_dim3A_661 = vector.broadcast %shift_right_arithmetic3A_660 : i32 to vector<16xi32>
      %sub3A_662 = arith.constant 5 : i32
      %sub3A_663 = arith.subi %sub3A_662, %sub3A_610 : i32
      %shift_right_arithmetic3A_664 = arith.constant 31 : i32
      %shift_right_arithmetic3A_665 = arith.shrsi %sub3A_663, %shift_right_arithmetic3A_664 : i32
      %broadcast_in_dim3A_666 = vector.broadcast %shift_right_arithmetic3A_665 : i32 to vector<16xi32>
      %sub3A_667 = arith.constant 6 : i32
      %sub3A_668 = arith.subi %sub3A_667, %sub3A_610 : i32
      %shift_right_arithmetic3A_669 = arith.constant 31 : i32
      %shift_right_arithmetic3A_670 = arith.shrsi %sub3A_668, %shift_right_arithmetic3A_669 : i32
      %broadcast_in_dim3A_671 = vector.broadcast %shift_right_arithmetic3A_670 : i32 to vector<16xi32>
      %sub3A_672 = arith.constant 7 : i32
      %sub3A_673 = arith.subi %sub3A_672, %sub3A_610 : i32
      %shift_right_arithmetic3A_674 = arith.constant 31 : i32
      %shift_right_arithmetic3A_675 = arith.shrsi %sub3A_673, %shift_right_arithmetic3A_674 : i32
      %broadcast_in_dim3A_676 = vector.broadcast %shift_right_arithmetic3A_675 : i32 to vector<16xi32>
      %sub3A_677 = arith.constant 8 : i32
      %sub3A_678 = arith.subi %sub3A_677, %sub3A_610 : i32
      %shift_right_arithmetic3A_679 = arith.constant 31 : i32
      %shift_right_arithmetic3A_680 = arith.shrsi %sub3A_678, %shift_right_arithmetic3A_679 : i32
      %broadcast_in_dim3A_681 = vector.broadcast %shift_right_arithmetic3A_680 : i32 to vector<16xi32>
      %sub3A_682 = arith.constant 9 : i32
      %sub3A_683 = arith.subi %sub3A_682, %sub3A_610 : i32
      %shift_right_arithmetic3A_684 = arith.constant 31 : i32
      %shift_right_arithmetic3A_685 = arith.shrsi %sub3A_683, %shift_right_arithmetic3A_684 : i32
      %broadcast_in_dim3A_686 = vector.broadcast %shift_right_arithmetic3A_685 : i32 to vector<16xi32>
      %sub3A_687 = arith.constant 10 : i32
      %sub3A_688 = arith.subi %sub3A_687, %sub3A_610 : i32
      %shift_right_arithmetic3A_689 = arith.constant 31 : i32
      %shift_right_arithmetic3A_690 = arith.shrsi %sub3A_688, %shift_right_arithmetic3A_689 : i32
      %broadcast_in_dim3A_691 = vector.broadcast %shift_right_arithmetic3A_690 : i32 to vector<16xi32>
      %sub3A_692 = arith.constant 11 : i32
      %sub3A_693 = arith.subi %sub3A_692, %sub3A_610 : i32
      %shift_right_arithmetic3A_694 = arith.constant 31 : i32
      %shift_right_arithmetic3A_695 = arith.shrsi %sub3A_693, %shift_right_arithmetic3A_694 : i32
      %broadcast_in_dim3A_696 = vector.broadcast %shift_right_arithmetic3A_695 : i32 to vector<16xi32>
      %sub3A_697 = arith.constant 12 : i32
      %sub3A_698 = arith.subi %sub3A_697, %sub3A_610 : i32
      %shift_right_arithmetic3A_699 = arith.constant 31 : i32
      %shift_right_arithmetic3A_700 = arith.shrsi %sub3A_698, %shift_right_arithmetic3A_699 : i32
      %broadcast_in_dim3A_701 = vector.broadcast %shift_right_arithmetic3A_700 : i32 to vector<16xi32>
      %sub3A_702 = arith.constant 13 : i32
      %sub3A_703 = arith.subi %sub3A_702, %sub3A_610 : i32
      %shift_right_arithmetic3A_704 = arith.constant 31 : i32
      %shift_right_arithmetic3A_705 = arith.shrsi %sub3A_703, %shift_right_arithmetic3A_704 : i32
      %broadcast_in_dim3A_706 = vector.broadcast %shift_right_arithmetic3A_705 : i32 to vector<16xi32>
      %sub3A_707 = arith.constant 14 : i32
      %sub3A_708 = arith.subi %sub3A_707, %sub3A_610 : i32
      %shift_right_arithmetic3A_709 = arith.constant 31 : i32
      %shift_right_arithmetic3A_710 = arith.shrsi %sub3A_708, %shift_right_arithmetic3A_709 : i32
      %broadcast_in_dim3A_711 = vector.broadcast %shift_right_arithmetic3A_710 : i32 to vector<16xi32>
      %sub3A_712 = arith.constant 15 : i32
      %sub3A_713 = arith.subi %sub3A_712, %sub3A_610 : i32
      %shift_right_arithmetic3A_714 = arith.constant 31 : i32
      %shift_right_arithmetic3A_715 = arith.shrsi %sub3A_713, %shift_right_arithmetic3A_714 : i32
      %broadcast_in_dim3A_716 = vector.broadcast %shift_right_arithmetic3A_715 : i32 to vector<16xi32>
      %sub3A_717 = arith.constant 16 : i32
      %sub3A_718 = arith.subi %sub3A_717, %sub3A_610 : i32
      %shift_right_arithmetic3A_719 = arith.constant 31 : i32
      %shift_right_arithmetic3A_720 = arith.shrsi %sub3A_718, %shift_right_arithmetic3A_719 : i32
      %broadcast_in_dim3A_721 = vector.broadcast %shift_right_arithmetic3A_720 : i32 to vector<16xi32>
      %sub3A_722 = arith.constant 17 : i32
      %sub3A_723 = arith.subi %sub3A_722, %sub3A_610 : i32
      %shift_right_arithmetic3A_724 = arith.constant 31 : i32
      %shift_right_arithmetic3A_725 = arith.shrsi %sub3A_723, %shift_right_arithmetic3A_724 : i32
      %broadcast_in_dim3A_726 = vector.broadcast %shift_right_arithmetic3A_725 : i32 to vector<16xi32>
      %sub3A_727 = arith.constant 18 : i32
      %sub3A_728 = arith.subi %sub3A_727, %sub3A_610 : i32
      %shift_right_arithmetic3A_729 = arith.constant 31 : i32
      %shift_right_arithmetic3A_730 = arith.shrsi %sub3A_728, %shift_right_arithmetic3A_729 : i32
      %broadcast_in_dim3A_731 = vector.broadcast %shift_right_arithmetic3A_730 : i32 to vector<16xi32>
      %sub3A_732 = arith.constant 19 : i32
      %sub3A_733 = arith.subi %sub3A_732, %sub3A_610 : i32
      %shift_right_arithmetic3A_734 = arith.constant 31 : i32
      %shift_right_arithmetic3A_735 = arith.shrsi %sub3A_733, %shift_right_arithmetic3A_734 : i32
      %broadcast_in_dim3A_736 = vector.broadcast %shift_right_arithmetic3A_735 : i32 to vector<16xi32>
      %sub3A_737 = arith.constant 20 : i32
      %sub3A_738 = arith.subi %sub3A_737, %sub3A_610 : i32
      %shift_right_arithmetic3A_739 = arith.constant 31 : i32
      %shift_right_arithmetic3A_740 = arith.shrsi %sub3A_738, %shift_right_arithmetic3A_739 : i32
      %broadcast_in_dim3A_741 = vector.broadcast %shift_right_arithmetic3A_740 : i32 to vector<16xi32>
      %sub3A_742 = arith.constant 21 : i32
      %sub3A_743 = arith.subi %sub3A_742, %sub3A_610 : i32
      %shift_right_arithmetic3A_744 = arith.constant 31 : i32
      %shift_right_arithmetic3A_745 = arith.shrsi %sub3A_743, %shift_right_arithmetic3A_744 : i32
      %broadcast_in_dim3A_746 = vector.broadcast %shift_right_arithmetic3A_745 : i32 to vector<16xi32>
      %sub3A_747 = arith.constant 22 : i32
      %sub3A_748 = arith.subi %sub3A_747, %sub3A_610 : i32
      %shift_right_arithmetic3A_749 = arith.constant 31 : i32
      %shift_right_arithmetic3A_750 = arith.shrsi %sub3A_748, %shift_right_arithmetic3A_749 : i32
      %broadcast_in_dim3A_751 = vector.broadcast %shift_right_arithmetic3A_750 : i32 to vector<16xi32>
      %sub3A_752 = arith.constant 23 : i32
      %sub3A_753 = arith.subi %sub3A_752, %sub3A_610 : i32
      %shift_right_arithmetic3A_754 = arith.constant 31 : i32
      %shift_right_arithmetic3A_755 = arith.shrsi %sub3A_753, %shift_right_arithmetic3A_754 : i32
      %broadcast_in_dim3A_756 = vector.broadcast %shift_right_arithmetic3A_755 : i32 to vector<16xi32>
      %sub3A_757 = arith.constant 24 : i32
      %sub3A_758 = arith.subi %sub3A_757, %sub3A_610 : i32
      %shift_right_arithmetic3A_759 = arith.constant 31 : i32
      %shift_right_arithmetic3A_760 = arith.shrsi %sub3A_758, %shift_right_arithmetic3A_759 : i32
      %broadcast_in_dim3A_761 = vector.broadcast %shift_right_arithmetic3A_760 : i32 to vector<16xi32>
      %sub3A_762 = arith.constant 25 : i32
      %sub3A_763 = arith.subi %sub3A_762, %sub3A_610 : i32
      %shift_right_arithmetic3A_764 = arith.constant 31 : i32
      %shift_right_arithmetic3A_765 = arith.shrsi %sub3A_763, %shift_right_arithmetic3A_764 : i32
      %broadcast_in_dim3A_766 = vector.broadcast %shift_right_arithmetic3A_765 : i32 to vector<16xi32>
      %sub3A_767 = arith.constant 26 : i32
      %sub3A_768 = arith.subi %sub3A_767, %sub3A_610 : i32
      %shift_right_arithmetic3A_769 = arith.constant 31 : i32
      %shift_right_arithmetic3A_770 = arith.shrsi %sub3A_768, %shift_right_arithmetic3A_769 : i32
      %broadcast_in_dim3A_771 = vector.broadcast %shift_right_arithmetic3A_770 : i32 to vector<16xi32>
      %sub3A_772 = arith.constant 27 : i32
      %sub3A_773 = arith.subi %sub3A_772, %sub3A_610 : i32
      %shift_right_arithmetic3A_774 = arith.constant 31 : i32
      %shift_right_arithmetic3A_775 = arith.shrsi %sub3A_773, %shift_right_arithmetic3A_774 : i32
      %broadcast_in_dim3A_776 = vector.broadcast %shift_right_arithmetic3A_775 : i32 to vector<16xi32>
      %sub3A_777 = arith.constant 28 : i32
      %sub3A_778 = arith.subi %sub3A_777, %sub3A_610 : i32
      %shift_right_arithmetic3A_779 = arith.constant 31 : i32
      %shift_right_arithmetic3A_780 = arith.shrsi %sub3A_778, %shift_right_arithmetic3A_779 : i32
      %broadcast_in_dim3A_781 = vector.broadcast %shift_right_arithmetic3A_780 : i32 to vector<16xi32>
      %sub3A_782 = arith.constant 29 : i32
      %sub3A_783 = arith.subi %sub3A_782, %sub3A_610 : i32
      %shift_right_arithmetic3A_784 = arith.constant 31 : i32
      %shift_right_arithmetic3A_785 = arith.shrsi %sub3A_783, %shift_right_arithmetic3A_784 : i32
      %broadcast_in_dim3A_786 = vector.broadcast %shift_right_arithmetic3A_785 : i32 to vector<16xi32>
      %sub3A_787 = arith.constant 30 : i32
      %sub3A_788 = arith.subi %sub3A_787, %sub3A_610 : i32
      %shift_right_arithmetic3A_789 = arith.constant 31 : i32
      %shift_right_arithmetic3A_790 = arith.shrsi %sub3A_788, %shift_right_arithmetic3A_789 : i32
      %broadcast_in_dim3A_791 = vector.broadcast %shift_right_arithmetic3A_790 : i32 to vector<16xi32>
      %sub3A_792 = arith.constant 31 : i32
      %sub3A_793 = arith.subi %sub3A_792, %sub3A_610 : i32
      %shift_right_arithmetic3A_794 = arith.constant 31 : i32
      %shift_right_arithmetic3A_795 = arith.shrsi %sub3A_793, %shift_right_arithmetic3A_794 : i32
      %broadcast_in_dim3A_796 = vector.broadcast %shift_right_arithmetic3A_795 : i32 to vector<16xi32>
      %neg3A_797 = arith.constant 0 : i32
      %neg3A_798 = arith.subi %neg3A_797, %add3A_634 : i32
      %broadcast_in_dim3A_799 = vector.broadcast %neg3A_798 : i32 to vector<16xi32>
      %parallel_loop3A_800 = arith.constant 0 : i32
      %parallel_loop3A_801 = arith.constant 64 : i32
      %parallel_loop3A_802 = arith.constant 1 : i32
      scf.for %parallel_loop3A_1017 = %parallel_loop3A_800 to %parallel_loop3A_801 step %parallel_loop3A_802  : i32 {
        %parallel_loop3A_1018 = arith.constant 16 : i32
        %parallel_loop3A_1019 = arith.muli %parallel_loop3A_1017, %parallel_loop3A_1018 : i32
        %parallel_loop3A_1020 = arith.constant 0.000000e+00 : f32
        %parallel_loop3A_1021 = vector.broadcast %parallel_loop3A_1020 : f32 to vector<16xf32>
        %parallel_loop3A_1022 = arith.constant 0 : i32
        %parallel_loop3A_1023 = arith.index_cast %parallel_loop3A_1022 : i32 to index
        %parallel_loop3A_1024 = arith.index_cast %parallel_loop3A_1019 : i32 to index
        %parallel_loop3A_1025 = tpu.vector_load %arg7[%parallel_loop3A_1023, %parallel_loop3A_1024] {strides = array<i32>} : memref<32x1024xf32, #tpu.memory_space<vmem>>, vector<1x16xf32>,
        %parallel_loop3A_1026 = vector.shape_cast %parallel_loop3A_1025 : vector<1x16xf32> to vector<16xf32>
        %parallel_loop3A_1027 = arith.addf %parallel_loop3A_1021, %parallel_loop3A_1026 : vector<16xf32>
        %parallel_loop3A_1028 = tpu.bitcast %parallel_loop3A_1026 : vector<16xf32> -> vector<16xi32>
        %parallel_loop3A_1029 = arith.andi %parallel_loop3A_1028, %broadcast_in_dim3A_641 : vector<16xi32>
        %parallel_loop3A_1030 = tpu.bitcast %parallel_loop3A_1029 : vector<16xi32> -> vector<16xf32>
        %parallel_loop3A_1031 = arith.addf %parallel_loop3A_1021, %parallel_loop3A_1030 : vector<16xf32>
        %parallel_loop3A_1032 = arith.constant 1 : i32
        %parallel_loop3A_1033 = arith.index_cast %parallel_loop3A_1032 : i32 to index
        %parallel_loop3A_1034 = arith.index_cast %parallel_loop3A_1019 : i32 to index
        %parallel_loop3A_1035 = tpu.vector_load %arg7[%parallel_loop3A_1033, %parallel_loop3A_1034] {strides = array<i32>} : memref<32x1024xf32, #tpu.memory_space<vmem>>, vector<1x16xf32>,
        %parallel_loop3A_1036 = vector.shape_cast %parallel_loop3A_1035 : vector<1x16xf32> to vector<16xf32>
        %parallel_loop3A_1037 = arith.addf %parallel_loop3A_1021, %parallel_loop3A_1036 : vector<16xf32>
        %parallel_loop3A_1038 = tpu.bitcast %parallel_loop3A_1036 : vector<16xf32> -> vector<16xi32>
        %parallel_loop3A_1039 = arith.andi %parallel_loop3A_1038, %broadcast_in_dim3A_646 : vector<16xi32>
        %parallel_loop3A_1040 = tpu.bitcast %parallel_loop3A_1039 : vector<16xi32> -> vector<16xf32>
        %parallel_loop3A_1041 = arith.addf %parallel_loop3A_1021, %parallel_loop3A_1040 : vector<16xf32>
        %parallel_loop3A_1042 = arith.constant 2 : i32
        %parallel_loop3A_1043 = arith.index_cast %parallel_loop3A_1042 : i32 to index
        %parallel_loop3A_1044 = arith.index_cast %parallel_loop3A_1019 : i32 to index
        %parallel_loop3A_1045 = tpu.vector_load %arg7[%parallel_loop3A_1043, %parallel_loop3A_1044] {strides = array<i32>} : memref<32x1024xf32, #tpu.memory_space<vmem>>, vector<1x16xf32>,
        %parallel_loop3A_1046 = vector.shape_cast %parallel_loop3A_1045 : vector<1x16xf32> to vector<16xf32>
        %parallel_loop3A_1047 = arith.addf %parallel_loop3A_1021, %parallel_loop3A_1046 : vector<16xf32>
        %parallel_loop3A_1048 = tpu.bitcast %parallel_loop3A_1046 : vector<16xf32> -> vector<16xi32>
        %parallel_loop3A_1049 = arith.andi %parallel_loop3A_1048, %broadcast_in_dim3A_651 : vector<16xi32>
        %parallel_loop3A_1050 = tpu.bitcast %parallel_loop3A_1049 : vector<16xi32> -> vector<16xf32>
        %parallel_loop3A_1051 = arith.addf %parallel_loop3A_1031, %parallel_loop3A_1050 : vector<16xf32>
        %parallel_loop3A_1052 = arith.constant 3 : i32
        %parallel_loop3A_1053 = arith.index_cast %parallel_loop3A_1052 : i32 to index
        %parallel_loop3A_1054 = arith.index_cast %parallel_loop3A_1019 : i32 to index
        %parallel_loop3A_1055 = tpu.vector_load %arg7[%parallel_loop3A_1053, %parallel_loop3A_1054] {strides = array<i32>} : memref<32x1024xf32, #tpu.memory_space<vmem>>, vector<1x16xf32>,
        %parallel_loop3A_1056 = vector.shape_cast %parallel_loop3A_1055 : vector<1x16xf32> to vector<16xf32>
        %parallel_loop3A_1057 = arith.addf %parallel_loop3A_1021, %parallel_loop3A_1056 : vector<16xf32>
        %parallel_loop3A_1058 = tpu.bitcast %parallel_loop3A_1056 : vector<16xf32> -> vector<16xi32>
        %parallel_loop3A_1059 = arith.andi %parallel_loop3A_1058, %broadcast_in_dim3A_656 : vector<16xi32>
        %parallel_loop3A_1060 = tpu.bitcast %parallel_loop3A_1059 : vector<16xi32> -> vector<16xf32>
        %parallel_loop3A_1061 = arith.addf %parallel_loop3A_1041, %parallel_loop3A_1060 : vector<16xf32>
        %parallel_loop3A_1062 = arith.constant 4 : i32
        %parallel_loop3A_1063 = arith.index_cast %parallel_loop3A_1062 : i32 to index
        %parallel_loop3A_1064 = arith.index_cast %parallel_loop3A_1019 : i32 to index
        %parallel_loop3A_1065 = tpu.vector_load %arg7[%parallel_loop3A_1063, %parallel_loop3A_1064] {strides = array<i32>} : memref<32x1024xf32, #tpu.memory_space<vmem>>, vector<1x16xf32>,
        %parallel_loop3A_1066 = vector.shape_cast %parallel_loop3A_1065 : vector<1x16xf32> to vector<16xf32>
        %parallel_loop3A_1067 = arith.addf %parallel_loop3A_1027, %parallel_loop3A_1066 : vector<16xf32>
        %parallel_loop3A_1068 = tpu.bitcast %parallel_loop3A_1066 : vector<16xf32> -> vector<16xi32>
        %parallel_loop3A_1069 = arith.andi %parallel_loop3A_1068, %broadcast_in_dim3A_661 : vector<16xi32>
        %parallel_loop3A_1070 = tpu.bitcast %parallel_loop3A_1069 : vector<16xi32> -> vector<16xf32>
        %parallel_loop3A_1071 = arith.addf %parallel_loop3A_1051, %parallel_loop3A_1070 : vector<16xf32>
        %parallel_loop3A_1072 = arith.constant 5 : i32
        %parallel_loop3A_1073 = arith.index_cast %parallel_loop3A_1072 : i32 to index
        %parallel_loop3A_1074 = arith.index_cast %parallel_loop3A_1019 : i32 to index
        %parallel_loop3A_1075 = tpu.vector_load %arg7[%parallel_loop3A_1073, %parallel_loop3A_1074] {strides = array<i32>} : memref<32x1024xf32, #tpu.memory_space<vmem>>, vector<1x16xf32>,
        %parallel_loop3A_1076 = vector.shape_cast %parallel_loop3A_1075 : vector<1x16xf32> to vector<16xf32>
        %parallel_loop3A_1077 = arith.addf %parallel_loop3A_1037, %parallel_loop3A_1076 : vector<16xf32>
        %parallel_loop3A_1078 = tpu.bitcast %parallel_loop3A_1076 : vector<16xf32> -> vector<16xi32>
        %parallel_loop3A_1079 = arith.andi %parallel_loop3A_1078, %broadcast_in_dim3A_666 : vector<16xi32>
        %parallel_loop3A_1080 = tpu.bitcast %parallel_loop3A_1079 : vector<16xi32> -> vector<16xf32>
        %parallel_loop3A_1081 = arith.addf %parallel_loop3A_1061, %parallel_loop3A_1080 : vector<16xf32>
        %parallel_loop3A_1082 = arith.constant 6 : i32
        %parallel_loop3A_1083 = arith.index_cast %parallel_loop3A_1082 : i32 to index
        %parallel_loop3A_1084 = arith.index_cast %parallel_loop3A_1019 : i32 to index
        %parallel_loop3A_1085 = tpu.vector_load %arg7[%parallel_loop3A_1083, %parallel_loop3A_1084] {strides = array<i32>} : memref<32x1024xf32, #tpu.memory_space<vmem>>, vector<1x16xf32>,
        %parallel_loop3A_1086 = vector.shape_cast %parallel_loop3A_1085 : vector<1x16xf32> to vector<16xf32>
        %parallel_loop3A_1087 = arith.addf %parallel_loop3A_1047, %parallel_loop3A_1086 : vector<16xf32>
        %parallel_loop3A_1088 = tpu.bitcast %parallel_loop3A_1086 : vector<16xf32> -> vector<16xi32>
        %parallel_loop3A_1089 = arith.andi %parallel_loop3A_1088, %broadcast_in_dim3A_671 : vector<16xi32>
        %parallel_loop3A_1090 = tpu.bitcast %parallel_loop3A_1089 : vector<16xi32> -> vector<16xf32>
        %parallel_loop3A_1091 = arith.addf %parallel_loop3A_1071, %parallel_loop3A_1090 : vector<16xf32>
        %parallel_loop3A_1092 = arith.constant 7 : i32
        %parallel_loop3A_1093 = arith.index_cast %parallel_loop3A_1092 : i32 to index
        %parallel_loop3A_1094 = arith.index_cast %parallel_loop3A_1019 : i32 to index
        %parallel_loop3A_1095 = tpu.vector_load %arg7[%parallel_loop3A_1093, %parallel_loop3A_1094] {strides = array<i32>} : memref<32x1024xf32, #tpu.memory_space<vmem>>, vector<1x16xf32>,
        %parallel_loop3A_1096 = vector.shape_cast %parallel_loop3A_1095 : vector<1x16xf32> to vector<16xf32>
        %parallel_loop3A_1097 = arith.addf %parallel_loop3A_1057, %parallel_loop3A_1096 : vector<16xf32>
        %parallel_loop3A_1098 = tpu.bitcast %parallel_loop3A_1096 : vector<16xf32> -> vector<16xi32>
        %parallel_loop3A_1099 = arith.andi %parallel_loop3A_1098, %broadcast_in_dim3A_676 : vector<16xi32>
        %parallel_loop3A_1100 = tpu.bitcast %parallel_loop3A_1099 : vector<16xi32> -> vector<16xf32>
        %parallel_loop3A_1101 = arith.addf %parallel_loop3A_1081, %parallel_loop3A_1100 : vector<16xf32>
        %parallel_loop3A_1102 = arith.constant 8 : i32
        %parallel_loop3A_1103 = arith.index_cast %parallel_loop3A_1102 : i32 to index
        %parallel_loop3A_1104 = arith.index_cast %parallel_loop3A_1019 : i32 to index
        %parallel_loop3A_1105 = tpu.vector_load %arg7[%parallel_loop3A_1103, %parallel_loop3A_1104] {strides = array<i32>} : memref<32x1024xf32, #tpu.memory_space<vmem>>, vector<1x16xf32>,
        %parallel_loop3A_1106 = vector.shape_cast %parallel_loop3A_1105 : vector<1x16xf32> to vector<16xf32>
        %parallel_loop3A_1107 = arith.addf %parallel_loop3A_1067, %parallel_loop3A_1106 : vector<16xf32>
        %parallel_loop3A_1108 = tpu.bitcast %parallel_loop3A_1106 : vector<16xf32> -> vector<16xi32>
        %parallel_loop3A_1109 = arith.andi %parallel_loop3A_1108, %broadcast_in_dim3A_681 : vector<16xi32>
        %parallel_loop3A_1110 = tpu.bitcast %parallel_loop3A_1109 : vector<16xi32> -> vector<16xf32>
        %parallel_loop3A_1111 = arith.addf %parallel_loop3A_1091, %parallel_loop3A_1110 : vector<16xf32>
        %parallel_loop3A_1112 = arith.constant 9 : i32
        %parallel_loop3A_1113 = arith.index_cast %parallel_loop3A_1112 : i32 to index
        %parallel_loop3A_1114 = arith.index_cast %parallel_loop3A_1019 : i32 to index
        %parallel_loop3A_1115 = tpu.vector_load %arg7[%parallel_loop3A_1113, %parallel_loop3A_1114] {strides = array<i32>} : memref<32x1024xf32, #tpu.memory_space<vmem>>, vector<1x16xf32>,
        %parallel_loop3A_1116 = vector.shape_cast %parallel_loop3A_1115 : vector<1x16xf32> to vector<16xf32>
        %parallel_loop3A_1117 = arith.addf %parallel_loop3A_1077, %parallel_loop3A_1116 : vector<16xf32>
        %parallel_loop3A_1118 = tpu.bitcast %parallel_loop3A_1116 : vector<16xf32> -> vector<16xi32>
        %parallel_loop3A_1119 = arith.andi %parallel_loop3A_1118, %broadcast_in_dim3A_686 : vector<16xi32>
        %parallel_loop3A_1120 = tpu.bitcast %parallel_loop3A_1119 : vector<16xi32> -> vector<16xf32>
        %parallel_loop3A_1121 = arith.addf %parallel_loop3A_1101, %parallel_loop3A_1120 : vector<16xf32>
        %parallel_loop3A_1122 = arith.constant 10 : i32
        %parallel_loop3A_1123 = arith.index_cast %parallel_loop3A_1122 : i32 to index
        %parallel_loop3A_1124 = arith.index_cast %parallel_loop3A_1019 : i32 to index
        %parallel_loop3A_1125 = tpu.vector_load %arg7[%parallel_loop3A_1123, %parallel_loop3A_1124] {strides = array<i32>} : memref<32x1024xf32, #tpu.memory_space<vmem>>, vector<1x16xf32>,
        %parallel_loop3A_1126 = vector.shape_cast %parallel_loop3A_1125 : vector<1x16xf32> to vector<16xf32>
        %parallel_loop3A_1127 = arith.addf %parallel_loop3A_1087, %parallel_loop3A_1126 : vector<16xf32>
        %parallel_loop3A_1128 = tpu.bitcast %parallel_loop3A_1126 : vector<16xf32> -> vector<16xi32>
        %parallel_loop3A_1129 = arith.andi %parallel_loop3A_1128, %broadcast_in_dim3A_691 : vector<16xi32>
        %parallel_loop3A_1130 = tpu.bitcast %parallel_loop3A_1129 : vector<16xi32> -> vector<16xf32>
        %parallel_loop3A_1131 = arith.addf %parallel_loop3A_1111, %parallel_loop3A_1130 : vector<16xf32>
        %parallel_loop3A_1132 = arith.constant 11 : i32
        %parallel_loop3A_1133 = arith.index_cast %parallel_loop3A_1132 : i32 to index
        %parallel_loop3A_1134 = arith.index_cast %parallel_loop3A_1019 : i32 to index
        %parallel_loop3A_1135 = tpu.vector_load %arg7[%parallel_loop3A_1133, %parallel_loop3A_1134] {strides = array<i32>} : memref<32x1024xf32, #tpu.memory_space<vmem>>, vector<1x16xf32>,
        %parallel_loop3A_1136 = vector.shape_cast %parallel_loop3A_1135 : vector<1x16xf32> to vector<16xf32>
        %parallel_loop3A_1137 = arith.addf %parallel_loop3A_1097, %parallel_loop3A_1136 : vector<16xf32>
        %parallel_loop3A_1138 = tpu.bitcast %parallel_loop3A_1136 : vector<16xf32> -> vector<16xi32>
        %parallel_loop3A_1139 = arith.andi %parallel_loop3A_1138, %broadcast_in_dim3A_696 : vector<16xi32>
        %parallel_loop3A_1140 = tpu.bitcast %parallel_loop3A_1139 : vector<16xi32> -> vector<16xf32>
        %parallel_loop3A_1141 = arith.addf %parallel_loop3A_1121, %parallel_loop3A_1140 : vector<16xf32>
        %parallel_loop3A_1142 = arith.constant 12 : i32
        %parallel_loop3A_1143 = arith.index_cast %parallel_loop3A_1142 : i32 to index
        %parallel_loop3A_1144 = arith.index_cast %parallel_loop3A_1019 : i32 to index
        %parallel_loop3A_1145 = tpu.vector_load %arg7[%parallel_loop3A_1143, %parallel_loop3A_1144] {strides = array<i32>} : memref<32x1024xf32, #tpu.memory_space<vmem>>, vector<1x16xf32>,
        %parallel_loop3A_1146 = vector.shape_cast %parallel_loop3A_1145 : vector<1x16xf32> to vector<16xf32>
        %parallel_loop3A_1147 = arith.addf %parallel_loop3A_1107, %parallel_loop3A_1146 : vector<16xf32>
        %parallel_loop3A_1148 = tpu.bitcast %parallel_loop3A_1146 : vector<16xf32> -> vector<16xi32>
        %parallel_loop3A_1149 = arith.andi %parallel_loop3A_1148, %broadcast_in_dim3A_701 : vector<16xi32>
        %parallel_loop3A_1150 = tpu.bitcast %parallel_loop3A_1149 : vector<16xi32> -> vector<16xf32>
        %parallel_loop3A_1151 = arith.addf %parallel_loop3A_1131, %parallel_loop3A_1150 : vector<16xf32>
        %parallel_loop3A_1152 = arith.constant 13 : i32
        %parallel_loop3A_1153 = arith.index_cast %parallel_loop3A_1152 : i32 to index
        %parallel_loop3A_1154 = arith.index_cast %parallel_loop3A_1019 : i32 to index
        %parallel_loop3A_1155 = tpu.vector_load %arg7[%parallel_loop3A_1153, %parallel_loop3A_1154] {strides = array<i32>} : memref<32x1024xf32, #tpu.memory_space<vmem>>, vector<1x16xf32>,
        %parallel_loop3A_1156 = vector.shape_cast %parallel_loop3A_1155 : vector<1x16xf32> to vector<16xf32>
        %parallel_loop3A_1157 = arith.addf %parallel_loop3A_1117, %parallel_loop3A_1156 : vector<16xf32>
        %parallel_loop3A_1158 = tpu.bitcast %parallel_loop3A_1156 : vector<16xf32> -> vector<16xi32>
        %parallel_loop3A_1159 = arith.andi %parallel_loop3A_1158, %broadcast_in_dim3A_706 : vector<16xi32>
        %parallel_loop3A_1160 = tpu.bitcast %parallel_loop3A_1159 : vector<16xi32> -> vector<16xf32>
        %parallel_loop3A_1161 = arith.addf %parallel_loop3A_1141, %parallel_loop3A_1160 : vector<16xf32>
        %parallel_loop3A_1162 = arith.constant 14 : i32
        %parallel_loop3A_1163 = arith.index_cast %parallel_loop3A_1162 : i32 to index
        %parallel_loop3A_1164 = arith.index_cast %parallel_loop3A_1019 : i32 to index
        %parallel_loop3A_1165 = tpu.vector_load %arg7[%parallel_loop3A_1163, %parallel_loop3A_1164] {strides = array<i32>} : memref<32x1024xf32, #tpu.memory_space<vmem>>, vector<1x16xf32>,
        %parallel_loop3A_1166 = vector.shape_cast %parallel_loop3A_1165 : vector<1x16xf32> to vector<16xf32>
        %parallel_loop3A_1167 = arith.addf %parallel_loop3A_1127, %parallel_loop3A_1166 : vector<16xf32>
        %parallel_loop3A_1168 = tpu.bitcast %parallel_loop3A_1166 : vector<16xf32> -> vector<16xi32>
        %parallel_loop3A_1169 = arith.andi %parallel_loop3A_1168, %broadcast_in_dim3A_711 : vector<16xi32>
        %parallel_loop3A_1170 = tpu.bitcast %parallel_loop3A_1169 : vector<16xi32> -> vector<16xf32>
        %parallel_loop3A_1171 = arith.addf %parallel_loop3A_1151, %parallel_loop3A_1170 : vector<16xf32>
        %parallel_loop3A_1172 = arith.constant 15 : i32
        %parallel_loop3A_1173 = arith.index_cast %parallel_loop3A_1172 : i32 to index
        %parallel_loop3A_1174 = arith.index_cast %parallel_loop3A_1019 : i32 to index
        %parallel_loop3A_1175 = tpu.vector_load %arg7[%parallel_loop3A_1173, %parallel_loop3A_1174] {strides = array<i32>} : memref<32x1024xf32, #tpu.memory_space<vmem>>, vector<1x16xf32>,
        %parallel_loop3A_1176 = vector.shape_cast %parallel_loop3A_1175 : vector<1x16xf32> to vector<16xf32>
        %parallel_loop3A_1177 = arith.addf %parallel_loop3A_1137, %parallel_loop3A_1176 : vector<16xf32>
        %parallel_loop3A_1178 = tpu.bitcast %parallel_loop3A_1176 : vector<16xf32> -> vector<16xi32>
        %parallel_loop3A_1179 = arith.andi %parallel_loop3A_1178, %broadcast_in_dim3A_716 : vector<16xi32>
        %parallel_loop3A_1180 = tpu.bitcast %parallel_loop3A_1179 : vector<16xi32> -> vector<16xf32>
        %parallel_loop3A_1181 = arith.addf %parallel_loop3A_1161, %parallel_loop3A_1180 : vector<16xf32>
        %parallel_loop3A_1182 = arith.constant 16 : i32
        %parallel_loop3A_1183 = arith.index_cast %parallel_loop3A_1182 : i32 to index
        %parallel_loop3A_1184 = arith.index_cast %parallel_loop3A_1019 : i32 to index
        %parallel_loop3A_1185 = tpu.vector_load %arg7[%parallel_loop3A_1183, %parallel_loop3A_1184] {strides = array<i32>} : memref<32x1024xf32, #tpu.memory_space<vmem>>, vector<1x16xf32>,
        %parallel_loop3A_1186 = vector.shape_cast %parallel_loop3A_1185 : vector<1x16xf32> to vector<16xf32>
        %parallel_loop3A_1187 = arith.addf %parallel_loop3A_1147, %parallel_loop3A_1186 : vector<16xf32>
        %parallel_loop3A_1188 = tpu.bitcast %parallel_loop3A_1186 : vector<16xf32> -> vector<16xi32>
        %parallel_loop3A_1189 = arith.andi %parallel_loop3A_1188, %broadcast_in_dim3A_721 : vector<16xi32>
        %parallel_loop3A_1190 = tpu.bitcast %parallel_loop3A_1189 : vector<16xi32> -> vector<16xf32>
        %parallel_loop3A_1191 = arith.addf %parallel_loop3A_1171, %parallel_loop3A_1190 : vector<16xf32>
        %parallel_loop3A_1192 = arith.constant 17 : i32
        %parallel_loop3A_1193 = arith.index_cast %parallel_loop3A_1192 : i32 to index
        %parallel_loop3A_1194 = arith.index_cast %parallel_loop3A_1019 : i32 to index
        %parallel_loop3A_1195 = tpu.vector_load %arg7[%parallel_loop3A_1193, %parallel_loop3A_1194] {strides = array<i32>} : memref<32x1024xf32, #tpu.memory_space<vmem>>, vector<1x16xf32>,
        %parallel_loop3A_1196 = vector.shape_cast %parallel_loop3A_1195 : vector<1x16xf32> to vector<16xf32>
        %parallel_loop3A_1197 = arith.addf %parallel_loop3A_1157, %parallel_loop3A_1196 : vector<16xf32>
        %parallel_loop3A_1198 = tpu.bitcast %parallel_loop3A_1196 : vector<16xf32> -> vector<16xi32>
        %parallel_loop3A_1199 = arith.andi %parallel_loop3A_1198, %broadcast_in_dim3A_726 : vector<16xi32>
        %parallel_loop3A_1200 = tpu.bitcast %parallel_loop3A_1199 : vector<16xi32> -> vector<16xf32>
        %parallel_loop3A_1201 = arith.addf %parallel_loop3A_1181, %parallel_loop3A_1200 : vector<16xf32>
        %parallel_loop3A_1202 = arith.constant 18 : i32
        %parallel_loop3A_1203 = arith.index_cast %parallel_loop3A_1202 : i32 to index
        %parallel_loop3A_1204 = arith.index_cast %parallel_loop3A_1019 : i32 to index
        %parallel_loop3A_1205 = tpu.vector_load %arg7[%parallel_loop3A_1203, %parallel_loop3A_1204] {strides = array<i32>} : memref<32x1024xf32, #tpu.memory_space<vmem>>, vector<1x16xf32>,
        %parallel_loop3A_1206 = vector.shape_cast %parallel_loop3A_1205 : vector<1x16xf32> to vector<16xf32>
        %parallel_loop3A_1207 = arith.addf %parallel_loop3A_1167, %parallel_loop3A_1206 : vector<16xf32>
        %parallel_loop3A_1208 = tpu.bitcast %parallel_loop3A_1206 : vector<16xf32> -> vector<16xi32>
        %parallel_loop3A_1209 = arith.andi %parallel_loop3A_1208, %broadcast_in_dim3A_731 : vector<16xi32>
        %parallel_loop3A_1210 = tpu.bitcast %parallel_loop3A_1209 : vector<16xi32> -> vector<16xf32>
        %parallel_loop3A_1211 = arith.addf %parallel_loop3A_1191, %parallel_loop3A_1210 : vector<16xf32>
        %parallel_loop3A_1212 = arith.constant 19 : i32
        %parallel_loop3A_1213 = arith.index_cast %parallel_loop3A_1212 : i32 to index
        %parallel_loop3A_1214 = arith.index_cast %parallel_loop3A_1019 : i32 to index
        %parallel_loop3A_1215 = tpu.vector_load %arg7[%parallel_loop3A_1213, %parallel_loop3A_1214] {strides = array<i32>} : memref<32x1024xf32, #tpu.memory_space<vmem>>, vector<1x16xf32>,
        %parallel_loop3A_1216 = vector.shape_cast %parallel_loop3A_1215 : vector<1x16xf32> to vector<16xf32>
        %parallel_loop3A_1217 = arith.addf %parallel_loop3A_1177, %parallel_loop3A_1216 : vector<16xf32>
        %parallel_loop3A_1218 = tpu.bitcast %parallel_loop3A_1216 : vector<16xf32> -> vector<16xi32>
        %parallel_loop3A_1219 = arith.andi %parallel_loop3A_1218, %broadcast_in_dim3A_736 : vector<16xi32>
        %parallel_loop3A_1220 = tpu.bitcast %parallel_loop3A_1219 : vector<16xi32> -> vector<16xf32>
        %parallel_loop3A_1221 = arith.addf %parallel_loop3A_1201, %parallel_loop3A_1220 : vector<16xf32>
        %parallel_loop3A_1222 = arith.constant 20 : i32
        %parallel_loop3A_1223 = arith.index_cast %parallel_loop3A_1222 : i32 to index
        %parallel_loop3A_1224 = arith.index_cast %parallel_loop3A_1019 : i32 to index
        %parallel_loop3A_1225 = tpu.vector_load %arg7[%parallel_loop3A_1223, %parallel_loop3A_1224] {strides = array<i32>} : memref<32x1024xf32, #tpu.memory_space<vmem>>, vector<1x16xf32>,
        %parallel_loop3A_1226 = vector.shape_cast %parallel_loop3A_1225 : vector<1x16xf32> to vector<16xf32>
        %parallel_loop3A_1227 = arith.addf %parallel_loop3A_1187, %parallel_loop3A_1226 : vector<16xf32>
        %parallel_loop3A_1228 = tpu.bitcast %parallel_loop3A_1226 : vector<16xf32> -> vector<16xi32>
        %parallel_loop3A_1229 = arith.andi %parallel_loop3A_1228, %broadcast_in_dim3A_741 : vector<16xi32>
        %parallel_loop3A_1230 = tpu.bitcast %parallel_loop3A_1229 : vector<16xi32> -> vector<16xf32>
        %parallel_loop3A_1231 = arith.addf %parallel_loop3A_1211, %parallel_loop3A_1230 : vector<16xf32>
        %parallel_loop3A_1232 = arith.constant 21 : i32
        %parallel_loop3A_1233 = arith.index_cast %parallel_loop3A_1232 : i32 to index
        %parallel_loop3A_1234 = arith.index_cast %parallel_loop3A_1019 : i32 to index
        %parallel_loop3A_1235 = tpu.vector_load %arg7[%parallel_loop3A_1233, %parallel_loop3A_1234] {strides = array<i32>} : memref<32x1024xf32, #tpu.memory_space<vmem>>, vector<1x16xf32>,
        %parallel_loop3A_1236 = vector.shape_cast %parallel_loop3A_1235 : vector<1x16xf32> to vector<16xf32>
        %parallel_loop3A_1237 = arith.addf %parallel_loop3A_1197, %parallel_loop3A_1236 : vector<16xf32>
        %parallel_loop3A_1238 = tpu.bitcast %parallel_loop3A_1236 : vector<16xf32> -> vector<16xi32>
        %parallel_loop3A_1239 = arith.andi %parallel_loop3A_1238, %broadcast_in_dim3A_746 : vector<16xi32>
        %parallel_loop3A_1240 = tpu.bitcast %parallel_loop3A_1239 : vector<16xi32> -> vector<16xf32>
        %parallel_loop3A_1241 = arith.addf %parallel_loop3A_1221, %parallel_loop3A_1240 : vector<16xf32>
        %parallel_loop3A_1242 = arith.constant 22 : i32
        %parallel_loop3A_1243 = arith.index_cast %parallel_loop3A_1242 : i32 to index
        %parallel_loop3A_1244 = arith.index_cast %parallel_loop3A_1019 : i32 to index
        %parallel_loop3A_1245 = tpu.vector_load %arg7[%parallel_loop3A_1243, %parallel_loop3A_1244] {strides = array<i32>} : memref<32x1024xf32, #tpu.memory_space<vmem>>, vector<1x16xf32>,
        %parallel_loop3A_1246 = vector.shape_cast %parallel_loop3A_1245 : vector<1x16xf32> to vector<16xf32>
        %parallel_loop3A_1247 = arith.addf %parallel_loop3A_1207, %parallel_loop3A_1246 : vector<16xf32>
        %parallel_loop3A_1248 = tpu.bitcast %parallel_loop3A_1246 : vector<16xf32> -> vector<16xi32>
        %parallel_loop3A_1249 = arith.andi %parallel_loop3A_1248, %broadcast_in_dim3A_751 : vector<16xi32>
        %parallel_loop3A_1250 = tpu.bitcast %parallel_loop3A_1249 : vector<16xi32> -> vector<16xf32>
        %parallel_loop3A_1251 = arith.addf %parallel_loop3A_1231, %parallel_loop3A_1250 : vector<16xf32>
        %parallel_loop3A_1252 = arith.constant 23 : i32
        %parallel_loop3A_1253 = arith.index_cast %parallel_loop3A_1252 : i32 to index
        %parallel_loop3A_1254 = arith.index_cast %parallel_loop3A_1019 : i32 to index
        %parallel_loop3A_1255 = tpu.vector_load %arg7[%parallel_loop3A_1253, %parallel_loop3A_1254] {strides = array<i32>} : memref<32x1024xf32, #tpu.memory_space<vmem>>, vector<1x16xf32>,
        %parallel_loop3A_1256 = vector.shape_cast %parallel_loop3A_1255 : vector<1x16xf32> to vector<16xf32>
        %parallel_loop3A_1257 = arith.addf %parallel_loop3A_1217, %parallel_loop3A_1256 : vector<16xf32>
        %parallel_loop3A_1258 = tpu.bitcast %parallel_loop3A_1256 : vector<16xf32> -> vector<16xi32>
        %parallel_loop3A_1259 = arith.andi %parallel_loop3A_1258, %broadcast_in_dim3A_756 : vector<16xi32>
        %parallel_loop3A_1260 = tpu.bitcast %parallel_loop3A_1259 : vector<16xi32> -> vector<16xf32>
        %parallel_loop3A_1261 = arith.addf %parallel_loop3A_1241, %parallel_loop3A_1260 : vector<16xf32>
        %parallel_loop3A_1262 = arith.constant 24 : i32
        %parallel_loop3A_1263 = arith.index_cast %parallel_loop3A_1262 : i32 to index
        %parallel_loop3A_1264 = arith.index_cast %parallel_loop3A_1019 : i32 to index
        %parallel_loop3A_1265 = tpu.vector_load %arg7[%parallel_loop3A_1263, %parallel_loop3A_1264] {strides = array<i32>} : memref<32x1024xf32, #tpu.memory_space<vmem>>, vector<1x16xf32>,
        %parallel_loop3A_1266 = vector.shape_cast %parallel_loop3A_1265 : vector<1x16xf32> to vector<16xf32>
        %parallel_loop3A_1267 = arith.addf %parallel_loop3A_1227, %parallel_loop3A_1266 : vector<16xf32>
        %parallel_loop3A_1268 = tpu.bitcast %parallel_loop3A_1266 : vector<16xf32> -> vector<16xi32>
        %parallel_loop3A_1269 = arith.andi %parallel_loop3A_1268, %broadcast_in_dim3A_761 : vector<16xi32>
        %parallel_loop3A_1270 = tpu.bitcast %parallel_loop3A_1269 : vector<16xi32> -> vector<16xf32>
        %parallel_loop3A_1271 = arith.addf %parallel_loop3A_1251, %parallel_loop3A_1270 : vector<16xf32>
        %parallel_loop3A_1272 = arith.constant 25 : i32
        %parallel_loop3A_1273 = arith.index_cast %parallel_loop3A_1272 : i32 to index
        %parallel_loop3A_1274 = arith.index_cast %parallel_loop3A_1019 : i32 to index
        %parallel_loop3A_1275 = tpu.vector_load %arg7[%parallel_loop3A_1273, %parallel_loop3A_1274] {strides = array<i32>} : memref<32x1024xf32, #tpu.memory_space<vmem>>, vector<1x16xf32>,
        %parallel_loop3A_1276 = vector.shape_cast %parallel_loop3A_1275 : vector<1x16xf32> to vector<16xf32>
        %parallel_loop3A_1277 = arith.addf %parallel_loop3A_1237, %parallel_loop3A_1276 : vector<16xf32>
        %parallel_loop3A_1278 = tpu.bitcast %parallel_loop3A_1276 : vector<16xf32> -> vector<16xi32>
        %parallel_loop3A_1279 = arith.andi %parallel_loop3A_1278, %broadcast_in_dim3A_766 : vector<16xi32>
        %parallel_loop3A_1280 = tpu.bitcast %parallel_loop3A_1279 : vector<16xi32> -> vector<16xf32>
        %parallel_loop3A_1281 = arith.addf %parallel_loop3A_1261, %parallel_loop3A_1280 : vector<16xf32>
        %parallel_loop3A_1282 = arith.constant 26 : i32
        %parallel_loop3A_1283 = arith.index_cast %parallel_loop3A_1282 : i32 to index
        %parallel_loop3A_1284 = arith.index_cast %parallel_loop3A_1019 : i32 to index
        %parallel_loop3A_1285 = tpu.vector_load %arg7[%parallel_loop3A_1283, %parallel_loop3A_1284] {strides = array<i32>} : memref<32x1024xf32, #tpu.memory_space<vmem>>, vector<1x16xf32>,
        %parallel_loop3A_1286 = vector.shape_cast %parallel_loop3A_1285 : vector<1x16xf32> to vector<16xf32>
        %parallel_loop3A_1287 = arith.addf %parallel_loop3A_1247, %parallel_loop3A_1286 : vector<16xf32>
        %parallel_loop3A_1288 = tpu.bitcast %parallel_loop3A_1286 : vector<16xf32> -> vector<16xi32>
        %parallel_loop3A_1289 = arith.andi %parallel_loop3A_1288, %broadcast_in_dim3A_771 : vector<16xi32>
        %parallel_loop3A_1290 = tpu.bitcast %parallel_loop3A_1289 : vector<16xi32> -> vector<16xf32>
        %parallel_loop3A_1291 = arith.addf %parallel_loop3A_1271, %parallel_loop3A_1290 : vector<16xf32>
        %parallel_loop3A_1292 = arith.constant 27 : i32
        %parallel_loop3A_1293 = arith.index_cast %parallel_loop3A_1292 : i32 to index
        %parallel_loop3A_1294 = arith.index_cast %parallel_loop3A_1019 : i32 to index
        %parallel_loop3A_1295 = tpu.vector_load %arg7[%parallel_loop3A_1293, %parallel_loop3A_1294] {strides = array<i32>} : memref<32x1024xf32, #tpu.memory_space<vmem>>, vector<1x16xf32>,
        %parallel_loop3A_1296 = vector.shape_cast %parallel_loop3A_1295 : vector<1x16xf32> to vector<16xf32>
        %parallel_loop3A_1297 = arith.addf %parallel_loop3A_1257, %parallel_loop3A_1296 : vector<16xf32>
        %parallel_loop3A_1298 = tpu.bitcast %parallel_loop3A_1296 : vector<16xf32> -> vector<16xi32>
        %parallel_loop3A_1299 = arith.andi %parallel_loop3A_1298, %broadcast_in_dim3A_776 : vector<16xi32>
        %parallel_loop3A_1300 = tpu.bitcast %parallel_loop3A_1299 : vector<16xi32> -> vector<16xf32>
        %parallel_loop3A_1301 = arith.addf %parallel_loop3A_1281, %parallel_loop3A_1300 : vector<16xf32>
        %parallel_loop3A_1302 = arith.constant 28 : i32
        %parallel_loop3A_1303 = arith.index_cast %parallel_loop3A_1302 : i32 to index
        %parallel_loop3A_1304 = arith.index_cast %parallel_loop3A_1019 : i32 to index
        %parallel_loop3A_1305 = tpu.vector_load %arg7[%parallel_loop3A_1303, %parallel_loop3A_1304] {strides = array<i32>} : memref<32x1024xf32, #tpu.memory_space<vmem>>, vector<1x16xf32>,
        %parallel_loop3A_1306 = vector.shape_cast %parallel_loop3A_1305 : vector<1x16xf32> to vector<16xf32>
        %parallel_loop3A_1307 = arith.addf %parallel_loop3A_1267, %parallel_loop3A_1306 : vector<16xf32>
        %parallel_loop3A_1308 = tpu.bitcast %parallel_loop3A_1306 : vector<16xf32> -> vector<16xi32>
        %parallel_loop3A_1309 = arith.andi %parallel_loop3A_1308, %broadcast_in_dim3A_781 : vector<16xi32>
        %parallel_loop3A_1310 = tpu.bitcast %parallel_loop3A_1309 : vector<16xi32> -> vector<16xf32>
        %parallel_loop3A_1311 = arith.addf %parallel_loop3A_1291, %parallel_loop3A_1310 : vector<16xf32>
        %parallel_loop3A_1312 = arith.constant 29 : i32
        %parallel_loop3A_1313 = arith.index_cast %parallel_loop3A_1312 : i32 to index
        %parallel_loop3A_1314 = arith.index_cast %parallel_loop3A_1019 : i32 to index
        %parallel_loop3A_1315 = tpu.vector_load %arg7[%parallel_loop3A_1313, %parallel_loop3A_1314] {strides = array<i32>} : memref<32x1024xf32, #tpu.memory_space<vmem>>, vector<1x16xf32>,
        %parallel_loop3A_1316 = vector.shape_cast %parallel_loop3A_1315 : vector<1x16xf32> to vector<16xf32>
        %parallel_loop3A_1317 = arith.addf %parallel_loop3A_1277, %parallel_loop3A_1316 : vector<16xf32>
        %parallel_loop3A_1318 = tpu.bitcast %parallel_loop3A_1316 : vector<16xf32> -> vector<16xi32>
        %parallel_loop3A_1319 = arith.andi %parallel_loop3A_1318, %broadcast_in_dim3A_786 : vector<16xi32>
        %parallel_loop3A_1320 = tpu.bitcast %parallel_loop3A_1319 : vector<16xi32> -> vector<16xf32>
        %parallel_loop3A_1321 = arith.addf %parallel_loop3A_1301, %parallel_loop3A_1320 : vector<16xf32>
        %parallel_loop3A_1322 = arith.constant 30 : i32
        %parallel_loop3A_1323 = arith.index_cast %parallel_loop3A_1322 : i32 to index
        %parallel_loop3A_1324 = arith.index_cast %parallel_loop3A_1019 : i32 to index
        %parallel_loop3A_1325 = tpu.vector_load %arg7[%parallel_loop3A_1323, %parallel_loop3A_1324] {strides = array<i32>} : memref<32x1024xf32, #tpu.memory_space<vmem>>, vector<1x16xf32>,
        %parallel_loop3A_1326 = vector.shape_cast %parallel_loop3A_1325 : vector<1x16xf32> to vector<16xf32>
        %parallel_loop3A_1327 = arith.addf %parallel_loop3A_1287, %parallel_loop3A_1326 : vector<16xf32>
        %parallel_loop3A_1328 = tpu.bitcast %parallel_loop3A_1326 : vector<16xf32> -> vector<16xi32>
        %parallel_loop3A_1329 = arith.andi %parallel_loop3A_1328, %broadcast_in_dim3A_791 : vector<16xi32>
        %parallel_loop3A_1330 = tpu.bitcast %parallel_loop3A_1329 : vector<16xi32> -> vector<16xf32>
        %parallel_loop3A_1331 = arith.addf %parallel_loop3A_1311, %parallel_loop3A_1330 : vector<16xf32>
        %parallel_loop3A_1332 = arith.constant 31 : i32
        %parallel_loop3A_1333 = arith.index_cast %parallel_loop3A_1332 : i32 to index
        %parallel_loop3A_1334 = arith.index_cast %parallel_loop3A_1019 : i32 to index
        %parallel_loop3A_1335 = tpu.vector_load %arg7[%parallel_loop3A_1333, %parallel_loop3A_1334] {strides = array<i32>} : memref<32x1024xf32, #tpu.memory_space<vmem>>, vector<1x16xf32>,
        %parallel_loop3A_1336 = vector.shape_cast %parallel_loop3A_1335 : vector<1x16xf32> to vector<16xf32>
        %parallel_loop3A_1337 = arith.addf %parallel_loop3A_1297, %parallel_loop3A_1336 : vector<16xf32>
        %parallel_loop3A_1338 = tpu.bitcast %parallel_loop3A_1336 : vector<16xf32> -> vector<16xi32>
        %parallel_loop3A_1339 = arith.andi %parallel_loop3A_1338, %broadcast_in_dim3A_796 : vector<16xi32>
        %parallel_loop3A_1340 = tpu.bitcast %parallel_loop3A_1339 : vector<16xi32> -> vector<16xf32>
        %parallel_loop3A_1341 = arith.addf %parallel_loop3A_1321, %parallel_loop3A_1340 : vector<16xf32>
        %parallel_loop3A_1342 = arith.addf %parallel_loop3A_1307, %parallel_loop3A_1317 : vector<16xf32>
        %parallel_loop3A_1343 = arith.addf %parallel_loop3A_1327, %parallel_loop3A_1337 : vector<16xf32>
        %parallel_loop3A_1344 = arith.addf %parallel_loop3A_1342, %parallel_loop3A_1343 : vector<16xf32>
        %parallel_loop3A_1345 = arith.addf %parallel_loop3A_1331, %parallel_loop3A_1341 : vector<16xf32>
        %parallel_loop3A_1346 = arith.index_cast %parallel_loop3A_1019 : i32 to index
        %parallel_loop3A_1347 = tpu.vector_load %arg9[%parallel_loop3A_1346] {strides = array<i32>} : memref<1024xf32, #tpu.memory_space<vmem>>, vector<16xf32>,
        %parallel_loop3A_1348 = vector.shape_cast %parallel_loop3A_1347 : vector<16xf32> to vector<16xf32>
        %parallel_loop3A_1349 = arith.addf %parallel_loop3A_1348, %parallel_loop3A_1345 : vector<16xf32>
        %parallel_loop3A_1350 = arith.constant 0.000000e+00 : f32
        %parallel_loop3A_1351 = vector.broadcast %parallel_loop3A_1350 : f32 to vector<16xf32>
        %parallel_loop3A_1352 = arith.cmpf ogt, %parallel_loop3A_1349, %parallel_loop3A_1351 : vector<16xf32>
        %parallel_loop3A_1353 = arith.constant 1.000000e+00 : f32
        %parallel_loop3A_1354 = arith.constant -1.000000e+00 : f32
        %parallel_loop3A_1355 = vector.broadcast %parallel_loop3A_1353 : f32 to vector<16xf32>
        %parallel_loop3A_1356 = vector.broadcast %parallel_loop3A_1354 : f32 to vector<16xf32>
        %parallel_loop3A_1357 = arith.select %parallel_loop3A_1352, %parallel_loop3A_1355, %parallel_loop3A_1356 : vector<16xi1>, vector<16xf32>
        %parallel_loop3A_1358 = arith.index_cast %and3A_636 : i32 to index
        %parallel_loop3A_1359 = arith.index_cast %parallel_loop3A_1019 : i32 to index
        %parallel_loop3A_1360 = tpu.vector_load %arg10[%parallel_loop3A_1358, %parallel_loop3A_1359] {strides = array<i32>} : memref<16x1024xf32, #tpu.memory_space<vmem>>, vector<1x16xf32>,
        %parallel_loop3A_1361 = vector.shape_cast %parallel_loop3A_1360 : vector<1x16xf32> to vector<16xf32>
        %parallel_loop3A_1362 = vector.shape_cast %parallel_loop3A_1357 : vector<16xf32> to vector<1x16xf32>
        tpu.vector_store %arg10[%parallel_loop3A_1358, %parallel_loop3A_1359], %parallel_loop3A_1362 {strides = array<i32>} : memref<16x1024xf32, #tpu.memory_space<vmem>>, vector<1x16xf32>,
        %parallel_loop3A_1363 = tpu.bitcast %parallel_loop3A_1348 : vector<16xf32> -> vector<16xi32>
        %parallel_loop3A_1364 = arith.constant 0.000000e+00 : f32
        %parallel_loop3A_1365 = vector.broadcast %parallel_loop3A_1364 : f32 to vector<16xf32>
        %parallel_loop3A_1366 = arith.subf %parallel_loop3A_1365, %parallel_loop3A_1345 : vector<16xf32>
        %parallel_loop3A_1367 = tpu.bitcast %parallel_loop3A_1366 : vector<16xf32> -> vector<16xi32>
        %parallel_loop3A_1368 = arith.xori %parallel_loop3A_1363, %parallel_loop3A_1367 : vector<16xi32>
        %parallel_loop3A_1369 = arith.andi %parallel_loop3A_1368, %broadcast_in_dim3A_799 : vector<16xi32>
        %parallel_loop3A_1370 = arith.xori %parallel_loop3A_1363, %parallel_loop3A_1369 : vector<16xi32>
        %parallel_loop3A_1371 = tpu.bitcast %parallel_loop3A_1370 : vector<16xi32> -> vector<16xf32>
        %parallel_loop3A_1372 = arith.addf %parallel_loop3A_1344, %parallel_loop3A_1371 : vector<16xf32>
        %parallel_loop3A_1373 = arith.index_cast %parallel_loop3A_1019 : i32 to index
        %parallel_loop3A_1374 = tpu.vector_load %arg9[%parallel_loop3A_1373] {strides = array<i32>} : memref<1024xf32, #tpu.memory_space<vmem>>, vector<16xf32>,
        %parallel_loop3A_1375 = vector.shape_cast %parallel_loop3A_1374 : vector<16xf32> to vector<16xf32>
        %parallel_loop3A_1376 = vector.shape_cast %parallel_loop3A_1372 : vector<16xf32> to vector<16xf32>
        tpu.vector_store %arg9[%parallel_loop3A_1373], %parallel_loop3A_1376 {strides = array<i32>} : memref<1024xf32, #tpu.memory_space<vmem>>, vector<16xf32>,
      } {sc.loop_unroll_factor = 8 : i64, sc.parallel_access}
      %gt3A_803 = arith.constant 0 : i32
      %gt3A_804 = arith.cmpi sgt, %add3A_634, %gt3A_803 : i32
      %convert_element_type3A_805 = arith.extui %gt3A_804 : i1 to i32
      %cond3A_806 = arith.constant 0 : i32
      %cond3A_807 = arith.cmpi ne, %convert_element_type3A_805, %cond3A_806 : i32
      scf.if %cond3A_807 {
        %add3A_1017 = arith.addi %mul3A_2, %add3A_605 : i32
        %dma_start3A_1018 = arith.constant 0 : i32
        %dma_start3A_1019 = tpu.memref_slice %arg10[%and3A_636, %dma_start3A_1018] : memref<16x1024xf32, #tpu.memory_space<vmem>> -> memref<1x1024xf32, #tpu.memory_space<vmem>>
        %dma_start3A_1020 = tpu.memref_squeeze %dma_start3A_1019 : memref<1x1024xf32, #tpu.memory_space<vmem>> -> memref<1024xf32, #tpu.memory_space<vmem>>
        %dma_start3A_1021 = arith.constant 0 : i32
        %dma_start3A_1022 = tpu.memref_slice %arg4[%add3A_1017, %dma_start3A_1021] : memref<1024x1024xf32, #tpu.memory_space<hbm>> -> memref<1x1024xf32, #tpu.memory_space<hbm>>
        %dma_start3A_1023 = tpu.memref_squeeze %dma_start3A_1022 : memref<1x1024xf32, #tpu.memory_space<hbm>> -> memref<1024xf32, #tpu.memory_space<hbm>>
        %dma_start3A_1024 = arith.constant 0 : i32
        %dma_start3A_1025 = tpu.memref_slice %arg4[%add3A_1017, %dma_start3A_1024] : memref<1024x1024xf32, #tpu.memory_space<hbm>> -> memref<1x1024xf32, #tpu.memory_space<hbm>>
        %dma_start3A_1026 = tpu.memref_squeeze %dma_start3A_1025 : memref<1x1024xf32, #tpu.memory_space<hbm>> -> memref<1024xf32, #tpu.memory_space<hbm>>
        %dma_start3A_1027 = arith.constant 0 : i32
        %dma_start3A_1028 = tpu.memref_slice %arg10[%and3A_636, %dma_start3A_1027] : memref<16x1024xf32, #tpu.memory_space<vmem>> -> memref<1x1024xf32, #tpu.memory_space<vmem>>
        %dma_start3A_1029 = tpu.memref_squeeze %dma_start3A_1028 : memref<1x1024xf32, #tpu.memory_space<vmem>> -> memref<1024xf32, #tpu.memory_space<vmem>>
        tpu.enqueue_dma source(%dma_start3A_1029 : memref<1024xf32, #tpu.memory_space<vmem>>) target(%dma_start3A_1026 : memref<1024xf32, #tpu.memory_space<hbm>>) target_semaphore(%arg14 : memref<!tpu.dma_semaphore, #tpu.memory_space<semaphore_mem>>)
      } else {
      }
      %add3A_808 = arith.addi %add3A_605, %add3A_634 : i32
      %mul3A_809 = arith.constant 50 : i32
      %mul3A_810 = arith.muli %mul3A_809, %add3A_634 : i32
      %add3A_811 = arith.addi %sub3A_610, %mul3A_810 : i32
      %sub3A_812 = arith.constant 32 : i32
      %sub3A_813 = arith.subi %add3A_811, %sub3A_812 : i32
      %mul3A_814 = arith.constant 3 : i32
      %mul3A_815 = arith.muli %scan3A_405, %mul3A_814 : i32
      %add3A_816 = arith.constant 2 : i32
      %add3A_817 = arith.addi %mul3A_815, %add3A_816 : i32
      %add3A_818 = arith.constant 2 : i32
      %add3A_819 = arith.addi %add3A_817, %add3A_818 : i32
      %mul3A_820 = arith.constant 32 : i32
      %mul3A_821 = arith.muli %mul3A_820, %add3A_819 : i32
      %dma_start3A_822 = tpu.memref_slice %arg5[%mul3A_821] : memref<1600xi32, #tpu.memory_space<vmem>> -> memref<32xi32, #tpu.memory_space<vmem>>
      %dma_start3A_823 = arith.constant 0 : i32
      %dma_start3A_824 = arith.constant 0 : i32
      %dma_start3A_825 = tpu.memref_slice %arg3[%dma_start3A_823, %dma_start3A_824] : memref<100000x1024xf32, #tpu.memory_space<hbm>> -> memref<100000x1024xf32, #tpu.memory_space<hbm>>
      tpu.enqueue_indirect_dma source(%dma_start3A_825 : memref<100000x1024xf32, #tpu.memory_space<hbm>>) target(%arg7 : memref<32x1024xf32, #tpu.memory_space<vmem>>) offsets(%dma_start3A_822 : memref<32xi32, #tpu.memory_space<vmem>>) semaphore(%arg12 : memref<!tpu.dma_semaphore, #tpu.memory_space<semaphore_mem>>)
      %dma_wait3A_826 = arith.constant 0 : i32
      %dma_wait3A_827 = arith.constant 0 : i32
      %dma_wait3A_828 = tpu.memref_slice %arg3[%dma_wait3A_826, %dma_wait3A_827] : memref<100000x1024xf32, #tpu.memory_space<hbm>> -> memref<32x1024xf32, #tpu.memory_space<hbm>>
      %dma_wait3A_829 = arith.constant 0 : i32
      %dma_wait3A_830 = arith.constant 0 : i32
      %dma_wait3A_831 = tpu.memref_slice %arg3[%dma_wait3A_829, %dma_wait3A_830] : memref<100000x1024xf32, #tpu.memory_space<hbm>> -> memref<32x1024xf32, #tpu.memory_space<hbm>>
      tpu.wait_dma2 semaphore(%arg13 : memref<!tpu.dma_semaphore, #tpu.memory_space<semaphore_mem>>) src(%dma_wait3A_831 : memref<32x1024xf32, #tpu.memory_space<hbm>>) dst(%arg8 : memref<32x1024xf32, #tpu.memory_space<vmem>>)
      %sub3A_832 = arith.constant 32 : i32
      %sub3A_833 = arith.subi %sub3A_832, %sub3A_813 : i32
      %shift_right_arithmetic3A_834 = arith.constant 31 : i32
      %shift_right_arithmetic3A_835 = arith.shrsi %sub3A_833, %shift_right_arithmetic3A_834 : i32
      %add3A_836 = arith.constant 1 : i32
      %add3A_837 = arith.addi %add3A_836, %shift_right_arithmetic3A_835 : i32
      %and3A_838 = arith.constant 15 : i32
      %and3A_839 = arith.andi %add3A_808, %and3A_838 : i32
      %sub3A_840 = arith.constant 0 : i32
      %sub3A_841 = arith.subi %sub3A_840, %sub3A_813 : i32
      %shift_right_arithmetic3A_842 = arith.constant 31 : i32
      %shift_right_arithmetic3A_843 = arith.shrsi %sub3A_841, %shift_right_arithmetic3A_842 : i32
      %broadcast_in_dim3A_844 = vector.broadcast %shift_right_arithmetic3A_843 : i32 to vector<16xi32>
      %sub3A_845 = arith.constant 1 : i32
      %sub3A_846 = arith.subi %sub3A_845, %sub3A_813 : i32
      %shift_right_arithmetic3A_847 = arith.constant 31 : i32
      %shift_right_arithmetic3A_848 = arith.shrsi %sub3A_846, %shift_right_arithmetic3A_847 : i32
      %broadcast_in_dim3A_849 = vector.broadcast %shift_right_arithmetic3A_848 : i32 to vector<16xi32>
      %sub3A_850 = arith.constant 2 : i32
      %sub3A_851 = arith.subi %sub3A_850, %sub3A_813 : i32
      %shift_right_arithmetic3A_852 = arith.constant 31 : i32
      %shift_right_arithmetic3A_853 = arith.shrsi %sub3A_851, %shift_right_arithmetic3A_852 : i32
      %broadcast_in_dim3A_854 = vector.broadcast %shift_right_arithmetic3A_853 : i32 to vector<16xi32>
      %sub3A_855 = arith.constant 3 : i32
      %sub3A_856 = arith.subi %sub3A_855, %sub3A_813 : i32
      %shift_right_arithmetic3A_857 = arith.constant 31 : i32
      %shift_right_arithmetic3A_858 = arith.shrsi %sub3A_856, %shift_right_arithmetic3A_857 : i32
      %broadcast_in_dim3A_859 = vector.broadcast %shift_right_arithmetic3A_858 : i32 to vector<16xi32>
      %sub3A_860 = arith.constant 4 : i32
      %sub3A_861 = arith.subi %sub3A_860, %sub3A_813 : i32
      %shift_right_arithmetic3A_862 = arith.constant 31 : i32
      %shift_right_arithmetic3A_863 = arith.shrsi %sub3A_861, %shift_right_arithmetic3A_862 : i32
      %broadcast_in_dim3A_864 = vector.broadcast %shift_right_arithmetic3A_863 : i32 to vector<16xi32>
      %sub3A_865 = arith.constant 5 : i32
      %sub3A_866 = arith.subi %sub3A_865, %sub3A_813 : i32
      %shift_right_arithmetic3A_867 = arith.constant 31 : i32
      %shift_right_arithmetic3A_868 = arith.shrsi %sub3A_866, %shift_right_arithmetic3A_867 : i32
      %broadcast_in_dim3A_869 = vector.broadcast %shift_right_arithmetic3A_868 : i32 to vector<16xi32>
      %sub3A_870 = arith.constant 6 : i32
      %sub3A_871 = arith.subi %sub3A_870, %sub3A_813 : i32
      %shift_right_arithmetic3A_872 = arith.constant 31 : i32
      %shift_right_arithmetic3A_873 = arith.shrsi %sub3A_871, %shift_right_arithmetic3A_872 : i32
      %broadcast_in_dim3A_874 = vector.broadcast %shift_right_arithmetic3A_873 : i32 to vector<16xi32>
      %sub3A_875 = arith.constant 7 : i32
      %sub3A_876 = arith.subi %sub3A_875, %sub3A_813 : i32
      %shift_right_arithmetic3A_877 = arith.constant 31 : i32
      %shift_right_arithmetic3A_878 = arith.shrsi %sub3A_876, %shift_right_arithmetic3A_877 : i32
      %broadcast_in_dim3A_879 = vector.broadcast %shift_right_arithmetic3A_878 : i32 to vector<16xi32>
      %sub3A_880 = arith.constant 8 : i32
      %sub3A_881 = arith.subi %sub3A_880, %sub3A_813 : i32
      %shift_right_arithmetic3A_882 = arith.constant 31 : i32
      %shift_right_arithmetic3A_883 = arith.shrsi %sub3A_881, %shift_right_arithmetic3A_882 : i32
      %broadcast_in_dim3A_884 = vector.broadcast %shift_right_arithmetic3A_883 : i32 to vector<16xi32>
      %sub3A_885 = arith.constant 9 : i32
      %sub3A_886 = arith.subi %sub3A_885, %sub3A_813 : i32
      %shift_right_arithmetic3A_887 = arith.constant 31 : i32
      %shift_right_arithmetic3A_888 = arith.shrsi %sub3A_886, %shift_right_arithmetic3A_887 : i32
      %broadcast_in_dim3A_889 = vector.broadcast %shift_right_arithmetic3A_888 : i32 to vector<16xi32>
      %sub3A_890 = arith.constant 10 : i32
      %sub3A_891 = arith.subi %sub3A_890, %sub3A_813 : i32
      %shift_right_arithmetic3A_892 = arith.constant 31 : i32
      %shift_right_arithmetic3A_893 = arith.shrsi %sub3A_891, %shift_right_arithmetic3A_892 : i32
      %broadcast_in_dim3A_894 = vector.broadcast %shift_right_arithmetic3A_893 : i32 to vector<16xi32>
      %sub3A_895 = arith.constant 11 : i32
      %sub3A_896 = arith.subi %sub3A_895, %sub3A_813 : i32
      %shift_right_arithmetic3A_897 = arith.constant 31 : i32
      %shift_right_arithmetic3A_898 = arith.shrsi %sub3A_896, %shift_right_arithmetic3A_897 : i32
      %broadcast_in_dim3A_899 = vector.broadcast %shift_right_arithmetic3A_898 : i32 to vector<16xi32>
      %sub3A_900 = arith.constant 12 : i32
      %sub3A_901 = arith.subi %sub3A_900, %sub3A_813 : i32
      %shift_right_arithmetic3A_902 = arith.constant 31 : i32
      %shift_right_arithmetic3A_903 = arith.shrsi %sub3A_901, %shift_right_arithmetic3A_902 : i32
      %broadcast_in_dim3A_904 = vector.broadcast %shift_right_arithmetic3A_903 : i32 to vector<16xi32>
      %sub3A_905 = arith.constant 13 : i32
      %sub3A_906 = arith.subi %sub3A_905, %sub3A_813 : i32
      %shift_right_arithmetic3A_907 = arith.constant 31 : i32
      %shift_right_arithmetic3A_908 = arith.shrsi %sub3A_906, %shift_right_arithmetic3A_907 : i32
      %broadcast_in_dim3A_909 = vector.broadcast %shift_right_arithmetic3A_908 : i32 to vector<16xi32>
      %sub3A_910 = arith.constant 14 : i32
      %sub3A_911 = arith.subi %sub3A_910, %sub3A_813 : i32
      %shift_right_arithmetic3A_912 = arith.constant 31 : i32
      %shift_right_arithmetic3A_913 = arith.shrsi %sub3A_911, %shift_right_arithmetic3A_912 : i32
      %broadcast_in_dim3A_914 = vector.broadcast %shift_right_arithmetic3A_913 : i32 to vector<16xi32>
      %sub3A_915 = arith.constant 15 : i32
      %sub3A_916 = arith.subi %sub3A_915, %sub3A_813 : i32
      %shift_right_arithmetic3A_917 = arith.constant 31 : i32
      %shift_right_arithmetic3A_918 = arith.shrsi %sub3A_916, %shift_right_arithmetic3A_917 : i32
      %broadcast_in_dim3A_919 = vector.broadcast %shift_right_arithmetic3A_918 : i32 to vector<16xi32>
      %sub3A_920 = arith.constant 16 : i32
      %sub3A_921 = arith.subi %sub3A_920, %sub3A_813 : i32
      %shift_right_arithmetic3A_922 = arith.constant 31 : i32
      %shift_right_arithmetic3A_923 = arith.shrsi %sub3A_921, %shift_right_arithmetic3A_922 : i32
      %broadcast_in_dim3A_924 = vector.broadcast %shift_right_arithmetic3A_923 : i32 to vector<16xi32>
      %sub3A_925 = arith.constant 17 : i32
      %sub3A_926 = arith.subi %sub3A_925, %sub3A_813 : i32
      %shift_right_arithmetic3A_927 = arith.constant 31 : i32
      %shift_right_arithmetic3A_928 = arith.shrsi %sub3A_926, %shift_right_arithmetic3A_927 : i32
      %broadcast_in_dim3A_929 = vector.broadcast %shift_right_arithmetic3A_928 : i32 to vector<16xi32>
      %sub3A_930 = arith.constant 18 : i32
      %sub3A_931 = arith.subi %sub3A_930, %sub3A_813 : i32
      %shift_right_arithmetic3A_932 = arith.constant 31 : i32
      %shift_right_arithmetic3A_933 = arith.shrsi %sub3A_931, %shift_right_arithmetic3A_932 : i32
      %broadcast_in_dim3A_934 = vector.broadcast %shift_right_arithmetic3A_933 : i32 to vector<16xi32>
      %sub3A_935 = arith.constant 19 : i32
      %sub3A_936 = arith.subi %sub3A_935, %sub3A_813 : i32
      %shift_right_arithmetic3A_937 = arith.constant 31 : i32
      %shift_right_arithmetic3A_938 = arith.shrsi %sub3A_936, %shift_right_arithmetic3A_937 : i32
      %broadcast_in_dim3A_939 = vector.broadcast %shift_right_arithmetic3A_938 : i32 to vector<16xi32>
      %sub3A_940 = arith.constant 20 : i32
      %sub3A_941 = arith.subi %sub3A_940, %sub3A_813 : i32
      %shift_right_arithmetic3A_942 = arith.constant 31 : i32
      %shift_right_arithmetic3A_943 = arith.shrsi %sub3A_941, %shift_right_arithmetic3A_942 : i32
      %broadcast_in_dim3A_944 = vector.broadcast %shift_right_arithmetic3A_943 : i32 to vector<16xi32>
      %sub3A_945 = arith.constant 21 : i32
      %sub3A_946 = arith.subi %sub3A_945, %sub3A_813 : i32
      %shift_right_arithmetic3A_947 = arith.constant 31 : i32
      %shift_right_arithmetic3A_948 = arith.shrsi %sub3A_946, %shift_right_arithmetic3A_947 : i32
      %broadcast_in_dim3A_949 = vector.broadcast %shift_right_arithmetic3A_948 : i32 to vector<16xi32>
      %sub3A_950 = arith.constant 22 : i32
      %sub3A_951 = arith.subi %sub3A_950, %sub3A_813 : i32
      %shift_right_arithmetic3A_952 = arith.constant 31 : i32
      %shift_right_arithmetic3A_953 = arith.shrsi %sub3A_951, %shift_right_arithmetic3A_952 : i32
      %broadcast_in_dim3A_954 = vector.broadcast %shift_right_arithmetic3A_953 : i32 to vector<16xi32>
      %sub3A_955 = arith.constant 23 : i32
      %sub3A_956 = arith.subi %sub3A_955, %sub3A_813 : i32
      %shift_right_arithmetic3A_957 = arith.constant 31 : i32
      %shift_right_arithmetic3A_958 = arith.shrsi %sub3A_956, %shift_right_arithmetic3A_957 : i32
      %broadcast_in_dim3A_959 = vector.broadcast %shift_right_arithmetic3A_958 : i32 to vector<16xi32>
      %sub3A_960 = arith.constant 24 : i32
      %sub3A_961 = arith.subi %sub3A_960, %sub3A_813 : i32
      %shift_right_arithmetic3A_962 = arith.constant 31 : i32
      %shift_right_arithmetic3A_963 = arith.shrsi %sub3A_961, %shift_right_arithmetic3A_962 : i32
      %broadcast_in_dim3A_964 = vector.broadcast %shift_right_arithmetic3A_963 : i32 to vector<16xi32>
      %sub3A_965 = arith.constant 25 : i32
      %sub3A_966 = arith.subi %sub3A_965, %sub3A_813 : i32
      %shift_right_arithmetic3A_967 = arith.constant 31 : i32
      %shift_right_arithmetic3A_968 = arith.shrsi %sub3A_966, %shift_right_arithmetic3A_967 : i32
      %broadcast_in_dim3A_969 = vector.broadcast %shift_right_arithmetic3A_968 : i32 to vector<16xi32>
      %sub3A_970 = arith.constant 26 : i32
      %sub3A_971 = arith.subi %sub3A_970, %sub3A_813 : i32
      %shift_right_arithmetic3A_972 = arith.constant 31 : i32
      %shift_right_arithmetic3A_973 = arith.shrsi %sub3A_971, %shift_right_arithmetic3A_972 : i32
      %broadcast_in_dim3A_974 = vector.broadcast %shift_right_arithmetic3A_973 : i32 to vector<16xi32>
      %sub3A_975 = arith.constant 27 : i32
      %sub3A_976 = arith.subi %sub3A_975, %sub3A_813 : i32
      %shift_right_arithmetic3A_977 = arith.constant 31 : i32
      %shift_right_arithmetic3A_978 = arith.shrsi %sub3A_976, %shift_right_arithmetic3A_977 : i32
      %broadcast_in_dim3A_979 = vector.broadcast %shift_right_arithmetic3A_978 : i32 to vector<16xi32>
      %sub3A_980 = arith.constant 28 : i32
      %sub3A_981 = arith.subi %sub3A_980, %sub3A_813 : i32
      %shift_right_arithmetic3A_982 = arith.constant 31 : i32
      %shift_right_arithmetic3A_983 = arith.shrsi %sub3A_981, %shift_right_arithmetic3A_982 : i32
      %broadcast_in_dim3A_984 = vector.broadcast %shift_right_arithmetic3A_983 : i32 to vector<16xi32>
      %sub3A_985 = arith.constant 29 : i32
      %sub3A_986 = arith.subi %sub3A_985, %sub3A_813 : i32
      %shift_right_arithmetic3A_987 = arith.constant 31 : i32
      %shift_right_arithmetic3A_988 = arith.shrsi %sub3A_986, %shift_right_arithmetic3A_987 : i32
      %broadcast_in_dim3A_989 = vector.broadcast %shift_right_arithmetic3A_988 : i32 to vector<16xi32>
      %sub3A_990 = arith.constant 30 : i32
      %sub3A_991 = arith.subi %sub3A_990, %sub3A_813 : i32
      %shift_right_arithmetic3A_992 = arith.constant 31 : i32
      %shift_right_arithmetic3A_993 = arith.shrsi %sub3A_991, %shift_right_arithmetic3A_992 : i32
      %broadcast_in_dim3A_994 = vector.broadcast %shift_right_arithmetic3A_993 : i32 to vector<16xi32>
      %sub3A_995 = arith.constant 31 : i32
      %sub3A_996 = arith.subi %sub3A_995, %sub3A_813 : i32
      %shift_right_arithmetic3A_997 = arith.constant 31 : i32
      %shift_right_arithmetic3A_998 = arith.shrsi %sub3A_996, %shift_right_arithmetic3A_997 : i32
      %broadcast_in_dim3A_999 = vector.broadcast %shift_right_arithmetic3A_998 : i32 to vector<16xi32>
      %neg3A_1000 = arith.constant 0 : i32
      %neg3A_1001 = arith.subi %neg3A_1000, %add3A_837 : i32
      %broadcast_in_dim3A_1002 = vector.broadcast %neg3A_1001 : i32 to vector<16xi32>
      %parallel_loop3A_1003 = arith.constant 0 : i32
      %parallel_loop3A_1004 = arith.constant 64 : i32
      %parallel_loop3A_1005 = arith.constant 1 : i32
      scf.for %parallel_loop3A_1017 = %parallel_loop3A_1003 to %parallel_loop3A_1004 step %parallel_loop3A_1005  : i32 {
        %parallel_loop3A_1018 = arith.constant 16 : i32
        %parallel_loop3A_1019 = arith.muli %parallel_loop3A_1017, %parallel_loop3A_1018 : i32
        %parallel_loop3A_1020 = arith.constant 0.000000e+00 : f32
        %parallel_loop3A_1021 = vector.broadcast %parallel_loop3A_1020 : f32 to vector<16xf32>
        %parallel_loop3A_1022 = arith.constant 0 : i32
        %parallel_loop3A_1023 = arith.index_cast %parallel_loop3A_1022 : i32 to index
        %parallel_loop3A_1024 = arith.index_cast %parallel_loop3A_1019 : i32 to index
        %parallel_loop3A_1025 = tpu.vector_load %arg8[%parallel_loop3A_1023, %parallel_loop3A_1024] {strides = array<i32>} : memref<32x1024xf32, #tpu.memory_space<vmem>>, vector<1x16xf32>,
        %parallel_loop3A_1026 = vector.shape_cast %parallel_loop3A_1025 : vector<1x16xf32> to vector<16xf32>
        %parallel_loop3A_1027 = arith.addf %parallel_loop3A_1021, %parallel_loop3A_1026 : vector<16xf32>
        %parallel_loop3A_1028 = tpu.bitcast %parallel_loop3A_1026 : vector<16xf32> -> vector<16xi32>
        %parallel_loop3A_1029 = arith.andi %parallel_loop3A_1028, %broadcast_in_dim3A_844 : vector<16xi32>
        %parallel_loop3A_1030 = tpu.bitcast %parallel_loop3A_1029 : vector<16xi32> -> vector<16xf32>
        %parallel_loop3A_1031 = arith.addf %parallel_loop3A_1021, %parallel_loop3A_1030 : vector<16xf32>
        %parallel_loop3A_1032 = arith.constant 1 : i32
        %parallel_loop3A_1033 = arith.index_cast %parallel_loop3A_1032 : i32 to index
        %parallel_loop3A_1034 = arith.index_cast %parallel_loop3A_1019 : i32 to index
        %parallel_loop3A_1035 = tpu.vector_load %arg8[%parallel_loop3A_1033, %parallel_loop3A_1034] {strides = array<i32>} : memref<32x1024xf32, #tpu.memory_space<vmem>>, vector<1x16xf32>,
        %parallel_loop3A_1036 = vector.shape_cast %parallel_loop3A_1035 : vector<1x16xf32> to vector<16xf32>
        %parallel_loop3A_1037 = arith.addf %parallel_loop3A_1021, %parallel_loop3A_1036 : vector<16xf32>
        %parallel_loop3A_1038 = tpu.bitcast %parallel_loop3A_1036 : vector<16xf32> -> vector<16xi32>
        %parallel_loop3A_1039 = arith.andi %parallel_loop3A_1038, %broadcast_in_dim3A_849 : vector<16xi32>
        %parallel_loop3A_1040 = tpu.bitcast %parallel_loop3A_1039 : vector<16xi32> -> vector<16xf32>
        %parallel_loop3A_1041 = arith.addf %parallel_loop3A_1021, %parallel_loop3A_1040 : vector<16xf32>
        %parallel_loop3A_1042 = arith.constant 2 : i32
        %parallel_loop3A_1043 = arith.index_cast %parallel_loop3A_1042 : i32 to index
        %parallel_loop3A_1044 = arith.index_cast %parallel_loop3A_1019 : i32 to index
        %parallel_loop3A_1045 = tpu.vector_load %arg8[%parallel_loop3A_1043, %parallel_loop3A_1044] {strides = array<i32>} : memref<32x1024xf32, #tpu.memory_space<vmem>>, vector<1x16xf32>,
        %parallel_loop3A_1046 = vector.shape_cast %parallel_loop3A_1045 : vector<1x16xf32> to vector<16xf32>
        %parallel_loop3A_1047 = arith.addf %parallel_loop3A_1021, %parallel_loop3A_1046 : vector<16xf32>
        %parallel_loop3A_1048 = tpu.bitcast %parallel_loop3A_1046 : vector<16xf32> -> vector<16xi32>
        %parallel_loop3A_1049 = arith.andi %parallel_loop3A_1048, %broadcast_in_dim3A_854 : vector<16xi32>
        %parallel_loop3A_1050 = tpu.bitcast %parallel_loop3A_1049 : vector<16xi32> -> vector<16xf32>
        %parallel_loop3A_1051 = arith.addf %parallel_loop3A_1031, %parallel_loop3A_1050 : vector<16xf32>
        %parallel_loop3A_1052 = arith.constant 3 : i32
        %parallel_loop3A_1053 = arith.index_cast %parallel_loop3A_1052 : i32 to index
        %parallel_loop3A_1054 = arith.index_cast %parallel_loop3A_1019 : i32 to index
        %parallel_loop3A_1055 = tpu.vector_load %arg8[%parallel_loop3A_1053, %parallel_loop3A_1054] {strides = array<i32>} : memref<32x1024xf32, #tpu.memory_space<vmem>>, vector<1x16xf32>,
        %parallel_loop3A_1056 = vector.shape_cast %parallel_loop3A_1055 : vector<1x16xf32> to vector<16xf32>
        %parallel_loop3A_1057 = arith.addf %parallel_loop3A_1021, %parallel_loop3A_1056 : vector<16xf32>
        %parallel_loop3A_1058 = tpu.bitcast %parallel_loop3A_1056 : vector<16xf32> -> vector<16xi32>
        %parallel_loop3A_1059 = arith.andi %parallel_loop3A_1058, %broadcast_in_dim3A_859 : vector<16xi32>
        %parallel_loop3A_1060 = tpu.bitcast %parallel_loop3A_1059 : vector<16xi32> -> vector<16xf32>
        %parallel_loop3A_1061 = arith.addf %parallel_loop3A_1041, %parallel_loop3A_1060 : vector<16xf32>
        %parallel_loop3A_1062 = arith.constant 4 : i32
        %parallel_loop3A_1063 = arith.index_cast %parallel_loop3A_1062 : i32 to index
        %parallel_loop3A_1064 = arith.index_cast %parallel_loop3A_1019 : i32 to index
        %parallel_loop3A_1065 = tpu.vector_load %arg8[%parallel_loop3A_1063, %parallel_loop3A_1064] {strides = array<i32>} : memref<32x1024xf32, #tpu.memory_space<vmem>>, vector<1x16xf32>,
        %parallel_loop3A_1066 = vector.shape_cast %parallel_loop3A_1065 : vector<1x16xf32> to vector<16xf32>
        %parallel_loop3A_1067 = arith.addf %parallel_loop3A_1027, %parallel_loop3A_1066 : vector<16xf32>
        %parallel_loop3A_1068 = tpu.bitcast %parallel_loop3A_1066 : vector<16xf32> -> vector<16xi32>
        %parallel_loop3A_1069 = arith.andi %parallel_loop3A_1068, %broadcast_in_dim3A_864 : vector<16xi32>
        %parallel_loop3A_1070 = tpu.bitcast %parallel_loop3A_1069 : vector<16xi32> -> vector<16xf32>
        %parallel_loop3A_1071 = arith.addf %parallel_loop3A_1051, %parallel_loop3A_1070 : vector<16xf32>
        %parallel_loop3A_1072 = arith.constant 5 : i32
        %parallel_loop3A_1073 = arith.index_cast %parallel_loop3A_1072 : i32 to index
        %parallel_loop3A_1074 = arith.index_cast %parallel_loop3A_1019 : i32 to index
        %parallel_loop3A_1075 = tpu.vector_load %arg8[%parallel_loop3A_1073, %parallel_loop3A_1074] {strides = array<i32>} : memref<32x1024xf32, #tpu.memory_space<vmem>>, vector<1x16xf32>,
        %parallel_loop3A_1076 = vector.shape_cast %parallel_loop3A_1075 : vector<1x16xf32> to vector<16xf32>
        %parallel_loop3A_1077 = arith.addf %parallel_loop3A_1037, %parallel_loop3A_1076 : vector<16xf32>
        %parallel_loop3A_1078 = tpu.bitcast %parallel_loop3A_1076 : vector<16xf32> -> vector<16xi32>
        %parallel_loop3A_1079 = arith.andi %parallel_loop3A_1078, %broadcast_in_dim3A_869 : vector<16xi32>
        %parallel_loop3A_1080 = tpu.bitcast %parallel_loop3A_1079 : vector<16xi32> -> vector<16xf32>
        %parallel_loop3A_1081 = arith.addf %parallel_loop3A_1061, %parallel_loop3A_1080 : vector<16xf32>
        %parallel_loop3A_1082 = arith.constant 6 : i32
        %parallel_loop3A_1083 = arith.index_cast %parallel_loop3A_1082 : i32 to index
        %parallel_loop3A_1084 = arith.index_cast %parallel_loop3A_1019 : i32 to index
        %parallel_loop3A_1085 = tpu.vector_load %arg8[%parallel_loop3A_1083, %parallel_loop3A_1084] {strides = array<i32>} : memref<32x1024xf32, #tpu.memory_space<vmem>>, vector<1x16xf32>,
        %parallel_loop3A_1086 = vector.shape_cast %parallel_loop3A_1085 : vector<1x16xf32> to vector<16xf32>
        %parallel_loop3A_1087 = arith.addf %parallel_loop3A_1047, %parallel_loop3A_1086 : vector<16xf32>
        %parallel_loop3A_1088 = tpu.bitcast %parallel_loop3A_1086 : vector<16xf32> -> vector<16xi32>
        %parallel_loop3A_1089 = arith.andi %parallel_loop3A_1088, %broadcast_in_dim3A_874 : vector<16xi32>
        %parallel_loop3A_1090 = tpu.bitcast %parallel_loop3A_1089 : vector<16xi32> -> vector<16xf32>
        %parallel_loop3A_1091 = arith.addf %parallel_loop3A_1071, %parallel_loop3A_1090 : vector<16xf32>
        %parallel_loop3A_1092 = arith.constant 7 : i32
        %parallel_loop3A_1093 = arith.index_cast %parallel_loop3A_1092 : i32 to index
        %parallel_loop3A_1094 = arith.index_cast %parallel_loop3A_1019 : i32 to index
        %parallel_loop3A_1095 = tpu.vector_load %arg8[%parallel_loop3A_1093, %parallel_loop3A_1094] {strides = array<i32>} : memref<32x1024xf32, #tpu.memory_space<vmem>>, vector<1x16xf32>,
        %parallel_loop3A_1096 = vector.shape_cast %parallel_loop3A_1095 : vector<1x16xf32> to vector<16xf32>
        %parallel_loop3A_1097 = arith.addf %parallel_loop3A_1057, %parallel_loop3A_1096 : vector<16xf32>
        %parallel_loop3A_1098 = tpu.bitcast %parallel_loop3A_1096 : vector<16xf32> -> vector<16xi32>
        %parallel_loop3A_1099 = arith.andi %parallel_loop3A_1098, %broadcast_in_dim3A_879 : vector<16xi32>
        %parallel_loop3A_1100 = tpu.bitcast %parallel_loop3A_1099 : vector<16xi32> -> vector<16xf32>
        %parallel_loop3A_1101 = arith.addf %parallel_loop3A_1081, %parallel_loop3A_1100 : vector<16xf32>
        %parallel_loop3A_1102 = arith.constant 8 : i32
        %parallel_loop3A_1103 = arith.index_cast %parallel_loop3A_1102 : i32 to index
        %parallel_loop3A_1104 = arith.index_cast %parallel_loop3A_1019 : i32 to index
        %parallel_loop3A_1105 = tpu.vector_load %arg8[%parallel_loop3A_1103, %parallel_loop3A_1104] {strides = array<i32>} : memref<32x1024xf32, #tpu.memory_space<vmem>>, vector<1x16xf32>,
        %parallel_loop3A_1106 = vector.shape_cast %parallel_loop3A_1105 : vector<1x16xf32> to vector<16xf32>
        %parallel_loop3A_1107 = arith.addf %parallel_loop3A_1067, %parallel_loop3A_1106 : vector<16xf32>
        %parallel_loop3A_1108 = tpu.bitcast %parallel_loop3A_1106 : vector<16xf32> -> vector<16xi32>
        %parallel_loop3A_1109 = arith.andi %parallel_loop3A_1108, %broadcast_in_dim3A_884 : vector<16xi32>
        %parallel_loop3A_1110 = tpu.bitcast %parallel_loop3A_1109 : vector<16xi32> -> vector<16xf32>
        %parallel_loop3A_1111 = arith.addf %parallel_loop3A_1091, %parallel_loop3A_1110 : vector<16xf32>
        %parallel_loop3A_1112 = arith.constant 9 : i32
        %parallel_loop3A_1113 = arith.index_cast %parallel_loop3A_1112 : i32 to index
        %parallel_loop3A_1114 = arith.index_cast %parallel_loop3A_1019 : i32 to index
        %parallel_loop3A_1115 = tpu.vector_load %arg8[%parallel_loop3A_1113, %parallel_loop3A_1114] {strides = array<i32>} : memref<32x1024xf32, #tpu.memory_space<vmem>>, vector<1x16xf32>,
        %parallel_loop3A_1116 = vector.shape_cast %parallel_loop3A_1115 : vector<1x16xf32> to vector<16xf32>
        %parallel_loop3A_1117 = arith.addf %parallel_loop3A_1077, %parallel_loop3A_1116 : vector<16xf32>
        %parallel_loop3A_1118 = tpu.bitcast %parallel_loop3A_1116 : vector<16xf32> -> vector<16xi32>
        %parallel_loop3A_1119 = arith.andi %parallel_loop3A_1118, %broadcast_in_dim3A_889 : vector<16xi32>
        %parallel_loop3A_1120 = tpu.bitcast %parallel_loop3A_1119 : vector<16xi32> -> vector<16xf32>
        %parallel_loop3A_1121 = arith.addf %parallel_loop3A_1101, %parallel_loop3A_1120 : vector<16xf32>
        %parallel_loop3A_1122 = arith.constant 10 : i32
        %parallel_loop3A_1123 = arith.index_cast %parallel_loop3A_1122 : i32 to index
        %parallel_loop3A_1124 = arith.index_cast %parallel_loop3A_1019 : i32 to index
        %parallel_loop3A_1125 = tpu.vector_load %arg8[%parallel_loop3A_1123, %parallel_loop3A_1124] {strides = array<i32>} : memref<32x1024xf32, #tpu.memory_space<vmem>>, vector<1x16xf32>,
        %parallel_loop3A_1126 = vector.shape_cast %parallel_loop3A_1125 : vector<1x16xf32> to vector<16xf32>
        %parallel_loop3A_1127 = arith.addf %parallel_loop3A_1087, %parallel_loop3A_1126 : vector<16xf32>
        %parallel_loop3A_1128 = tpu.bitcast %parallel_loop3A_1126 : vector<16xf32> -> vector<16xi32>
        %parallel_loop3A_1129 = arith.andi %parallel_loop3A_1128, %broadcast_in_dim3A_894 : vector<16xi32>
        %parallel_loop3A_1130 = tpu.bitcast %parallel_loop3A_1129 : vector<16xi32> -> vector<16xf32>
        %parallel_loop3A_1131 = arith.addf %parallel_loop3A_1111, %parallel_loop3A_1130 : vector<16xf32>
        %parallel_loop3A_1132 = arith.constant 11 : i32
        %parallel_loop3A_1133 = arith.index_cast %parallel_loop3A_1132 : i32 to index
        %parallel_loop3A_1134 = arith.index_cast %parallel_loop3A_1019 : i32 to index
        %parallel_loop3A_1135 = tpu.vector_load %arg8[%parallel_loop3A_1133, %parallel_loop3A_1134] {strides = array<i32>} : memref<32x1024xf32, #tpu.memory_space<vmem>>, vector<1x16xf32>,
        %parallel_loop3A_1136 = vector.shape_cast %parallel_loop3A_1135 : vector<1x16xf32> to vector<16xf32>
        %parallel_loop3A_1137 = arith.addf %parallel_loop3A_1097, %parallel_loop3A_1136 : vector<16xf32>
        %parallel_loop3A_1138 = tpu.bitcast %parallel_loop3A_1136 : vector<16xf32> -> vector<16xi32>
        %parallel_loop3A_1139 = arith.andi %parallel_loop3A_1138, %broadcast_in_dim3A_899 : vector<16xi32>
        %parallel_loop3A_1140 = tpu.bitcast %parallel_loop3A_1139 : vector<16xi32> -> vector<16xf32>
        %parallel_loop3A_1141 = arith.addf %parallel_loop3A_1121, %parallel_loop3A_1140 : vector<16xf32>
        %parallel_loop3A_1142 = arith.constant 12 : i32
        %parallel_loop3A_1143 = arith.index_cast %parallel_loop3A_1142 : i32 to index
        %parallel_loop3A_1144 = arith.index_cast %parallel_loop3A_1019 : i32 to index
        %parallel_loop3A_1145 = tpu.vector_load %arg8[%parallel_loop3A_1143, %parallel_loop3A_1144] {strides = array<i32>} : memref<32x1024xf32, #tpu.memory_space<vmem>>, vector<1x16xf32>,
        %parallel_loop3A_1146 = vector.shape_cast %parallel_loop3A_1145 : vector<1x16xf32> to vector<16xf32>
        %parallel_loop3A_1147 = arith.addf %parallel_loop3A_1107, %parallel_loop3A_1146 : vector<16xf32>
        %parallel_loop3A_1148 = tpu.bitcast %parallel_loop3A_1146 : vector<16xf32> -> vector<16xi32>
        %parallel_loop3A_1149 = arith.andi %parallel_loop3A_1148, %broadcast_in_dim3A_904 : vector<16xi32>
        %parallel_loop3A_1150 = tpu.bitcast %parallel_loop3A_1149 : vector<16xi32> -> vector<16xf32>
        %parallel_loop3A_1151 = arith.addf %parallel_loop3A_1131, %parallel_loop3A_1150 : vector<16xf32>
        %parallel_loop3A_1152 = arith.constant 13 : i32
        %parallel_loop3A_1153 = arith.index_cast %parallel_loop3A_1152 : i32 to index
        %parallel_loop3A_1154 = arith.index_cast %parallel_loop3A_1019 : i32 to index
        %parallel_loop3A_1155 = tpu.vector_load %arg8[%parallel_loop3A_1153, %parallel_loop3A_1154] {strides = array<i32>} : memref<32x1024xf32, #tpu.memory_space<vmem>>, vector<1x16xf32>,
        %parallel_loop3A_1156 = vector.shape_cast %parallel_loop3A_1155 : vector<1x16xf32> to vector<16xf32>
        %parallel_loop3A_1157 = arith.addf %parallel_loop3A_1117, %parallel_loop3A_1156 : vector<16xf32>
        %parallel_loop3A_1158 = tpu.bitcast %parallel_loop3A_1156 : vector<16xf32> -> vector<16xi32>
        %parallel_loop3A_1159 = arith.andi %parallel_loop3A_1158, %broadcast_in_dim3A_909 : vector<16xi32>
        %parallel_loop3A_1160 = tpu.bitcast %parallel_loop3A_1159 : vector<16xi32> -> vector<16xf32>
        %parallel_loop3A_1161 = arith.addf %parallel_loop3A_1141, %parallel_loop3A_1160 : vector<16xf32>
        %parallel_loop3A_1162 = arith.constant 14 : i32
        %parallel_loop3A_1163 = arith.index_cast %parallel_loop3A_1162 : i32 to index
        %parallel_loop3A_1164 = arith.index_cast %parallel_loop3A_1019 : i32 to index
        %parallel_loop3A_1165 = tpu.vector_load %arg8[%parallel_loop3A_1163, %parallel_loop3A_1164] {strides = array<i32>} : memref<32x1024xf32, #tpu.memory_space<vmem>>, vector<1x16xf32>,
        %parallel_loop3A_1166 = vector.shape_cast %parallel_loop3A_1165 : vector<1x16xf32> to vector<16xf32>
        %parallel_loop3A_1167 = arith.addf %parallel_loop3A_1127, %parallel_loop3A_1166 : vector<16xf32>
        %parallel_loop3A_1168 = tpu.bitcast %parallel_loop3A_1166 : vector<16xf32> -> vector<16xi32>
        %parallel_loop3A_1169 = arith.andi %parallel_loop3A_1168, %broadcast_in_dim3A_914 : vector<16xi32>
        %parallel_loop3A_1170 = tpu.bitcast %parallel_loop3A_1169 : vector<16xi32> -> vector<16xf32>
        %parallel_loop3A_1171 = arith.addf %parallel_loop3A_1151, %parallel_loop3A_1170 : vector<16xf32>
        %parallel_loop3A_1172 = arith.constant 15 : i32
        %parallel_loop3A_1173 = arith.index_cast %parallel_loop3A_1172 : i32 to index
        %parallel_loop3A_1174 = arith.index_cast %parallel_loop3A_1019 : i32 to index
        %parallel_loop3A_1175 = tpu.vector_load %arg8[%parallel_loop3A_1173, %parallel_loop3A_1174] {strides = array<i32>} : memref<32x1024xf32, #tpu.memory_space<vmem>>, vector<1x16xf32>,
        %parallel_loop3A_1176 = vector.shape_cast %parallel_loop3A_1175 : vector<1x16xf32> to vector<16xf32>
        %parallel_loop3A_1177 = arith.addf %parallel_loop3A_1137, %parallel_loop3A_1176 : vector<16xf32>
        %parallel_loop3A_1178 = tpu.bitcast %parallel_loop3A_1176 : vector<16xf32> -> vector<16xi32>
        %parallel_loop3A_1179 = arith.andi %parallel_loop3A_1178, %broadcast_in_dim3A_919 : vector<16xi32>
        %parallel_loop3A_1180 = tpu.bitcast %parallel_loop3A_1179 : vector<16xi32> -> vector<16xf32>
        %parallel_loop3A_1181 = arith.addf %parallel_loop3A_1161, %parallel_loop3A_1180 : vector<16xf32>
        %parallel_loop3A_1182 = arith.constant 16 : i32
        %parallel_loop3A_1183 = arith.index_cast %parallel_loop3A_1182 : i32 to index
        %parallel_loop3A_1184 = arith.index_cast %parallel_loop3A_1019 : i32 to index
        %parallel_loop3A_1185 = tpu.vector_load %arg8[%parallel_loop3A_1183, %parallel_loop3A_1184] {strides = array<i32>} : memref<32x1024xf32, #tpu.memory_space<vmem>>, vector<1x16xf32>,
        %parallel_loop3A_1186 = vector.shape_cast %parallel_loop3A_1185 : vector<1x16xf32> to vector<16xf32>
        %parallel_loop3A_1187 = arith.addf %parallel_loop3A_1147, %parallel_loop3A_1186 : vector<16xf32>
        %parallel_loop3A_1188 = tpu.bitcast %parallel_loop3A_1186 : vector<16xf32> -> vector<16xi32>
        %parallel_loop3A_1189 = arith.andi %parallel_loop3A_1188, %broadcast_in_dim3A_924 : vector<16xi32>
        %parallel_loop3A_1190 = tpu.bitcast %parallel_loop3A_1189 : vector<16xi32> -> vector<16xf32>
        %parallel_loop3A_1191 = arith.addf %parallel_loop3A_1171, %parallel_loop3A_1190 : vector<16xf32>
        %parallel_loop3A_1192 = arith.constant 17 : i32
        %parallel_loop3A_1193 = arith.index_cast %parallel_loop3A_1192 : i32 to index
        %parallel_loop3A_1194 = arith.index_cast %parallel_loop3A_1019 : i32 to index
        %parallel_loop3A_1195 = tpu.vector_load %arg8[%parallel_loop3A_1193, %parallel_loop3A_1194] {strides = array<i32>} : memref<32x1024xf32, #tpu.memory_space<vmem>>, vector<1x16xf32>,
        %parallel_loop3A_1196 = vector.shape_cast %parallel_loop3A_1195 : vector<1x16xf32> to vector<16xf32>
        %parallel_loop3A_1197 = arith.addf %parallel_loop3A_1157, %parallel_loop3A_1196 : vector<16xf32>
        %parallel_loop3A_1198 = tpu.bitcast %parallel_loop3A_1196 : vector<16xf32> -> vector<16xi32>
        %parallel_loop3A_1199 = arith.andi %parallel_loop3A_1198, %broadcast_in_dim3A_929 : vector<16xi32>
        %parallel_loop3A_1200 = tpu.bitcast %parallel_loop3A_1199 : vector<16xi32> -> vector<16xf32>
        %parallel_loop3A_1201 = arith.addf %parallel_loop3A_1181, %parallel_loop3A_1200 : vector<16xf32>
        %parallel_loop3A_1202 = arith.constant 18 : i32
        %parallel_loop3A_1203 = arith.index_cast %parallel_loop3A_1202 : i32 to index
        %parallel_loop3A_1204 = arith.index_cast %parallel_loop3A_1019 : i32 to index
        %parallel_loop3A_1205 = tpu.vector_load %arg8[%parallel_loop3A_1203, %parallel_loop3A_1204] {strides = array<i32>} : memref<32x1024xf32, #tpu.memory_space<vmem>>, vector<1x16xf32>,
        %parallel_loop3A_1206 = vector.shape_cast %parallel_loop3A_1205 : vector<1x16xf32> to vector<16xf32>
        %parallel_loop3A_1207 = arith.addf %parallel_loop3A_1167, %parallel_loop3A_1206 : vector<16xf32>
        %parallel_loop3A_1208 = tpu.bitcast %parallel_loop3A_1206 : vector<16xf32> -> vector<16xi32>
        %parallel_loop3A_1209 = arith.andi %parallel_loop3A_1208, %broadcast_in_dim3A_934 : vector<16xi32>
        %parallel_loop3A_1210 = tpu.bitcast %parallel_loop3A_1209 : vector<16xi32> -> vector<16xf32>
        %parallel_loop3A_1211 = arith.addf %parallel_loop3A_1191, %parallel_loop3A_1210 : vector<16xf32>
        %parallel_loop3A_1212 = arith.constant 19 : i32
        %parallel_loop3A_1213 = arith.index_cast %parallel_loop3A_1212 : i32 to index
        %parallel_loop3A_1214 = arith.index_cast %parallel_loop3A_1019 : i32 to index
        %parallel_loop3A_1215 = tpu.vector_load %arg8[%parallel_loop3A_1213, %parallel_loop3A_1214] {strides = array<i32>} : memref<32x1024xf32, #tpu.memory_space<vmem>>, vector<1x16xf32>,
        %parallel_loop3A_1216 = vector.shape_cast %parallel_loop3A_1215 : vector<1x16xf32> to vector<16xf32>
        %parallel_loop3A_1217 = arith.addf %parallel_loop3A_1177, %parallel_loop3A_1216 : vector<16xf32>
        %parallel_loop3A_1218 = tpu.bitcast %parallel_loop3A_1216 : vector<16xf32> -> vector<16xi32>
        %parallel_loop3A_1219 = arith.andi %parallel_loop3A_1218, %broadcast_in_dim3A_939 : vector<16xi32>
        %parallel_loop3A_1220 = tpu.bitcast %parallel_loop3A_1219 : vector<16xi32> -> vector<16xf32>
        %parallel_loop3A_1221 = arith.addf %parallel_loop3A_1201, %parallel_loop3A_1220 : vector<16xf32>
        %parallel_loop3A_1222 = arith.constant 20 : i32
        %parallel_loop3A_1223 = arith.index_cast %parallel_loop3A_1222 : i32 to index
        %parallel_loop3A_1224 = arith.index_cast %parallel_loop3A_1019 : i32 to index
        %parallel_loop3A_1225 = tpu.vector_load %arg8[%parallel_loop3A_1223, %parallel_loop3A_1224] {strides = array<i32>} : memref<32x1024xf32, #tpu.memory_space<vmem>>, vector<1x16xf32>,
        %parallel_loop3A_1226 = vector.shape_cast %parallel_loop3A_1225 : vector<1x16xf32> to vector<16xf32>
        %parallel_loop3A_1227 = arith.addf %parallel_loop3A_1187, %parallel_loop3A_1226 : vector<16xf32>
        %parallel_loop3A_1228 = tpu.bitcast %parallel_loop3A_1226 : vector<16xf32> -> vector<16xi32>
        %parallel_loop3A_1229 = arith.andi %parallel_loop3A_1228, %broadcast_in_dim3A_944 : vector<16xi32>
        %parallel_loop3A_1230 = tpu.bitcast %parallel_loop3A_1229 : vector<16xi32> -> vector<16xf32>
        %parallel_loop3A_1231 = arith.addf %parallel_loop3A_1211, %parallel_loop3A_1230 : vector<16xf32>
        %parallel_loop3A_1232 = arith.constant 21 : i32
        %parallel_loop3A_1233 = arith.index_cast %parallel_loop3A_1232 : i32 to index
        %parallel_loop3A_1234 = arith.index_cast %parallel_loop3A_1019 : i32 to index
        %parallel_loop3A_1235 = tpu.vector_load %arg8[%parallel_loop3A_1233, %parallel_loop3A_1234] {strides = array<i32>} : memref<32x1024xf32, #tpu.memory_space<vmem>>, vector<1x16xf32>,
        %parallel_loop3A_1236 = vector.shape_cast %parallel_loop3A_1235 : vector<1x16xf32> to vector<16xf32>
        %parallel_loop3A_1237 = arith.addf %parallel_loop3A_1197, %parallel_loop3A_1236 : vector<16xf32>
        %parallel_loop3A_1238 = tpu.bitcast %parallel_loop3A_1236 : vector<16xf32> -> vector<16xi32>
        %parallel_loop3A_1239 = arith.andi %parallel_loop3A_1238, %broadcast_in_dim3A_949 : vector<16xi32>
        %parallel_loop3A_1240 = tpu.bitcast %parallel_loop3A_1239 : vector<16xi32> -> vector<16xf32>
        %parallel_loop3A_1241 = arith.addf %parallel_loop3A_1221, %parallel_loop3A_1240 : vector<16xf32>
        %parallel_loop3A_1242 = arith.constant 22 : i32
        %parallel_loop3A_1243 = arith.index_cast %parallel_loop3A_1242 : i32 to index
        %parallel_loop3A_1244 = arith.index_cast %parallel_loop3A_1019 : i32 to index
        %parallel_loop3A_1245 = tpu.vector_load %arg8[%parallel_loop3A_1243, %parallel_loop3A_1244] {strides = array<i32>} : memref<32x1024xf32, #tpu.memory_space<vmem>>, vector<1x16xf32>,
        %parallel_loop3A_1246 = vector.shape_cast %parallel_loop3A_1245 : vector<1x16xf32> to vector<16xf32>
        %parallel_loop3A_1247 = arith.addf %parallel_loop3A_1207, %parallel_loop3A_1246 : vector<16xf32>
        %parallel_loop3A_1248 = tpu.bitcast %parallel_loop3A_1246 : vector<16xf32> -> vector<16xi32>
        %parallel_loop3A_1249 = arith.andi %parallel_loop3A_1248, %broadcast_in_dim3A_954 : vector<16xi32>
        %parallel_loop3A_1250 = tpu.bitcast %parallel_loop3A_1249 : vector<16xi32> -> vector<16xf32>
        %parallel_loop3A_1251 = arith.addf %parallel_loop3A_1231, %parallel_loop3A_1250 : vector<16xf32>
        %parallel_loop3A_1252 = arith.constant 23 : i32
        %parallel_loop3A_1253 = arith.index_cast %parallel_loop3A_1252 : i32 to index
        %parallel_loop3A_1254 = arith.index_cast %parallel_loop3A_1019 : i32 to index
        %parallel_loop3A_1255 = tpu.vector_load %arg8[%parallel_loop3A_1253, %parallel_loop3A_1254] {strides = array<i32>} : memref<32x1024xf32, #tpu.memory_space<vmem>>, vector<1x16xf32>,
        %parallel_loop3A_1256 = vector.shape_cast %parallel_loop3A_1255 : vector<1x16xf32> to vector<16xf32>
        %parallel_loop3A_1257 = arith.addf %parallel_loop3A_1217, %parallel_loop3A_1256 : vector<16xf32>
        %parallel_loop3A_1258 = tpu.bitcast %parallel_loop3A_1256 : vector<16xf32> -> vector<16xi32>
        %parallel_loop3A_1259 = arith.andi %parallel_loop3A_1258, %broadcast_in_dim3A_959 : vector<16xi32>
        %parallel_loop3A_1260 = tpu.bitcast %parallel_loop3A_1259 : vector<16xi32> -> vector<16xf32>
        %parallel_loop3A_1261 = arith.addf %parallel_loop3A_1241, %parallel_loop3A_1260 : vector<16xf32>
        %parallel_loop3A_1262 = arith.constant 24 : i32
        %parallel_loop3A_1263 = arith.index_cast %parallel_loop3A_1262 : i32 to index
        %parallel_loop3A_1264 = arith.index_cast %parallel_loop3A_1019 : i32 to index
        %parallel_loop3A_1265 = tpu.vector_load %arg8[%parallel_loop3A_1263, %parallel_loop3A_1264] {strides = array<i32>} : memref<32x1024xf32, #tpu.memory_space<vmem>>, vector<1x16xf32>,
        %parallel_loop3A_1266 = vector.shape_cast %parallel_loop3A_1265 : vector<1x16xf32> to vector<16xf32>
        %parallel_loop3A_1267 = arith.addf %parallel_loop3A_1227, %parallel_loop3A_1266 : vector<16xf32>
        %parallel_loop3A_1268 = tpu.bitcast %parallel_loop3A_1266 : vector<16xf32> -> vector<16xi32>
        %parallel_loop3A_1269 = arith.andi %parallel_loop3A_1268, %broadcast_in_dim3A_964 : vector<16xi32>
        %parallel_loop3A_1270 = tpu.bitcast %parallel_loop3A_1269 : vector<16xi32> -> vector<16xf32>
        %parallel_loop3A_1271 = arith.addf %parallel_loop3A_1251, %parallel_loop3A_1270 : vector<16xf32>
        %parallel_loop3A_1272 = arith.constant 25 : i32
        %parallel_loop3A_1273 = arith.index_cast %parallel_loop3A_1272 : i32 to index
        %parallel_loop3A_1274 = arith.index_cast %parallel_loop3A_1019 : i32 to index
        %parallel_loop3A_1275 = tpu.vector_load %arg8[%parallel_loop3A_1273, %parallel_loop3A_1274] {strides = array<i32>} : memref<32x1024xf32, #tpu.memory_space<vmem>>, vector<1x16xf32>,
        %parallel_loop3A_1276 = vector.shape_cast %parallel_loop3A_1275 : vector<1x16xf32> to vector<16xf32>
        %parallel_loop3A_1277 = arith.addf %parallel_loop3A_1237, %parallel_loop3A_1276 : vector<16xf32>
        %parallel_loop3A_1278 = tpu.bitcast %parallel_loop3A_1276 : vector<16xf32> -> vector<16xi32>
        %parallel_loop3A_1279 = arith.andi %parallel_loop3A_1278, %broadcast_in_dim3A_969 : vector<16xi32>
        %parallel_loop3A_1280 = tpu.bitcast %parallel_loop3A_1279 : vector<16xi32> -> vector<16xf32>
        %parallel_loop3A_1281 = arith.addf %parallel_loop3A_1261, %parallel_loop3A_1280 : vector<16xf32>
        %parallel_loop3A_1282 = arith.constant 26 : i32
        %parallel_loop3A_1283 = arith.index_cast %parallel_loop3A_1282 : i32 to index
        %parallel_loop3A_1284 = arith.index_cast %parallel_loop3A_1019 : i32 to index
        %parallel_loop3A_1285 = tpu.vector_load %arg8[%parallel_loop3A_1283, %parallel_loop3A_1284] {strides = array<i32>} : memref<32x1024xf32, #tpu.memory_space<vmem>>, vector<1x16xf32>,
        %parallel_loop3A_1286 = vector.shape_cast %parallel_loop3A_1285 : vector<1x16xf32> to vector<16xf32>
        %parallel_loop3A_1287 = arith.addf %parallel_loop3A_1247, %parallel_loop3A_1286 : vector<16xf32>
        %parallel_loop3A_1288 = tpu.bitcast %parallel_loop3A_1286 : vector<16xf32> -> vector<16xi32>
        %parallel_loop3A_1289 = arith.andi %parallel_loop3A_1288, %broadcast_in_dim3A_974 : vector<16xi32>
        %parallel_loop3A_1290 = tpu.bitcast %parallel_loop3A_1289 : vector<16xi32> -> vector<16xf32>
        %parallel_loop3A_1291 = arith.addf %parallel_loop3A_1271, %parallel_loop3A_1290 : vector<16xf32>
        %parallel_loop3A_1292 = arith.constant 27 : i32
        %parallel_loop3A_1293 = arith.index_cast %parallel_loop3A_1292 : i32 to index
        %parallel_loop3A_1294 = arith.index_cast %parallel_loop3A_1019 : i32 to index
        %parallel_loop3A_1295 = tpu.vector_load %arg8[%parallel_loop3A_1293, %parallel_loop3A_1294] {strides = array<i32>} : memref<32x1024xf32, #tpu.memory_space<vmem>>, vector<1x16xf32>,
        %parallel_loop3A_1296 = vector.shape_cast %parallel_loop3A_1295 : vector<1x16xf32> to vector<16xf32>
        %parallel_loop3A_1297 = arith.addf %parallel_loop3A_1257, %parallel_loop3A_1296 : vector<16xf32>
        %parallel_loop3A_1298 = tpu.bitcast %parallel_loop3A_1296 : vector<16xf32> -> vector<16xi32>
        %parallel_loop3A_1299 = arith.andi %parallel_loop3A_1298, %broadcast_in_dim3A_979 : vector<16xi32>
        %parallel_loop3A_1300 = tpu.bitcast %parallel_loop3A_1299 : vector<16xi32> -> vector<16xf32>
        %parallel_loop3A_1301 = arith.addf %parallel_loop3A_1281, %parallel_loop3A_1300 : vector<16xf32>
        %parallel_loop3A_1302 = arith.constant 28 : i32
        %parallel_loop3A_1303 = arith.index_cast %parallel_loop3A_1302 : i32 to index
        %parallel_loop3A_1304 = arith.index_cast %parallel_loop3A_1019 : i32 to index
        %parallel_loop3A_1305 = tpu.vector_load %arg8[%parallel_loop3A_1303, %parallel_loop3A_1304] {strides = array<i32>} : memref<32x1024xf32, #tpu.memory_space<vmem>>, vector<1x16xf32>,
        %parallel_loop3A_1306 = vector.shape_cast %parallel_loop3A_1305 : vector<1x16xf32> to vector<16xf32>
        %parallel_loop3A_1307 = arith.addf %parallel_loop3A_1267, %parallel_loop3A_1306 : vector<16xf32>
        %parallel_loop3A_1308 = tpu.bitcast %parallel_loop3A_1306 : vector<16xf32> -> vector<16xi32>
        %parallel_loop3A_1309 = arith.andi %parallel_loop3A_1308, %broadcast_in_dim3A_984 : vector<16xi32>
        %parallel_loop3A_1310 = tpu.bitcast %parallel_loop3A_1309 : vector<16xi32> -> vector<16xf32>
        %parallel_loop3A_1311 = arith.addf %parallel_loop3A_1291, %parallel_loop3A_1310 : vector<16xf32>
        %parallel_loop3A_1312 = arith.constant 29 : i32
        %parallel_loop3A_1313 = arith.index_cast %parallel_loop3A_1312 : i32 to index
        %parallel_loop3A_1314 = arith.index_cast %parallel_loop3A_1019 : i32 to index
        %parallel_loop3A_1315 = tpu.vector_load %arg8[%parallel_loop3A_1313, %parallel_loop3A_1314] {strides = array<i32>} : memref<32x1024xf32, #tpu.memory_space<vmem>>, vector<1x16xf32>,
        %parallel_loop3A_1316 = vector.shape_cast %parallel_loop3A_1315 : vector<1x16xf32> to vector<16xf32>
        %parallel_loop3A_1317 = arith.addf %parallel_loop3A_1277, %parallel_loop3A_1316 : vector<16xf32>
        %parallel_loop3A_1318 = tpu.bitcast %parallel_loop3A_1316 : vector<16xf32> -> vector<16xi32>
        %parallel_loop3A_1319 = arith.andi %parallel_loop3A_1318, %broadcast_in_dim3A_989 : vector<16xi32>
        %parallel_loop3A_1320 = tpu.bitcast %parallel_loop3A_1319 : vector<16xi32> -> vector<16xf32>
        %parallel_loop3A_1321 = arith.addf %parallel_loop3A_1301, %parallel_loop3A_1320 : vector<16xf32>
        %parallel_loop3A_1322 = arith.constant 30 : i32
        %parallel_loop3A_1323 = arith.index_cast %parallel_loop3A_1322 : i32 to index
        %parallel_loop3A_1324 = arith.index_cast %parallel_loop3A_1019 : i32 to index
        %parallel_loop3A_1325 = tpu.vector_load %arg8[%parallel_loop3A_1323, %parallel_loop3A_1324] {strides = array<i32>} : memref<32x1024xf32, #tpu.memory_space<vmem>>, vector<1x16xf32>,
        %parallel_loop3A_1326 = vector.shape_cast %parallel_loop3A_1325 : vector<1x16xf32> to vector<16xf32>
        %parallel_loop3A_1327 = arith.addf %parallel_loop3A_1287, %parallel_loop3A_1326 : vector<16xf32>
        %parallel_loop3A_1328 = tpu.bitcast %parallel_loop3A_1326 : vector<16xf32> -> vector<16xi32>
        %parallel_loop3A_1329 = arith.andi %parallel_loop3A_1328, %broadcast_in_dim3A_994 : vector<16xi32>
        %parallel_loop3A_1330 = tpu.bitcast %parallel_loop3A_1329 : vector<16xi32> -> vector<16xf32>
        %parallel_loop3A_1331 = arith.addf %parallel_loop3A_1311, %parallel_loop3A_1330 : vector<16xf32>
        %parallel_loop3A_1332 = arith.constant 31 : i32
        %parallel_loop3A_1333 = arith.index_cast %parallel_loop3A_1332 : i32 to index
        %parallel_loop3A_1334 = arith.index_cast %parallel_loop3A_1019 : i32 to index
        %parallel_loop3A_1335 = tpu.vector_load %arg8[%parallel_loop3A_1333, %parallel_loop3A_1334] {strides = array<i32>} : memref<32x1024xf32, #tpu.memory_space<vmem>>, vector<1x16xf32>,
        %parallel_loop3A_1336 = vector.shape_cast %parallel_loop3A_1335 : vector<1x16xf32> to vector<16xf32>
        %parallel_loop3A_1337 = arith.addf %parallel_loop3A_1297, %parallel_loop3A_1336 : vector<16xf32>
        %parallel_loop3A_1338 = tpu.bitcast %parallel_loop3A_1336 : vector<16xf32> -> vector<16xi32>
        %parallel_loop3A_1339 = arith.andi %parallel_loop3A_1338, %broadcast_in_dim3A_999 : vector<16xi32>
        %parallel_loop3A_1340 = tpu.bitcast %parallel_loop3A_1339 : vector<16xi32> -> vector<16xf32>
        %parallel_loop3A_1341 = arith.addf %parallel_loop3A_1321, %parallel_loop3A_1340 : vector<16xf32>
        %parallel_loop3A_1342 = arith.addf %parallel_loop3A_1307, %parallel_loop3A_1317 : vector<16xf32>
        %parallel_loop3A_1343 = arith.addf %parallel_loop3A_1327, %parallel_loop3A_1337 : vector<16xf32>
        %parallel_loop3A_1344 = arith.addf %parallel_loop3A_1342, %parallel_loop3A_1343 : vector<16xf32>
        %parallel_loop3A_1345 = arith.addf %parallel_loop3A_1331, %parallel_loop3A_1341 : vector<16xf32>
        %parallel_loop3A_1346 = arith.index_cast %parallel_loop3A_1019 : i32 to index
        %parallel_loop3A_1347 = tpu.vector_load %arg9[%parallel_loop3A_1346] {strides = array<i32>} : memref<1024xf32, #tpu.memory_space<vmem>>, vector<16xf32>,
        %parallel_loop3A_1348 = vector.shape_cast %parallel_loop3A_1347 : vector<16xf32> to vector<16xf32>
        %parallel_loop3A_1349 = arith.addf %parallel_loop3A_1348, %parallel_loop3A_1345 : vector<16xf32>
        %parallel_loop3A_1350 = arith.constant 0.000000e+00 : f32
        %parallel_loop3A_1351 = vector.broadcast %parallel_loop3A_1350 : f32 to vector<16xf32>
        %parallel_loop3A_1352 = arith.cmpf ogt, %parallel_loop3A_1349, %parallel_loop3A_1351 : vector<16xf32>
        %parallel_loop3A_1353 = arith.constant 1.000000e+00 : f32
        %parallel_loop3A_1354 = arith.constant -1.000000e+00 : f32
        %parallel_loop3A_1355 = vector.broadcast %parallel_loop3A_1353 : f32 to vector<16xf32>
        %parallel_loop3A_1356 = vector.broadcast %parallel_loop3A_1354 : f32 to vector<16xf32>
        %parallel_loop3A_1357 = arith.select %parallel_loop3A_1352, %parallel_loop3A_1355, %parallel_loop3A_1356 : vector<16xi1>, vector<16xf32>
        %parallel_loop3A_1358 = arith.index_cast %and3A_839 : i32 to index
        %parallel_loop3A_1359 = arith.index_cast %parallel_loop3A_1019 : i32 to index
        %parallel_loop3A_1360 = tpu.vector_load %arg10[%parallel_loop3A_1358, %parallel_loop3A_1359] {strides = array<i32>} : memref<16x1024xf32, #tpu.memory_space<vmem>>, vector<1x16xf32>,
        %parallel_loop3A_1361 = vector.shape_cast %parallel_loop3A_1360 : vector<1x16xf32> to vector<16xf32>
        %parallel_loop3A_1362 = vector.shape_cast %parallel_loop3A_1357 : vector<16xf32> to vector<1x16xf32>
        tpu.vector_store %arg10[%parallel_loop3A_1358, %parallel_loop3A_1359], %parallel_loop3A_1362 {strides = array<i32>} : memref<16x1024xf32, #tpu.memory_space<vmem>>, vector<1x16xf32>,
        %parallel_loop3A_1363 = tpu.bitcast %parallel_loop3A_1348 : vector<16xf32> -> vector<16xi32>
        %parallel_loop3A_1364 = arith.constant 0.000000e+00 : f32
        %parallel_loop3A_1365 = vector.broadcast %parallel_loop3A_1364 : f32 to vector<16xf32>
        %parallel_loop3A_1366 = arith.subf %parallel_loop3A_1365, %parallel_loop3A_1345 : vector<16xf32>
        %parallel_loop3A_1367 = tpu.bitcast %parallel_loop3A_1366 : vector<16xf32> -> vector<16xi32>
        %parallel_loop3A_1368 = arith.xori %parallel_loop3A_1363, %parallel_loop3A_1367 : vector<16xi32>
        %parallel_loop3A_1369 = arith.andi %parallel_loop3A_1368, %broadcast_in_dim3A_1002 : vector<16xi32>
        %parallel_loop3A_1370 = arith.xori %parallel_loop3A_1363, %parallel_loop3A_1369 : vector<16xi32>
        %parallel_loop3A_1371 = tpu.bitcast %parallel_loop3A_1370 : vector<16xi32> -> vector<16xf32>
        %parallel_loop3A_1372 = arith.addf %parallel_loop3A_1344, %parallel_loop3A_1371 : vector<16xf32>
        %parallel_loop3A_1373 = arith.index_cast %parallel_loop3A_1019 : i32 to index
        %parallel_loop3A_1374 = tpu.vector_load %arg9[%parallel_loop3A_1373] {strides = array<i32>} : memref<1024xf32, #tpu.memory_space<vmem>>, vector<16xf32>,
        %parallel_loop3A_1375 = vector.shape_cast %parallel_loop3A_1374 : vector<16xf32> to vector<16xf32>
        %parallel_loop3A_1376 = vector.shape_cast %parallel_loop3A_1372 : vector<16xf32> to vector<16xf32>
        tpu.vector_store %arg9[%parallel_loop3A_1373], %parallel_loop3A_1376 {strides = array<i32>} : memref<1024xf32, #tpu.memory_space<vmem>>, vector<16xf32>,
      } {sc.loop_unroll_factor = 8 : i64, sc.parallel_access}
      %gt3A_1006 = arith.constant 0 : i32
      %gt3A_1007 = arith.cmpi sgt, %add3A_837, %gt3A_1006 : i32
      %convert_element_type3A_1008 = arith.extui %gt3A_1007 : i1 to i32
      %cond3A_1009 = arith.constant 0 : i32
      %cond3A_1010 = arith.cmpi ne, %convert_element_type3A_1008, %cond3A_1009 : i32
      scf.if %cond3A_1010 {
        %add3A_1017 = arith.addi %mul3A_2, %add3A_808 : i32
        %dma_start3A_1018 = arith.constant 0 : i32
        %dma_start3A_1019 = tpu.memref_slice %arg10[%and3A_839, %dma_start3A_1018] : memref<16x1024xf32, #tpu.memory_space<vmem>> -> memref<1x1024xf32, #tpu.memory_space<vmem>>
        %dma_start3A_1020 = tpu.memref_squeeze %dma_start3A_1019 : memref<1x1024xf32, #tpu.memory_space<vmem>> -> memref<1024xf32, #tpu.memory_space<vmem>>
        %dma_start3A_1021 = arith.constant 0 : i32
        %dma_start3A_1022 = tpu.memref_slice %arg4[%add3A_1017, %dma_start3A_1021] : memref<1024x1024xf32, #tpu.memory_space<hbm>> -> memref<1x1024xf32, #tpu.memory_space<hbm>>
        %dma_start3A_1023 = tpu.memref_squeeze %dma_start3A_1022 : memref<1x1024xf32, #tpu.memory_space<hbm>> -> memref<1024xf32, #tpu.memory_space<hbm>>
        %dma_start3A_1024 = arith.constant 0 : i32
        %dma_start3A_1025 = tpu.memref_slice %arg4[%add3A_1017, %dma_start3A_1024] : memref<1024x1024xf32, #tpu.memory_space<hbm>> -> memref<1x1024xf32, #tpu.memory_space<hbm>>
        %dma_start3A_1026 = tpu.memref_squeeze %dma_start3A_1025 : memref<1x1024xf32, #tpu.memory_space<hbm>> -> memref<1024xf32, #tpu.memory_space<hbm>>
        %dma_start3A_1027 = arith.constant 0 : i32
        %dma_start3A_1028 = tpu.memref_slice %arg10[%and3A_839, %dma_start3A_1027] : memref<16x1024xf32, #tpu.memory_space<vmem>> -> memref<1x1024xf32, #tpu.memory_space<vmem>>
        %dma_start3A_1029 = tpu.memref_squeeze %dma_start3A_1028 : memref<1x1024xf32, #tpu.memory_space<vmem>> -> memref<1024xf32, #tpu.memory_space<vmem>>
        tpu.enqueue_dma source(%dma_start3A_1029 : memref<1024xf32, #tpu.memory_space<vmem>>) target(%dma_start3A_1026 : memref<1024xf32, #tpu.memory_space<hbm>>) target_semaphore(%arg14 : memref<!tpu.dma_semaphore, #tpu.memory_space<semaphore_mem>>)
      } else {
      }
      %add3A_1011 = arith.addi %add3A_808, %add3A_837 : i32
      %mul3A_1012 = arith.constant 50 : i32
      %mul3A_1013 = arith.muli %mul3A_1012, %add3A_837 : i32
      %add3A_1014 = arith.addi %sub3A_813, %mul3A_1013 : i32
      %sub3A_1015 = arith.constant 32 : i32
      %sub3A_1016 = arith.subi %add3A_1014, %sub3A_1015 : i32
      scf.yield %add3A_1011, %sub3A_1016 : i32, i32
    }
    %scan3A_24 = arith.constant 16 : i32
    %dma_wait3A = arith.constant 0 : i32
    %dma_wait3A_25 = arith.constant 0 : i32
    %dma_wait3A_26 = tpu.memref_slice %arg3[%dma_wait3A, %dma_wait3A_25] : memref<100000x1024xf32, #tpu.memory_space<hbm>> -> memref<32x1024xf32, #tpu.memory_space<hbm>>
    %dma_wait3A_27 = arith.constant 0 : i32
    %dma_wait3A_28 = arith.constant 0 : i32
    %dma_wait3A_29 = tpu.memref_slice %arg3[%dma_wait3A_27, %dma_wait3A_28] : memref<100000x1024xf32, #tpu.memory_space<hbm>> -> memref<32x1024xf32, #tpu.memory_space<hbm>>
    tpu.wait_dma2 semaphore(%arg11 : memref<!tpu.dma_semaphore, #tpu.memory_space<semaphore_mem>>) src(%dma_wait3A_29 : memref<32x1024xf32, #tpu.memory_space<hbm>>) dst(%arg6 : memref<32x1024xf32, #tpu.memory_space<vmem>>)
    %sub3A = arith.constant 32 : i32
    %sub3A_30 = arith.subi %sub3A, %scan3A_23#1 : i32
    %shift_right_arithmetic3A = arith.constant 31 : i32
    %shift_right_arithmetic3A_31 = arith.shrsi %sub3A_30, %shift_right_arithmetic3A : i32
    %add3A_32 = arith.constant 1 : i32
    %add3A_33 = arith.addi %add3A_32, %shift_right_arithmetic3A_31 : i32
    %and3A = arith.constant 15 : i32
    %and3A_34 = arith.andi %scan3A_23#0, %and3A : i32
    %sub3A_35 = arith.constant 0 : i32
    %sub3A_36 = arith.subi %sub3A_35, %scan3A_23#1 : i32
    %shift_right_arithmetic3A_37 = arith.constant 31 : i32
    %shift_right_arithmetic3A_38 = arith.shrsi %sub3A_36, %shift_right_arithmetic3A_37 : i32
    %broadcast_in_dim3A = vector.broadcast %shift_right_arithmetic3A_38 : i32 to vector<16xi32>
    %sub3A_39 = arith.constant 1 : i32
    %sub3A_40 = arith.subi %sub3A_39, %scan3A_23#1 : i32
    %shift_right_arithmetic3A_41 = arith.constant 31 : i32
    %shift_right_arithmetic3A_42 = arith.shrsi %sub3A_40, %shift_right_arithmetic3A_41 : i32
    %broadcast_in_dim3A_43 = vector.broadcast %shift_right_arithmetic3A_42 : i32 to vector<16xi32>
    %sub3A_44 = arith.constant 2 : i32
    %sub3A_45 = arith.subi %sub3A_44, %scan3A_23#1 : i32
    %shift_right_arithmetic3A_46 = arith.constant 31 : i32
    %shift_right_arithmetic3A_47 = arith.shrsi %sub3A_45, %shift_right_arithmetic3A_46 : i32
    %broadcast_in_dim3A_48 = vector.broadcast %shift_right_arithmetic3A_47 : i32 to vector<16xi32>
    %sub3A_49 = arith.constant 3 : i32
    %sub3A_50 = arith.subi %sub3A_49, %scan3A_23#1 : i32
    %shift_right_arithmetic3A_51 = arith.constant 31 : i32
    %shift_right_arithmetic3A_52 = arith.shrsi %sub3A_50, %shift_right_arithmetic3A_51 : i32
    %broadcast_in_dim3A_53 = vector.broadcast %shift_right_arithmetic3A_52 : i32 to vector<16xi32>
    %sub3A_54 = arith.constant 4 : i32
    %sub3A_55 = arith.subi %sub3A_54, %scan3A_23#1 : i32
    %shift_right_arithmetic3A_56 = arith.constant 31 : i32
    %shift_right_arithmetic3A_57 = arith.shrsi %sub3A_55, %shift_right_arithmetic3A_56 : i32
    %broadcast_in_dim3A_58 = vector.broadcast %shift_right_arithmetic3A_57 : i32 to vector<16xi32>
    %sub3A_59 = arith.constant 5 : i32
    %sub3A_60 = arith.subi %sub3A_59, %scan3A_23#1 : i32
    %shift_right_arithmetic3A_61 = arith.constant 31 : i32
    %shift_right_arithmetic3A_62 = arith.shrsi %sub3A_60, %shift_right_arithmetic3A_61 : i32
    %broadcast_in_dim3A_63 = vector.broadcast %shift_right_arithmetic3A_62 : i32 to vector<16xi32>
    %sub3A_64 = arith.constant 6 : i32
    %sub3A_65 = arith.subi %sub3A_64, %scan3A_23#1 : i32
    %shift_right_arithmetic3A_66 = arith.constant 31 : i32
    %shift_right_arithmetic3A_67 = arith.shrsi %sub3A_65, %shift_right_arithmetic3A_66 : i32
    %broadcast_in_dim3A_68 = vector.broadcast %shift_right_arithmetic3A_67 : i32 to vector<16xi32>
    %sub3A_69 = arith.constant 7 : i32
    %sub3A_70 = arith.subi %sub3A_69, %scan3A_23#1 : i32
    %shift_right_arithmetic3A_71 = arith.constant 31 : i32
    %shift_right_arithmetic3A_72 = arith.shrsi %sub3A_70, %shift_right_arithmetic3A_71 : i32
    %broadcast_in_dim3A_73 = vector.broadcast %shift_right_arithmetic3A_72 : i32 to vector<16xi32>
    %sub3A_74 = arith.constant 8 : i32
    %sub3A_75 = arith.subi %sub3A_74, %scan3A_23#1 : i32
    %shift_right_arithmetic3A_76 = arith.constant 31 : i32
    %shift_right_arithmetic3A_77 = arith.shrsi %sub3A_75, %shift_right_arithmetic3A_76 : i32
    %broadcast_in_dim3A_78 = vector.broadcast %shift_right_arithmetic3A_77 : i32 to vector<16xi32>
    %sub3A_79 = arith.constant 9 : i32
    %sub3A_80 = arith.subi %sub3A_79, %scan3A_23#1 : i32
    %shift_right_arithmetic3A_81 = arith.constant 31 : i32
    %shift_right_arithmetic3A_82 = arith.shrsi %sub3A_80, %shift_right_arithmetic3A_81 : i32
    %broadcast_in_dim3A_83 = vector.broadcast %shift_right_arithmetic3A_82 : i32 to vector<16xi32>
    %sub3A_84 = arith.constant 10 : i32
    %sub3A_85 = arith.subi %sub3A_84, %scan3A_23#1 : i32
    %shift_right_arithmetic3A_86 = arith.constant 31 : i32
    %shift_right_arithmetic3A_87 = arith.shrsi %sub3A_85, %shift_right_arithmetic3A_86 : i32
    %broadcast_in_dim3A_88 = vector.broadcast %shift_right_arithmetic3A_87 : i32 to vector<16xi32>
    %sub3A_89 = arith.constant 11 : i32
    %sub3A_90 = arith.subi %sub3A_89, %scan3A_23#1 : i32
    %shift_right_arithmetic3A_91 = arith.constant 31 : i32
    %shift_right_arithmetic3A_92 = arith.shrsi %sub3A_90, %shift_right_arithmetic3A_91 : i32
    %broadcast_in_dim3A_93 = vector.broadcast %shift_right_arithmetic3A_92 : i32 to vector<16xi32>
    %sub3A_94 = arith.constant 12 : i32
    %sub3A_95 = arith.subi %sub3A_94, %scan3A_23#1 : i32
    %shift_right_arithmetic3A_96 = arith.constant 31 : i32
    %shift_right_arithmetic3A_97 = arith.shrsi %sub3A_95, %shift_right_arithmetic3A_96 : i32
    %broadcast_in_dim3A_98 = vector.broadcast %shift_right_arithmetic3A_97 : i32 to vector<16xi32>
    %sub3A_99 = arith.constant 13 : i32
    %sub3A_100 = arith.subi %sub3A_99, %scan3A_23#1 : i32
    %shift_right_arithmetic3A_101 = arith.constant 31 : i32
    %shift_right_arithmetic3A_102 = arith.shrsi %sub3A_100, %shift_right_arithmetic3A_101 : i32
    %broadcast_in_dim3A_103 = vector.broadcast %shift_right_arithmetic3A_102 : i32 to vector<16xi32>
    %sub3A_104 = arith.constant 14 : i32
    %sub3A_105 = arith.subi %sub3A_104, %scan3A_23#1 : i32
    %shift_right_arithmetic3A_106 = arith.constant 31 : i32
    %shift_right_arithmetic3A_107 = arith.shrsi %sub3A_105, %shift_right_arithmetic3A_106 : i32
    %broadcast_in_dim3A_108 = vector.broadcast %shift_right_arithmetic3A_107 : i32 to vector<16xi32>
    %sub3A_109 = arith.constant 15 : i32
    %sub3A_110 = arith.subi %sub3A_109, %scan3A_23#1 : i32
    %shift_right_arithmetic3A_111 = arith.constant 31 : i32
    %shift_right_arithmetic3A_112 = arith.shrsi %sub3A_110, %shift_right_arithmetic3A_111 : i32
    %broadcast_in_dim3A_113 = vector.broadcast %shift_right_arithmetic3A_112 : i32 to vector<16xi32>
    %sub3A_114 = arith.constant 16 : i32
    %sub3A_115 = arith.subi %sub3A_114, %scan3A_23#1 : i32
    %shift_right_arithmetic3A_116 = arith.constant 31 : i32
    %shift_right_arithmetic3A_117 = arith.shrsi %sub3A_115, %shift_right_arithmetic3A_116 : i32
    %broadcast_in_dim3A_118 = vector.broadcast %shift_right_arithmetic3A_117 : i32 to vector<16xi32>
    %sub3A_119 = arith.constant 17 : i32
    %sub3A_120 = arith.subi %sub3A_119, %scan3A_23#1 : i32
    %shift_right_arithmetic3A_121 = arith.constant 31 : i32
    %shift_right_arithmetic3A_122 = arith.shrsi %sub3A_120, %shift_right_arithmetic3A_121 : i32
    %broadcast_in_dim3A_123 = vector.broadcast %shift_right_arithmetic3A_122 : i32 to vector<16xi32>
    %sub3A_124 = arith.constant 18 : i32
    %sub3A_125 = arith.subi %sub3A_124, %scan3A_23#1 : i32
    %shift_right_arithmetic3A_126 = arith.constant 31 : i32
    %shift_right_arithmetic3A_127 = arith.shrsi %sub3A_125, %shift_right_arithmetic3A_126 : i32
    %broadcast_in_dim3A_128 = vector.broadcast %shift_right_arithmetic3A_127 : i32 to vector<16xi32>
    %sub3A_129 = arith.constant 19 : i32
    %sub3A_130 = arith.subi %sub3A_129, %scan3A_23#1 : i32
    %shift_right_arithmetic3A_131 = arith.constant 31 : i32
    %shift_right_arithmetic3A_132 = arith.shrsi %sub3A_130, %shift_right_arithmetic3A_131 : i32
    %broadcast_in_dim3A_133 = vector.broadcast %shift_right_arithmetic3A_132 : i32 to vector<16xi32>
    %sub3A_134 = arith.constant 20 : i32
    %sub3A_135 = arith.subi %sub3A_134, %scan3A_23#1 : i32
    %shift_right_arithmetic3A_136 = arith.constant 31 : i32
    %shift_right_arithmetic3A_137 = arith.shrsi %sub3A_135, %shift_right_arithmetic3A_136 : i32
    %broadcast_in_dim3A_138 = vector.broadcast %shift_right_arithmetic3A_137 : i32 to vector<16xi32>
    %sub3A_139 = arith.constant 21 : i32
    %sub3A_140 = arith.subi %sub3A_139, %scan3A_23#1 : i32
    %shift_right_arithmetic3A_141 = arith.constant 31 : i32
    %shift_right_arithmetic3A_142 = arith.shrsi %sub3A_140, %shift_right_arithmetic3A_141 : i32
    %broadcast_in_dim3A_143 = vector.broadcast %shift_right_arithmetic3A_142 : i32 to vector<16xi32>
    %sub3A_144 = arith.constant 22 : i32
    %sub3A_145 = arith.subi %sub3A_144, %scan3A_23#1 : i32
    %shift_right_arithmetic3A_146 = arith.constant 31 : i32
    %shift_right_arithmetic3A_147 = arith.shrsi %sub3A_145, %shift_right_arithmetic3A_146 : i32
    %broadcast_in_dim3A_148 = vector.broadcast %shift_right_arithmetic3A_147 : i32 to vector<16xi32>
    %sub3A_149 = arith.constant 23 : i32
    %sub3A_150 = arith.subi %sub3A_149, %scan3A_23#1 : i32
    %shift_right_arithmetic3A_151 = arith.constant 31 : i32
    %shift_right_arithmetic3A_152 = arith.shrsi %sub3A_150, %shift_right_arithmetic3A_151 : i32
    %broadcast_in_dim3A_153 = vector.broadcast %shift_right_arithmetic3A_152 : i32 to vector<16xi32>
    %sub3A_154 = arith.constant 24 : i32
    %sub3A_155 = arith.subi %sub3A_154, %scan3A_23#1 : i32
    %shift_right_arithmetic3A_156 = arith.constant 31 : i32
    %shift_right_arithmetic3A_157 = arith.shrsi %sub3A_155, %shift_right_arithmetic3A_156 : i32
    %broadcast_in_dim3A_158 = vector.broadcast %shift_right_arithmetic3A_157 : i32 to vector<16xi32>
    %sub3A_159 = arith.constant 25 : i32
    %sub3A_160 = arith.subi %sub3A_159, %scan3A_23#1 : i32
    %shift_right_arithmetic3A_161 = arith.constant 31 : i32
    %shift_right_arithmetic3A_162 = arith.shrsi %sub3A_160, %shift_right_arithmetic3A_161 : i32
    %broadcast_in_dim3A_163 = vector.broadcast %shift_right_arithmetic3A_162 : i32 to vector<16xi32>
    %sub3A_164 = arith.constant 26 : i32
    %sub3A_165 = arith.subi %sub3A_164, %scan3A_23#1 : i32
    %shift_right_arithmetic3A_166 = arith.constant 31 : i32
    %shift_right_arithmetic3A_167 = arith.shrsi %sub3A_165, %shift_right_arithmetic3A_166 : i32
    %broadcast_in_dim3A_168 = vector.broadcast %shift_right_arithmetic3A_167 : i32 to vector<16xi32>
    %sub3A_169 = arith.constant 27 : i32
    %sub3A_170 = arith.subi %sub3A_169, %scan3A_23#1 : i32
    %shift_right_arithmetic3A_171 = arith.constant 31 : i32
    %shift_right_arithmetic3A_172 = arith.shrsi %sub3A_170, %shift_right_arithmetic3A_171 : i32
    %broadcast_in_dim3A_173 = vector.broadcast %shift_right_arithmetic3A_172 : i32 to vector<16xi32>
    %sub3A_174 = arith.constant 28 : i32
    %sub3A_175 = arith.subi %sub3A_174, %scan3A_23#1 : i32
    %shift_right_arithmetic3A_176 = arith.constant 31 : i32
    %shift_right_arithmetic3A_177 = arith.shrsi %sub3A_175, %shift_right_arithmetic3A_176 : i32
    %broadcast_in_dim3A_178 = vector.broadcast %shift_right_arithmetic3A_177 : i32 to vector<16xi32>
    %sub3A_179 = arith.constant 29 : i32
    %sub3A_180 = arith.subi %sub3A_179, %scan3A_23#1 : i32
    %shift_right_arithmetic3A_181 = arith.constant 31 : i32
    %shift_right_arithmetic3A_182 = arith.shrsi %sub3A_180, %shift_right_arithmetic3A_181 : i32
    %broadcast_in_dim3A_183 = vector.broadcast %shift_right_arithmetic3A_182 : i32 to vector<16xi32>
    %sub3A_184 = arith.constant 30 : i32
    %sub3A_185 = arith.subi %sub3A_184, %scan3A_23#1 : i32
    %shift_right_arithmetic3A_186 = arith.constant 31 : i32
    %shift_right_arithmetic3A_187 = arith.shrsi %sub3A_185, %shift_right_arithmetic3A_186 : i32
    %broadcast_in_dim3A_188 = vector.broadcast %shift_right_arithmetic3A_187 : i32 to vector<16xi32>
    %sub3A_189 = arith.constant 31 : i32
    %sub3A_190 = arith.subi %sub3A_189, %scan3A_23#1 : i32
    %shift_right_arithmetic3A_191 = arith.constant 31 : i32
    %shift_right_arithmetic3A_192 = arith.shrsi %sub3A_190, %shift_right_arithmetic3A_191 : i32
    %broadcast_in_dim3A_193 = vector.broadcast %shift_right_arithmetic3A_192 : i32 to vector<16xi32>
    %neg3A = arith.constant 0 : i32
    %neg3A_194 = arith.subi %neg3A, %add3A_33 : i32
    %broadcast_in_dim3A_195 = vector.broadcast %neg3A_194 : i32 to vector<16xi32>
    %parallel_loop3A = arith.constant 0 : i32
    %parallel_loop3A_196 = arith.constant 64 : i32
    %parallel_loop3A_197 = arith.constant 1 : i32
    scf.for %parallel_loop3A_405 = %parallel_loop3A to %parallel_loop3A_196 step %parallel_loop3A_197  : i32 {
      %parallel_loop3A_406 = arith.constant 16 : i32
      %parallel_loop3A_407 = arith.muli %parallel_loop3A_405, %parallel_loop3A_406 : i32
      %parallel_loop3A_408 = arith.constant 0.000000e+00 : f32
      %parallel_loop3A_409 = vector.broadcast %parallel_loop3A_408 : f32 to vector<16xf32>
      %parallel_loop3A_410 = arith.constant 0 : i32
      %parallel_loop3A_411 = arith.index_cast %parallel_loop3A_410 : i32 to index
      %parallel_loop3A_412 = arith.index_cast %parallel_loop3A_407 : i32 to index
      %parallel_loop3A_413 = tpu.vector_load %arg6[%parallel_loop3A_411, %parallel_loop3A_412] {strides = array<i32>} : memref<32x1024xf32, #tpu.memory_space<vmem>>, vector<1x16xf32>,
      %parallel_loop3A_414 = vector.shape_cast %parallel_loop3A_413 : vector<1x16xf32> to vector<16xf32>
      %parallel_loop3A_415 = arith.addf %parallel_loop3A_409, %parallel_loop3A_414 : vector<16xf32>
      %parallel_loop3A_416 = tpu.bitcast %parallel_loop3A_414 : vector<16xf32> -> vector<16xi32>
      %parallel_loop3A_417 = arith.andi %parallel_loop3A_416, %broadcast_in_dim3A : vector<16xi32>
      %parallel_loop3A_418 = tpu.bitcast %parallel_loop3A_417 : vector<16xi32> -> vector<16xf32>
      %parallel_loop3A_419 = arith.addf %parallel_loop3A_409, %parallel_loop3A_418 : vector<16xf32>
      %parallel_loop3A_420 = arith.constant 1 : i32
      %parallel_loop3A_421 = arith.index_cast %parallel_loop3A_420 : i32 to index
      %parallel_loop3A_422 = arith.index_cast %parallel_loop3A_407 : i32 to index
      %parallel_loop3A_423 = tpu.vector_load %arg6[%parallel_loop3A_421, %parallel_loop3A_422] {strides = array<i32>} : memref<32x1024xf32, #tpu.memory_space<vmem>>, vector<1x16xf32>,
      %parallel_loop3A_424 = vector.shape_cast %parallel_loop3A_423 : vector<1x16xf32> to vector<16xf32>
      %parallel_loop3A_425 = arith.addf %parallel_loop3A_409, %parallel_loop3A_424 : vector<16xf32>
      %parallel_loop3A_426 = tpu.bitcast %parallel_loop3A_424 : vector<16xf32> -> vector<16xi32>
      %parallel_loop3A_427 = arith.andi %parallel_loop3A_426, %broadcast_in_dim3A_43 : vector<16xi32>
      %parallel_loop3A_428 = tpu.bitcast %parallel_loop3A_427 : vector<16xi32> -> vector<16xf32>
      %parallel_loop3A_429 = arith.addf %parallel_loop3A_409, %parallel_loop3A_428 : vector<16xf32>
      %parallel_loop3A_430 = arith.constant 2 : i32
      %parallel_loop3A_431 = arith.index_cast %parallel_loop3A_430 : i32 to index
      %parallel_loop3A_432 = arith.index_cast %parallel_loop3A_407 : i32 to index
      %parallel_loop3A_433 = tpu.vector_load %arg6[%parallel_loop3A_431, %parallel_loop3A_432] {strides = array<i32>} : memref<32x1024xf32, #tpu.memory_space<vmem>>, vector<1x16xf32>,
      %parallel_loop3A_434 = vector.shape_cast %parallel_loop3A_433 : vector<1x16xf32> to vector<16xf32>
      %parallel_loop3A_435 = arith.addf %parallel_loop3A_409, %parallel_loop3A_434 : vector<16xf32>
      %parallel_loop3A_436 = tpu.bitcast %parallel_loop3A_434 : vector<16xf32> -> vector<16xi32>
      %parallel_loop3A_437 = arith.andi %parallel_loop3A_436, %broadcast_in_dim3A_48 : vector<16xi32>
      %parallel_loop3A_438 = tpu.bitcast %parallel_loop3A_437 : vector<16xi32> -> vector<16xf32>
      %parallel_loop3A_439 = arith.addf %parallel_loop3A_419, %parallel_loop3A_438 : vector<16xf32>
      %parallel_loop3A_440 = arith.constant 3 : i32
      %parallel_loop3A_441 = arith.index_cast %parallel_loop3A_440 : i32 to index
      %parallel_loop3A_442 = arith.index_cast %parallel_loop3A_407 : i32 to index
      %parallel_loop3A_443 = tpu.vector_load %arg6[%parallel_loop3A_441, %parallel_loop3A_442] {strides = array<i32>} : memref<32x1024xf32, #tpu.memory_space<vmem>>, vector<1x16xf32>,
      %parallel_loop3A_444 = vector.shape_cast %parallel_loop3A_443 : vector<1x16xf32> to vector<16xf32>
      %parallel_loop3A_445 = arith.addf %parallel_loop3A_409, %parallel_loop3A_444 : vector<16xf32>
      %parallel_loop3A_446 = tpu.bitcast %parallel_loop3A_444 : vector<16xf32> -> vector<16xi32>
      %parallel_loop3A_447 = arith.andi %parallel_loop3A_446, %broadcast_in_dim3A_53 : vector<16xi32>
      %parallel_loop3A_448 = tpu.bitcast %parallel_loop3A_447 : vector<16xi32> -> vector<16xf32>
      %parallel_loop3A_449 = arith.addf %parallel_loop3A_429, %parallel_loop3A_448 : vector<16xf32>
      %parallel_loop3A_450 = arith.constant 4 : i32
      %parallel_loop3A_451 = arith.index_cast %parallel_loop3A_450 : i32 to index
      %parallel_loop3A_452 = arith.index_cast %parallel_loop3A_407 : i32 to index
      %parallel_loop3A_453 = tpu.vector_load %arg6[%parallel_loop3A_451, %parallel_loop3A_452] {strides = array<i32>} : memref<32x1024xf32, #tpu.memory_space<vmem>>, vector<1x16xf32>,
      %parallel_loop3A_454 = vector.shape_cast %parallel_loop3A_453 : vector<1x16xf32> to vector<16xf32>
      %parallel_loop3A_455 = arith.addf %parallel_loop3A_415, %parallel_loop3A_454 : vector<16xf32>
      %parallel_loop3A_456 = tpu.bitcast %parallel_loop3A_454 : vector<16xf32> -> vector<16xi32>
      %parallel_loop3A_457 = arith.andi %parallel_loop3A_456, %broadcast_in_dim3A_58 : vector<16xi32>
      %parallel_loop3A_458 = tpu.bitcast %parallel_loop3A_457 : vector<16xi32> -> vector<16xf32>
      %parallel_loop3A_459 = arith.addf %parallel_loop3A_439, %parallel_loop3A_458 : vector<16xf32>
      %parallel_loop3A_460 = arith.constant 5 : i32
      %parallel_loop3A_461 = arith.index_cast %parallel_loop3A_460 : i32 to index
      %parallel_loop3A_462 = arith.index_cast %parallel_loop3A_407 : i32 to index
      %parallel_loop3A_463 = tpu.vector_load %arg6[%parallel_loop3A_461, %parallel_loop3A_462] {strides = array<i32>} : memref<32x1024xf32, #tpu.memory_space<vmem>>, vector<1x16xf32>,
      %parallel_loop3A_464 = vector.shape_cast %parallel_loop3A_463 : vector<1x16xf32> to vector<16xf32>
      %parallel_loop3A_465 = arith.addf %parallel_loop3A_425, %parallel_loop3A_464 : vector<16xf32>
      %parallel_loop3A_466 = tpu.bitcast %parallel_loop3A_464 : vector<16xf32> -> vector<16xi32>
      %parallel_loop3A_467 = arith.andi %parallel_loop3A_466, %broadcast_in_dim3A_63 : vector<16xi32>
      %parallel_loop3A_468 = tpu.bitcast %parallel_loop3A_467 : vector<16xi32> -> vector<16xf32>
      %parallel_loop3A_469 = arith.addf %parallel_loop3A_449, %parallel_loop3A_468 : vector<16xf32>
      %parallel_loop3A_470 = arith.constant 6 : i32
      %parallel_loop3A_471 = arith.index_cast %parallel_loop3A_470 : i32 to index
      %parallel_loop3A_472 = arith.index_cast %parallel_loop3A_407 : i32 to index
      %parallel_loop3A_473 = tpu.vector_load %arg6[%parallel_loop3A_471, %parallel_loop3A_472] {strides = array<i32>} : memref<32x1024xf32, #tpu.memory_space<vmem>>, vector<1x16xf32>,
      %parallel_loop3A_474 = vector.shape_cast %parallel_loop3A_473 : vector<1x16xf32> to vector<16xf32>
      %parallel_loop3A_475 = arith.addf %parallel_loop3A_435, %parallel_loop3A_474 : vector<16xf32>
      %parallel_loop3A_476 = tpu.bitcast %parallel_loop3A_474 : vector<16xf32> -> vector<16xi32>
      %parallel_loop3A_477 = arith.andi %parallel_loop3A_476, %broadcast_in_dim3A_68 : vector<16xi32>
      %parallel_loop3A_478 = tpu.bitcast %parallel_loop3A_477 : vector<16xi32> -> vector<16xf32>
      %parallel_loop3A_479 = arith.addf %parallel_loop3A_459, %parallel_loop3A_478 : vector<16xf32>
      %parallel_loop3A_480 = arith.constant 7 : i32
      %parallel_loop3A_481 = arith.index_cast %parallel_loop3A_480 : i32 to index
      %parallel_loop3A_482 = arith.index_cast %parallel_loop3A_407 : i32 to index
      %parallel_loop3A_483 = tpu.vector_load %arg6[%parallel_loop3A_481, %parallel_loop3A_482] {strides = array<i32>} : memref<32x1024xf32, #tpu.memory_space<vmem>>, vector<1x16xf32>,
      %parallel_loop3A_484 = vector.shape_cast %parallel_loop3A_483 : vector<1x16xf32> to vector<16xf32>
      %parallel_loop3A_485 = arith.addf %parallel_loop3A_445, %parallel_loop3A_484 : vector<16xf32>
      %parallel_loop3A_486 = tpu.bitcast %parallel_loop3A_484 : vector<16xf32> -> vector<16xi32>
      %parallel_loop3A_487 = arith.andi %parallel_loop3A_486, %broadcast_in_dim3A_73 : vector<16xi32>
      %parallel_loop3A_488 = tpu.bitcast %parallel_loop3A_487 : vector<16xi32> -> vector<16xf32>
      %parallel_loop3A_489 = arith.addf %parallel_loop3A_469, %parallel_loop3A_488 : vector<16xf32>
      %parallel_loop3A_490 = arith.constant 8 : i32
      %parallel_loop3A_491 = arith.index_cast %parallel_loop3A_490 : i32 to index
      %parallel_loop3A_492 = arith.index_cast %parallel_loop3A_407 : i32 to index
      %parallel_loop3A_493 = tpu.vector_load %arg6[%parallel_loop3A_491, %parallel_loop3A_492] {strides = array<i32>} : memref<32x1024xf32, #tpu.memory_space<vmem>>, vector<1x16xf32>,
      %parallel_loop3A_494 = vector.shape_cast %parallel_loop3A_493 : vector<1x16xf32> to vector<16xf32>
      %parallel_loop3A_495 = arith.addf %parallel_loop3A_455, %parallel_loop3A_494 : vector<16xf32>
      %parallel_loop3A_496 = tpu.bitcast %parallel_loop3A_494 : vector<16xf32> -> vector<16xi32>
      %parallel_loop3A_497 = arith.andi %parallel_loop3A_496, %broadcast_in_dim3A_78 : vector<16xi32>
      %parallel_loop3A_498 = tpu.bitcast %parallel_loop3A_497 : vector<16xi32> -> vector<16xf32>
      %parallel_loop3A_499 = arith.addf %parallel_loop3A_479, %parallel_loop3A_498 : vector<16xf32>
      %parallel_loop3A_500 = arith.constant 9 : i32
      %parallel_loop3A_501 = arith.index_cast %parallel_loop3A_500 : i32 to index
      %parallel_loop3A_502 = arith.index_cast %parallel_loop3A_407 : i32 to index
      %parallel_loop3A_503 = tpu.vector_load %arg6[%parallel_loop3A_501, %parallel_loop3A_502] {strides = array<i32>} : memref<32x1024xf32, #tpu.memory_space<vmem>>, vector<1x16xf32>,
      %parallel_loop3A_504 = vector.shape_cast %parallel_loop3A_503 : vector<1x16xf32> to vector<16xf32>
      %parallel_loop3A_505 = arith.addf %parallel_loop3A_465, %parallel_loop3A_504 : vector<16xf32>
      %parallel_loop3A_506 = tpu.bitcast %parallel_loop3A_504 : vector<16xf32> -> vector<16xi32>
      %parallel_loop3A_507 = arith.andi %parallel_loop3A_506, %broadcast_in_dim3A_83 : vector<16xi32>
      %parallel_loop3A_508 = tpu.bitcast %parallel_loop3A_507 : vector<16xi32> -> vector<16xf32>
      %parallel_loop3A_509 = arith.addf %parallel_loop3A_489, %parallel_loop3A_508 : vector<16xf32>
      %parallel_loop3A_510 = arith.constant 10 : i32
      %parallel_loop3A_511 = arith.index_cast %parallel_loop3A_510 : i32 to index
      %parallel_loop3A_512 = arith.index_cast %parallel_loop3A_407 : i32 to index
      %parallel_loop3A_513 = tpu.vector_load %arg6[%parallel_loop3A_511, %parallel_loop3A_512] {strides = array<i32>} : memref<32x1024xf32, #tpu.memory_space<vmem>>, vector<1x16xf32>,
      %parallel_loop3A_514 = vector.shape_cast %parallel_loop3A_513 : vector<1x16xf32> to vector<16xf32>
      %parallel_loop3A_515 = arith.addf %parallel_loop3A_475, %parallel_loop3A_514 : vector<16xf32>
      %parallel_loop3A_516 = tpu.bitcast %parallel_loop3A_514 : vector<16xf32> -> vector<16xi32>
      %parallel_loop3A_517 = arith.andi %parallel_loop3A_516, %broadcast_in_dim3A_88 : vector<16xi32>
      %parallel_loop3A_518 = tpu.bitcast %parallel_loop3A_517 : vector<16xi32> -> vector<16xf32>
      %parallel_loop3A_519 = arith.addf %parallel_loop3A_499, %parallel_loop3A_518 : vector<16xf32>
      %parallel_loop3A_520 = arith.constant 11 : i32
      %parallel_loop3A_521 = arith.index_cast %parallel_loop3A_520 : i32 to index
      %parallel_loop3A_522 = arith.index_cast %parallel_loop3A_407 : i32 to index
      %parallel_loop3A_523 = tpu.vector_load %arg6[%parallel_loop3A_521, %parallel_loop3A_522] {strides = array<i32>} : memref<32x1024xf32, #tpu.memory_space<vmem>>, vector<1x16xf32>,
      %parallel_loop3A_524 = vector.shape_cast %parallel_loop3A_523 : vector<1x16xf32> to vector<16xf32>
      %parallel_loop3A_525 = arith.addf %parallel_loop3A_485, %parallel_loop3A_524 : vector<16xf32>
      %parallel_loop3A_526 = tpu.bitcast %parallel_loop3A_524 : vector<16xf32> -> vector<16xi32>
      %parallel_loop3A_527 = arith.andi %parallel_loop3A_526, %broadcast_in_dim3A_93 : vector<16xi32>
      %parallel_loop3A_528 = tpu.bitcast %parallel_loop3A_527 : vector<16xi32> -> vector<16xf32>
      %parallel_loop3A_529 = arith.addf %parallel_loop3A_509, %parallel_loop3A_528 : vector<16xf32>
      %parallel_loop3A_530 = arith.constant 12 : i32
      %parallel_loop3A_531 = arith.index_cast %parallel_loop3A_530 : i32 to index
      %parallel_loop3A_532 = arith.index_cast %parallel_loop3A_407 : i32 to index
      %parallel_loop3A_533 = tpu.vector_load %arg6[%parallel_loop3A_531, %parallel_loop3A_532] {strides = array<i32>} : memref<32x1024xf32, #tpu.memory_space<vmem>>, vector<1x16xf32>,
      %parallel_loop3A_534 = vector.shape_cast %parallel_loop3A_533 : vector<1x16xf32> to vector<16xf32>
      %parallel_loop3A_535 = arith.addf %parallel_loop3A_495, %parallel_loop3A_534 : vector<16xf32>
      %parallel_loop3A_536 = tpu.bitcast %parallel_loop3A_534 : vector<16xf32> -> vector<16xi32>
      %parallel_loop3A_537 = arith.andi %parallel_loop3A_536, %broadcast_in_dim3A_98 : vector<16xi32>
      %parallel_loop3A_538 = tpu.bitcast %parallel_loop3A_537 : vector<16xi32> -> vector<16xf32>
      %parallel_loop3A_539 = arith.addf %parallel_loop3A_519, %parallel_loop3A_538 : vector<16xf32>
      %parallel_loop3A_540 = arith.constant 13 : i32
      %parallel_loop3A_541 = arith.index_cast %parallel_loop3A_540 : i32 to index
      %parallel_loop3A_542 = arith.index_cast %parallel_loop3A_407 : i32 to index
      %parallel_loop3A_543 = tpu.vector_load %arg6[%parallel_loop3A_541, %parallel_loop3A_542] {strides = array<i32>} : memref<32x1024xf32, #tpu.memory_space<vmem>>, vector<1x16xf32>,
      %parallel_loop3A_544 = vector.shape_cast %parallel_loop3A_543 : vector<1x16xf32> to vector<16xf32>
      %parallel_loop3A_545 = arith.addf %parallel_loop3A_505, %parallel_loop3A_544 : vector<16xf32>
      %parallel_loop3A_546 = tpu.bitcast %parallel_loop3A_544 : vector<16xf32> -> vector<16xi32>
      %parallel_loop3A_547 = arith.andi %parallel_loop3A_546, %broadcast_in_dim3A_103 : vector<16xi32>
      %parallel_loop3A_548 = tpu.bitcast %parallel_loop3A_547 : vector<16xi32> -> vector<16xf32>
      %parallel_loop3A_549 = arith.addf %parallel_loop3A_529, %parallel_loop3A_548 : vector<16xf32>
      %parallel_loop3A_550 = arith.constant 14 : i32
      %parallel_loop3A_551 = arith.index_cast %parallel_loop3A_550 : i32 to index
      %parallel_loop3A_552 = arith.index_cast %parallel_loop3A_407 : i32 to index
      %parallel_loop3A_553 = tpu.vector_load %arg6[%parallel_loop3A_551, %parallel_loop3A_552] {strides = array<i32>} : memref<32x1024xf32, #tpu.memory_space<vmem>>, vector<1x16xf32>,
      %parallel_loop3A_554 = vector.shape_cast %parallel_loop3A_553 : vector<1x16xf32> to vector<16xf32>
      %parallel_loop3A_555 = arith.addf %parallel_loop3A_515, %parallel_loop3A_554 : vector<16xf32>
      %parallel_loop3A_556 = tpu.bitcast %parallel_loop3A_554 : vector<16xf32> -> vector<16xi32>
      %parallel_loop3A_557 = arith.andi %parallel_loop3A_556, %broadcast_in_dim3A_108 : vector<16xi32>
      %parallel_loop3A_558 = tpu.bitcast %parallel_loop3A_557 : vector<16xi32> -> vector<16xf32>
      %parallel_loop3A_559 = arith.addf %parallel_loop3A_539, %parallel_loop3A_558 : vector<16xf32>
      %parallel_loop3A_560 = arith.constant 15 : i32
      %parallel_loop3A_561 = arith.index_cast %parallel_loop3A_560 : i32 to index
      %parallel_loop3A_562 = arith.index_cast %parallel_loop3A_407 : i32 to index
      %parallel_loop3A_563 = tpu.vector_load %arg6[%parallel_loop3A_561, %parallel_loop3A_562] {strides = array<i32>} : memref<32x1024xf32, #tpu.memory_space<vmem>>, vector<1x16xf32>,
      %parallel_loop3A_564 = vector.shape_cast %parallel_loop3A_563 : vector<1x16xf32> to vector<16xf32>
      %parallel_loop3A_565 = arith.addf %parallel_loop3A_525, %parallel_loop3A_564 : vector<16xf32>
      %parallel_loop3A_566 = tpu.bitcast %parallel_loop3A_564 : vector<16xf32> -> vector<16xi32>
      %parallel_loop3A_567 = arith.andi %parallel_loop3A_566, %broadcast_in_dim3A_113 : vector<16xi32>
      %parallel_loop3A_568 = tpu.bitcast %parallel_loop3A_567 : vector<16xi32> -> vector<16xf32>
      %parallel_loop3A_569 = arith.addf %parallel_loop3A_549, %parallel_loop3A_568 : vector<16xf32>
      %parallel_loop3A_570 = arith.constant 16 : i32
      %parallel_loop3A_571 = arith.index_cast %parallel_loop3A_570 : i32 to index
      %parallel_loop3A_572 = arith.index_cast %parallel_loop3A_407 : i32 to index
      %parallel_loop3A_573 = tpu.vector_load %arg6[%parallel_loop3A_571, %parallel_loop3A_572] {strides = array<i32>} : memref<32x1024xf32, #tpu.memory_space<vmem>>, vector<1x16xf32>,
      %parallel_loop3A_574 = vector.shape_cast %parallel_loop3A_573 : vector<1x16xf32> to vector<16xf32>
      %parallel_loop3A_575 = arith.addf %parallel_loop3A_535, %parallel_loop3A_574 : vector<16xf32>
      %parallel_loop3A_576 = tpu.bitcast %parallel_loop3A_574 : vector<16xf32> -> vector<16xi32>
      %parallel_loop3A_577 = arith.andi %parallel_loop3A_576, %broadcast_in_dim3A_118 : vector<16xi32>
      %parallel_loop3A_578 = tpu.bitcast %parallel_loop3A_577 : vector<16xi32> -> vector<16xf32>
      %parallel_loop3A_579 = arith.addf %parallel_loop3A_559, %parallel_loop3A_578 : vector<16xf32>
      %parallel_loop3A_580 = arith.constant 17 : i32
      %parallel_loop3A_581 = arith.index_cast %parallel_loop3A_580 : i32 to index
      %parallel_loop3A_582 = arith.index_cast %parallel_loop3A_407 : i32 to index
      %parallel_loop3A_583 = tpu.vector_load %arg6[%parallel_loop3A_581, %parallel_loop3A_582] {strides = array<i32>} : memref<32x1024xf32, #tpu.memory_space<vmem>>, vector<1x16xf32>,
      %parallel_loop3A_584 = vector.shape_cast %parallel_loop3A_583 : vector<1x16xf32> to vector<16xf32>
      %parallel_loop3A_585 = arith.addf %parallel_loop3A_545, %parallel_loop3A_584 : vector<16xf32>
      %parallel_loop3A_586 = tpu.bitcast %parallel_loop3A_584 : vector<16xf32> -> vector<16xi32>
      %parallel_loop3A_587 = arith.andi %parallel_loop3A_586, %broadcast_in_dim3A_123 : vector<16xi32>
      %parallel_loop3A_588 = tpu.bitcast %parallel_loop3A_587 : vector<16xi32> -> vector<16xf32>
      %parallel_loop3A_589 = arith.addf %parallel_loop3A_569, %parallel_loop3A_588 : vector<16xf32>
      %parallel_loop3A_590 = arith.constant 18 : i32
      %parallel_loop3A_591 = arith.index_cast %parallel_loop3A_590 : i32 to index
      %parallel_loop3A_592 = arith.index_cast %parallel_loop3A_407 : i32 to index
      %parallel_loop3A_593 = tpu.vector_load %arg6[%parallel_loop3A_591, %parallel_loop3A_592] {strides = array<i32>} : memref<32x1024xf32, #tpu.memory_space<vmem>>, vector<1x16xf32>,
      %parallel_loop3A_594 = vector.shape_cast %parallel_loop3A_593 : vector<1x16xf32> to vector<16xf32>
      %parallel_loop3A_595 = arith.addf %parallel_loop3A_555, %parallel_loop3A_594 : vector<16xf32>
      %parallel_loop3A_596 = tpu.bitcast %parallel_loop3A_594 : vector<16xf32> -> vector<16xi32>
      %parallel_loop3A_597 = arith.andi %parallel_loop3A_596, %broadcast_in_dim3A_128 : vector<16xi32>
      %parallel_loop3A_598 = tpu.bitcast %parallel_loop3A_597 : vector<16xi32> -> vector<16xf32>
      %parallel_loop3A_599 = arith.addf %parallel_loop3A_579, %parallel_loop3A_598 : vector<16xf32>
      %parallel_loop3A_600 = arith.constant 19 : i32
      %parallel_loop3A_601 = arith.index_cast %parallel_loop3A_600 : i32 to index
      %parallel_loop3A_602 = arith.index_cast %parallel_loop3A_407 : i32 to index
      %parallel_loop3A_603 = tpu.vector_load %arg6[%parallel_loop3A_601, %parallel_loop3A_602] {strides = array<i32>} : memref<32x1024xf32, #tpu.memory_space<vmem>>, vector<1x16xf32>,
      %parallel_loop3A_604 = vector.shape_cast %parallel_loop3A_603 : vector<1x16xf32> to vector<16xf32>
      %parallel_loop3A_605 = arith.addf %parallel_loop3A_565, %parallel_loop3A_604 : vector<16xf32>
      %parallel_loop3A_606 = tpu.bitcast %parallel_loop3A_604 : vector<16xf32> -> vector<16xi32>
      %parallel_loop3A_607 = arith.andi %parallel_loop3A_606, %broadcast_in_dim3A_133 : vector<16xi32>
      %parallel_loop3A_608 = tpu.bitcast %parallel_loop3A_607 : vector<16xi32> -> vector<16xf32>
      %parallel_loop3A_609 = arith.addf %parallel_loop3A_589, %parallel_loop3A_608 : vector<16xf32>
      %parallel_loop3A_610 = arith.constant 20 : i32
      %parallel_loop3A_611 = arith.index_cast %parallel_loop3A_610 : i32 to index
      %parallel_loop3A_612 = arith.index_cast %parallel_loop3A_407 : i32 to index
      %parallel_loop3A_613 = tpu.vector_load %arg6[%parallel_loop3A_611, %parallel_loop3A_612] {strides = array<i32>} : memref<32x1024xf32, #tpu.memory_space<vmem>>, vector<1x16xf32>,
      %parallel_loop3A_614 = vector.shape_cast %parallel_loop3A_613 : vector<1x16xf32> to vector<16xf32>
      %parallel_loop3A_615 = arith.addf %parallel_loop3A_575, %parallel_loop3A_614 : vector<16xf32>
      %parallel_loop3A_616 = tpu.bitcast %parallel_loop3A_614 : vector<16xf32> -> vector<16xi32>
      %parallel_loop3A_617 = arith.andi %parallel_loop3A_616, %broadcast_in_dim3A_138 : vector<16xi32>
      %parallel_loop3A_618 = tpu.bitcast %parallel_loop3A_617 : vector<16xi32> -> vector<16xf32>
      %parallel_loop3A_619 = arith.addf %parallel_loop3A_599, %parallel_loop3A_618 : vector<16xf32>
      %parallel_loop3A_620 = arith.constant 21 : i32
      %parallel_loop3A_621 = arith.index_cast %parallel_loop3A_620 : i32 to index
      %parallel_loop3A_622 = arith.index_cast %parallel_loop3A_407 : i32 to index
      %parallel_loop3A_623 = tpu.vector_load %arg6[%parallel_loop3A_621, %parallel_loop3A_622] {strides = array<i32>} : memref<32x1024xf32, #tpu.memory_space<vmem>>, vector<1x16xf32>,
      %parallel_loop3A_624 = vector.shape_cast %parallel_loop3A_623 : vector<1x16xf32> to vector<16xf32>
      %parallel_loop3A_625 = arith.addf %parallel_loop3A_585, %parallel_loop3A_624 : vector<16xf32>
      %parallel_loop3A_626 = tpu.bitcast %parallel_loop3A_624 : vector<16xf32> -> vector<16xi32>
      %parallel_loop3A_627 = arith.andi %parallel_loop3A_626, %broadcast_in_dim3A_143 : vector<16xi32>
      %parallel_loop3A_628 = tpu.bitcast %parallel_loop3A_627 : vector<16xi32> -> vector<16xf32>
      %parallel_loop3A_629 = arith.addf %parallel_loop3A_609, %parallel_loop3A_628 : vector<16xf32>
      %parallel_loop3A_630 = arith.constant 22 : i32
      %parallel_loop3A_631 = arith.index_cast %parallel_loop3A_630 : i32 to index
      %parallel_loop3A_632 = arith.index_cast %parallel_loop3A_407 : i32 to index
      %parallel_loop3A_633 = tpu.vector_load %arg6[%parallel_loop3A_631, %parallel_loop3A_632] {strides = array<i32>} : memref<32x1024xf32, #tpu.memory_space<vmem>>, vector<1x16xf32>,
      %parallel_loop3A_634 = vector.shape_cast %parallel_loop3A_633 : vector<1x16xf32> to vector<16xf32>
      %parallel_loop3A_635 = arith.addf %parallel_loop3A_595, %parallel_loop3A_634 : vector<16xf32>
      %parallel_loop3A_636 = tpu.bitcast %parallel_loop3A_634 : vector<16xf32> -> vector<16xi32>
      %parallel_loop3A_637 = arith.andi %parallel_loop3A_636, %broadcast_in_dim3A_148 : vector<16xi32>
      %parallel_loop3A_638 = tpu.bitcast %parallel_loop3A_637 : vector<16xi32> -> vector<16xf32>
      %parallel_loop3A_639 = arith.addf %parallel_loop3A_619, %parallel_loop3A_638 : vector<16xf32>
      %parallel_loop3A_640 = arith.constant 23 : i32
      %parallel_loop3A_641 = arith.index_cast %parallel_loop3A_640 : i32 to index
      %parallel_loop3A_642 = arith.index_cast %parallel_loop3A_407 : i32 to index
      %parallel_loop3A_643 = tpu.vector_load %arg6[%parallel_loop3A_641, %parallel_loop3A_642] {strides = array<i32>} : memref<32x1024xf32, #tpu.memory_space<vmem>>, vector<1x16xf32>,
      %parallel_loop3A_644 = vector.shape_cast %parallel_loop3A_643 : vector<1x16xf32> to vector<16xf32>
      %parallel_loop3A_645 = arith.addf %parallel_loop3A_605, %parallel_loop3A_644 : vector<16xf32>
      %parallel_loop3A_646 = tpu.bitcast %parallel_loop3A_644 : vector<16xf32> -> vector<16xi32>
      %parallel_loop3A_647 = arith.andi %parallel_loop3A_646, %broadcast_in_dim3A_153 : vector<16xi32>
      %parallel_loop3A_648 = tpu.bitcast %parallel_loop3A_647 : vector<16xi32> -> vector<16xf32>
      %parallel_loop3A_649 = arith.addf %parallel_loop3A_629, %parallel_loop3A_648 : vector<16xf32>
      %parallel_loop3A_650 = arith.constant 24 : i32
      %parallel_loop3A_651 = arith.index_cast %parallel_loop3A_650 : i32 to index
      %parallel_loop3A_652 = arith.index_cast %parallel_loop3A_407 : i32 to index
      %parallel_loop3A_653 = tpu.vector_load %arg6[%parallel_loop3A_651, %parallel_loop3A_652] {strides = array<i32>} : memref<32x1024xf32, #tpu.memory_space<vmem>>, vector<1x16xf32>,
      %parallel_loop3A_654 = vector.shape_cast %parallel_loop3A_653 : vector<1x16xf32> to vector<16xf32>
      %parallel_loop3A_655 = arith.addf %parallel_loop3A_615, %parallel_loop3A_654 : vector<16xf32>
      %parallel_loop3A_656 = tpu.bitcast %parallel_loop3A_654 : vector<16xf32> -> vector<16xi32>
      %parallel_loop3A_657 = arith.andi %parallel_loop3A_656, %broadcast_in_dim3A_158 : vector<16xi32>
      %parallel_loop3A_658 = tpu.bitcast %parallel_loop3A_657 : vector<16xi32> -> vector<16xf32>
      %parallel_loop3A_659 = arith.addf %parallel_loop3A_639, %parallel_loop3A_658 : vector<16xf32>
      %parallel_loop3A_660 = arith.constant 25 : i32
      %parallel_loop3A_661 = arith.index_cast %parallel_loop3A_660 : i32 to index
      %parallel_loop3A_662 = arith.index_cast %parallel_loop3A_407 : i32 to index
      %parallel_loop3A_663 = tpu.vector_load %arg6[%parallel_loop3A_661, %parallel_loop3A_662] {strides = array<i32>} : memref<32x1024xf32, #tpu.memory_space<vmem>>, vector<1x16xf32>,
      %parallel_loop3A_664 = vector.shape_cast %parallel_loop3A_663 : vector<1x16xf32> to vector<16xf32>
      %parallel_loop3A_665 = arith.addf %parallel_loop3A_625, %parallel_loop3A_664 : vector<16xf32>
      %parallel_loop3A_666 = tpu.bitcast %parallel_loop3A_664 : vector<16xf32> -> vector<16xi32>
      %parallel_loop3A_667 = arith.andi %parallel_loop3A_666, %broadcast_in_dim3A_163 : vector<16xi32>
      %parallel_loop3A_668 = tpu.bitcast %parallel_loop3A_667 : vector<16xi32> -> vector<16xf32>
      %parallel_loop3A_669 = arith.addf %parallel_loop3A_649, %parallel_loop3A_668 : vector<16xf32>
      %parallel_loop3A_670 = arith.constant 26 : i32
      %parallel_loop3A_671 = arith.index_cast %parallel_loop3A_670 : i32 to index
      %parallel_loop3A_672 = arith.index_cast %parallel_loop3A_407 : i32 to index
      %parallel_loop3A_673 = tpu.vector_load %arg6[%parallel_loop3A_671, %parallel_loop3A_672] {strides = array<i32>} : memref<32x1024xf32, #tpu.memory_space<vmem>>, vector<1x16xf32>,
      %parallel_loop3A_674 = vector.shape_cast %parallel_loop3A_673 : vector<1x16xf32> to vector<16xf32>
      %parallel_loop3A_675 = arith.addf %parallel_loop3A_635, %parallel_loop3A_674 : vector<16xf32>
      %parallel_loop3A_676 = tpu.bitcast %parallel_loop3A_674 : vector<16xf32> -> vector<16xi32>
      %parallel_loop3A_677 = arith.andi %parallel_loop3A_676, %broadcast_in_dim3A_168 : vector<16xi32>
      %parallel_loop3A_678 = tpu.bitcast %parallel_loop3A_677 : vector<16xi32> -> vector<16xf32>
      %parallel_loop3A_679 = arith.addf %parallel_loop3A_659, %parallel_loop3A_678 : vector<16xf32>
      %parallel_loop3A_680 = arith.constant 27 : i32
      %parallel_loop3A_681 = arith.index_cast %parallel_loop3A_680 : i32 to index
      %parallel_loop3A_682 = arith.index_cast %parallel_loop3A_407 : i32 to index
      %parallel_loop3A_683 = tpu.vector_load %arg6[%parallel_loop3A_681, %parallel_loop3A_682] {strides = array<i32>} : memref<32x1024xf32, #tpu.memory_space<vmem>>, vector<1x16xf32>,
      %parallel_loop3A_684 = vector.shape_cast %parallel_loop3A_683 : vector<1x16xf32> to vector<16xf32>
      %parallel_loop3A_685 = arith.addf %parallel_loop3A_645, %parallel_loop3A_684 : vector<16xf32>
      %parallel_loop3A_686 = tpu.bitcast %parallel_loop3A_684 : vector<16xf32> -> vector<16xi32>
      %parallel_loop3A_687 = arith.andi %parallel_loop3A_686, %broadcast_in_dim3A_173 : vector<16xi32>
      %parallel_loop3A_688 = tpu.bitcast %parallel_loop3A_687 : vector<16xi32> -> vector<16xf32>
      %parallel_loop3A_689 = arith.addf %parallel_loop3A_669, %parallel_loop3A_688 : vector<16xf32>
      %parallel_loop3A_690 = arith.constant 28 : i32
      %parallel_loop3A_691 = arith.index_cast %parallel_loop3A_690 : i32 to index
      %parallel_loop3A_692 = arith.index_cast %parallel_loop3A_407 : i32 to index
      %parallel_loop3A_693 = tpu.vector_load %arg6[%parallel_loop3A_691, %parallel_loop3A_692] {strides = array<i32>} : memref<32x1024xf32, #tpu.memory_space<vmem>>, vector<1x16xf32>,
      %parallel_loop3A_694 = vector.shape_cast %parallel_loop3A_693 : vector<1x16xf32> to vector<16xf32>
      %parallel_loop3A_695 = arith.addf %parallel_loop3A_655, %parallel_loop3A_694 : vector<16xf32>
      %parallel_loop3A_696 = tpu.bitcast %parallel_loop3A_694 : vector<16xf32> -> vector<16xi32>
      %parallel_loop3A_697 = arith.andi %parallel_loop3A_696, %broadcast_in_dim3A_178 : vector<16xi32>
      %parallel_loop3A_698 = tpu.bitcast %parallel_loop3A_697 : vector<16xi32> -> vector<16xf32>
      %parallel_loop3A_699 = arith.addf %parallel_loop3A_679, %parallel_loop3A_698 : vector<16xf32>
      %parallel_loop3A_700 = arith.constant 29 : i32
      %parallel_loop3A_701 = arith.index_cast %parallel_loop3A_700 : i32 to index
      %parallel_loop3A_702 = arith.index_cast %parallel_loop3A_407 : i32 to index
      %parallel_loop3A_703 = tpu.vector_load %arg6[%parallel_loop3A_701, %parallel_loop3A_702] {strides = array<i32>} : memref<32x1024xf32, #tpu.memory_space<vmem>>, vector<1x16xf32>,
      %parallel_loop3A_704 = vector.shape_cast %parallel_loop3A_703 : vector<1x16xf32> to vector<16xf32>
      %parallel_loop3A_705 = arith.addf %parallel_loop3A_665, %parallel_loop3A_704 : vector<16xf32>
      %parallel_loop3A_706 = tpu.bitcast %parallel_loop3A_704 : vector<16xf32> -> vector<16xi32>
      %parallel_loop3A_707 = arith.andi %parallel_loop3A_706, %broadcast_in_dim3A_183 : vector<16xi32>
      %parallel_loop3A_708 = tpu.bitcast %parallel_loop3A_707 : vector<16xi32> -> vector<16xf32>
      %parallel_loop3A_709 = arith.addf %parallel_loop3A_689, %parallel_loop3A_708 : vector<16xf32>
      %parallel_loop3A_710 = arith.constant 30 : i32
      %parallel_loop3A_711 = arith.index_cast %parallel_loop3A_710 : i32 to index
      %parallel_loop3A_712 = arith.index_cast %parallel_loop3A_407 : i32 to index
      %parallel_loop3A_713 = tpu.vector_load %arg6[%parallel_loop3A_711, %parallel_loop3A_712] {strides = array<i32>} : memref<32x1024xf32, #tpu.memory_space<vmem>>, vector<1x16xf32>,
      %parallel_loop3A_714 = vector.shape_cast %parallel_loop3A_713 : vector<1x16xf32> to vector<16xf32>
      %parallel_loop3A_715 = arith.addf %parallel_loop3A_675, %parallel_loop3A_714 : vector<16xf32>
      %parallel_loop3A_716 = tpu.bitcast %parallel_loop3A_714 : vector<16xf32> -> vector<16xi32>
      %parallel_loop3A_717 = arith.andi %parallel_loop3A_716, %broadcast_in_dim3A_188 : vector<16xi32>
      %parallel_loop3A_718 = tpu.bitcast %parallel_loop3A_717 : vector<16xi32> -> vector<16xf32>
      %parallel_loop3A_719 = arith.addf %parallel_loop3A_699, %parallel_loop3A_718 : vector<16xf32>
      %parallel_loop3A_720 = arith.constant 31 : i32
      %parallel_loop3A_721 = arith.index_cast %parallel_loop3A_720 : i32 to index
      %parallel_loop3A_722 = arith.index_cast %parallel_loop3A_407 : i32 to index
      %parallel_loop3A_723 = tpu.vector_load %arg6[%parallel_loop3A_721, %parallel_loop3A_722] {strides = array<i32>} : memref<32x1024xf32, #tpu.memory_space<vmem>>, vector<1x16xf32>,
      %parallel_loop3A_724 = vector.shape_cast %parallel_loop3A_723 : vector<1x16xf32> to vector<16xf32>
      %parallel_loop3A_725 = arith.addf %parallel_loop3A_685, %parallel_loop3A_724 : vector<16xf32>
      %parallel_loop3A_726 = tpu.bitcast %parallel_loop3A_724 : vector<16xf32> -> vector<16xi32>
      %parallel_loop3A_727 = arith.andi %parallel_loop3A_726, %broadcast_in_dim3A_193 : vector<16xi32>
      %parallel_loop3A_728 = tpu.bitcast %parallel_loop3A_727 : vector<16xi32> -> vector<16xf32>
      %parallel_loop3A_729 = arith.addf %parallel_loop3A_709, %parallel_loop3A_728 : vector<16xf32>
      %parallel_loop3A_730 = arith.addf %parallel_loop3A_695, %parallel_loop3A_705 : vector<16xf32>
      %parallel_loop3A_731 = arith.addf %parallel_loop3A_715, %parallel_loop3A_725 : vector<16xf32>
      %parallel_loop3A_732 = arith.addf %parallel_loop3A_730, %parallel_loop3A_731 : vector<16xf32>
      %parallel_loop3A_733 = arith.addf %parallel_loop3A_719, %parallel_loop3A_729 : vector<16xf32>
      %parallel_loop3A_734 = arith.index_cast %parallel_loop3A_407 : i32 to index
      %parallel_loop3A_735 = tpu.vector_load %arg9[%parallel_loop3A_734] {strides = array<i32>} : memref<1024xf32, #tpu.memory_space<vmem>>, vector<16xf32>,
      %parallel_loop3A_736 = vector.shape_cast %parallel_loop3A_735 : vector<16xf32> to vector<16xf32>
      %parallel_loop3A_737 = arith.addf %parallel_loop3A_736, %parallel_loop3A_733 : vector<16xf32>
      %parallel_loop3A_738 = arith.constant 0.000000e+00 : f32
      %parallel_loop3A_739 = vector.broadcast %parallel_loop3A_738 : f32 to vector<16xf32>
      %parallel_loop3A_740 = arith.cmpf ogt, %parallel_loop3A_737, %parallel_loop3A_739 : vector<16xf32>
      %parallel_loop3A_741 = arith.constant 1.000000e+00 : f32
      %parallel_loop3A_742 = arith.constant -1.000000e+00 : f32
      %parallel_loop3A_743 = vector.broadcast %parallel_loop3A_741 : f32 to vector<16xf32>
      %parallel_loop3A_744 = vector.broadcast %parallel_loop3A_742 : f32 to vector<16xf32>
      %parallel_loop3A_745 = arith.select %parallel_loop3A_740, %parallel_loop3A_743, %parallel_loop3A_744 : vector<16xi1>, vector<16xf32>
      %parallel_loop3A_746 = arith.index_cast %and3A_34 : i32 to index
      %parallel_loop3A_747 = arith.index_cast %parallel_loop3A_407 : i32 to index
      %parallel_loop3A_748 = tpu.vector_load %arg10[%parallel_loop3A_746, %parallel_loop3A_747] {strides = array<i32>} : memref<16x1024xf32, #tpu.memory_space<vmem>>, vector<1x16xf32>,
      %parallel_loop3A_749 = vector.shape_cast %parallel_loop3A_748 : vector<1x16xf32> to vector<16xf32>
      %parallel_loop3A_750 = vector.shape_cast %parallel_loop3A_745 : vector<16xf32> to vector<1x16xf32>
      tpu.vector_store %arg10[%parallel_loop3A_746, %parallel_loop3A_747], %parallel_loop3A_750 {strides = array<i32>} : memref<16x1024xf32, #tpu.memory_space<vmem>>, vector<1x16xf32>,
      %parallel_loop3A_751 = tpu.bitcast %parallel_loop3A_736 : vector<16xf32> -> vector<16xi32>
      %parallel_loop3A_752 = arith.constant 0.000000e+00 : f32
      %parallel_loop3A_753 = vector.broadcast %parallel_loop3A_752 : f32 to vector<16xf32>
      %parallel_loop3A_754 = arith.subf %parallel_loop3A_753, %parallel_loop3A_733 : vector<16xf32>
      %parallel_loop3A_755 = tpu.bitcast %parallel_loop3A_754 : vector<16xf32> -> vector<16xi32>
      %parallel_loop3A_756 = arith.xori %parallel_loop3A_751, %parallel_loop3A_755 : vector<16xi32>
      %parallel_loop3A_757 = arith.andi %parallel_loop3A_756, %broadcast_in_dim3A_195 : vector<16xi32>
      %parallel_loop3A_758 = arith.xori %parallel_loop3A_751, %parallel_loop3A_757 : vector<16xi32>
      %parallel_loop3A_759 = tpu.bitcast %parallel_loop3A_758 : vector<16xi32> -> vector<16xf32>
      %parallel_loop3A_760 = arith.addf %parallel_loop3A_732, %parallel_loop3A_759 : vector<16xf32>
      %parallel_loop3A_761 = arith.index_cast %parallel_loop3A_407 : i32 to index
      %parallel_loop3A_762 = tpu.vector_load %arg9[%parallel_loop3A_761] {strides = array<i32>} : memref<1024xf32, #tpu.memory_space<vmem>>, vector<16xf32>,
      %parallel_loop3A_763 = vector.shape_cast %parallel_loop3A_762 : vector<16xf32> to vector<16xf32>
      %parallel_loop3A_764 = vector.shape_cast %parallel_loop3A_760 : vector<16xf32> to vector<16xf32>
      tpu.vector_store %arg9[%parallel_loop3A_761], %parallel_loop3A_764 {strides = array<i32>} : memref<1024xf32, #tpu.memory_space<vmem>>, vector<16xf32>,
    } {sc.loop_unroll_factor = 8 : i64, sc.parallel_access}
    %gt3A = arith.constant 0 : i32
    %gt3A_198 = arith.cmpi sgt, %add3A_33, %gt3A : i32
    %convert_element_type3A = arith.extui %gt3A_198 : i1 to i32
    %cond3A = arith.constant 0 : i32
    %cond3A_199 = arith.cmpi ne, %convert_element_type3A, %cond3A : i32
    scf.if %cond3A_199 {
      %add3A_405 = arith.addi %mul3A_2, %scan3A_23#0 : i32
      %dma_start3A_406 = arith.constant 0 : i32
      %dma_start3A_407 = tpu.memref_slice %arg10[%and3A_34, %dma_start3A_406] : memref<16x1024xf32, #tpu.memory_space<vmem>> -> memref<1x1024xf32, #tpu.memory_space<vmem>>
      %dma_start3A_408 = tpu.memref_squeeze %dma_start3A_407 : memref<1x1024xf32, #tpu.memory_space<vmem>> -> memref<1024xf32, #tpu.memory_space<vmem>>
      %dma_start3A_409 = arith.constant 0 : i32
      %dma_start3A_410 = tpu.memref_slice %arg4[%add3A_405, %dma_start3A_409] : memref<1024x1024xf32, #tpu.memory_space<hbm>> -> memref<1x1024xf32, #tpu.memory_space<hbm>>
      %dma_start3A_411 = tpu.memref_squeeze %dma_start3A_410 : memref<1x1024xf32, #tpu.memory_space<hbm>> -> memref<1024xf32, #tpu.memory_space<hbm>>
      %dma_start3A_412 = arith.constant 0 : i32
      %dma_start3A_413 = tpu.memref_slice %arg4[%add3A_405, %dma_start3A_412] : memref<1024x1024xf32, #tpu.memory_space<hbm>> -> memref<1x1024xf32, #tpu.memory_space<hbm>>
      %dma_start3A_414 = tpu.memref_squeeze %dma_start3A_413 : memref<1x1024xf32, #tpu.memory_space<hbm>> -> memref<1024xf32, #tpu.memory_space<hbm>>
      %dma_start3A_415 = arith.constant 0 : i32
      %dma_start3A_416 = tpu.memref_slice %arg10[%and3A_34, %dma_start3A_415] : memref<16x1024xf32, #tpu.memory_space<vmem>> -> memref<1x1024xf32, #tpu.memory_space<vmem>>
      %dma_start3A_417 = tpu.memref_squeeze %dma_start3A_416 : memref<1x1024xf32, #tpu.memory_space<vmem>> -> memref<1024xf32, #tpu.memory_space<vmem>>
      tpu.enqueue_dma source(%dma_start3A_417 : memref<1024xf32, #tpu.memory_space<vmem>>) target(%dma_start3A_414 : memref<1024xf32, #tpu.memory_space<hbm>>) target_semaphore(%arg14 : memref<!tpu.dma_semaphore, #tpu.memory_space<semaphore_mem>>)
    } else {
    }
    %add3A_200 = arith.addi %scan3A_23#0, %add3A_33 : i32
    %mul3A_201 = arith.constant 50 : i32
    %mul3A_202 = arith.muli %mul3A_201, %add3A_33 : i32
    %add3A_203 = arith.addi %scan3A_23#1, %mul3A_202 : i32
    %sub3A_204 = arith.constant 32 : i32
    %sub3A_205 = arith.subi %add3A_203, %sub3A_204 : i32
    %dma_wait3A_206 = arith.constant 0 : i32
    %dma_wait3A_207 = arith.constant 0 : i32
    %dma_wait3A_208 = tpu.memref_slice %arg3[%dma_wait3A_206, %dma_wait3A_207] : memref<100000x1024xf32, #tpu.memory_space<hbm>> -> memref<32x1024xf32, #tpu.memory_space<hbm>>
    %dma_wait3A_209 = arith.constant 0 : i32
    %dma_wait3A_210 = arith.constant 0 : i32
    %dma_wait3A_211 = tpu.memref_slice %arg3[%dma_wait3A_209, %dma_wait3A_210] : memref<100000x1024xf32, #tpu.memory_space<hbm>> -> memref<32x1024xf32, #tpu.memory_space<hbm>>
    tpu.wait_dma2 semaphore(%arg12 : memref<!tpu.dma_semaphore, #tpu.memory_space<semaphore_mem>>) src(%dma_wait3A_211 : memref<32x1024xf32, #tpu.memory_space<hbm>>) dst(%arg7 : memref<32x1024xf32, #tpu.memory_space<vmem>>)
    %sub3A_212 = arith.constant 32 : i32
    %sub3A_213 = arith.subi %sub3A_212, %sub3A_205 : i32
    %shift_right_arithmetic3A_214 = arith.constant 31 : i32
    %shift_right_arithmetic3A_215 = arith.shrsi %sub3A_213, %shift_right_arithmetic3A_214 : i32
    %add3A_216 = arith.constant 1 : i32
    %add3A_217 = arith.addi %add3A_216, %shift_right_arithmetic3A_215 : i32
    %and3A_218 = arith.constant 15 : i32
    %and3A_219 = arith.andi %add3A_200, %and3A_218 : i32
    %sub3A_220 = arith.constant 0 : i32
    %sub3A_221 = arith.subi %sub3A_220, %sub3A_205 : i32
    %shift_right_arithmetic3A_222 = arith.constant 31 : i32
    %shift_right_arithmetic3A_223 = arith.shrsi %sub3A_221, %shift_right_arithmetic3A_222 : i32
    %broadcast_in_dim3A_224 = vector.broadcast %shift_right_arithmetic3A_223 : i32 to vector<16xi32>
    %sub3A_225 = arith.constant 1 : i32
    %sub3A_226 = arith.subi %sub3A_225, %sub3A_205 : i32
    %shift_right_arithmetic3A_227 = arith.constant 31 : i32
    %shift_right_arithmetic3A_228 = arith.shrsi %sub3A_226, %shift_right_arithmetic3A_227 : i32
    %broadcast_in_dim3A_229 = vector.broadcast %shift_right_arithmetic3A_228 : i32 to vector<16xi32>
    %sub3A_230 = arith.constant 2 : i32
    %sub3A_231 = arith.subi %sub3A_230, %sub3A_205 : i32
    %shift_right_arithmetic3A_232 = arith.constant 31 : i32
    %shift_right_arithmetic3A_233 = arith.shrsi %sub3A_231, %shift_right_arithmetic3A_232 : i32
    %broadcast_in_dim3A_234 = vector.broadcast %shift_right_arithmetic3A_233 : i32 to vector<16xi32>
    %sub3A_235 = arith.constant 3 : i32
    %sub3A_236 = arith.subi %sub3A_235, %sub3A_205 : i32
    %shift_right_arithmetic3A_237 = arith.constant 31 : i32
    %shift_right_arithmetic3A_238 = arith.shrsi %sub3A_236, %shift_right_arithmetic3A_237 : i32
    %broadcast_in_dim3A_239 = vector.broadcast %shift_right_arithmetic3A_238 : i32 to vector<16xi32>
    %sub3A_240 = arith.constant 4 : i32
    %sub3A_241 = arith.subi %sub3A_240, %sub3A_205 : i32
    %shift_right_arithmetic3A_242 = arith.constant 31 : i32
    %shift_right_arithmetic3A_243 = arith.shrsi %sub3A_241, %shift_right_arithmetic3A_242 : i32
    %broadcast_in_dim3A_244 = vector.broadcast %shift_right_arithmetic3A_243 : i32 to vector<16xi32>
    %sub3A_245 = arith.constant 5 : i32
    %sub3A_246 = arith.subi %sub3A_245, %sub3A_205 : i32
    %shift_right_arithmetic3A_247 = arith.constant 31 : i32
    %shift_right_arithmetic3A_248 = arith.shrsi %sub3A_246, %shift_right_arithmetic3A_247 : i32
    %broadcast_in_dim3A_249 = vector.broadcast %shift_right_arithmetic3A_248 : i32 to vector<16xi32>
    %sub3A_250 = arith.constant 6 : i32
    %sub3A_251 = arith.subi %sub3A_250, %sub3A_205 : i32
    %shift_right_arithmetic3A_252 = arith.constant 31 : i32
    %shift_right_arithmetic3A_253 = arith.shrsi %sub3A_251, %shift_right_arithmetic3A_252 : i32
    %broadcast_in_dim3A_254 = vector.broadcast %shift_right_arithmetic3A_253 : i32 to vector<16xi32>
    %sub3A_255 = arith.constant 7 : i32
    %sub3A_256 = arith.subi %sub3A_255, %sub3A_205 : i32
    %shift_right_arithmetic3A_257 = arith.constant 31 : i32
    %shift_right_arithmetic3A_258 = arith.shrsi %sub3A_256, %shift_right_arithmetic3A_257 : i32
    %broadcast_in_dim3A_259 = vector.broadcast %shift_right_arithmetic3A_258 : i32 to vector<16xi32>
    %sub3A_260 = arith.constant 8 : i32
    %sub3A_261 = arith.subi %sub3A_260, %sub3A_205 : i32
    %shift_right_arithmetic3A_262 = arith.constant 31 : i32
    %shift_right_arithmetic3A_263 = arith.shrsi %sub3A_261, %shift_right_arithmetic3A_262 : i32
    %broadcast_in_dim3A_264 = vector.broadcast %shift_right_arithmetic3A_263 : i32 to vector<16xi32>
    %sub3A_265 = arith.constant 9 : i32
    %sub3A_266 = arith.subi %sub3A_265, %sub3A_205 : i32
    %shift_right_arithmetic3A_267 = arith.constant 31 : i32
    %shift_right_arithmetic3A_268 = arith.shrsi %sub3A_266, %shift_right_arithmetic3A_267 : i32
    %broadcast_in_dim3A_269 = vector.broadcast %shift_right_arithmetic3A_268 : i32 to vector<16xi32>
    %sub3A_270 = arith.constant 10 : i32
    %sub3A_271 = arith.subi %sub3A_270, %sub3A_205 : i32
    %shift_right_arithmetic3A_272 = arith.constant 31 : i32
    %shift_right_arithmetic3A_273 = arith.shrsi %sub3A_271, %shift_right_arithmetic3A_272 : i32
    %broadcast_in_dim3A_274 = vector.broadcast %shift_right_arithmetic3A_273 : i32 to vector<16xi32>
    %sub3A_275 = arith.constant 11 : i32
    %sub3A_276 = arith.subi %sub3A_275, %sub3A_205 : i32
    %shift_right_arithmetic3A_277 = arith.constant 31 : i32
    %shift_right_arithmetic3A_278 = arith.shrsi %sub3A_276, %shift_right_arithmetic3A_277 : i32
    %broadcast_in_dim3A_279 = vector.broadcast %shift_right_arithmetic3A_278 : i32 to vector<16xi32>
    %sub3A_280 = arith.constant 12 : i32
    %sub3A_281 = arith.subi %sub3A_280, %sub3A_205 : i32
    %shift_right_arithmetic3A_282 = arith.constant 31 : i32
    %shift_right_arithmetic3A_283 = arith.shrsi %sub3A_281, %shift_right_arithmetic3A_282 : i32
    %broadcast_in_dim3A_284 = vector.broadcast %shift_right_arithmetic3A_283 : i32 to vector<16xi32>
    %sub3A_285 = arith.constant 13 : i32
    %sub3A_286 = arith.subi %sub3A_285, %sub3A_205 : i32
    %shift_right_arithmetic3A_287 = arith.constant 31 : i32
    %shift_right_arithmetic3A_288 = arith.shrsi %sub3A_286, %shift_right_arithmetic3A_287 : i32
    %broadcast_in_dim3A_289 = vector.broadcast %shift_right_arithmetic3A_288 : i32 to vector<16xi32>
    %sub3A_290 = arith.constant 14 : i32
    %sub3A_291 = arith.subi %sub3A_290, %sub3A_205 : i32
    %shift_right_arithmetic3A_292 = arith.constant 31 : i32
    %shift_right_arithmetic3A_293 = arith.shrsi %sub3A_291, %shift_right_arithmetic3A_292 : i32
    %broadcast_in_dim3A_294 = vector.broadcast %shift_right_arithmetic3A_293 : i32 to vector<16xi32>
    %sub3A_295 = arith.constant 15 : i32
    %sub3A_296 = arith.subi %sub3A_295, %sub3A_205 : i32
    %shift_right_arithmetic3A_297 = arith.constant 31 : i32
    %shift_right_arithmetic3A_298 = arith.shrsi %sub3A_296, %shift_right_arithmetic3A_297 : i32
    %broadcast_in_dim3A_299 = vector.broadcast %shift_right_arithmetic3A_298 : i32 to vector<16xi32>
    %sub3A_300 = arith.constant 16 : i32
    %sub3A_301 = arith.subi %sub3A_300, %sub3A_205 : i32
    %shift_right_arithmetic3A_302 = arith.constant 31 : i32
    %shift_right_arithmetic3A_303 = arith.shrsi %sub3A_301, %shift_right_arithmetic3A_302 : i32
    %broadcast_in_dim3A_304 = vector.broadcast %shift_right_arithmetic3A_303 : i32 to vector<16xi32>
    %sub3A_305 = arith.constant 17 : i32
    %sub3A_306 = arith.subi %sub3A_305, %sub3A_205 : i32
    %shift_right_arithmetic3A_307 = arith.constant 31 : i32
    %shift_right_arithmetic3A_308 = arith.shrsi %sub3A_306, %shift_right_arithmetic3A_307 : i32
    %broadcast_in_dim3A_309 = vector.broadcast %shift_right_arithmetic3A_308 : i32 to vector<16xi32>
    %sub3A_310 = arith.constant 18 : i32
    %sub3A_311 = arith.subi %sub3A_310, %sub3A_205 : i32
    %shift_right_arithmetic3A_312 = arith.constant 31 : i32
    %shift_right_arithmetic3A_313 = arith.shrsi %sub3A_311, %shift_right_arithmetic3A_312 : i32
    %broadcast_in_dim3A_314 = vector.broadcast %shift_right_arithmetic3A_313 : i32 to vector<16xi32>
    %sub3A_315 = arith.constant 19 : i32
    %sub3A_316 = arith.subi %sub3A_315, %sub3A_205 : i32
    %shift_right_arithmetic3A_317 = arith.constant 31 : i32
    %shift_right_arithmetic3A_318 = arith.shrsi %sub3A_316, %shift_right_arithmetic3A_317 : i32
    %broadcast_in_dim3A_319 = vector.broadcast %shift_right_arithmetic3A_318 : i32 to vector<16xi32>
    %sub3A_320 = arith.constant 20 : i32
    %sub3A_321 = arith.subi %sub3A_320, %sub3A_205 : i32
    %shift_right_arithmetic3A_322 = arith.constant 31 : i32
    %shift_right_arithmetic3A_323 = arith.shrsi %sub3A_321, %shift_right_arithmetic3A_322 : i32
    %broadcast_in_dim3A_324 = vector.broadcast %shift_right_arithmetic3A_323 : i32 to vector<16xi32>
    %sub3A_325 = arith.constant 21 : i32
    %sub3A_326 = arith.subi %sub3A_325, %sub3A_205 : i32
    %shift_right_arithmetic3A_327 = arith.constant 31 : i32
    %shift_right_arithmetic3A_328 = arith.shrsi %sub3A_326, %shift_right_arithmetic3A_327 : i32
    %broadcast_in_dim3A_329 = vector.broadcast %shift_right_arithmetic3A_328 : i32 to vector<16xi32>
    %sub3A_330 = arith.constant 22 : i32
    %sub3A_331 = arith.subi %sub3A_330, %sub3A_205 : i32
    %shift_right_arithmetic3A_332 = arith.constant 31 : i32
    %shift_right_arithmetic3A_333 = arith.shrsi %sub3A_331, %shift_right_arithmetic3A_332 : i32
    %broadcast_in_dim3A_334 = vector.broadcast %shift_right_arithmetic3A_333 : i32 to vector<16xi32>
    %sub3A_335 = arith.constant 23 : i32
    %sub3A_336 = arith.subi %sub3A_335, %sub3A_205 : i32
    %shift_right_arithmetic3A_337 = arith.constant 31 : i32
    %shift_right_arithmetic3A_338 = arith.shrsi %sub3A_336, %shift_right_arithmetic3A_337 : i32
    %broadcast_in_dim3A_339 = vector.broadcast %shift_right_arithmetic3A_338 : i32 to vector<16xi32>
    %sub3A_340 = arith.constant 24 : i32
    %sub3A_341 = arith.subi %sub3A_340, %sub3A_205 : i32
    %shift_right_arithmetic3A_342 = arith.constant 31 : i32
    %shift_right_arithmetic3A_343 = arith.shrsi %sub3A_341, %shift_right_arithmetic3A_342 : i32
    %broadcast_in_dim3A_344 = vector.broadcast %shift_right_arithmetic3A_343 : i32 to vector<16xi32>
    %sub3A_345 = arith.constant 25 : i32
    %sub3A_346 = arith.subi %sub3A_345, %sub3A_205 : i32
    %shift_right_arithmetic3A_347 = arith.constant 31 : i32
    %shift_right_arithmetic3A_348 = arith.shrsi %sub3A_346, %shift_right_arithmetic3A_347 : i32
    %broadcast_in_dim3A_349 = vector.broadcast %shift_right_arithmetic3A_348 : i32 to vector<16xi32>
    %sub3A_350 = arith.constant 26 : i32
    %sub3A_351 = arith.subi %sub3A_350, %sub3A_205 : i32
    %shift_right_arithmetic3A_352 = arith.constant 31 : i32
    %shift_right_arithmetic3A_353 = arith.shrsi %sub3A_351, %shift_right_arithmetic3A_352 : i32
    %broadcast_in_dim3A_354 = vector.broadcast %shift_right_arithmetic3A_353 : i32 to vector<16xi32>
    %sub3A_355 = arith.constant 27 : i32
    %sub3A_356 = arith.subi %sub3A_355, %sub3A_205 : i32
    %shift_right_arithmetic3A_357 = arith.constant 31 : i32
    %shift_right_arithmetic3A_358 = arith.shrsi %sub3A_356, %shift_right_arithmetic3A_357 : i32
    %broadcast_in_dim3A_359 = vector.broadcast %shift_right_arithmetic3A_358 : i32 to vector<16xi32>
    %sub3A_360 = arith.constant 28 : i32
    %sub3A_361 = arith.subi %sub3A_360, %sub3A_205 : i32
    %shift_right_arithmetic3A_362 = arith.constant 31 : i32
    %shift_right_arithmetic3A_363 = arith.shrsi %sub3A_361, %shift_right_arithmetic3A_362 : i32
    %broadcast_in_dim3A_364 = vector.broadcast %shift_right_arithmetic3A_363 : i32 to vector<16xi32>
    %sub3A_365 = arith.constant 29 : i32
    %sub3A_366 = arith.subi %sub3A_365, %sub3A_205 : i32
    %shift_right_arithmetic3A_367 = arith.constant 31 : i32
    %shift_right_arithmetic3A_368 = arith.shrsi %sub3A_366, %shift_right_arithmetic3A_367 : i32
    %broadcast_in_dim3A_369 = vector.broadcast %shift_right_arithmetic3A_368 : i32 to vector<16xi32>
    %sub3A_370 = arith.constant 30 : i32
    %sub3A_371 = arith.subi %sub3A_370, %sub3A_205 : i32
    %shift_right_arithmetic3A_372 = arith.constant 31 : i32
    %shift_right_arithmetic3A_373 = arith.shrsi %sub3A_371, %shift_right_arithmetic3A_372 : i32
    %broadcast_in_dim3A_374 = vector.broadcast %shift_right_arithmetic3A_373 : i32 to vector<16xi32>
    %sub3A_375 = arith.constant 31 : i32
    %sub3A_376 = arith.subi %sub3A_375, %sub3A_205 : i32
    %shift_right_arithmetic3A_377 = arith.constant 31 : i32
    %shift_right_arithmetic3A_378 = arith.shrsi %sub3A_376, %shift_right_arithmetic3A_377 : i32
    %broadcast_in_dim3A_379 = vector.broadcast %shift_right_arithmetic3A_378 : i32 to vector<16xi32>
    %neg3A_380 = arith.constant 0 : i32
    %neg3A_381 = arith.subi %neg3A_380, %add3A_217 : i32
    %broadcast_in_dim3A_382 = vector.broadcast %neg3A_381 : i32 to vector<16xi32>
    %parallel_loop3A_383 = arith.constant 0 : i32
    %parallel_loop3A_384 = arith.constant 64 : i32
    %parallel_loop3A_385 = arith.constant 1 : i32
    scf.for %parallel_loop3A_405 = %parallel_loop3A_383 to %parallel_loop3A_384 step %parallel_loop3A_385  : i32 {
      %parallel_loop3A_406 = arith.constant 16 : i32
      %parallel_loop3A_407 = arith.muli %parallel_loop3A_405, %parallel_loop3A_406 : i32
      %parallel_loop3A_408 = arith.constant 0.000000e+00 : f32
      %parallel_loop3A_409 = vector.broadcast %parallel_loop3A_408 : f32 to vector<16xf32>
      %parallel_loop3A_410 = arith.constant 0 : i32
      %parallel_loop3A_411 = arith.index_cast %parallel_loop3A_410 : i32 to index
      %parallel_loop3A_412 = arith.index_cast %parallel_loop3A_407 : i32 to index
      %parallel_loop3A_413 = tpu.vector_load %arg7[%parallel_loop3A_411, %parallel_loop3A_412] {strides = array<i32>} : memref<32x1024xf32, #tpu.memory_space<vmem>>, vector<1x16xf32>,
      %parallel_loop3A_414 = vector.shape_cast %parallel_loop3A_413 : vector<1x16xf32> to vector<16xf32>
      %parallel_loop3A_415 = arith.addf %parallel_loop3A_409, %parallel_loop3A_414 : vector<16xf32>
      %parallel_loop3A_416 = tpu.bitcast %parallel_loop3A_414 : vector<16xf32> -> vector<16xi32>
      %parallel_loop3A_417 = arith.andi %parallel_loop3A_416, %broadcast_in_dim3A_224 : vector<16xi32>
      %parallel_loop3A_418 = tpu.bitcast %parallel_loop3A_417 : vector<16xi32> -> vector<16xf32>
      %parallel_loop3A_419 = arith.addf %parallel_loop3A_409, %parallel_loop3A_418 : vector<16xf32>
      %parallel_loop3A_420 = arith.constant 1 : i32
      %parallel_loop3A_421 = arith.index_cast %parallel_loop3A_420 : i32 to index
      %parallel_loop3A_422 = arith.index_cast %parallel_loop3A_407 : i32 to index
      %parallel_loop3A_423 = tpu.vector_load %arg7[%parallel_loop3A_421, %parallel_loop3A_422] {strides = array<i32>} : memref<32x1024xf32, #tpu.memory_space<vmem>>, vector<1x16xf32>,
      %parallel_loop3A_424 = vector.shape_cast %parallel_loop3A_423 : vector<1x16xf32> to vector<16xf32>
      %parallel_loop3A_425 = arith.addf %parallel_loop3A_409, %parallel_loop3A_424 : vector<16xf32>
      %parallel_loop3A_426 = tpu.bitcast %parallel_loop3A_424 : vector<16xf32> -> vector<16xi32>
      %parallel_loop3A_427 = arith.andi %parallel_loop3A_426, %broadcast_in_dim3A_229 : vector<16xi32>
      %parallel_loop3A_428 = tpu.bitcast %parallel_loop3A_427 : vector<16xi32> -> vector<16xf32>
      %parallel_loop3A_429 = arith.addf %parallel_loop3A_409, %parallel_loop3A_428 : vector<16xf32>
      %parallel_loop3A_430 = arith.constant 2 : i32
      %parallel_loop3A_431 = arith.index_cast %parallel_loop3A_430 : i32 to index
      %parallel_loop3A_432 = arith.index_cast %parallel_loop3A_407 : i32 to index
      %parallel_loop3A_433 = tpu.vector_load %arg7[%parallel_loop3A_431, %parallel_loop3A_432] {strides = array<i32>} : memref<32x1024xf32, #tpu.memory_space<vmem>>, vector<1x16xf32>,
      %parallel_loop3A_434 = vector.shape_cast %parallel_loop3A_433 : vector<1x16xf32> to vector<16xf32>
      %parallel_loop3A_435 = arith.addf %parallel_loop3A_409, %parallel_loop3A_434 : vector<16xf32>
      %parallel_loop3A_436 = tpu.bitcast %parallel_loop3A_434 : vector<16xf32> -> vector<16xi32>
      %parallel_loop3A_437 = arith.andi %parallel_loop3A_436, %broadcast_in_dim3A_234 : vector<16xi32>
      %parallel_loop3A_438 = tpu.bitcast %parallel_loop3A_437 : vector<16xi32> -> vector<16xf32>
      %parallel_loop3A_439 = arith.addf %parallel_loop3A_419, %parallel_loop3A_438 : vector<16xf32>
      %parallel_loop3A_440 = arith.constant 3 : i32
      %parallel_loop3A_441 = arith.index_cast %parallel_loop3A_440 : i32 to index
      %parallel_loop3A_442 = arith.index_cast %parallel_loop3A_407 : i32 to index
      %parallel_loop3A_443 = tpu.vector_load %arg7[%parallel_loop3A_441, %parallel_loop3A_442] {strides = array<i32>} : memref<32x1024xf32, #tpu.memory_space<vmem>>, vector<1x16xf32>,
      %parallel_loop3A_444 = vector.shape_cast %parallel_loop3A_443 : vector<1x16xf32> to vector<16xf32>
      %parallel_loop3A_445 = arith.addf %parallel_loop3A_409, %parallel_loop3A_444 : vector<16xf32>
      %parallel_loop3A_446 = tpu.bitcast %parallel_loop3A_444 : vector<16xf32> -> vector<16xi32>
      %parallel_loop3A_447 = arith.andi %parallel_loop3A_446, %broadcast_in_dim3A_239 : vector<16xi32>
      %parallel_loop3A_448 = tpu.bitcast %parallel_loop3A_447 : vector<16xi32> -> vector<16xf32>
      %parallel_loop3A_449 = arith.addf %parallel_loop3A_429, %parallel_loop3A_448 : vector<16xf32>
      %parallel_loop3A_450 = arith.constant 4 : i32
      %parallel_loop3A_451 = arith.index_cast %parallel_loop3A_450 : i32 to index
      %parallel_loop3A_452 = arith.index_cast %parallel_loop3A_407 : i32 to index
      %parallel_loop3A_453 = tpu.vector_load %arg7[%parallel_loop3A_451, %parallel_loop3A_452] {strides = array<i32>} : memref<32x1024xf32, #tpu.memory_space<vmem>>, vector<1x16xf32>,
      %parallel_loop3A_454 = vector.shape_cast %parallel_loop3A_453 : vector<1x16xf32> to vector<16xf32>
      %parallel_loop3A_455 = arith.addf %parallel_loop3A_415, %parallel_loop3A_454 : vector<16xf32>
      %parallel_loop3A_456 = tpu.bitcast %parallel_loop3A_454 : vector<16xf32> -> vector<16xi32>
      %parallel_loop3A_457 = arith.andi %parallel_loop3A_456, %broadcast_in_dim3A_244 : vector<16xi32>
      %parallel_loop3A_458 = tpu.bitcast %parallel_loop3A_457 : vector<16xi32> -> vector<16xf32>
      %parallel_loop3A_459 = arith.addf %parallel_loop3A_439, %parallel_loop3A_458 : vector<16xf32>
      %parallel_loop3A_460 = arith.constant 5 : i32
      %parallel_loop3A_461 = arith.index_cast %parallel_loop3A_460 : i32 to index
      %parallel_loop3A_462 = arith.index_cast %parallel_loop3A_407 : i32 to index
      %parallel_loop3A_463 = tpu.vector_load %arg7[%parallel_loop3A_461, %parallel_loop3A_462] {strides = array<i32>} : memref<32x1024xf32, #tpu.memory_space<vmem>>, vector<1x16xf32>,
      %parallel_loop3A_464 = vector.shape_cast %parallel_loop3A_463 : vector<1x16xf32> to vector<16xf32>
      %parallel_loop3A_465 = arith.addf %parallel_loop3A_425, %parallel_loop3A_464 : vector<16xf32>
      %parallel_loop3A_466 = tpu.bitcast %parallel_loop3A_464 : vector<16xf32> -> vector<16xi32>
      %parallel_loop3A_467 = arith.andi %parallel_loop3A_466, %broadcast_in_dim3A_249 : vector<16xi32>
      %parallel_loop3A_468 = tpu.bitcast %parallel_loop3A_467 : vector<16xi32> -> vector<16xf32>
      %parallel_loop3A_469 = arith.addf %parallel_loop3A_449, %parallel_loop3A_468 : vector<16xf32>
      %parallel_loop3A_470 = arith.constant 6 : i32
      %parallel_loop3A_471 = arith.index_cast %parallel_loop3A_470 : i32 to index
      %parallel_loop3A_472 = arith.index_cast %parallel_loop3A_407 : i32 to index
      %parallel_loop3A_473 = tpu.vector_load %arg7[%parallel_loop3A_471, %parallel_loop3A_472] {strides = array<i32>} : memref<32x1024xf32, #tpu.memory_space<vmem>>, vector<1x16xf32>,
      %parallel_loop3A_474 = vector.shape_cast %parallel_loop3A_473 : vector<1x16xf32> to vector<16xf32>
      %parallel_loop3A_475 = arith.addf %parallel_loop3A_435, %parallel_loop3A_474 : vector<16xf32>
      %parallel_loop3A_476 = tpu.bitcast %parallel_loop3A_474 : vector<16xf32> -> vector<16xi32>
      %parallel_loop3A_477 = arith.andi %parallel_loop3A_476, %broadcast_in_dim3A_254 : vector<16xi32>
      %parallel_loop3A_478 = tpu.bitcast %parallel_loop3A_477 : vector<16xi32> -> vector<16xf32>
      %parallel_loop3A_479 = arith.addf %parallel_loop3A_459, %parallel_loop3A_478 : vector<16xf32>
      %parallel_loop3A_480 = arith.constant 7 : i32
      %parallel_loop3A_481 = arith.index_cast %parallel_loop3A_480 : i32 to index
      %parallel_loop3A_482 = arith.index_cast %parallel_loop3A_407 : i32 to index
      %parallel_loop3A_483 = tpu.vector_load %arg7[%parallel_loop3A_481, %parallel_loop3A_482] {strides = array<i32>} : memref<32x1024xf32, #tpu.memory_space<vmem>>, vector<1x16xf32>,
      %parallel_loop3A_484 = vector.shape_cast %parallel_loop3A_483 : vector<1x16xf32> to vector<16xf32>
      %parallel_loop3A_485 = arith.addf %parallel_loop3A_445, %parallel_loop3A_484 : vector<16xf32>
      %parallel_loop3A_486 = tpu.bitcast %parallel_loop3A_484 : vector<16xf32> -> vector<16xi32>
      %parallel_loop3A_487 = arith.andi %parallel_loop3A_486, %broadcast_in_dim3A_259 : vector<16xi32>
      %parallel_loop3A_488 = tpu.bitcast %parallel_loop3A_487 : vector<16xi32> -> vector<16xf32>
      %parallel_loop3A_489 = arith.addf %parallel_loop3A_469, %parallel_loop3A_488 : vector<16xf32>
      %parallel_loop3A_490 = arith.constant 8 : i32
      %parallel_loop3A_491 = arith.index_cast %parallel_loop3A_490 : i32 to index
      %parallel_loop3A_492 = arith.index_cast %parallel_loop3A_407 : i32 to index
      %parallel_loop3A_493 = tpu.vector_load %arg7[%parallel_loop3A_491, %parallel_loop3A_492] {strides = array<i32>} : memref<32x1024xf32, #tpu.memory_space<vmem>>, vector<1x16xf32>,
      %parallel_loop3A_494 = vector.shape_cast %parallel_loop3A_493 : vector<1x16xf32> to vector<16xf32>
      %parallel_loop3A_495 = arith.addf %parallel_loop3A_455, %parallel_loop3A_494 : vector<16xf32>
      %parallel_loop3A_496 = tpu.bitcast %parallel_loop3A_494 : vector<16xf32> -> vector<16xi32>
      %parallel_loop3A_497 = arith.andi %parallel_loop3A_496, %broadcast_in_dim3A_264 : vector<16xi32>
      %parallel_loop3A_498 = tpu.bitcast %parallel_loop3A_497 : vector<16xi32> -> vector<16xf32>
      %parallel_loop3A_499 = arith.addf %parallel_loop3A_479, %parallel_loop3A_498 : vector<16xf32>
      %parallel_loop3A_500 = arith.constant 9 : i32
      %parallel_loop3A_501 = arith.index_cast %parallel_loop3A_500 : i32 to index
      %parallel_loop3A_502 = arith.index_cast %parallel_loop3A_407 : i32 to index
      %parallel_loop3A_503 = tpu.vector_load %arg7[%parallel_loop3A_501, %parallel_loop3A_502] {strides = array<i32>} : memref<32x1024xf32, #tpu.memory_space<vmem>>, vector<1x16xf32>,
      %parallel_loop3A_504 = vector.shape_cast %parallel_loop3A_503 : vector<1x16xf32> to vector<16xf32>
      %parallel_loop3A_505 = arith.addf %parallel_loop3A_465, %parallel_loop3A_504 : vector<16xf32>
      %parallel_loop3A_506 = tpu.bitcast %parallel_loop3A_504 : vector<16xf32> -> vector<16xi32>
      %parallel_loop3A_507 = arith.andi %parallel_loop3A_506, %broadcast_in_dim3A_269 : vector<16xi32>
      %parallel_loop3A_508 = tpu.bitcast %parallel_loop3A_507 : vector<16xi32> -> vector<16xf32>
      %parallel_loop3A_509 = arith.addf %parallel_loop3A_489, %parallel_loop3A_508 : vector<16xf32>
      %parallel_loop3A_510 = arith.constant 10 : i32
      %parallel_loop3A_511 = arith.index_cast %parallel_loop3A_510 : i32 to index
      %parallel_loop3A_512 = arith.index_cast %parallel_loop3A_407 : i32 to index
      %parallel_loop3A_513 = tpu.vector_load %arg7[%parallel_loop3A_511, %parallel_loop3A_512] {strides = array<i32>} : memref<32x1024xf32, #tpu.memory_space<vmem>>, vector<1x16xf32>,
      %parallel_loop3A_514 = vector.shape_cast %parallel_loop3A_513 : vector<1x16xf32> to vector<16xf32>
      %parallel_loop3A_515 = arith.addf %parallel_loop3A_475, %parallel_loop3A_514 : vector<16xf32>
      %parallel_loop3A_516 = tpu.bitcast %parallel_loop3A_514 : vector<16xf32> -> vector<16xi32>
      %parallel_loop3A_517 = arith.andi %parallel_loop3A_516, %broadcast_in_dim3A_274 : vector<16xi32>
      %parallel_loop3A_518 = tpu.bitcast %parallel_loop3A_517 : vector<16xi32> -> vector<16xf32>
      %parallel_loop3A_519 = arith.addf %parallel_loop3A_499, %parallel_loop3A_518 : vector<16xf32>
      %parallel_loop3A_520 = arith.constant 11 : i32
      %parallel_loop3A_521 = arith.index_cast %parallel_loop3A_520 : i32 to index
      %parallel_loop3A_522 = arith.index_cast %parallel_loop3A_407 : i32 to index
      %parallel_loop3A_523 = tpu.vector_load %arg7[%parallel_loop3A_521, %parallel_loop3A_522] {strides = array<i32>} : memref<32x1024xf32, #tpu.memory_space<vmem>>, vector<1x16xf32>,
      %parallel_loop3A_524 = vector.shape_cast %parallel_loop3A_523 : vector<1x16xf32> to vector<16xf32>
      %parallel_loop3A_525 = arith.addf %parallel_loop3A_485, %parallel_loop3A_524 : vector<16xf32>
      %parallel_loop3A_526 = tpu.bitcast %parallel_loop3A_524 : vector<16xf32> -> vector<16xi32>
      %parallel_loop3A_527 = arith.andi %parallel_loop3A_526, %broadcast_in_dim3A_279 : vector<16xi32>
      %parallel_loop3A_528 = tpu.bitcast %parallel_loop3A_527 : vector<16xi32> -> vector<16xf32>
      %parallel_loop3A_529 = arith.addf %parallel_loop3A_509, %parallel_loop3A_528 : vector<16xf32>
      %parallel_loop3A_530 = arith.constant 12 : i32
      %parallel_loop3A_531 = arith.index_cast %parallel_loop3A_530 : i32 to index
      %parallel_loop3A_532 = arith.index_cast %parallel_loop3A_407 : i32 to index
      %parallel_loop3A_533 = tpu.vector_load %arg7[%parallel_loop3A_531, %parallel_loop3A_532] {strides = array<i32>} : memref<32x1024xf32, #tpu.memory_space<vmem>>, vector<1x16xf32>,
      %parallel_loop3A_534 = vector.shape_cast %parallel_loop3A_533 : vector<1x16xf32> to vector<16xf32>
      %parallel_loop3A_535 = arith.addf %parallel_loop3A_495, %parallel_loop3A_534 : vector<16xf32>
      %parallel_loop3A_536 = tpu.bitcast %parallel_loop3A_534 : vector<16xf32> -> vector<16xi32>
      %parallel_loop3A_537 = arith.andi %parallel_loop3A_536, %broadcast_in_dim3A_284 : vector<16xi32>
      %parallel_loop3A_538 = tpu.bitcast %parallel_loop3A_537 : vector<16xi32> -> vector<16xf32>
      %parallel_loop3A_539 = arith.addf %parallel_loop3A_519, %parallel_loop3A_538 : vector<16xf32>
      %parallel_loop3A_540 = arith.constant 13 : i32
      %parallel_loop3A_541 = arith.index_cast %parallel_loop3A_540 : i32 to index
      %parallel_loop3A_542 = arith.index_cast %parallel_loop3A_407 : i32 to index
      %parallel_loop3A_543 = tpu.vector_load %arg7[%parallel_loop3A_541, %parallel_loop3A_542] {strides = array<i32>} : memref<32x1024xf32, #tpu.memory_space<vmem>>, vector<1x16xf32>,
      %parallel_loop3A_544 = vector.shape_cast %parallel_loop3A_543 : vector<1x16xf32> to vector<16xf32>
      %parallel_loop3A_545 = arith.addf %parallel_loop3A_505, %parallel_loop3A_544 : vector<16xf32>
      %parallel_loop3A_546 = tpu.bitcast %parallel_loop3A_544 : vector<16xf32> -> vector<16xi32>
      %parallel_loop3A_547 = arith.andi %parallel_loop3A_546, %broadcast_in_dim3A_289 : vector<16xi32>
      %parallel_loop3A_548 = tpu.bitcast %parallel_loop3A_547 : vector<16xi32> -> vector<16xf32>
      %parallel_loop3A_549 = arith.addf %parallel_loop3A_529, %parallel_loop3A_548 : vector<16xf32>
      %parallel_loop3A_550 = arith.constant 14 : i32
      %parallel_loop3A_551 = arith.index_cast %parallel_loop3A_550 : i32 to index
      %parallel_loop3A_552 = arith.index_cast %parallel_loop3A_407 : i32 to index
      %parallel_loop3A_553 = tpu.vector_load %arg7[%parallel_loop3A_551, %parallel_loop3A_552] {strides = array<i32>} : memref<32x1024xf32, #tpu.memory_space<vmem>>, vector<1x16xf32>,
      %parallel_loop3A_554 = vector.shape_cast %parallel_loop3A_553 : vector<1x16xf32> to vector<16xf32>
      %parallel_loop3A_555 = arith.addf %parallel_loop3A_515, %parallel_loop3A_554 : vector<16xf32>
      %parallel_loop3A_556 = tpu.bitcast %parallel_loop3A_554 : vector<16xf32> -> vector<16xi32>
      %parallel_loop3A_557 = arith.andi %parallel_loop3A_556, %broadcast_in_dim3A_294 : vector<16xi32>
      %parallel_loop3A_558 = tpu.bitcast %parallel_loop3A_557 : vector<16xi32> -> vector<16xf32>
      %parallel_loop3A_559 = arith.addf %parallel_loop3A_539, %parallel_loop3A_558 : vector<16xf32>
      %parallel_loop3A_560 = arith.constant 15 : i32
      %parallel_loop3A_561 = arith.index_cast %parallel_loop3A_560 : i32 to index
      %parallel_loop3A_562 = arith.index_cast %parallel_loop3A_407 : i32 to index
      %parallel_loop3A_563 = tpu.vector_load %arg7[%parallel_loop3A_561, %parallel_loop3A_562] {strides = array<i32>} : memref<32x1024xf32, #tpu.memory_space<vmem>>, vector<1x16xf32>,
      %parallel_loop3A_564 = vector.shape_cast %parallel_loop3A_563 : vector<1x16xf32> to vector<16xf32>
      %parallel_loop3A_565 = arith.addf %parallel_loop3A_525, %parallel_loop3A_564 : vector<16xf32>
      %parallel_loop3A_566 = tpu.bitcast %parallel_loop3A_564 : vector<16xf32> -> vector<16xi32>
      %parallel_loop3A_567 = arith.andi %parallel_loop3A_566, %broadcast_in_dim3A_299 : vector<16xi32>
      %parallel_loop3A_568 = tpu.bitcast %parallel_loop3A_567 : vector<16xi32> -> vector<16xf32>
      %parallel_loop3A_569 = arith.addf %parallel_loop3A_549, %parallel_loop3A_568 : vector<16xf32>
      %parallel_loop3A_570 = arith.constant 16 : i32
      %parallel_loop3A_571 = arith.index_cast %parallel_loop3A_570 : i32 to index
      %parallel_loop3A_572 = arith.index_cast %parallel_loop3A_407 : i32 to index
      %parallel_loop3A_573 = tpu.vector_load %arg7[%parallel_loop3A_571, %parallel_loop3A_572] {strides = array<i32>} : memref<32x1024xf32, #tpu.memory_space<vmem>>, vector<1x16xf32>,
      %parallel_loop3A_574 = vector.shape_cast %parallel_loop3A_573 : vector<1x16xf32> to vector<16xf32>
      %parallel_loop3A_575 = arith.addf %parallel_loop3A_535, %parallel_loop3A_574 : vector<16xf32>
      %parallel_loop3A_576 = tpu.bitcast %parallel_loop3A_574 : vector<16xf32> -> vector<16xi32>
      %parallel_loop3A_577 = arith.andi %parallel_loop3A_576, %broadcast_in_dim3A_304 : vector<16xi32>
      %parallel_loop3A_578 = tpu.bitcast %parallel_loop3A_577 : vector<16xi32> -> vector<16xf32>
      %parallel_loop3A_579 = arith.addf %parallel_loop3A_559, %parallel_loop3A_578 : vector<16xf32>
      %parallel_loop3A_580 = arith.constant 17 : i32
      %parallel_loop3A_581 = arith.index_cast %parallel_loop3A_580 : i32 to index
      %parallel_loop3A_582 = arith.index_cast %parallel_loop3A_407 : i32 to index
      %parallel_loop3A_583 = tpu.vector_load %arg7[%parallel_loop3A_581, %parallel_loop3A_582] {strides = array<i32>} : memref<32x1024xf32, #tpu.memory_space<vmem>>, vector<1x16xf32>,
      %parallel_loop3A_584 = vector.shape_cast %parallel_loop3A_583 : vector<1x16xf32> to vector<16xf32>
      %parallel_loop3A_585 = arith.addf %parallel_loop3A_545, %parallel_loop3A_584 : vector<16xf32>
      %parallel_loop3A_586 = tpu.bitcast %parallel_loop3A_584 : vector<16xf32> -> vector<16xi32>
      %parallel_loop3A_587 = arith.andi %parallel_loop3A_586, %broadcast_in_dim3A_309 : vector<16xi32>
      %parallel_loop3A_588 = tpu.bitcast %parallel_loop3A_587 : vector<16xi32> -> vector<16xf32>
      %parallel_loop3A_589 = arith.addf %parallel_loop3A_569, %parallel_loop3A_588 : vector<16xf32>
      %parallel_loop3A_590 = arith.constant 18 : i32
      %parallel_loop3A_591 = arith.index_cast %parallel_loop3A_590 : i32 to index
      %parallel_loop3A_592 = arith.index_cast %parallel_loop3A_407 : i32 to index
      %parallel_loop3A_593 = tpu.vector_load %arg7[%parallel_loop3A_591, %parallel_loop3A_592] {strides = array<i32>} : memref<32x1024xf32, #tpu.memory_space<vmem>>, vector<1x16xf32>,
      %parallel_loop3A_594 = vector.shape_cast %parallel_loop3A_593 : vector<1x16xf32> to vector<16xf32>
      %parallel_loop3A_595 = arith.addf %parallel_loop3A_555, %parallel_loop3A_594 : vector<16xf32>
      %parallel_loop3A_596 = tpu.bitcast %parallel_loop3A_594 : vector<16xf32> -> vector<16xi32>
      %parallel_loop3A_597 = arith.andi %parallel_loop3A_596, %broadcast_in_dim3A_314 : vector<16xi32>
      %parallel_loop3A_598 = tpu.bitcast %parallel_loop3A_597 : vector<16xi32> -> vector<16xf32>
      %parallel_loop3A_599 = arith.addf %parallel_loop3A_579, %parallel_loop3A_598 : vector<16xf32>
      %parallel_loop3A_600 = arith.constant 19 : i32
      %parallel_loop3A_601 = arith.index_cast %parallel_loop3A_600 : i32 to index
      %parallel_loop3A_602 = arith.index_cast %parallel_loop3A_407 : i32 to index
      %parallel_loop3A_603 = tpu.vector_load %arg7[%parallel_loop3A_601, %parallel_loop3A_602] {strides = array<i32>} : memref<32x1024xf32, #tpu.memory_space<vmem>>, vector<1x16xf32>,
      %parallel_loop3A_604 = vector.shape_cast %parallel_loop3A_603 : vector<1x16xf32> to vector<16xf32>
      %parallel_loop3A_605 = arith.addf %parallel_loop3A_565, %parallel_loop3A_604 : vector<16xf32>
      %parallel_loop3A_606 = tpu.bitcast %parallel_loop3A_604 : vector<16xf32> -> vector<16xi32>
      %parallel_loop3A_607 = arith.andi %parallel_loop3A_606, %broadcast_in_dim3A_319 : vector<16xi32>
      %parallel_loop3A_608 = tpu.bitcast %parallel_loop3A_607 : vector<16xi32> -> vector<16xf32>
      %parallel_loop3A_609 = arith.addf %parallel_loop3A_589, %parallel_loop3A_608 : vector<16xf32>
      %parallel_loop3A_610 = arith.constant 20 : i32
      %parallel_loop3A_611 = arith.index_cast %parallel_loop3A_610 : i32 to index
      %parallel_loop3A_612 = arith.index_cast %parallel_loop3A_407 : i32 to index
      %parallel_loop3A_613 = tpu.vector_load %arg7[%parallel_loop3A_611, %parallel_loop3A_612] {strides = array<i32>} : memref<32x1024xf32, #tpu.memory_space<vmem>>, vector<1x16xf32>,
      %parallel_loop3A_614 = vector.shape_cast %parallel_loop3A_613 : vector<1x16xf32> to vector<16xf32>
      %parallel_loop3A_615 = arith.addf %parallel_loop3A_575, %parallel_loop3A_614 : vector<16xf32>
      %parallel_loop3A_616 = tpu.bitcast %parallel_loop3A_614 : vector<16xf32> -> vector<16xi32>
      %parallel_loop3A_617 = arith.andi %parallel_loop3A_616, %broadcast_in_dim3A_324 : vector<16xi32>
      %parallel_loop3A_618 = tpu.bitcast %parallel_loop3A_617 : vector<16xi32> -> vector<16xf32>
      %parallel_loop3A_619 = arith.addf %parallel_loop3A_599, %parallel_loop3A_618 : vector<16xf32>
      %parallel_loop3A_620 = arith.constant 21 : i32
      %parallel_loop3A_621 = arith.index_cast %parallel_loop3A_620 : i32 to index
      %parallel_loop3A_622 = arith.index_cast %parallel_loop3A_407 : i32 to index
      %parallel_loop3A_623 = tpu.vector_load %arg7[%parallel_loop3A_621, %parallel_loop3A_622] {strides = array<i32>} : memref<32x1024xf32, #tpu.memory_space<vmem>>, vector<1x16xf32>,
      %parallel_loop3A_624 = vector.shape_cast %parallel_loop3A_623 : vector<1x16xf32> to vector<16xf32>
      %parallel_loop3A_625 = arith.addf %parallel_loop3A_585, %parallel_loop3A_624 : vector<16xf32>
      %parallel_loop3A_626 = tpu.bitcast %parallel_loop3A_624 : vector<16xf32> -> vector<16xi32>
      %parallel_loop3A_627 = arith.andi %parallel_loop3A_626, %broadcast_in_dim3A_329 : vector<16xi32>
      %parallel_loop3A_628 = tpu.bitcast %parallel_loop3A_627 : vector<16xi32> -> vector<16xf32>
      %parallel_loop3A_629 = arith.addf %parallel_loop3A_609, %parallel_loop3A_628 : vector<16xf32>
      %parallel_loop3A_630 = arith.constant 22 : i32
      %parallel_loop3A_631 = arith.index_cast %parallel_loop3A_630 : i32 to index
      %parallel_loop3A_632 = arith.index_cast %parallel_loop3A_407 : i32 to index
      %parallel_loop3A_633 = tpu.vector_load %arg7[%parallel_loop3A_631, %parallel_loop3A_632] {strides = array<i32>} : memref<32x1024xf32, #tpu.memory_space<vmem>>, vector<1x16xf32>,
      %parallel_loop3A_634 = vector.shape_cast %parallel_loop3A_633 : vector<1x16xf32> to vector<16xf32>
      %parallel_loop3A_635 = arith.addf %parallel_loop3A_595, %parallel_loop3A_634 : vector<16xf32>
      %parallel_loop3A_636 = tpu.bitcast %parallel_loop3A_634 : vector<16xf32> -> vector<16xi32>
      %parallel_loop3A_637 = arith.andi %parallel_loop3A_636, %broadcast_in_dim3A_334 : vector<16xi32>
      %parallel_loop3A_638 = tpu.bitcast %parallel_loop3A_637 : vector<16xi32> -> vector<16xf32>
      %parallel_loop3A_639 = arith.addf %parallel_loop3A_619, %parallel_loop3A_638 : vector<16xf32>
      %parallel_loop3A_640 = arith.constant 23 : i32
      %parallel_loop3A_641 = arith.index_cast %parallel_loop3A_640 : i32 to index
      %parallel_loop3A_642 = arith.index_cast %parallel_loop3A_407 : i32 to index
      %parallel_loop3A_643 = tpu.vector_load %arg7[%parallel_loop3A_641, %parallel_loop3A_642] {strides = array<i32>} : memref<32x1024xf32, #tpu.memory_space<vmem>>, vector<1x16xf32>,
      %parallel_loop3A_644 = vector.shape_cast %parallel_loop3A_643 : vector<1x16xf32> to vector<16xf32>
      %parallel_loop3A_645 = arith.addf %parallel_loop3A_605, %parallel_loop3A_644 : vector<16xf32>
      %parallel_loop3A_646 = tpu.bitcast %parallel_loop3A_644 : vector<16xf32> -> vector<16xi32>
      %parallel_loop3A_647 = arith.andi %parallel_loop3A_646, %broadcast_in_dim3A_339 : vector<16xi32>
      %parallel_loop3A_648 = tpu.bitcast %parallel_loop3A_647 : vector<16xi32> -> vector<16xf32>
      %parallel_loop3A_649 = arith.addf %parallel_loop3A_629, %parallel_loop3A_648 : vector<16xf32>
      %parallel_loop3A_650 = arith.constant 24 : i32
      %parallel_loop3A_651 = arith.index_cast %parallel_loop3A_650 : i32 to index
      %parallel_loop3A_652 = arith.index_cast %parallel_loop3A_407 : i32 to index
      %parallel_loop3A_653 = tpu.vector_load %arg7[%parallel_loop3A_651, %parallel_loop3A_652] {strides = array<i32>} : memref<32x1024xf32, #tpu.memory_space<vmem>>, vector<1x16xf32>,
      %parallel_loop3A_654 = vector.shape_cast %parallel_loop3A_653 : vector<1x16xf32> to vector<16xf32>
      %parallel_loop3A_655 = arith.addf %parallel_loop3A_615, %parallel_loop3A_654 : vector<16xf32>
      %parallel_loop3A_656 = tpu.bitcast %parallel_loop3A_654 : vector<16xf32> -> vector<16xi32>
      %parallel_loop3A_657 = arith.andi %parallel_loop3A_656, %broadcast_in_dim3A_344 : vector<16xi32>
      %parallel_loop3A_658 = tpu.bitcast %parallel_loop3A_657 : vector<16xi32> -> vector<16xf32>
      %parallel_loop3A_659 = arith.addf %parallel_loop3A_639, %parallel_loop3A_658 : vector<16xf32>
      %parallel_loop3A_660 = arith.constant 25 : i32
      %parallel_loop3A_661 = arith.index_cast %parallel_loop3A_660 : i32 to index
      %parallel_loop3A_662 = arith.index_cast %parallel_loop3A_407 : i32 to index
      %parallel_loop3A_663 = tpu.vector_load %arg7[%parallel_loop3A_661, %parallel_loop3A_662] {strides = array<i32>} : memref<32x1024xf32, #tpu.memory_space<vmem>>, vector<1x16xf32>,
      %parallel_loop3A_664 = vector.shape_cast %parallel_loop3A_663 : vector<1x16xf32> to vector<16xf32>
      %parallel_loop3A_665 = arith.addf %parallel_loop3A_625, %parallel_loop3A_664 : vector<16xf32>
      %parallel_loop3A_666 = tpu.bitcast %parallel_loop3A_664 : vector<16xf32> -> vector<16xi32>
      %parallel_loop3A_667 = arith.andi %parallel_loop3A_666, %broadcast_in_dim3A_349 : vector<16xi32>
      %parallel_loop3A_668 = tpu.bitcast %parallel_loop3A_667 : vector<16xi32> -> vector<16xf32>
      %parallel_loop3A_669 = arith.addf %parallel_loop3A_649, %parallel_loop3A_668 : vector<16xf32>
      %parallel_loop3A_670 = arith.constant 26 : i32
      %parallel_loop3A_671 = arith.index_cast %parallel_loop3A_670 : i32 to index
      %parallel_loop3A_672 = arith.index_cast %parallel_loop3A_407 : i32 to index
      %parallel_loop3A_673 = tpu.vector_load %arg7[%parallel_loop3A_671, %parallel_loop3A_672] {strides = array<i32>} : memref<32x1024xf32, #tpu.memory_space<vmem>>, vector<1x16xf32>,
      %parallel_loop3A_674 = vector.shape_cast %parallel_loop3A_673 : vector<1x16xf32> to vector<16xf32>
      %parallel_loop3A_675 = arith.addf %parallel_loop3A_635, %parallel_loop3A_674 : vector<16xf32>
      %parallel_loop3A_676 = tpu.bitcast %parallel_loop3A_674 : vector<16xf32> -> vector<16xi32>
      %parallel_loop3A_677 = arith.andi %parallel_loop3A_676, %broadcast_in_dim3A_354 : vector<16xi32>
      %parallel_loop3A_678 = tpu.bitcast %parallel_loop3A_677 : vector<16xi32> -> vector<16xf32>
      %parallel_loop3A_679 = arith.addf %parallel_loop3A_659, %parallel_loop3A_678 : vector<16xf32>
      %parallel_loop3A_680 = arith.constant 27 : i32
      %parallel_loop3A_681 = arith.index_cast %parallel_loop3A_680 : i32 to index
      %parallel_loop3A_682 = arith.index_cast %parallel_loop3A_407 : i32 to index
      %parallel_loop3A_683 = tpu.vector_load %arg7[%parallel_loop3A_681, %parallel_loop3A_682] {strides = array<i32>} : memref<32x1024xf32, #tpu.memory_space<vmem>>, vector<1x16xf32>,
      %parallel_loop3A_684 = vector.shape_cast %parallel_loop3A_683 : vector<1x16xf32> to vector<16xf32>
      %parallel_loop3A_685 = arith.addf %parallel_loop3A_645, %parallel_loop3A_684 : vector<16xf32>
      %parallel_loop3A_686 = tpu.bitcast %parallel_loop3A_684 : vector<16xf32> -> vector<16xi32>
      %parallel_loop3A_687 = arith.andi %parallel_loop3A_686, %broadcast_in_dim3A_359 : vector<16xi32>
      %parallel_loop3A_688 = tpu.bitcast %parallel_loop3A_687 : vector<16xi32> -> vector<16xf32>
      %parallel_loop3A_689 = arith.addf %parallel_loop3A_669, %parallel_loop3A_688 : vector<16xf32>
      %parallel_loop3A_690 = arith.constant 28 : i32
      %parallel_loop3A_691 = arith.index_cast %parallel_loop3A_690 : i32 to index
      %parallel_loop3A_692 = arith.index_cast %parallel_loop3A_407 : i32 to index
      %parallel_loop3A_693 = tpu.vector_load %arg7[%parallel_loop3A_691, %parallel_loop3A_692] {strides = array<i32>} : memref<32x1024xf32, #tpu.memory_space<vmem>>, vector<1x16xf32>,
      %parallel_loop3A_694 = vector.shape_cast %parallel_loop3A_693 : vector<1x16xf32> to vector<16xf32>
      %parallel_loop3A_695 = arith.addf %parallel_loop3A_655, %parallel_loop3A_694 : vector<16xf32>
      %parallel_loop3A_696 = tpu.bitcast %parallel_loop3A_694 : vector<16xf32> -> vector<16xi32>
      %parallel_loop3A_697 = arith.andi %parallel_loop3A_696, %broadcast_in_dim3A_364 : vector<16xi32>
      %parallel_loop3A_698 = tpu.bitcast %parallel_loop3A_697 : vector<16xi32> -> vector<16xf32>
      %parallel_loop3A_699 = arith.addf %parallel_loop3A_679, %parallel_loop3A_698 : vector<16xf32>
      %parallel_loop3A_700 = arith.constant 29 : i32
      %parallel_loop3A_701 = arith.index_cast %parallel_loop3A_700 : i32 to index
      %parallel_loop3A_702 = arith.index_cast %parallel_loop3A_407 : i32 to index
      %parallel_loop3A_703 = tpu.vector_load %arg7[%parallel_loop3A_701, %parallel_loop3A_702] {strides = array<i32>} : memref<32x1024xf32, #tpu.memory_space<vmem>>, vector<1x16xf32>,
      %parallel_loop3A_704 = vector.shape_cast %parallel_loop3A_703 : vector<1x16xf32> to vector<16xf32>
      %parallel_loop3A_705 = arith.addf %parallel_loop3A_665, %parallel_loop3A_704 : vector<16xf32>
      %parallel_loop3A_706 = tpu.bitcast %parallel_loop3A_704 : vector<16xf32> -> vector<16xi32>
      %parallel_loop3A_707 = arith.andi %parallel_loop3A_706, %broadcast_in_dim3A_369 : vector<16xi32>
      %parallel_loop3A_708 = tpu.bitcast %parallel_loop3A_707 : vector<16xi32> -> vector<16xf32>
      %parallel_loop3A_709 = arith.addf %parallel_loop3A_689, %parallel_loop3A_708 : vector<16xf32>
      %parallel_loop3A_710 = arith.constant 30 : i32
      %parallel_loop3A_711 = arith.index_cast %parallel_loop3A_710 : i32 to index
      %parallel_loop3A_712 = arith.index_cast %parallel_loop3A_407 : i32 to index
      %parallel_loop3A_713 = tpu.vector_load %arg7[%parallel_loop3A_711, %parallel_loop3A_712] {strides = array<i32>} : memref<32x1024xf32, #tpu.memory_space<vmem>>, vector<1x16xf32>,
      %parallel_loop3A_714 = vector.shape_cast %parallel_loop3A_713 : vector<1x16xf32> to vector<16xf32>
      %parallel_loop3A_715 = arith.addf %parallel_loop3A_675, %parallel_loop3A_714 : vector<16xf32>
      %parallel_loop3A_716 = tpu.bitcast %parallel_loop3A_714 : vector<16xf32> -> vector<16xi32>
      %parallel_loop3A_717 = arith.andi %parallel_loop3A_716, %broadcast_in_dim3A_374 : vector<16xi32>
      %parallel_loop3A_718 = tpu.bitcast %parallel_loop3A_717 : vector<16xi32> -> vector<16xf32>
      %parallel_loop3A_719 = arith.addf %parallel_loop3A_699, %parallel_loop3A_718 : vector<16xf32>
      %parallel_loop3A_720 = arith.constant 31 : i32
      %parallel_loop3A_721 = arith.index_cast %parallel_loop3A_720 : i32 to index
      %parallel_loop3A_722 = arith.index_cast %parallel_loop3A_407 : i32 to index
      %parallel_loop3A_723 = tpu.vector_load %arg7[%parallel_loop3A_721, %parallel_loop3A_722] {strides = array<i32>} : memref<32x1024xf32, #tpu.memory_space<vmem>>, vector<1x16xf32>,
      %parallel_loop3A_724 = vector.shape_cast %parallel_loop3A_723 : vector<1x16xf32> to vector<16xf32>
      %parallel_loop3A_725 = arith.addf %parallel_loop3A_685, %parallel_loop3A_724 : vector<16xf32>
      %parallel_loop3A_726 = tpu.bitcast %parallel_loop3A_724 : vector<16xf32> -> vector<16xi32>
      %parallel_loop3A_727 = arith.andi %parallel_loop3A_726, %broadcast_in_dim3A_379 : vector<16xi32>
      %parallel_loop3A_728 = tpu.bitcast %parallel_loop3A_727 : vector<16xi32> -> vector<16xf32>
      %parallel_loop3A_729 = arith.addf %parallel_loop3A_709, %parallel_loop3A_728 : vector<16xf32>
      %parallel_loop3A_730 = arith.addf %parallel_loop3A_695, %parallel_loop3A_705 : vector<16xf32>
      %parallel_loop3A_731 = arith.addf %parallel_loop3A_715, %parallel_loop3A_725 : vector<16xf32>
      %parallel_loop3A_732 = arith.addf %parallel_loop3A_730, %parallel_loop3A_731 : vector<16xf32>
      %parallel_loop3A_733 = arith.addf %parallel_loop3A_719, %parallel_loop3A_729 : vector<16xf32>
      %parallel_loop3A_734 = arith.index_cast %parallel_loop3A_407 : i32 to index
      %parallel_loop3A_735 = tpu.vector_load %arg9[%parallel_loop3A_734] {strides = array<i32>} : memref<1024xf32, #tpu.memory_space<vmem>>, vector<16xf32>,
      %parallel_loop3A_736 = vector.shape_cast %parallel_loop3A_735 : vector<16xf32> to vector<16xf32>
      %parallel_loop3A_737 = arith.addf %parallel_loop3A_736, %parallel_loop3A_733 : vector<16xf32>
      %parallel_loop3A_738 = arith.constant 0.000000e+00 : f32
      %parallel_loop3A_739 = vector.broadcast %parallel_loop3A_738 : f32 to vector<16xf32>
      %parallel_loop3A_740 = arith.cmpf ogt, %parallel_loop3A_737, %parallel_loop3A_739 : vector<16xf32>
      %parallel_loop3A_741 = arith.constant 1.000000e+00 : f32
      %parallel_loop3A_742 = arith.constant -1.000000e+00 : f32
      %parallel_loop3A_743 = vector.broadcast %parallel_loop3A_741 : f32 to vector<16xf32>
      %parallel_loop3A_744 = vector.broadcast %parallel_loop3A_742 : f32 to vector<16xf32>
      %parallel_loop3A_745 = arith.select %parallel_loop3A_740, %parallel_loop3A_743, %parallel_loop3A_744 : vector<16xi1>, vector<16xf32>
      %parallel_loop3A_746 = arith.index_cast %and3A_219 : i32 to index
      %parallel_loop3A_747 = arith.index_cast %parallel_loop3A_407 : i32 to index
      %parallel_loop3A_748 = tpu.vector_load %arg10[%parallel_loop3A_746, %parallel_loop3A_747] {strides = array<i32>} : memref<16x1024xf32, #tpu.memory_space<vmem>>, vector<1x16xf32>,
      %parallel_loop3A_749 = vector.shape_cast %parallel_loop3A_748 : vector<1x16xf32> to vector<16xf32>
      %parallel_loop3A_750 = vector.shape_cast %parallel_loop3A_745 : vector<16xf32> to vector<1x16xf32>
      tpu.vector_store %arg10[%parallel_loop3A_746, %parallel_loop3A_747], %parallel_loop3A_750 {strides = array<i32>} : memref<16x1024xf32, #tpu.memory_space<vmem>>, vector<1x16xf32>,
      %parallel_loop3A_751 = tpu.bitcast %parallel_loop3A_736 : vector<16xf32> -> vector<16xi32>
      %parallel_loop3A_752 = arith.constant 0.000000e+00 : f32
      %parallel_loop3A_753 = vector.broadcast %parallel_loop3A_752 : f32 to vector<16xf32>
      %parallel_loop3A_754 = arith.subf %parallel_loop3A_753, %parallel_loop3A_733 : vector<16xf32>
      %parallel_loop3A_755 = tpu.bitcast %parallel_loop3A_754 : vector<16xf32> -> vector<16xi32>
      %parallel_loop3A_756 = arith.xori %parallel_loop3A_751, %parallel_loop3A_755 : vector<16xi32>
      %parallel_loop3A_757 = arith.andi %parallel_loop3A_756, %broadcast_in_dim3A_382 : vector<16xi32>
      %parallel_loop3A_758 = arith.xori %parallel_loop3A_751, %parallel_loop3A_757 : vector<16xi32>
      %parallel_loop3A_759 = tpu.bitcast %parallel_loop3A_758 : vector<16xi32> -> vector<16xf32>
      %parallel_loop3A_760 = arith.addf %parallel_loop3A_732, %parallel_loop3A_759 : vector<16xf32>
      %parallel_loop3A_761 = arith.index_cast %parallel_loop3A_407 : i32 to index
      %parallel_loop3A_762 = tpu.vector_load %arg9[%parallel_loop3A_761] {strides = array<i32>} : memref<1024xf32, #tpu.memory_space<vmem>>, vector<16xf32>,
      %parallel_loop3A_763 = vector.shape_cast %parallel_loop3A_762 : vector<16xf32> to vector<16xf32>
      %parallel_loop3A_764 = vector.shape_cast %parallel_loop3A_760 : vector<16xf32> to vector<16xf32>
      tpu.vector_store %arg9[%parallel_loop3A_761], %parallel_loop3A_764 {strides = array<i32>} : memref<1024xf32, #tpu.memory_space<vmem>>, vector<16xf32>,
    } {sc.loop_unroll_factor = 8 : i64, sc.parallel_access}
    %gt3A_386 = arith.constant 0 : i32
    %gt3A_387 = arith.cmpi sgt, %add3A_217, %gt3A_386 : i32
    %convert_element_type3A_388 = arith.extui %gt3A_387 : i1 to i32
    %cond3A_389 = arith.constant 0 : i32
    %cond3A_390 = arith.cmpi ne, %convert_element_type3A_388, %cond3A_389 : i32
    scf.if %cond3A_390 {
      %add3A_405 = arith.addi %mul3A_2, %add3A_200 : i32
      %dma_start3A_406 = arith.constant 0 : i32
      %dma_start3A_407 = tpu.memref_slice %arg10[%and3A_219, %dma_start3A_406] : memref<16x1024xf32, #tpu.memory_space<vmem>> -> memref<1x1024xf32, #tpu.memory_space<vmem>>
      %dma_start3A_408 = tpu.memref_squeeze %dma_start3A_407 : memref<1x1024xf32, #tpu.memory_space<vmem>> -> memref<1024xf32, #tpu.memory_space<vmem>>
      %dma_start3A_409 = arith.constant 0 : i32
      %dma_start3A_410 = tpu.memref_slice %arg4[%add3A_405, %dma_start3A_409] : memref<1024x1024xf32, #tpu.memory_space<hbm>> -> memref<1x1024xf32, #tpu.memory_space<hbm>>
      %dma_start3A_411 = tpu.memref_squeeze %dma_start3A_410 : memref<1x1024xf32, #tpu.memory_space<hbm>> -> memref<1024xf32, #tpu.memory_space<hbm>>
      %dma_start3A_412 = arith.constant 0 : i32
      %dma_start3A_413 = tpu.memref_slice %arg4[%add3A_405, %dma_start3A_412] : memref<1024x1024xf32, #tpu.memory_space<hbm>> -> memref<1x1024xf32, #tpu.memory_space<hbm>>
      %dma_start3A_414 = tpu.memref_squeeze %dma_start3A_413 : memref<1x1024xf32, #tpu.memory_space<hbm>> -> memref<1024xf32, #tpu.memory_space<hbm>>
      %dma_start3A_415 = arith.constant 0 : i32
      %dma_start3A_416 = tpu.memref_slice %arg10[%and3A_219, %dma_start3A_415] : memref<16x1024xf32, #tpu.memory_space<vmem>> -> memref<1x1024xf32, #tpu.memory_space<vmem>>
      %dma_start3A_417 = tpu.memref_squeeze %dma_start3A_416 : memref<1x1024xf32, #tpu.memory_space<vmem>> -> memref<1024xf32, #tpu.memory_space<vmem>>
      tpu.enqueue_dma source(%dma_start3A_417 : memref<1024xf32, #tpu.memory_space<vmem>>) target(%dma_start3A_414 : memref<1024xf32, #tpu.memory_space<hbm>>) target_semaphore(%arg14 : memref<!tpu.dma_semaphore, #tpu.memory_space<semaphore_mem>>)
    } else {
    }
    %add3A_391 = arith.addi %add3A_200, %add3A_217 : i32
    %mul3A_392 = arith.constant 50 : i32
    %mul3A_393 = arith.muli %mul3A_392, %add3A_217 : i32
    %add3A_394 = arith.addi %sub3A_205, %mul3A_393 : i32
    %sub3A_395 = arith.constant 32 : i32
    %sub3A_396 = arith.subi %add3A_394, %sub3A_395 : i32
    %dma_wait3A_397 = arith.constant 0 : i32
    %dma_wait3A_398 = tpu.memref_slice %arg4[%mul3A_2, %dma_wait3A_397] : memref<1024x1024xf32, #tpu.memory_space<hbm>> -> memref<16x1024xf32, #tpu.memory_space<hbm>>
    %dma_wait3A_399 = arith.constant 0 : i32
    %dma_wait3A_400 = tpu.memref_slice %arg4[%mul3A_2, %dma_wait3A_399] : memref<1024x1024xf32, #tpu.memory_space<hbm>> -> memref<16x1024xf32, #tpu.memory_space<hbm>>
    tpu.wait_dma2 semaphore(%arg14 : memref<!tpu.dma_semaphore, #tpu.memory_space<semaphore_mem>>) src(%arg10 : memref<16x1024xf32, #tpu.memory_space<vmem>>) dst(%dma_wait3A_400 : memref<16x1024xf32, #tpu.memory_space<hbm>>)
    %dma_wait3A_401 = arith.constant 0 : i32
    %dma_wait3A_402 = tpu.memref_slice %arg4[%mul3A_2, %dma_wait3A_401] : memref<1024x1024xf32, #tpu.memory_space<hbm>> -> memref<16x1024xf32, #tpu.memory_space<hbm>>
    %dma_wait3A_403 = arith.constant 0 : i32
    %dma_wait3A_404 = tpu.memref_slice %arg4[%mul3A_2, %dma_wait3A_403] : memref<1024x1024xf32, #tpu.memory_space<hbm>> -> memref<16x1024xf32, #tpu.memory_space<hbm>>
    tpu.wait_dma2 semaphore(%arg14 : memref<!tpu.dma_semaphore, #tpu.memory_space<semaphore_mem>>) src(%arg10 : memref<16x1024xf32, #tpu.memory_space<vmem>>) dst(%dma_wait3A_404 : memref<16x1024xf32, #tpu.memory_space<hbm>>)
    return
  }
}

</mosaic_0001>

<sc_bundles>
// kernel: kernel.3.cloned.1.call-start
scs
__scs_entry_jumppad:
0x0: {  	(pc) =	sbr.rel $0x88, $3  }
0x1: {  	(tag) =	ssettag $0x0;
	lr =	simm.s32 $0x1  }
0x2: {  	[smem:$0x3F9F] =	sst lr;
	_ =	strace $0xD0000000  }
0x3: {  	_ = 	snop  }
0x4: {  	_ = 	snop  }
0x5: {  	_ = 	snop  }
0x6: {  	_ = 	snop  }
0x7: {  	_ = 	snop  }
__scs_overlays_trampoline_lowered:
0x8: {  	[smem:$0x3FAE] =	sst s0  }
0x9: {  	[smem:$0x3FAF] =	sst s1  }
0xa: {  	[smem:$0x3FB0] =	sst s2  }
0xb: {  	[smem:$0x3FB1] =	sst s3  }
0xc: {  	[smem:$0x3FB2] =	sst s4  }
0xd: {  	[smem:$0x3FB3] =	sst s5  }
0xe: {  	[smem:$0x3FB4] =	sst s6  }
0xf: {  	[smem:$0x3FB5] =	sst s7  }
0x10: {  	[smem:$0x3FB6] =	sst s8  }
0x11: {  	[smem:$0x3FB7] =	sst s9;
	s0 =	simm.s32 @!p0 $0x0  }
0x12: {  	s1 =	sld [smem:$0x3F9D];
	s0 =	simm.s32 @p0 $0x1  }
0x13: {  	[smem:$0x3FB8] =	sst s0;
	s0 =	simm.s32 @!p1 $0x0  }
0x14: {  	s2 =	sld [smem:$0x3F9C];
	s0 =	simm.s32 @p1 $0x1  }
0x15: {  	[smem:$0x3FB9] =	sst s0;
	s0 =	simm.s32 @!p2 $0x0  }
0x16: {  	s3 =	sld [smem:$0x3FDB];
	s0 =	simm.s32 @p2 $0x1  }
0x17: {  	s4 =	simm.s32 $0x1BF5;
	[smem:$0x3FBB] =	sst s0  }
0x18: {  	s0 =	sld [smem:$0x3F9E];
	_ =	swait.ge [sflag:s4], $0x0  }
0x19: {  	s7 =	sld [smem:$0x3F9F]  }
0x1a: {  	s8 =	sadd.s32 $0xFFFFE003, lr  }
0x1b: {  	s9 =	sadd.s32 $0xFFFFFEF7, lr;
	s5 =	simm.s32 $0xFFFFFFFF;
	p2 =	slt.u32 s8, $0xFFFFF086  }
0x1c: {  	p1 =	slt.u32 s9, $0xF7A;
	s5 =	simm.s32 @!p2 $0x0  }
0x1d: {  	s5 =	simm.s32 @p1 $0x1;
	p0 =	seq.s32 s7, s2  }
0x1e: {  	s7 =	smul.u32 @!p0 $0xF7A, s2;
	p2 =	seq.s32 @!p0 s5, $0x0  }
0x1f: {  	s9 =	smul.u32 $0xF7A, s1;
	s8 =	simm.s32 @!p0 $0x1BF5;
	p2 =	por !p2, p0  }
0x20: {  	[sflag:s8] =	ssyncset.s32 @!p0 $0xFFFFF086;
	s6 =	sadd.s32 @!p0 s3, s7;
	s7 =	simm.s32 @!p0 $0x108  }
0x21: {  	s3 =	sadd.s32 s3, s9;
	s6 =	sadd.s32 @!p0 $0x88, s6;
	s7 =	simm.s32 @p2 $0x1082  }
0x22: {  	[simem:s7], [sflag:s8] =	dma.local @!p0 [hbm:s6], $0xF7A  }
0x23: {  	s9 =	sor.u32 $0xD0000000, s2;
	s6 =	simm.s32 $0x108;
	_ =	swait.ge @!p0 [sflag:s8], $0x0  }
0x24: {  	s3 =	sadd.s32 $0x88, s3;
	s6 =	simm.s32 @!p1 $0x1082;
	[sflag:s4] =	ssyncset.s32 $0xFFFFF086  }
0x25: {  	[simem:s6], [sflag:s4] =	dma.local [hbm:s3], $0xF7A  }
0x26: {  	[smem:$0x3F9F] =	sst s1;
	(tag) =	ssettag s2;
	_ =	strace s9  }
0x27: {  	s1 =	sld [smem:$0x3FAF]  }
0x28: {  	s2 =	sld [smem:$0x3FB0]  }
0x29: {  	s4 =	sld [smem:$0x3FB2]  }
0x2a: {  	p0 =	seq.s32 s5, $0x0;
	s5 =	sld [smem:$0x3FB3]  }
0x2b: {  	s6 =	sld [smem:$0x3FB4]  }
0x2c: {  	s7 =	sld [smem:$0x3FB5]  }
0x2d: {  	s3 =	simm.s32 $0x108;
	s8 =	sld [smem:$0x3FB6]  }
0x2e: {  	s3 =	simm.s32 @!p0 $0x1082;
	s9 =	sld [smem:$0x3FB7]  }
0x2f: {  	lr =	sadd.s32 s0, s3;
	s0 =	sld [smem:$0x3FAE]  }
0x30: {  	s3 =	sld [smem:$0x3FB1]  }
0x31: {  	[smem:$0x3FBA] =	sst s10  }
0x32: {  	s10 =	sld [smem:$0x3FB8];
	_ =	sdelay $0x3  }
0x33: {  	p0 =	seq.s32 s10, $0x1;
	s10 =	sld [smem:$0x3FBA];
	_ =	sdelay $0x3  }
0x34: {  	[smem:$0x3FBA] =	sst s10  }
0x35: {  	s10 =	sld [smem:$0x3FB9];
	_ =	sdelay $0x3  }
0x36: {  	p1 =	seq.s32 s10, $0x1;
	s10 =	sld [smem:$0x3FBA];
	_ =	sdelay $0x3  }
0x37: {  	[smem:$0x3FBA] =	sst s10  }
0x38: {  	s10 =	sld [smem:$0x3FBB]  }
0x39: {  	_ = 	snop;
	(pc) =	sbr.ind lr, $3  }
0x3a: {  	_ = 	snop  }
0x3b: {  	_ = 	snop  }
0x3c: {  	p2 =	seq.s32 s10, $0x1;
	s10 =	sld [smem:$0x3FBA]  }
0x3d: {  	_ =	shalt  }
0x3e: {  	_ =	shalt  }
0x3f: {  	_ =	shalt  }
0x40: {  	_ =	shalt  }
0x41: {  	_ =	shalt  }
0x42: {  	_ =	shalt  }
0x43: {  	_ =	shalt  }
0x44: {  	_ =	shalt  }
0x45: {  	_ =	shalt  }
0x46: {  	_ =	shalt  }
0x47: {  	_ =	shalt  }
0x48: {  	_ =	shalt  }
0x49: {  	_ =	shalt  }
0x4a: {  	_ =	shalt  }
0x4b: {  	_ =	shalt  }
0x4c: {  	_ =	shalt  }
0x4d: {  	_ =	shalt  }
0x4e: {  	_ =	shalt  }
0x4f: {  	_ =	shalt  }
0x50: {  	_ =	shalt  }
0x51: {  	_ =	shalt  }
0x52: {  	_ =	shalt  }
0x53: {  	_ =	shalt  }
0x54: {  	_ =	shalt  }
0x55: {  	_ =	shalt  }
0x56: {  	_ =	shalt  }
0x57: {  	_ =	shalt  }
0x58: {  	_ =	shalt  }
0x59: {  	_ =	shalt  }
0x5a: {  	_ =	shalt  }
0x5b: {  	_ =	shalt  }
0x5c: {  	_ =	shalt  }
0x5d: {  	_ =	shalt  }
0x5e: {  	_ =	shalt  }
0x5f: {  	_ =	shalt  }
0x60: {  	_ =	shalt  }
0x61: {  	_ =	shalt  }
0x62: {  	_ =	shalt  }
0x63: {  	_ =	shalt  }
0x64: {  	_ =	shalt  }
0x65: {  	_ =	shalt  }
0x66: {  	_ =	shalt  }
0x67: {  	_ =	shalt  }
0x68: {  	_ =	shalt  }
0x69: {  	_ =	shalt  }
0x6a: {  	_ =	shalt  }
0x6b: {  	_ =	shalt  }
0x6c: {  	_ =	shalt  }
0x6d: {  	_ =	shalt  }
0x6e: {  	_ =	shalt  }
0x6f: {  	_ =	shalt  }
0x70: {  	_ =	shalt  }
0x71: {  	_ =	shalt  }
0x72: {  	_ =	shalt  }
0x73: {  	_ =	shalt  }
0x74: {  	_ =	shalt  }
0x75: {  	_ =	shalt  }
0x76: {  	_ =	shalt  }
0x77: {  	_ =	shalt  }
0x78: {  	_ =	shalt  }
0x79: {  	_ =	shalt  }
0x7a: {  	_ =	shalt  }
0x7b: {  	_ =	shalt  }
0x7c: {  	_ =	shalt  }
0x7d: {  	_ =	shalt  }
0x7e: {  	_ =	shalt  }
0x7f: {  	_ =	shalt  }
0x80: {  	_ =	shalt  }
0x81: {  	_ =	shalt  }
0x82: {  	_ =	shalt  }
0x83: {  	_ =	shalt  }
0x84: {  	_ =	shalt  }
0x85: {  	_ =	shalt  }
0x86: {  	_ =	shalt  }
0x87: {  	_ =	shalt  }
.Lfunc_end0:
.L_simem_size_0:
called_computation_lowered:
.L_overlay_start_0:
0x88: {  	s2 =	sld [smem:$0x3FD9]  }
0x89: {  	s3 =	sld [smem:$0x3FFE];
	_ =	sdelay $0x1  }
0x8a: {  	s1 =	srdreg.scid  }
0x8b: {  	s0 =	sand.u32 $0x1, s1  }
0x8c: {  	s17 =	sshll.u32 s0, $0xA;
	s2 =	sadd.s32 s3, s2  }
0x8d: {  	s2 =	sadd.s32 s2, s17  }
0x8e: {  	[smem:$0x3FC6] =	sst s2  }
0x8f: {  	_ = 	snop  }
0x90: {  	s2 =	sld [smem:$0x3FC8]  }
0x91: {  	s18 =	sld [smem:$0x3FD0];
	(tm) =	ssettm $0x1  }
0x92: {  	s4 =	sld [smem:$0x3FFB];
	_ =	sdelay $0x3  }
0x93: {  	_ =	strace s4  }
0x94: {  	s4 =	sld [smem:$0x3FFC];
	_ =	sdelay $0x3  }
0x95: {  	_ =	strace s4  }
0x96: {  	s4 =	sld [smem:$0x3FFD];
	_ =	sdelay $0x3  }
0x97: {  	_ =	strace s4  }
0x98: {  	_ =	strace $0x8FFFFFFF  }
0x99: {  	s19 =	sld [smem:$0x3FDB];
	_ =	sdelay $0x1  }
0x9a: {  	s5 =	simm.s32 $_scs_section_size  }
0x9b: {  	s6 =	simm.s32 $_size__tile_overlayer_lowered;
	s7 =	simm.s32 $_tile_overlayer_lowered  }
0x9c: {  	s22 =	simm.s32 $0x1BFF;
	s21 =	sshll.u32 s7, $0x1;
	s4 =	sadd.s32 s5, s19  }
0x9d: {  	s8 =	simm.s32 $0x0;
	s20 =	sshll.u32 s6, $0x1;
	s6 =	sadd.s32 s21, s4  }
0x9e: {  	[timem:s8], [sflag:s22] =	dma.local [hbm:s6], s20  }
0x9f: {  	_ =	swait.ge [sflag:s22], s20  }
0xa0: {  	s5 =	ssub.s32 $0x0, s20;
	[sflag:s22] =	ssyncset.done $0x0  }
0xa1: {  	[sflag:s22] =	ssyncadd.s32 s5;
	_ =	sdelay $0x1  }
0xa2: {  	s23 =	simm.s32 $0x1B8B  }
0xa3: {  	_ =	swait.ge [sflag:s23], $0x1  }
0xa4: {  	[sflag:s23] =	ssyncset.done $0x0  }
0xa5: {  	s25 =	simm.s32 $0x1B8E;
	s24 =	sld [smem:$0x3FFE];
	[sflag:s23] =	ssyncadd.s32 $0xFFFFFFFF  }
0xa6: {  	s26 =	simm.s32 $execute0_lowered;
	[smem:$0x3FD2] =	sst s25  }
0xa7: {  	s6 =	sshll.u32 s26, $0x1;
	_ =	strace $0x80000046;
	[dreg:$0x1] =	wrdreg $0xFFFFFFFF  }
0xa8: {  	s28 =	simm.s32 $_size_execute0_lowered;
	s4 =	sadd.s32 s4, s6;
	[dreg:$0x0] =	wrdreg $0x0  }
0xa9: {  	s6 =	sshll.u32 s28, $0x1;
	[dreg:$0x2] =	wrdreg s4  }
0xaa: {  	[dreg:$0x3] =	wrdreg s6  }
0xab: {  	[dreg:$0x4] =	wrdreg $0xC0  }
0xac: {  	_ =	task [dreg:s8], $0x5FFFF  }
0xad: {  	[dreg:$0x1] =	wrdreg $0xFFFFFFFF  }
0xae: {  	[dreg:$0x0] =	wrdreg $0x60  }
0xaf: {  	[dreg:$0x2] =	wrdreg s24  }
0xb0: {  	[dreg:$0x3] =	wrdreg s2  }
0xb1: {  	[dreg:$0x4] =	wrdreg s18  }
0xb2: {  	[dreg:$0x5] =	wrdreg $0x9  }
0xb3: {  	_ =	task.clear_ibuf [dreg:s8], $0x6FFFF;
	_ =	strace $0x90000046  }
0xb4: {  	s29 =	simm.s32 $0x9;
	_ =	strace $0x80000048  }
0xb5: {  	_ =	swait.ge [sflag:s29], $0x1  }
0xb6: {  	[sflag:s29] =	ssyncadd.s32 $0xFFFFFFFF  }
0xb7: {  	_ =	strace $0x90000048  }
0xb8: {  	_ =	sfence  }
0xb9: {  	s30 =	sld [smem:$0x0];
	_ =	sdelay $0x2  }
0xba: {  	s31 =	sshll.u32 s1, $0xD;
	s1 =	sshrl.u32 s1, $0x2  }
0xbb: {  	s3 =	sand.u32 $0x4000, s31;
	s1 =	sadd.s32 s1, s30  }
0xbc: {  	s0 =	sor.u32 s3, s0;
	s1 =	sshll.u32 s1, $0x11  }
0xbd: {  	s0 =	sor.u32 s1, s0  }
0xbe: {  	s0 =	sadd.s32 $0x8F2B, s0  }
0xbf: {  	[sflag:s0] =	ssyncadd.remote.s32 $0x1  }
0xc0: {  	_ =	sfence.sel $0xFFFF  }
0xc1: {  	[dreg:$0x0] =	wrdreg $0xFFFFFFFF;
	(pc) =	sbr.abs _section_cstart, $3  }
0xc2: {  	[dreg:$0x1] =	wrdreg $0xFFFFFFFF  }
0xc3: {  	_ =	task.clear_ibuf [dreg:s8], $0x2FFFF;
	_ =	strace $0x9FFFFFFF  }
0xc4: {  	(tm) =	ssettm $0x7FFFFFFF  }
0xc5: {  	_ =	shalt  }
tec
execute0_lowered:
.L_overlay_start_1:
0x0: {  	(tag) =	ssettag $0x1  }
0x1: {  	s0 =	srdreg.scid;
	s4 =	stileid.u32  }
0x2: {  	s1 =	rddreg [dreg:$0x0];
	s0 =	sand.u32 $0x1, s0;
	s3 =	sshll.u32 s4, $0x1  }
0x3: {  	s2 =	rddreg [dreg:$0x1];
	s4 =	sshrl.u32 s4, $0x2;
	s6 =	sor.u32 s0, s3  }
0x4: {  	s24 =	rddreg [dreg:$0x2];
	s5 =	smul.u32 $0x3400, s4;
	s7 =	sshll.u32 s6, $0x7  }
0x5: {  	s28 =	simm.s32 $0x3;
	s4 =	simm.s32 $0x0;
	s7 =	sand.u32 $0x380, s7  }
0x6: {  	s0 =	ssub.s32 $0x2, s0;
	[smem:$0x7FF] =	sst s4;
	s5 =	sor.u32 s5, s7  }
0x7: {  	s25 =	sshrl.u32 s0, $0x1;
	s26 =	sshll.u32 s6, $0x5;
	s5 =	sshrl.u32 s5, $0x3  }
0x8: {  	v2 =	vlaneseq.u32;
	s29 =	sshll.u32 s6, $0xC;
	_ =	strace $0x80000047;
	s1 =	sadd.s32 s5, s1  }
0x9: {  	v1 =	vshrl.u32 v2, $0x3;
	s0 =	ssub.s32 s0, s25;
	[dreg:$0x4] =	wrdreg s26;
	s1 =	sadd.s32 $0x400, s1  }
0xa: {  	v0 =	vand.u32 $0x7, v2;
	v1 =	vmul.u32 $0x8, v1;
	s0 =	smax.u32 s0, $0x1;
	[dreg:$0x5] =	wrdreg s1;
	s1 =	sadd.s32 s29, s24  }
0xb: {  	s8 =	sadd.s32 $0x200, s2;
	[tilespmem:$0x1FFD0] =	vst v0;
	[dreg:$0x6] =	wrdreg s0;
	s30 =	sadd.s32 $0xC70, s1  }
0xc: {  	s9 =	sadd.s32 $0x300, s2;
	v2 =	vor.u32 $0x8, v2;
	[tilespmem:$0x1FFE0] =	vst v1;
	s31 =	sadd.s32 $0xC60, s1;
	[dreg:$0x7] =	wrdreg s30  }
0xd: {  	vm0 =	vmmov $0xffff;
	v3 =	vimm.f32 $0.0e+00;
	v4 =	vimm.f32 $-1.000000000e+00;
	s3 =	simm.s32 $0x0;
	[tilespmem:$0x1FFF0] =	vst v2;
	s7 =	sadd.s32 $0x100, s2;
	[dreg:$0x8] =	wrdreg s31  }
.LBB2_1:
0xe: {  	[dreg:$0x9] =	wrdreg s3  }
0xf: {  	s0 =	rddreg [dreg:$0x5]  }
0x10: {  	s1 =	simm.s32 $0x80;
	s20 =	simm.s32 $0x400;
	s21 =	simm.s32 $0x5  }
0x11: {  	[tilespmem:s4], [sflag:$0x5] =	stream.strided.gather [hbm4b:s0+s1], $0x680, s20, s1, $0x38;
	[tilespmem:$0x1CA80] =	vst v63  }
0x12: {  	_ =	swait.ge [sflag:s21], $0x680  }
0x13: {  	[sflag:s21] =	ssyncset.done $0x0  }
0x14: {  	[sflag:s21] =	ssyncadd.s32 $0xFFFFF980  }
0x15: {  	v5 =	vld [tilespmem:$0x0];
	_ =	sdelay $0x4  }
0x16: {  	v6 =	vshll.u32 v5, $0x3  }
0x17: {  	v5 =	vand.u32 $0x7, v5;
	v6 =	vand.u32 $0xFFFFFFC0, v6  }
0x18: {  	v5 =	vor.u32 v5, v6  }
0x19: {  	v6 =	vperm.xlane v5, v0;
	_ =	sdelay $0x1  }
0x1a: {  	v6 =	vadd.s32 v1, v6;
	_ =	sdelay $0x3  }
0x1b: {  	s22 =	simm.s32 $0x680  }
0x1c: {  	[tilespmem:s22], [sflag:$0x1] =	stream.indirect_vreg.gather [hbm4b:s2+s4], $0x80, v6, vm0, $0xb8;
	[tilespmem:$0x1CA80] =	vst v63  }
0x1d: {  	s23 =	simm.s32 $0xE80;
	v5 =	vperm.xlane v5, v2  }
0x1e: {  	[tilespmem:s23], [sflag:$0x1] =	stream.indirect_vreg.gather [hbm4b:s7+s4], $0x80, v6, vm0, $0xb8;
	[tilespmem:$0x1CA80] =	vst v63  }
0x1f: {  	s24 =	simm.s32 $0x1680;
	v5 =	vadd.s32 v1, v5  }
0x20: {  	[tilespmem:s24], [sflag:$0x1] =	stream.indirect_vreg.gather [hbm4b:s8+s4], $0x80, v6, vm0, $0xb8;
	[tilespmem:$0x1CA80] =	vst v63  }
0x21: {  	s25 =	simm.s32 $0x1E80  }
0x22: {  	[tilespmem:s25], [sflag:$0x1] =	stream.indirect_vreg.gather [hbm4b:s9+s4], $0x80, v6, vm0, $0xb8;
	[tilespmem:$0x1CA80] =	vst v63  }
0x23: {  	s26 =	simm.s32 $0x2680  }
0x24: {  	[tilespmem:s26], [sflag:$0x1] =	stream.indirect_vreg.gather [hbm4b:s2+s4], $0x80, v5, vm0, $0xb8;
	[tilespmem:$0x1CA80] =	vst v63  }
0x25: {  	s29 =	simm.s32 $0x2E80  }
0x26: {  	[tilespmem:s29], [sflag:$0x1] =	stream.indirect_vreg.gather [hbm4b:s7+s4], $0x80, v5, vm0, $0xb8;
	[tilespmem:$0x1CA80] =	vst v63  }
0x27: {  	s30 =	simm.s32 $0x3680  }
0x28: {  	[tilespmem:s30], [sflag:$0x1] =	stream.indirect_vreg.gather [hbm4b:s8+s4], $0x80, v5, vm0, $0xb8;
	[tilespmem:$0x1CA80] =	vst v63  }
0x29: {  	s31 =	simm.s32 $0x3E80  }
0x2a: {  	[tilespmem:s31], [sflag:$0x1] =	stream.indirect_vreg.gather [hbm4b:s9+s4], $0x80, v5, vm0, $0xb8;
	[tilespmem:$0x1CA80] =	vst v63  }
0x2b: {  	v5 =	vld [tilespmem:$0x10];
	_ =	sdelay $0x4  }
0x2c: {  	v6 =	vshll.u32 v5, $0x3  }
0x2d: {  	v5 =	vand.u32 $0x7, v5;
	v6 =	vand.u32 $0xFFFFFFC0, v6  }
0x2e: {  	v5 =	vor.u32 v5, v6  }
0x2f: {  	v6 =	vperm.xlane v5, v0;
	_ =	sdelay $0x1  }
0x30: {  	v6 =	vadd.s32 v1, v6;
	_ =	sdelay $0x3  }
0x31: {  	s1 =	simm.s32 $0x4680  }
0x32: {  	[tilespmem:s1], [sflag:$0x1] =	stream.indirect_vreg.gather [hbm4b:s2+s4], $0x80, v6, vm0, $0xb8;
	[tilespmem:$0x1CA80] =	vst v63  }
0x33: {  	s3 =	simm.s32 $0x4E80;
	v5 =	vperm.xlane v5, v2  }
0x34: {  	[tilespmem:s3], [sflag:$0x1] =	stream.indirect_vreg.gather [hbm4b:s7+s4], $0x80, v6, vm0, $0xb8;
	[tilespmem:$0x1CA80] =	vst v63  }
0x35: {  	s5 =	simm.s32 $0x5680;
	v5 =	vadd.s32 v1, v5  }
0x36: {  	[tilespmem:s5], [sflag:$0x1] =	stream.indirect_vreg.gather [hbm4b:s8+s4], $0x80, v6, vm0, $0xb8;
	[tilespmem:$0x1CA80] =	vst v63  }
0x37: {  	s6 =	simm.s32 $0x5E80  }
0x38: {  	[tilespmem:s6], [sflag:$0x1] =	stream.indirect_vreg.gather [hbm4b:s9+s4], $0x80, v6, vm0, $0xb8;
	[tilespmem:$0x1CA80] =	vst v63  }
0x39: {  	s10 =	simm.s32 $0x6680  }
0x3a: {  	[tilespmem:s10], [sflag:$0x1] =	stream.indirect_vreg.gather [hbm4b:s2+s4], $0x80, v5, vm0, $0xb8;
	[tilespmem:$0x1CA80] =	vst v63  }
0x3b: {  	s11 =	simm.s32 $0x6E80  }
0x3c: {  	[tilespmem:s11], [sflag:$0x1] =	stream.indirect_vreg.gather [hbm4b:s7+s4], $0x80, v5, vm0, $0xb8;
	[tilespmem:$0x1CA80] =	vst v63  }
0x3d: {  	s12 =	simm.s32 $0x7680  }
0x3e: {  	[tilespmem:s12], [sflag:$0x1] =	stream.indirect_vreg.gather [hbm4b:s8+s4], $0x80, v5, vm0, $0xb8;
	[tilespmem:$0x1CA80] =	vst v63  }
0x3f: {  	s13 =	simm.s32 $0x7E80  }
0x40: {  	[tilespmem:s13], [sflag:$0x1] =	stream.indirect_vreg.gather [hbm4b:s9+s4], $0x80, v5, vm0, $0xb8;
	[tilespmem:$0x1CA80] =	vst v63  }
0x41: {  	v5 =	vld [tilespmem:$0x20];
	_ =	sdelay $0x4  }
0x42: {  	v6 =	vshll.u32 v5, $0x3  }
0x43: {  	v5 =	vand.u32 $0x7, v5;
	v6 =	vand.u32 $0xFFFFFFC0, v6  }
0x44: {  	v5 =	vor.u32 v5, v6  }
0x45: {  	v6 =	vperm.xlane v5, v0;
	_ =	sdelay $0x1  }
0x46: {  	v6 =	vadd.s32 v1, v6;
	_ =	sdelay $0x3  }
0x47: {  	s14 =	simm.s32 $0x8680  }
0x48: {  	[tilespmem:s14], [sflag:$0x2] =	stream.indirect_vreg.gather [hbm4b:s2+s4], $0x80, v6, vm0, $0xb8;
	[tilespmem:$0x1CA80] =	vst v63  }
0x49: {  	s15 =	simm.s32 $0x8E80;
	v5 =	vperm.xlane v5, v2  }
0x4a: {  	[tilespmem:s15], [sflag:$0x2] =	stream.indirect_vreg.gather [hbm4b:s7+s4], $0x80, v6, vm0, $0xb8;
	[tilespmem:$0x1CA80] =	vst v63  }
0x4b: {  	s16 =	simm.s32 $0x9680;
	v5 =	vadd.s32 v1, v5  }
0x4c: {  	[tilespmem:s16], [sflag:$0x2] =	stream.indirect_vreg.gather [hbm4b:s8+s4], $0x80, v6, vm0, $0xb8;
	[tilespmem:$0x1CA80] =	vst v63  }
0x4d: {  	s17 =	simm.s32 $0x9E80  }
0x4e: {  	[tilespmem:s17], [sflag:$0x2] =	stream.indirect_vreg.gather [hbm4b:s9+s4], $0x80, v6, vm0, $0xb8;
	[tilespmem:$0x1CA80] =	vst v63  }
0x4f: {  	s18 =	simm.s32 $0xA680  }
0x50: {  	[tilespmem:s18], [sflag:$0x2] =	stream.indirect_vreg.gather [hbm4b:s2+s4], $0x80, v5, vm0, $0xb8;
	[tilespmem:$0x1CA80] =	vst v63  }
0x51: {  	s19 =	simm.s32 $0xAE80  }
0x52: {  	[tilespmem:s19], [sflag:$0x2] =	stream.indirect_vreg.gather [hbm4b:s7+s4], $0x80, v5, vm0, $0xb8;
	[tilespmem:$0x1CA80] =	vst v63  }
0x53: {  	s20 =	simm.s32 $0xB680  }
0x54: {  	[tilespmem:s20], [sflag:$0x2] =	stream.indirect_vreg.gather [hbm4b:s8+s4], $0x80, v5, vm0, $0xb8;
	[tilespmem:$0x1CA80] =	vst v63  }
0x55: {  	s21 =	simm.s32 $0xBE80  }
0x56: {  	[tilespmem:s21], [sflag:$0x2] =	stream.indirect_vreg.gather [hbm4b:s9+s4], $0x80, v5, vm0, $0xb8;
	[tilespmem:$0x1CA80] =	vst v63  }
0x57: {  	v5 =	vld [tilespmem:$0x30];
	_ =	sdelay $0x4  }
0x58: {  	v6 =	vshll.u32 v5, $0x3  }
0x59: {  	v5 =	vand.u32 $0x7, v5;
	v6 =	vand.u32 $0xFFFFFFC0, v6  }
0x5a: {  	v5 =	vor.u32 v5, v6  }
0x5b: {  	v6 =	vperm.xlane v5, v0;
	_ =	sdelay $0x1  }
0x5c: {  	v6 =	vadd.s32 v1, v6;
	_ =	sdelay $0x3  }
0x5d: {  	s22 =	simm.s32 $0xC680  }
0x5e: {  	[tilespmem:s22], [sflag:$0x2] =	stream.indirect_vreg.gather [hbm4b:s2+s4], $0x80, v6, vm0, $0xb8;
	[tilespmem:$0x1CA80] =	vst v63  }
0x5f: {  	s23 =	simm.s32 $0xCE80;
	v5 =	vperm.xlane v5, v2  }
0x60: {  	[tilespmem:s23], [sflag:$0x2] =	stream.indirect_vreg.gather [hbm4b:s7+s4], $0x80, v6, vm0, $0xb8;
	[tilespmem:$0x1CA80] =	vst v63  }
0x61: {  	s24 =	simm.s32 $0xD680;
	v5 =	vadd.s32 v1, v5  }
0x62: {  	[tilespmem:s24], [sflag:$0x2] =	stream.indirect_vreg.gather [hbm4b:s8+s4], $0x80, v6, vm0, $0xb8;
	[tilespmem:$0x1CA80] =	vst v63  }
0x63: {  	s25 =	simm.s32 $0xDE80  }
0x64: {  	[tilespmem:s25], [sflag:$0x2] =	stream.indirect_vreg.gather [hbm4b:s9+s4], $0x80, v6, vm0, $0xb8;
	[tilespmem:$0x1CA80] =	vst v63  }
0x65: {  	s26 =	simm.s32 $0xE680  }
0x66: {  	[tilespmem:s26], [sflag:$0x2] =	stream.indirect_vreg.gather [hbm4b:s2+s4], $0x80, v5, vm0, $0xb8;
	[tilespmem:$0x1CA80] =	vst v63  }
0x67: {  	s29 =	simm.s32 $0xEE80  }
0x68: {  	[tilespmem:s29], [sflag:$0x2] =	stream.indirect_vreg.gather [hbm4b:s7+s4], $0x80, v5, vm0, $0xb8;
	[tilespmem:$0x1CA80] =	vst v63  }
0x69: {  	s30 =	simm.s32 $0xF680  }
0x6a: {  	[tilespmem:s30], [sflag:$0x2] =	stream.indirect_vreg.gather [hbm4b:s8+s4], $0x80, v5, vm0, $0xb8;
	[tilespmem:$0x1CA80] =	vst v63  }
0x6b: {  	s0 =	simm.s32 $0x0;
	s31 =	simm.s32 $0xFE80  }
0x6c: {  	[tilespmem:s31], [sflag:$0x2] =	stream.indirect_vreg.gather [hbm4b:s9+s4], $0x80, v5, vm0, $0xb8;
	[tilespmem:$0x1CA80] =	vst v63  }
.LBB2_2:
0x6d: {  	p0 =	sne.s32 s0, $0xFC0  }
.Ltmp0:
0x6e: {  	_ = 	snop;
	(pc) =	sbr.rel @p0 .LBB2_2-.Ltmp0, $3  }
0x6f: {  	_ =	sdelay $0x1  }
0x70: {  	s1 =	sshra.s32 s0, $0x2  }
0x71: {  	s0 =	sadd.s32 $0x40, s0;
	[tilespmem:s1+$0x18680] =	vst v3  }
0x72: {  	s1 =	simm.s32 $0x32;
	s31 =	simm.s32 $0x0;
	s29 =	simm.s32 $0x0  }
.LBB2_4:
0x73: {  	s0 =	smul.u32 $0x180, s29;
	_ =	sdelay $0x1  }
0x74: {  	s30 =	sshra.s32 s0, $0x2  }
0x75: {  	v5 =	vld [tilespmem:s30+$0x40];
	_ =	sdelay $0x4  }
0x76: {  	v6 =	vshll.u32 v5, $0x3  }
0x77: {  	v5 =	vand.u32 $0x7, v5;
	v6 =	vand.u32 $0xFFFFFFC0, v6  }
0x78: {  	v5 =	vor.u32 v5, v6  }
0x79: {  	v6 =	vperm.xlane v5, v0;
	_ =	sdelay $0x1  }
0x7a: {  	v6 =	vadd.s32 v1, v6;
	_ =	sdelay $0x3  }
0x7b: {  	s6 =	simm.s32 $0x10680;
	s3 =	simm.s32 $0x0  }
0x7c: {  	[tilespmem:s6], [sflag:$0x3] =	stream.indirect_vreg.gather [hbm4b:s2+s3], $0x80, v6, vm0, $0xb8;
	[tilespmem:$0x1CA80] =	vst v63  }
0x7d: {  	s10 =	simm.s32 $0x10E80;
	v5 =	vperm.xlane v5, v2  }
0x7e: {  	[tilespmem:s10], [sflag:$0x3] =	stream.indirect_vreg.gather [hbm4b:s7+s3], $0x80, v6, vm0, $0xb8;
	[tilespmem:$0x1CA80] =	vst v63  }
0x7f: {  	s11 =	simm.s32 $0x11680;
	v5 =	vadd.s32 v1, v5  }
0x80: {  	[tilespmem:s11], [sflag:$0x3] =	stream.indirect_vreg.gather [hbm4b:s8+s3], $0x80, v6, vm0, $0xb8;
	[tilespmem:$0x1CA80] =	vst v63  }
0x81: {  	s12 =	simm.s32 $0x11E80  }
0x82: {  	[tilespmem:s12], [sflag:$0x3] =	stream.indirect_vreg.gather [hbm4b:s9+s3], $0x80, v6, vm0, $0xb8;
	[tilespmem:$0x1CA80] =	vst v63  }
0x83: {  	s13 =	simm.s32 $0x12680  }
0x84: {  	[tilespmem:s13], [sflag:$0x3] =	stream.indirect_vreg.gather [hbm4b:s2+s3], $0x80, v5, vm0, $0xb8;
	[tilespmem:$0x1CA80] =	vst v63  }
0x85: {  	s14 =	simm.s32 $0x12E80  }
0x86: {  	[tilespmem:s14], [sflag:$0x3] =	stream.indirect_vreg.gather [hbm4b:s7+s3], $0x80, v5, vm0, $0xb8;
	[tilespmem:$0x1CA80] =	vst v63  }
0x87: {  	s15 =	simm.s32 $0x13680  }
0x88: {  	[tilespmem:s15], [sflag:$0x3] =	stream.indirect_vreg.gather [hbm4b:s8+s3], $0x80, v5, vm0, $0xb8;
	[tilespmem:$0x1CA80] =	vst v63  }
0x89: {  	s16 =	simm.s32 $0x13E80  }
0x8a: {  	[tilespmem:s16], [sflag:$0x3] =	stream.indirect_vreg.gather [hbm4b:s9+s3], $0x80, v5, vm0, $0xb8;
	[tilespmem:$0x1CA80] =	vst v63  }
0x8b: {  	v5 =	vld [tilespmem:s30+$0x50];
	_ =	sdelay $0x4  }
0x8c: {  	s17 =	simm.s32 $0x14680;
	s18 =	simm.s32 $0x14E80;
	s19 =	simm.s32 $0x15680;
	v6 =	vshll.u32 v5, $0x3  }
0x8d: {  	s20 =	simm.s32 $0x15E80;
	s21 =	simm.s32 $0x16680;
	s22 =	simm.s32 $0x16E80;
	v5 =	vand.u32 $0x7, v5;
	v6 =	vand.u32 $0xFFFFFFC0, v6  }
0x8e: {  	s23 =	simm.s32 $0x17680;
	s24 =	simm.s32 $0x17E80;
	s5 =	simm.s32 $0x1;
	v5 =	vor.u32 v5, v6  }
0x8f: {  	s25 =	ssub.s32 $0x20, s1;
	s4 =	ssub.s32 $0xF, s1;
	s26 =	ssub.s32 $0x10, s1;
	v6 =	vperm.xlane v5, v0  }
0x90: {  	s4 =	sshra.s32 s4, $0x1F;
	s0 =	sshra.s32 s25, $0x1F;
	s6 =	ssub.s32 $0x0, s1  }
0x91: {  	s25 =	ssub.s32 $0x13, s1;
	s6 =	sshra.s32 s6, $0x1F;
	s10 =	ssub.s32 $0x1, s1;
	v6 =	vadd.s32 v1, v6  }
0x92: {  	s10 =	sshra.s32 s10, $0x1F;
	s11 =	ssub.s32 $0x5, s1;
	s12 =	ssub.s32 $0x6, s1  }
0x93: {  	s11 =	sshra.s32 s11, $0x1F;
	s12 =	sshra.s32 s12, $0x1F;
	s14 =	ssub.s32 $0x3, s1  }
0x94: {  	s13 =	ssub.s32 $0x2, s1;
	s14 =	sshra.s32 s14, $0x1F;
	s15 =	ssub.s32 $0x4, s1  }
0x95: {  	s13 =	sshra.s32 s13, $0x1F;
	v8 =	vmov s14;
	s14 =	ssub.s32 $0x15, s1;
	s15 =	sshra.s32 s15, $0x1F  }
0x96: {  	[tilespmem:s17], [sflag:$0x3] =	stream.indirect_vreg.gather [hbm4b:s2+s3], $0x80, v6, vm0, $0xb8;
	[tilespmem:$0x1CA80] =	vst v63  }
0x97: {  	v10 =	vmov s11;
	s11 =	sshra.s32 s14, $0x1F;
	s16 =	ssub.s32 $0x7, s1;
	s17 =	ssub.s32 $0x8, s1  }
0x98: {  	v9 =	vmov s15;
	s15 =	ssub.s32 $0x17, s1;
	s16 =	sshra.s32 s16, $0x1F;
	v5 =	vperm.xlane v5, v2;
	s17 =	sshra.s32 s17, $0x1F  }
0x99: {  	[tilespmem:s18], [sflag:$0x3] =	stream.indirect_vreg.gather [hbm4b:s7+s3], $0x80, v6, vm0, $0xb8;
	[tilespmem:$0x1CA80] =	vst v63  }
0x9a: {  	v7 =	vmov s13;
	s13 =	sshra.s32 s15, $0x1F;
	v5 =	vadd.s32 v1, v5;
	s18 =	ssub.s32 $0x9, s1;
	v13 =	vmov s17;
	s17 =	ssub.s32 $0x18, s1  }
0x9b: {  	[tilespmem:s19], [sflag:$0x3] =	stream.indirect_vreg.gather [hbm4b:s8+s3], $0x80, v6, vm0, $0xb8;
	[tilespmem:$0x1CA80] =	vst v63  }
0x9c: {  	s18 =	sshra.s32 s18, $0x1F;
	s14 =	sshra.s32 s17, $0x1F;
	s19 =	ssub.s32 $0xA, s1  }
0x9d: {  	[tilespmem:s20], [sflag:$0x3] =	stream.indirect_vreg.gather [hbm4b:s9+s3], $0x80, v6, vm0, $0xb8;
	[tilespmem:$0x1CA80] =	vst v63  }
0x9e: {  	v14 =	vmov s18;
	s18 =	ssub.s32 $0x19, s1;
	s19 =	sshra.s32 s19, $0x1F;
	s20 =	ssub.s32 $0xB, s1  }
0x9f: {  	[tilespmem:s21], [sflag:$0x3] =	stream.indirect_vreg.gather [hbm4b:s2+s3], $0x80, v5, vm0, $0xb8;
	[tilespmem:$0x1CA80] =	vst v63  }
0xa0: {  	s15 =	sshra.s32 s18, $0x1F;
	s20 =	sshra.s32 s20, $0x1F;
	s21 =	ssub.s32 $0xC, s1  }
0xa1: {  	s18 =	ssub.s32 $0x1D, s1;
	v16 =	vmov s20;
	s20 =	sshll.u32 s31, $0xA;
	s21 =	sshra.s32 s21, $0x1F  }
0xa2: {  	[tilespmem:s22], [sflag:$0x3] =	stream.indirect_vreg.gather [hbm4b:s7+s3], $0x80, v5, vm0, $0xb8;
	[tilespmem:$0x1CA80] =	vst v63  }
0xa3: {  	v26 =	vmov s11;
	v15 =	vmov s19;
	s19 =	sshra.s32 s18, $0x1F;
	s11 =	sand.u32 $0x2000, s20;
	v17 =	vmov s21;
	s21 =	ssub.s32 $0x1A, s1  }
0xa4: {  	v20 =	vmov s4;
	s22 =	ssub.s32 $0xD, s1;
	s4 =	sshra.s32 s21, $0x1F;
	s21 =	sshll.u32 s31, $0x7  }
0xa5: {  	[tilespmem:s23], [sflag:$0x3] =	stream.indirect_vreg.gather [hbm4b:s8+s3], $0x80, v5, vm0, $0xb8;
	[tilespmem:$0x1CA80] =	vst v63  }
0xa6: {  	v29 =	vmov s14;
	s22 =	sshra.s32 s22, $0x1F;
	s23 =	ssub.s32 $0xE, s1;
	s14 =	sand.u32 $0x380, s21  }
0xa7: {  	v18 =	vmov s22;
	s22 =	ssub.s32 $0x1E, s1;
	s23 =	sshra.s32 s23, $0x1F;
	s11 =	sor.u32 s14, s11  }
0xa8: {  	[tilespmem:s24], [sflag:$0x3] =	stream.indirect_vreg.gather [hbm4b:s9+s3], $0x80, v5, vm0, $0xb8;
	[tilespmem:$0x1CA80] =	vst v63  }
0xa9: {  	s3 =	sshra.s32 s26, $0x1F;
	s26 =	ssub.s32 $0x11, s1;
	s24 =	ssub.s32 $0x12, s1  }
0xaa: {  	v11 =	vmov s12;
	v28 =	vmov s13;
	v19 =	vmov s23;
	s23 =	ssub.s32 $0x1B, s1;
	s13 =	sadd.s32 $0x18A80, s11;
	_ =	swait.ge [sflag:s5], $0x8000  }
0xab: {  	v12 =	vmov s16;
	v6 =	vmov s10;
	v5 =	vmov s6;
	s6 =	sshra.s32 s24, $0x1F;
	s24 =	sshra.s32 s25, $0x1F;
	s25 =	ssub.s32 $0x14, s1  }
0xac: {  	v30 =	vmov s15;
	v34 =	vmov s19;
	v31 =	vmov s4;
	s26 =	sshra.s32 s26, $0x1F;
	s10 =	sshra.s32 s25, $0x1F;
	s25 =	ssub.s32 $0x16, s1  }
0xad: {  	v21 =	vmov s3;
	v23 =	vmov s6;
	s6 =	sshra.s32 s23, $0x1F;
	v24 =	vmov s24;
	s23 =	sshra.s32 s22, $0x1F;
	s24 =	ssub.s32 $0x1F, s1  }
0xae: {  	v38 =	vmov s13;
	v22 =	vmov s26;
	s26 =	sxor.u32 $0xFFFFFFFF, s0;
	s12 =	sshra.s32 s25, $0x1F;
	s25 =	ssub.s32 $0x1C, s1;
	v25 =	vmov s10  }
0xaf: {  	[sflag:s5] =	ssyncset.done $0x0;
	v32 =	vmov s6;
	v35 =	vmov s23;
	v37 =	vmov s26;
	s17 =	sshra.s32 s25, $0x1F;
	s25 =	sshra.s32 s24, $0x1F  }
0xb0: {  	[sflag:s5] =	ssyncadd.s32 $0xFFFF8000;
	s6 =	simm.s32 $0x0;
	v27 =	vmov s12;
	v33 =	vmov s17;
	v36 =	vmov s25  }
.LBB2_5:
0xb1: {  	s10 =	sshll.u32 s6, $0x7  }
0xb2: {  	v39 =	vld [tilespmem:s10+$0x680]  }
0xb3: {  	v40 =	vld [tilespmem:s10+$0x700]  }
0xb4: {  	v41 =	vld [tilespmem:s10+$0x780]  }
0xb5: {  	v42 =	vld [tilespmem:s10+$0x800]  }
0xb6: {  	v43 =	vld [tilespmem:s10+$0x880]  }
0xb7: {  	v45 =	vld [tilespmem:s10+$0x900]  }
0xb8: {  	v49 =	vld [tilespmem:s10+$0xA00]  }
0xb9: {  	v50 =	vld [tilespmem:s10+$0x2680]  }
0xba: {  	v47 =	vld [tilespmem:s10+$0x980];
	v44 =	vadd.f32 $0.0e+00, v39  }
0xbb: {  	v39 =	vand.u32 v39, v5;
	v46 =	vadd.f32 $0.0e+00, v40;
	v40 =	vand.u32 v40, v6  }
0xbc: {  	v57 =	vld [tilespmem:s10+$0x2700];
	v48 =	vadd.f32 $0.0e+00, v41;
	v41 =	vand.u32 v41, v7;
	v55 =	vadd.f32 $0.0e+00, v42  }
0xbd: {  	v59 =	vld [tilespmem:s10+$0x2780];
	v42 =	vand.u32 v42, v8;
	v62 =	vand.u32 v49, v12;
	v39 =	vadd.f32 $0.0e+00, v39  }
0xbe: {  	v61 =	vld [tilespmem:s10+$0x2800];
	v52 =	vand.u32 v50, v13;
	v40 =	vadd.f32 $0.0e+00, v40;
	v56 =	vadd.f32 v43, v44  }
0xbf: {  	v63 =	vld [tilespmem:s10+$0x2880];
	v43 =	vand.u32 v43, v9;
	v58 =	vadd.f32 v45, v46;
	v60 =	vadd.f32 v47, v48  }
0xc0: {  	v53 =	vld [tilespmem:s10+$0x2900];
	v45 =	vand.u32 v45, v10;
	v39 =	vadd.f32 v41, v39;
	v40 =	vadd.f32 v42, v40  }
0xc1: {  	v54 =	vld [tilespmem:s10+$0x2980];
	v47 =	vand.u32 v47, v11;
	v41 =	vadd.f32 v49, v55;
	v42 =	vadd.f32 v50, v56  }
0xc2: {  	v55 =	vadd.f32 v59, v60;
	v56 =	vand.u32 v59, v15;
	v59 =	vld [tilespmem:s10+$0x4680];
	v39 =	vadd.f32 v43, v39  }
0xc3: {  	v44 =	vand.u32 v57, v14;
	v40 =	vadd.f32 v45, v40;
	v43 =	vadd.f32 v57, v58;
	v57 =	vld [tilespmem:s10+$0x2A00]  }
0xc4: {  	v41 =	vadd.f32 v61, v41;
	v58 =	vand.u32 v61, v16;
	v61 =	vld [tilespmem:s10+$0x4700];
	v39 =	vadd.f32 v47, v39  }
0xc5: {  	v60 =	vand.u32 v63, v17;
	v42 =	vadd.f32 v63, v42;
	v63 =	vld [tilespmem:s10+$0x4780];
	v40 =	vadd.f32 v62, v40  }
0xc6: {  	v43 =	vadd.f32 v53, v43;
	v62 =	vand.u32 v53, v18;
	v53 =	vld [tilespmem:s10+$0x4800];
	v39 =	vadd.f32 v52, v39  }
0xc7: {  	v40 =	vadd.f32 v44, v40;
	v44 =	vadd.f32 v54, v55;
	v55 =	vld [tilespmem:s10+$0x4880]  }
0xc8: {  	v52 =	vand.u32 v54, v19;
	v41 =	vadd.f32 v57, v41;
	v54 =	vand.u32 v57, v20;
	v57 =	vld [tilespmem:s10+$0x4900]  }
0xc9: {  	v42 =	vadd.f32 v59, v42;
	v39 =	vadd.f32 v56, v39;
	v56 =	vand.u32 v59, v21;
	v59 =	vld [tilespmem:s10+$0x4980]  }
0xca: {  	v43 =	vadd.f32 v61, v43;
	v40 =	vadd.f32 v58, v40;
	v58 =	vand.u32 v61, v22;
	v61 =	vld [tilespmem:s10+$0x4A00]  }
0xcb: {  	v44 =	vadd.f32 v63, v44;
	v39 =	vadd.f32 v60, v39;
	v60 =	vand.u32 v63, v23;
	v63 =	vld [tilespmem:s10+$0x6680]  }
0xcc: {  	v41 =	vadd.f32 v53, v41;
	v40 =	vadd.f32 v62, v40;
	v62 =	vand.u32 v53, v24;
	v53 =	vld [tilespmem:s10+$0x6700]  }
0xcd: {  	v42 =	vadd.f32 v55, v42;
	v39 =	vadd.f32 v52, v39;
	v52 =	vand.u32 v55, v25;
	v55 =	vld [tilespmem:s10+$0x6780]  }
0xce: {  	v40 =	vadd.f32 v54, v40;
	v43 =	vadd.f32 v57, v43;
	v54 =	vand.u32 v57, v26;
	v57 =	vld [tilespmem:s10+$0x6800]  }
0xcf: {  	v44 =	vadd.f32 v59, v44;
	v39 =	vadd.f32 v56, v39;
	v56 =	vand.u32 v59, v27;
	v59 =	vld [tilespmem:s10+$0x6880]  }
0xd0: {  	v41 =	vadd.f32 v61, v41;
	v40 =	vadd.f32 v58, v40;
	v58 =	vand.u32 v61, v28;
	v61 =	vld [tilespmem:s10+$0x6900]  }
0xd1: {  	v42 =	vadd.f32 v63, v42;
	v39 =	vadd.f32 v60, v39;
	v60 =	vand.u32 v63, v29;
	v63 =	vld [tilespmem:s10+$0x6980]  }
0xd2: {  	v43 =	vadd.f32 v53, v43;
	v40 =	vadd.f32 v62, v40;
	v62 =	vand.u32 v53, v30;
	v53 =	vld [tilespmem:s10+$0x6A00]  }
0xd3: {  	v44 =	vadd.f32 v55, v44;
	v41 =	vadd.f32 v57, v41  }
0xd4: {  	v39 =	vadd.f32 v52, v39;
	v40 =	vadd.f32 v54, v40;
	v52 =	vand.u32 v55, v31  }
0xd5: {  	v42 =	vadd.f32 v59, v42;
	v55 =	vand.u32 v59, v33;
	v43 =	vadd.f32 v61, v43;
	v59 =	vld [tilespmem:s10+$0x690]  }
0xd6: {  	v39 =	vadd.f32 v56, v39;
	v40 =	vadd.f32 v58, v40;
	v56 =	vand.u32 v61, v34;
	v61 =	vld [tilespmem:s10+$0x790]  }
0xd7: {  	v44 =	vadd.f32 v63, v44;
	v41 =	vadd.f32 v53, v41  }
0xd8: {  	v49 =	vld [tilespmem:s10+$0x2790];
	v54 =	vand.u32 v57, v32;
	v39 =	vadd.f32 v60, v39;
	v40 =	vadd.f32 v62, v40  }
0xd9: {  	v57 =	vand.u32 v63, v35;
	v42 =	vadd.f32 v43, v42;
	v60 =	vld [tilespmem:s10+$0x710];
	v41 =	vadd.f32 v41, v44  }
0xda: {  	v63 =	vld [tilespmem:s10+$0x890];
	v39 =	vadd.f32 v52, v39;
	v40 =	vadd.f32 v54, v40;
	v47 =	vand.u32 v59, v5  }
0xdb: {  	v58 =	vand.u32 v53, v36;
	v62 =	vld [tilespmem:s10+$0x810];
	v47 =	vadd.f32 $0.0e+00, v47;
	v51 =	vadd.f32 $0.0e+00, v61  }
0xdc: {  	v53 =	vld [tilespmem:s10+$0x2690];
	v43 =	vand.u32 v61, v7;
	v39 =	vadd.f32 v55, v39;
	v40 =	vadd.f32 v56, v40  }
0xdd: {  	v52 =	vld [tilespmem:s10+$0xA10];
	v56 =	vadd.f32 $0.0e+00, v59;
	v43 =	vadd.f32 v43, v47  }
0xde: {  	v59 =	vld [tilespmem:s10+$0x990];
	v45 =	vand.u32 v60, v6;
	v39 =	vadd.f32 v57, v39;
	v40 =	vadd.f32 v58, v40  }
0xdf: {  	v57 =	vld [tilespmem:s10+$0x910];
	v58 =	vadd.f32 $0.0e+00, v60;
	v45 =	vadd.f32 $0.0e+00, v45  }
0xe0: {  	s3 =	sshll.u32 s6, $0x4;
	v60 =	vadd.f32 $0.0e+00, v62;
	v61 =	vadd.f32 v63, v56  }
0xe1: {  	s15 =	sand.u32 $0x3FFFFFF0, s3;
	v44 =	vand.u32 v62, v8;
	v62 =	vld [tilespmem:s10+$0x2710];
	v40 =	vadd.f32 v40, v39;
	v39 =	vadd.f32 v41, v42  }
0xe2: {  	v54 =	vld [tilespmem:s15+$0x18680];
	v44 =	vadd.f32 v44, v45;
	v41 =	vand.u32 v63, v9;
	v47 =	vadd.f32 v52, v60  }
0xe3: {  	v41 =	vadd.f32 v41, v43;
	v56 =	vadd.f32 v59, v51;
	v50 =	vand.u32 v59, v11;
	v59 =	vld [tilespmem:s10+$0x2890]  }
0xe4: {  	v55 =	vand.u32 v49, v15;
	v45 =	vadd.f32 v53, v61;
	v61 =	vld [tilespmem:s10+$0x2910];
	v63 =	vadd.f32 v57, v58  }
0xe5: {  	v60 =	vand.u32 v53, v13;
	v48 =	vand.u32 v57, v10;
	v57 =	vld [tilespmem:s10+$0x2810];
	v41 =	vadd.f32 v50, v41  }
0xe6: {  	v46 =	vand.u32 v62, v14;
	v44 =	vadd.f32 v48, v44;
	v43 =	vadd.f32 v62, v63;
	v62 =	vld [tilespmem:s10+$0x2990]  }
0xe7: {  	v58 =	vand.u32 v52, v12;
	v41 =	vadd.f32 v60, v41;
	v63 =	vadd.f32 v49, v56;
	v49 =	vld [tilespmem:s10+$0x2A10]  }
0xe8: {  	v44 =	vadd.f32 v58, v44;
	v45 =	vadd.f32 v59, v45;
	v58 =	vand.u32 v59, v17;
	v59 =	vld [tilespmem:s10+$0x4710]  }
0xe9: {  	v60 =	vand.u32 v61, v18;
	v41 =	vadd.f32 v55, v41;
	v43 =	vadd.f32 v61, v43;
	v61 =	vld [tilespmem:s10+$0x4790]  }
0xea: {  	v44 =	vadd.f32 v46, v44;
	v47 =	vadd.f32 v57, v47;
	v56 =	vand.u32 v57, v16;
	v57 =	vld [tilespmem:s10+$0x4690]  }
0xeb: {  	v42 =	vsub.f32 $0.0e+00, v40;
	v52 =	vld [tilespmem:s10+$0x4990];
	v41 =	vadd.f32 v58, v41  }
0xec: {  	v58 =	vld [tilespmem:s10+$0x4910];
	v44 =	vadd.f32 v56, v44;
	v46 =	vadd.f32 v62, v63;
	v62 =	vand.u32 v62, v19  }
0xed: {  	v42 =	vxor.u32 v54, v42;
	v63 =	vld [tilespmem:s10+$0x4810];
	v47 =	vadd.f32 v49, v47;
	v41 =	vadd.f32 v62, v41  }
0xee: {  	v55 =	vand.u32 v49, v20;
	v56 =	vld [tilespmem:s10+$0x4890];
	v43 =	vadd.f32 v59, v43;
	v44 =	vadd.f32 v60, v44  }
0xef: {  	v53 =	vld [tilespmem:s10+$0x6890];
	v46 =	vadd.f32 v61, v46;
	v45 =	vadd.f32 v57, v45;
	v57 =	vand.u32 v57, v21  }
0xf0: {  	v60 =	vand.u32 v61, v23;
	v61 =	vld [tilespmem:s10+$0x4A10];
	v44 =	vadd.f32 v55, v44;
	v41 =	vadd.f32 v57, v41  }
0xf1: {  	v59 =	vand.u32 v59, v22;
	v57 =	vld [tilespmem:s10+$0x6710];
	v43 =	vadd.f32 v58, v43;
	v46 =	vadd.f32 v52, v46  }
0xf2: {  	v47 =	vadd.f32 v63, v47;
	v62 =	vand.u32 v63, v24;
	v63 =	vld [tilespmem:s10+$0x6690];
	v44 =	vadd.f32 v59, v44  }
0xf3: {  	v58 =	vand.u32 v58, v26;
	v45 =	vadd.f32 v56, v45;
	v41 =	vadd.f32 v60, v41;
	v59 =	vld [tilespmem:s10+$0x6790]  }
0xf4: {  	v56 =	vand.u32 v56, v25;
	v60 =	vand.u32 v52, v27;
	v52 =	vld [tilespmem:s10+$0x6810];
	v44 =	vadd.f32 v62, v44  }
0xf5: {  	v47 =	vadd.f32 v61, v47;
	v61 =	vand.u32 v61, v28;
	v41 =	vadd.f32 v56, v41;
	v56 =	vld [tilespmem:s10+$0x720]  }
0xf6: {  	v43 =	vadd.f32 v57, v43;
	v57 =	vand.u32 v57, v30;
	v44 =	vadd.f32 v58, v44  }
0xf7: {  	v41 =	vadd.f32 v60, v41;
	v45 =	vadd.f32 v63, v45;
	v62 =	vand.u32 v63, v29;
	v63 =	vld [tilespmem:s10+$0x6910]  }
0xf8: {  	v58 =	vld [tilespmem:s10+$0x6990];
	v46 =	vadd.f32 v59, v46;
	v59 =	vand.u32 v59, v31;
	v44 =	vadd.f32 v61, v44  }
0xf9: {  	v47 =	vadd.f32 v52, v47;
	v41 =	vadd.f32 v62, v41;
	v61 =	vand.u32 v52, v32  }
0xfa: {  	v60 =	vld [tilespmem:s10+$0x6A10];
	v45 =	vadd.f32 v53, v45;
	v48 =	vand.u32 v56, v6;
	v44 =	vadd.f32 v57, v44  }
0xfb: {  	v41 =	vadd.f32 v59, v41;
	v57 =	vand.u32 v37, v42;
	v42 =	vadd.f32 v40, v54  }
0xfc: {  	v55 =	vld [tilespmem:s10+$0x6A0];
	v62 =	vand.u32 v53, v33;
	v48 =	vadd.f32 $0.0e+00, v48;
	v44 =	vadd.f32 v61, v44  }
0xfd: {  	v43 =	vadd.f32 v63, v43;
	v63 =	vand.u32 v63, v34;
	v46 =	vadd.f32 v58, v46  }
0xfe: {  	v41 =	vadd.f32 v62, v41;
	v44 =	vadd.f32 v63, v44  }
0xff: {  	v52 =	vand.u32 v58, v35;
	v47 =	vadd.f32 v60, v47;
	v53 =	vand.u32 v60, v36;
	v58 =	vld [tilespmem:s10+$0x7A0]  }
0x100: {  	v61 =	vld [tilespmem:s10+$0x920];
	v41 =	vadd.f32 v52, v41;
	v44 =	vadd.f32 v53, v44  }
0x101: {  	v60 =	vand.u32 v55, v5;
	v45 =	vadd.f32 v43, v45;
	v46 =	vadd.f32 v47, v46;
	v63 =	vld [tilespmem:s10+$0x9A0]  }
0x102: {  	v49 =	vadd.f32 $0.0e+00, v60;
	v43 =	vadd.f32 v44, v41;
	v41 =	vld [tilespmem:s10+$0x820]  }
0x103: {  	v59 =	vxor.u32 v54, v57;
	v62 =	vadd.f32 $0.0e+00, v56;
	v40 =	vadd.f32 v46, v45;
	v44 =	vld [tilespmem:s10+$0x8A0]  }
0x104: {  	v46 =	vadd.f32 $0.0e+00, v55;
	v55 =	vld [tilespmem:s10+$0x26A0];
	v57 =	vadd.f32 $0.0e+00, v58;
	v47 =	vand.u32 v58, v7  }
0x105: {  	v39 =	vadd.f32 v59, v39;
	v58 =	vld [tilespmem:s10+$0xA20];
	v47 =	vadd.f32 v47, v49  }
0x106: {  	v60 =	vadd.f32 v61, v62;
	v50 =	vand.u32 v61, v10;
	v62 =	vld [tilespmem:s10+$0x2820];
	v61 =	vadd.f32 v63, v57  }
0x107: {  	v57 =	vld [tilespmem:s10+$0x28A0];
	v45 =	vsub.f32 $0.0e+00, v43;
	v59 =	vadd.f32 $0.0e+00, v41  }
0x108: {  	v51 =	vld [tilespmem:s10+$0x27A0];
	v41 =	vand.u32 v41, v8;
	v46 =	vadd.f32 v44, v46;
	v44 =	vand.u32 v44, v9  }
0x109: {  	v41 =	vadd.f32 v41, v48;
	v48 =	vld [tilespmem:s10+$0x2720];
	v44 =	vadd.f32 v44, v47  }
0x10a: {  	v54 =	vld [tilespmem:s10+$0x49A0];
	v52 =	vand.u32 v63, v11;
	v49 =	vadd.f32 v58, v59;
	v46 =	vadd.f32 v55, v46  }
0x10b: {  	v63 =	vand.u32 v58, v12;
	v59 =	vld [tilespmem:s10+$0x2920];
	v41 =	vadd.f32 v50, v41;
	v44 =	vadd.f32 v52, v44  }
0x10c: {  	v53 =	vld [tilespmem:s10+$0x46A0];
	v58 =	vand.u32 v55, v13;
	v49 =	vadd.f32 v62, v49;
	v46 =	vadd.f32 v57, v46  }
0x10d: {  	v52 =	vld [tilespmem:s10+$0x29A0];
	v62 =	vand.u32 v62, v16;
	v41 =	vadd.f32 v63, v41;
	v44 =	vadd.f32 v58, v44  }
0x10e: {  	v63 =	vand.u32 v57, v17;
	v57 =	vld [tilespmem:s10+$0x4720];
	v47 =	vadd.f32 v48, v60;
	v48 =	vand.u32 v48, v14  }
0x10f: {  	v60 =	vadd.f32 v51, v61;
	v61 =	vand.u32 v51, v15;
	v51 =	vld [tilespmem:s10+$0x2A20];
	v41 =	vadd.f32 v48, v41  }
0x110: {  	v44 =	vadd.f32 v61, v44;
	v58 =	vand.u32 v59, v18;
	v47 =	vadd.f32 v59, v47;
	v59 =	vld [tilespmem:s10+$0x47A0]  }
0x111: {  	v46 =	vadd.f32 v53, v46;
	v61 =	vld [tilespmem:s10+$0x4820];
	v41 =	vadd.f32 v62, v41  }
0x112: {  	v56 =	vand.u32 v53, v21;
	v48 =	vadd.f32 v52, v60;
	v44 =	vadd.f32 v63, v44;
	v63 =	vld [tilespmem:s10+$0x48A0]  }
0x113: {  	v55 =	vld [tilespmem:s10+$0x68A0];
	v60 =	vand.u32 v52, v19;
	v47 =	vadd.f32 v57, v47;
	v41 =	vadd.f32 v58, v41  }
0x114: {  	v53 =	vld [tilespmem:s10+$0x4920];
	v44 =	vadd.f32 v60, v44;
	v49 =	vadd.f32 v51, v49;
	v62 =	vand.u32 v51, v20  }
0x115: {  	v41 =	vadd.f32 v62, v41;
	v48 =	vadd.f32 v59, v48;
	v58 =	vand.u32 v59, v23;
	v59 =	vld [tilespmem:s10+$0x4A20]  }
0x116: {  	v60 =	vand.u32 v61, v24;
	v44 =	vadd.f32 v56, v44;
	v49 =	vadd.f32 v61, v49;
	v61 =	vld [tilespmem:s10+$0x66A0]  }
0x117: {  	v57 =	vand.u32 v57, v22;
	v46 =	vadd.f32 v63, v46;
	v62 =	vand.u32 v63, v25;
	v63 =	vld [tilespmem:s10+$0x6720]  }
0x118: {  	v41 =	vadd.f32 v57, v41;
	v44 =	vadd.f32 v58, v44;
	v57 =	vld [tilespmem:s10+$0x67A0]  }
0x119: {  	v47 =	vadd.f32 v53, v47;
	v48 =	vadd.f32 v54, v48;
	v58 =	vand.u32 v54, v27;
	v54 =	vld [tilespmem:s10+$0x6820]  }
0x11a: {  	v52 =	vld [tilespmem:s10+$0x6920];
	v41 =	vadd.f32 v60, v41;
	v44 =	vadd.f32 v62, v44  }
0x11b: {  	v51 =	vld [tilespmem:s10+$0x69A0];
	v56 =	vand.u32 v53, v26;
	v49 =	vadd.f32 v59, v49;
	v46 =	vadd.f32 v61, v46  }
0x11c: {  	v60 =	vand.u32 v61, v29;
	v41 =	vadd.f32 v56, v41;
	v44 =	vadd.f32 v58, v44  }
0x11d: {  	v47 =	vadd.f32 v63, v47;
	v61 =	vand.u32 v63, v30;
	v63 =	vld [tilespmem:s10+$0x6A20];
	v48 =	vadd.f32 v57, v48  }
0x11e: {  	v59 =	vand.u32 v59, v28;
	v56 =	vld [tilespmem:s15+$0x18690];
	v49 =	vadd.f32 v54, v49;
	v46 =	vadd.f32 v55, v46  }
0x11f: {  	v62 =	vand.u32 v57, v31;
	v41 =	vadd.f32 v59, v41;
	v44 =	vadd.f32 v60, v44  }
0x120: {  	v60 =	vand.u32 v54, v32;
	v47 =	vadd.f32 v52, v47;
	v48 =	vadd.f32 v51, v48  }
0x121: {  	v57 =	vld [tilespmem:s10+$0x6B0];
	v51 =	vand.u32 v51, v35;
	v41 =	vadd.f32 v61, v41;
	v44 =	vadd.f32 v62, v44  }
0x122: {  	v61 =	vand.u32 v55, v33;
	v62 =	vand.u32 v52, v34;
	v46 =	vadd.f32 v47, v46  }
0x123: {  	v58 =	vld [tilespmem:s10+$0x730];
	v49 =	vadd.f32 v63, v49;
	v45 =	vxor.u32 v56, v45;
	v41 =	vadd.f32 v60, v41  }
0x124: {  	v55 =	vld [tilespmem:s10+$0x9B0];
	v44 =	vadd.f32 v61, v44;
	v59 =	vand.u32 v37, v45;
	v45 =	vadd.f32 v43, v56  }
0x125: {  	v63 =	vand.u32 v63, v36;
	v60 =	vadd.f32 v49, v48;
	v48 =	vld [tilespmem:s10+$0x7B0];
	v50 =	vadd.f32 v62, v41  }
0x126: {  	v53 =	vadd.f32 $0.0e+00, v57;
	v61 =	vxor.u32 v56, v59;
	v41 =	vld [tilespmem:s15+$0x186A0];
	v44 =	vadd.f32 v51, v44  }
0x127: {  	v59 =	vand.u32 v57, v5;
	v40 =	vadd.f32 v61, v40;
	v50 =	vadd.f32 v63, v50;
	v63 =	vld [tilespmem:s10+$0x830]  }
0x128: {  	v52 =	vld [tilespmem:s10+$0x930];
	v49 =	vadd.f32 $0.0e+00, v59;
	v51 =	vadd.f32 $0.0e+00, v58  }
0x129: {  	v62 =	vadd.f32 v50, v44;
	v44 =	vadd.f32 v60, v46;
	v46 =	vld [tilespmem:s10+$0x8B0];
	v60 =	vand.u32 v58, v6  }
0x12a: {  	v57 =	vld [tilespmem:s10+$0xA30];
	v61 =	vand.u32 v48, v7;
	v48 =	vadd.f32 $0.0e+00, v48;
	v54 =	vadd.f32 $0.0e+00, v60  }
0x12b: {  	v56 =	vld [tilespmem:s10+$0x27B0];
	v49 =	vadd.f32 v61, v49;
	v43 =	vadd.f32 v62, v41  }
0x12c: {  	v58 =	vld [tilespmem:s10+$0x26B0];
	v47 =	vsub.f32 $0.0e+00, v62;
	v48 =	vadd.f32 v55, v48;
	v62 =	vand.u32 v63, v8  }
0x12d: {  	v59 =	vld [tilespmem:s10+$0x2730];
	v60 =	vand.u32 v52, v10;
	v50 =	vadd.f32 $0.0e+00, v63;
	v54 =	vadd.f32 v62, v54  }
0x12e: {  	v62 =	vand.u32 v55, v11;
	v55 =	vld [tilespmem:s10+$0x28B0];
	v63 =	vand.u32 v46, v9;
	v46 =	vadd.f32 v46, v53  }
0x12f: {  	v49 =	vadd.f32 v63, v49;
	v61 =	vadd.f32 v60, v54;
	v54 =	vld [tilespmem:s10+$0x2830]  }
0x130: {  	v51 =	vadd.f32 v52, v51;
	v50 =	vadd.f32 v57, v50;
	v63 =	vand.u32 v57, v12;
	v57 =	vld [tilespmem:s10+$0x2930]  }
0x131: {  	v60 =	vand.u32 v58, v13;
	v46 =	vadd.f32 v58, v46;
	v58 =	vld [tilespmem:s10+$0x29B0];
	v49 =	vadd.f32 v62, v49  }
0x132: {  	v51 =	vadd.f32 v59, v51;
	v52 =	vadd.f32 v63, v61;
	v61 =	vand.u32 v59, v14;
	v59 =	vld [tilespmem:s10+$0x2A30]  }
0x133: {  	v48 =	vadd.f32 v56, v48;
	v62 =	vand.u32 v56, v15;
	v56 =	vld [tilespmem:s10+$0x46B0];
	v49 =	vadd.f32 v60, v49  }
0x134: {  	v46 =	vadd.f32 v55, v46;
	v52 =	vadd.f32 v61, v52;
	v60 =	vand.u32 v55, v17;
	v55 =	vld [tilespmem:s10+$0x47B0]  }
0x135: {  	v63 =	vand.u32 v54, v16;
	v50 =	vadd.f32 v54, v50;
	v54 =	vld [tilespmem:s10+$0x4730];
	v49 =	vadd.f32 v62, v49  }
0x136: {  	v61 =	vand.u32 v57, v18;
	v51 =	vadd.f32 v57, v51;
	v57 =	vld [tilespmem:s10+$0x4830];
	v52 =	vadd.f32 v63, v52  }
0x137: {  	v62 =	vand.u32 v58, v19;
	v48 =	vadd.f32 v58, v48;
	v58 =	vld [tilespmem:s10+$0x48B0];
	v49 =	vadd.f32 v60, v49  }
0x138: {  	v63 =	vand.u32 v59, v20;
	v50 =	vadd.f32 v59, v50;
	v59 =	vld [tilespmem:s10+$0x4930];
	v52 =	vadd.f32 v61, v52  }
0x139: {  	v46 =	vadd.f32 v56, v46;
	v60 =	vand.u32 v56, v21;
	v56 =	vld [tilespmem:s10+$0x49B0];
	v49 =	vadd.f32 v62, v49  }
0x13a: {  	v52 =	vadd.f32 v63, v52;
	v61 =	vand.u32 v54, v22;
	v51 =	vadd.f32 v54, v51;
	v54 =	vld [tilespmem:s10+$0x4A30]  }
0x13b: {  	v48 =	vadd.f32 v55, v48;
	v62 =	vand.u32 v55, v23;
	v55 =	vld [tilespmem:s10+$0x66B0];
	v50 =	vadd.f32 v57, v50  }
0x13c: {  	v63 =	vand.u32 v57, v24;
	v57 =	vld [tilespmem:s10+$0x6730];
	v49 =	vadd.f32 v60, v49;
	v52 =	vadd.f32 v61, v52  }
0x13d: {  	v46 =	vadd.f32 v58, v46;
	v60 =	vand.u32 v58, v25;
	v58 =	vld [tilespmem:s10+$0x67B0];
	v51 =	vadd.f32 v59, v51  }
0x13e: {  	v61 =	vand.u32 v59, v26;
	v59 =	vld [tilespmem:s10+$0x6830];
	v49 =	vadd.f32 v62, v49;
	v52 =	vadd.f32 v63, v52  }
0x13f: {  	v48 =	vadd.f32 v56, v48;
	v50 =	vadd.f32 v54, v50  }
0x140: {  	v62 =	vand.u32 v56, v27;
	v56 =	vld [tilespmem:s10+$0x68B0];
	v49 =	vadd.f32 v60, v49;
	v52 =	vadd.f32 v61, v52  }
0x141: {  	v53 =	vld [tilespmem:s10+$0x6A30];
	v63 =	vand.u32 v54, v28;
	v46 =	vadd.f32 v55, v46;
	v51 =	vadd.f32 v57, v51  }
0x142: {  	v54 =	vld [tilespmem:s10+$0x6930];
	v60 =	vand.u32 v55, v29;
	v49 =	vadd.f32 v62, v49;
	v52 =	vadd.f32 v63, v52  }
0x143: {  	v61 =	vand.u32 v57, v30;
	v48 =	vadd.f32 v58, v48;
	v50 =	vadd.f32 v59, v50  }
0x144: {  	v55 =	vld [tilespmem:s10+$0x69B0];
	v49 =	vadd.f32 v60, v49;
	v52 =	vadd.f32 v61, v52  }
0x145: {  	v62 =	vand.u32 v58, v31;
	v63 =	vand.u32 v59, v32;
	v46 =	vadd.f32 v56, v46  }
0x146: {  	v49 =	vadd.f32 v62, v49;
	v52 =	vadd.f32 v63, v52  }
0x147: {  	v50 =	vadd.f32 v53, v50;
	v60 =	vand.u32 v56, v33;
	v61 =	vand.u32 v54, v34  }
0x148: {  	v47 =	vxor.u32 v41, v47;
	v49 =	vadd.f32 v60, v49;
	v52 =	vadd.f32 v61, v52;
	v60 =	vld [tilespmem:s10+$0x6C0]  }
0x149: {  	v51 =	vadd.f32 v54, v51;
	v62 =	vand.u32 v55, v35;
	v63 =	vand.u32 v53, v36;
	v61 =	vld [tilespmem:s10+$0x740]  }
0x14a: {  	v47 =	vand.u32 v37, v47;
	v49 =	vadd.f32 v62, v49;
	v52 =	vadd.f32 v63, v52;
	v63 =	vld [tilespmem:s10+$0x7C0]  }
0x14b: {  	v41 =	vxor.u32 v41, v47;
	v62 =	vadd.f32 v55, v48;
	v48 =	vadd.f32 v51, v46;
	v51 =	vld [tilespmem:s10+$0x940]  }
0x14c: {  	v41 =	vadd.f32 v41, v44;
	v57 =	vld [tilespmem:s10+$0x9C0];
	v47 =	vadd.f32 v52, v49  }
0x14d: {  	v52 =	vld [tilespmem:s10+$0x840];
	v49 =	vadd.f32 v50, v62;
	v59 =	vand.u32 v60, v5;
	v53 =	vadd.f32 $0.0e+00, v60  }
0x14e: {  	v44 =	vld [tilespmem:s10+$0x8C0];
	v60 =	vand.u32 v61, v6;
	v56 =	vadd.f32 $0.0e+00, v61;
	v50 =	vsub.f32 $0.0e+00, v47  }
0x14f: {  	v46 =	vadd.f32 $0.0e+00, v59;
	v54 =	vadd.f32 $0.0e+00, v60;
	v59 =	vld [tilespmem:s10+$0xA40]  }
0x150: {  	v60 =	vld [tilespmem:s10+$0x26C0];
	v61 =	vand.u32 v63, v7;
	v55 =	vadd.f32 $0.0e+00, v63;
	v62 =	vand.u32 v51, v10  }
0x151: {  	v51 =	vadd.f32 v51, v56;
	v63 =	vand.u32 v57, v11;
	v46 =	vadd.f32 v61, v46;
	v61 =	vld [tilespmem:s10+$0x2740]  }
0x152: {  	v56 =	vld [tilespmem:s10+$0x2840];
	v58 =	vand.u32 v52, v8;
	v52 =	vadd.f32 $0.0e+00, v52;
	v55 =	vadd.f32 v57, v55  }
0x153: {  	v57 =	vld [tilespmem:s10+$0x28C0];
	v54 =	vadd.f32 v58, v54;
	v58 =	vand.u32 v44, v9;
	v44 =	vadd.f32 v44, v53  }
0x154: {  	v46 =	vadd.f32 v58, v46;
	v58 =	vld [tilespmem:s10+$0x27C0];
	v52 =	vadd.f32 v59, v52  }
0x155: {  	v53 =	vadd.f32 v62, v54;
	v62 =	vand.u32 v59, v12;
	v59 =	vld [tilespmem:s10+$0x2940];
	v44 =	vadd.f32 v60, v44  }
0x156: {  	v46 =	vadd.f32 v63, v46;
	v63 =	vand.u32 v60, v13;
	v60 =	vld [tilespmem:s10+$0x29C0];
	v51 =	vadd.f32 v61, v51  }
0x157: {  	v54 =	vand.u32 v61, v14;
	v61 =	vld [tilespmem:s10+$0x2A40];
	v52 =	vadd.f32 v56, v52;
	v53 =	vadd.f32 v62, v53  }
0x158: {  	v62 =	vand.u32 v56, v16;
	v56 =	vld [tilespmem:s10+$0x4740];
	v44 =	vadd.f32 v57, v44;
	v46 =	vadd.f32 v63, v46  }
0x159: {  	v63 =	vand.u32 v57, v17;
	v57 =	vld [tilespmem:s10+$0x47C0];
	v53 =	vadd.f32 v54, v53;
	v54 =	vand.u32 v58, v15  }
0x15a: {  	v55 =	vadd.f32 v58, v55;
	v58 =	vld [tilespmem:s10+$0x46C0];
	v46 =	vadd.f32 v54, v46  }
0x15b: {  	v51 =	vadd.f32 v59, v51;
	v53 =	vadd.f32 v62, v53  }
0x15c: {  	v62 =	vand.u32 v59, v18;
	v59 =	vld [tilespmem:s10+$0x4840];
	v55 =	vadd.f32 v60, v55;
	v52 =	vadd.f32 v61, v52  }
0x15d: {  	v54 =	vand.u32 v61, v20;
	v61 =	vld [tilespmem:s10+$0x4940];
	v46 =	vadd.f32 v63, v46;
	v51 =	vadd.f32 v56, v51  }
0x15e: {  	v63 =	vand.u32 v60, v19;
	v60 =	vld [tilespmem:s10+$0x48C0];
	v53 =	vadd.f32 v62, v53;
	v55 =	vadd.f32 v57, v55  }
0x15f: {  	v62 =	vand.u32 v56, v22;
	v56 =	vld [tilespmem:s10+$0x4A40];
	v46 =	vadd.f32 v63, v46;
	v44 =	vadd.f32 v58, v44  }
0x160: {  	v63 =	vand.u32 v57, v23;
	v57 =	vld [tilespmem:s10+$0x66C0];
	v53 =	vadd.f32 v54, v53;
	v54 =	vand.u32 v58, v21  }
0x161: {  	v58 =	vld [tilespmem:s10+$0x49C0];
	v46 =	vadd.f32 v54, v46;
	v52 =	vadd.f32 v59, v52  }
0x162: {  	v54 =	vand.u32 v61, v26;
	v51 =	vadd.f32 v61, v51;
	v61 =	vld [tilespmem:s10+$0x6840];
	v53 =	vadd.f32 v62, v53  }
0x163: {  	v62 =	vand.u32 v59, v24;
	v59 =	vld [tilespmem:s10+$0x6740];
	v44 =	vadd.f32 v60, v44;
	v46 =	vadd.f32 v63, v46  }
0x164: {  	v63 =	vand.u32 v60, v25;
	v60 =	vld [tilespmem:s10+$0x67C0];
	v52 =	vadd.f32 v56, v52;
	v53 =	vadd.f32 v62, v53  }
0x165: {  	vm1 =	vgt.f32 v42, $0.0e+00;
	v44 =	vadd.f32 v57, v44;
	v46 =	vadd.f32 v63, v46  }
0x166: {  	v62 =	vand.u32 v56, v28;
	v56 =	vld [tilespmem:s10+$0x6940];
	v55 =	vadd.f32 v58, v55;
	v53 =	vadd.f32 v54, v53  }
0x167: {  	v63 =	vand.u32 v57, v29;
	v57 =	vld [tilespmem:s10+$0x69C0];
	v54 =	vand.u32 v58, v27;
	v42 =	vadd.f32 v61, v52  }
0x168: {  	v58 =	vld [tilespmem:s10+$0x68C0];
	v46 =	vadd.f32 v54, v46;
	v53 =	vadd.f32 v62, v53  }
0x169: {  	v51 =	vadd.f32 v59, v51;
	v62 =	vand.u32 v59, v30;
	v55 =	vadd.f32 v60, v55  }
0x16a: {  	v59 =	vld [tilespmem:s10+$0x6A40];
	v46 =	vadd.f32 v63, v46;
	v53 =	vadd.f32 v62, v53  }
0x16b: {  	v63 =	vand.u32 v60, v31;
	v51 =	vadd.f32 v56, v51;
	v62 =	vand.u32 v61, v32  }
0x16c: {  	v60 =	vand.u32 v56, v34;
	v46 =	vadd.f32 v63, v46;
	v52 =	vadd.f32 v62, v53  }
0x16d: {  	v55 =	vadd.f32 v57, v55;
	v54 =	vadd.f32 v58, v44;
	v58 =	vand.u32 v58, v33;
	v53 =	vld [tilespmem:s15+$0x186B0]  }
0x16e: {  	v56 =	vand.u32 v57, v35;
	v57 =	vld [tilespmem:s10+$0x750];
	v58 =	vadd.f32 v58, v46;
	v52 =	vadd.f32 v60, v52  }
0x16f: {  	v44 =	vsel vm1, $0x3F800000, v4;
	v42 =	vadd.f32 v59, v42;
	v60 =	vand.u32 v59, v36  }
0x170: {  	vm1 =	vgt.f32 v45, $0.0e+00;
	v56 =	vadd.f32 v56, v58;
	v58 =	vld [tilespmem:s10+$0x6D0];
	v52 =	vadd.f32 v60, v52  }
0x171: {  	v49 =	vadd.f32 v49, v48;
	v45 =	vsel vm1, $0x3F800000, v4;
	v46 =	vld [tilespmem:s15+$0x186C0];
	v51 =	vadd.f32 v51, v54  }
0x172: {  	v59 =	vadd.f32 v42, v55;
	v63 =	vxor.u32 v53, v50;
	v52 =	vadd.f32 v52, v56;
	v56 =	vld [tilespmem:s10+$0x7D0]  }
0x173: {  	v55 =	vld [tilespmem:s10+$0x850];
	v48 =	vadd.f32 v47, v53;
	v50 =	vand.u32 v37, v63;
	v63 =	vand.u32 v57, v6  }
0x174: {  	v57 =	vadd.f32 $0.0e+00, v57;
	v60 =	vxor.u32 v53, v50;
	v53 =	vld [tilespmem:s10+$0x8D0];
	v50 =	vadd.f32 v59, v51  }
0x175: {  	v61 =	vsub.f32 $0.0e+00, v52;
	v42 =	vadd.f32 v60, v49;
	v49 =	vld [tilespmem:s10+$0x950];
	v62 =	vand.u32 v58, v5  }
0x176: {  	vm1 =	vgt.f32 v43, $0.0e+00;
	v43 =	vadd.f32 v52, v46;
	v52 =	vld [tilespmem:s10+$0x9D0];
	v51 =	vadd.f32 $0.0e+00, v62  }
0x177: {  	v59 =	vld [tilespmem:s10+$0xA50];
	v54 =	vadd.f32 $0.0e+00, v58;
	v58 =	vadd.f32 $0.0e+00, v63;
	v60 =	vand.u32 v56, v7  }
0x178: {  	v63 =	vld [tilespmem:s10+$0x27D0];
	v56 =	vadd.f32 $0.0e+00, v56;
	v51 =	vadd.f32 v60, v51;
	v60 =	vand.u32 v55, v8  }
0x179: {  	v47 =	vxor.u32 v46, v61;
	v61 =	vld [tilespmem:s10+$0x26D0];
	v55 =	vadd.f32 $0.0e+00, v55;
	v58 =	vadd.f32 v60, v58  }
0x17a: {  	v62 =	vld [tilespmem:s10+$0x2750];
	v60 =	vand.u32 v53, v9;
	v53 =	vadd.f32 v53, v54;
	v54 =	vand.u32 v49, v10  }
0x17b: {  	v49 =	vadd.f32 v49, v57;
	v57 =	vand.u32 v52, v11;
	v51 =	vadd.f32 v60, v51;
	v60 =	vld [tilespmem:s10+$0x2850]  }
0x17c: {  	v52 =	vadd.f32 v52, v56;
	v56 =	vand.u32 v59, v12;
	v55 =	vadd.f32 v59, v55;
	v59 =	vld [tilespmem:s10+$0x29D0]  }
0x17d: {  	v54 =	vadd.f32 v54, v58;
	v58 =	vld [tilespmem:s10+$0x28D0]  }
0x17e: {  	v47 =	vand.u32 v37, v47;
	v53 =	vadd.f32 v61, v53;
	v51 =	vadd.f32 v57, v51;
	v57 =	vld [tilespmem:s10+$0x2950]  }
0x17f: {  	v49 =	vadd.f32 v62, v49;
	v54 =	vadd.f32 v56, v54;
	v56 =	vand.u32 v61, v13;
	v61 =	vld [tilespmem:s10+$0x2A50]  }
0x180: {  	v52 =	vadd.f32 v63, v52;
	v51 =	vadd.f32 v56, v51;
	v56 =	vand.u32 v62, v14;
	v62 =	vld [tilespmem:s10+$0x46D0]  }
0x181: {  	v54 =	vadd.f32 v56, v54;
	v56 =	vand.u32 v63, v15;
	v63 =	vld [tilespmem:s10+$0x4750];
	v55 =	vadd.f32 v60, v55  }
0x182: {  	v52 =	vadd.f32 v59, v52;
	v51 =	vadd.f32 v56, v51;
	v56 =	vand.u32 v60, v16;
	v60 =	vld [tilespmem:s10+$0x47D0]  }
0x183: {  	v53 =	vadd.f32 v58, v53;
	v54 =	vadd.f32 v56, v54;
	v56 =	vand.u32 v58, v17;
	v58 =	vld [tilespmem:s10+$0x4850]  }
0x184: {  	v49 =	vadd.f32 v57, v49;
	v51 =	vadd.f32 v56, v51;
	v56 =	vand.u32 v57, v18;
	v57 =	vld [tilespmem:s10+$0x48D0]  }
0x185: {  	v55 =	vadd.f32 v61, v55;
	v54 =	vadd.f32 v56, v54;
	v56 =	vand.u32 v59, v19;
	v59 =	vld [tilespmem:s10+$0x4950]  }
0x186: {  	v53 =	vadd.f32 v62, v53;
	v51 =	vadd.f32 v56, v51;
	v56 =	vand.u32 v61, v20;
	v61 =	vld [tilespmem:s10+$0x49D0]  }
0x187: {  	v49 =	vadd.f32 v63, v49;
	v54 =	vadd.f32 v56, v54;
	v56 =	vand.u32 v62, v21;
	v62 =	vld [tilespmem:s10+$0x4A50]  }
0x188: {  	v52 =	vadd.f32 v60, v52;
	v51 =	vadd.f32 v56, v51;
	v56 =	vand.u32 v63, v22;
	v63 =	vld [tilespmem:s10+$0x66D0]  }
0x189: {  	v55 =	vadd.f32 v58, v55;
	v54 =	vadd.f32 v56, v54;
	v56 =	vand.u32 v60, v23;
	v60 =	vld [tilespmem:s10+$0x6750]  }
0x18a: {  	v53 =	vadd.f32 v57, v53;
	v51 =	vadd.f32 v56, v51;
	v56 =	vand.u32 v58, v24;
	v58 =	vld [tilespmem:s10+$0x67D0]  }
0x18b: {  	v49 =	vadd.f32 v59, v49;
	v54 =	vadd.f32 v56, v54;
	v56 =	vand.u32 v57, v25;
	v57 =	vld [tilespmem:s10+$0x6850]  }
0x18c: {  	v52 =	vadd.f32 v61, v52;
	v51 =	vadd.f32 v56, v51;
	v56 =	vand.u32 v59, v26;
	v59 =	vld [tilespmem:s10+$0x68D0]  }
0x18d: {  	v55 =	vadd.f32 v62, v55;
	v54 =	vadd.f32 v56, v54;
	v56 =	vand.u32 v61, v27;
	v61 =	vld [tilespmem:s10+$0x6950]  }
0x18e: {  	v53 =	vadd.f32 v63, v53;
	v51 =	vadd.f32 v56, v51;
	v56 =	vand.u32 v62, v28;
	v62 =	vld [tilespmem:s10+$0x69D0]  }
0x18f: {  	v49 =	vadd.f32 v60, v49;
	v54 =	vadd.f32 v56, v54;
	v56 =	vand.u32 v63, v29;
	v63 =	vld [tilespmem:s10+$0x6A50]  }
0x190: {  	v52 =	vadd.f32 v58, v52;
	v51 =	vadd.f32 v56, v51;
	v56 =	vand.u32 v60, v30  }
0x191: {  	v60 =	vand.u32 v58, v31;
	v55 =	vadd.f32 v57, v55;
	v54 =	vadd.f32 v56, v54  }
0x192: {  	v53 =	vadd.f32 v59, v53;
	v51 =	vadd.f32 v60, v51;
	v60 =	vand.u32 v57, v32  }
0x193: {  	v46 =	vxor.u32 v46, v47;
	v58 =	vld [tilespmem:s10+$0x760];
	v57 =	vadd.f32 v61, v49;
	v54 =	vadd.f32 v60, v54  }
0x194: {  	v60 =	vand.u32 v59, v33;
	v52 =	vadd.f32 v62, v52;
	v59 =	vld [tilespmem:s10+$0x6E0];
	v55 =	vadd.f32 v63, v55  }
0x195: {  	v61 =	vand.u32 v61, v34;
	v51 =	vadd.f32 v60, v51;
	v53 =	vadd.f32 v57, v53  }
0x196: {  	v56 =	vand.u32 v62, v35;
	v54 =	vadd.f32 v61, v54;
	v52 =	vadd.f32 v55, v52;
	v55 =	vld [tilespmem:s10+$0x7E0]  }
0x197: {  	v46 =	vadd.f32 v46, v50;
	v49 =	vld [tilespmem:s15+$0x186D0];
	v60 =	vand.u32 v63, v36;
	v51 =	vadd.f32 v56, v51  }
0x198: {  	v47 =	vsel vm1, $0x3F800000, v4;
	v56 =	vld [tilespmem:s10+$0x860];
	v54 =	vadd.f32 v60, v54;
	v50 =	vadd.f32 v52, v53  }
0x199: {  	v52 =	vld [tilespmem:s10+$0x8E0];
	v53 =	vadd.f32 $0.0e+00, v59;
	v60 =	vand.u32 v59, v5;
	v59 =	vadd.f32 $0.0e+00, v58  }
0x19a: {  	v57 =	vld [tilespmem:s10+$0x960];
	v58 =	vand.u32 v58, v6;
	v51 =	vadd.f32 v54, v51;
	v54 =	vadd.f32 $0.0e+00, v60  }
0x19b: {  	vm1 =	vgt.f32 v48, $0.0e+00;
	v62 =	vld [tilespmem:s10+$0xA60];
	v58 =	vadd.f32 $0.0e+00, v58;
	v61 =	vadd.f32 $0.0e+00, v55  }
0x19c: {  	v60 =	vld [tilespmem:s10+$0x9E0];
	v55 =	vand.u32 v55, v7;
	v3 =	vsub.f32 $0.0e+00, v51;
	v48 =	vadd.f32 v51, v49  }
0x19d: {  	v63 =	vld [tilespmem:s10+$0x26E0];
	v54 =	vadd.f32 v55, v54;
	v55 =	vadd.f32 $0.0e+00, v56;
	v56 =	vand.u32 v56, v8  }
0x19e: {  	v56 =	vadd.f32 v56, v58;
	v53 =	vadd.f32 v52, v53;
	v52 =	vand.u32 v52, v9  }
0x19f: {  	v58 =	vld [tilespmem:s10+$0x2760];
	v3 =	vxor.u32 v49, v3;
	v52 =	vadd.f32 v52, v54;
	v54 =	vadd.f32 v57, v59  }
0x1a0: {  	v57 =	vand.u32 v57, v10;
	v59 =	vld [tilespmem:s10+$0x27E0];
	v55 =	vadd.f32 v62, v55;
	v3 =	vand.u32 v37, v3  }
0x1a1: {  	v56 =	vadd.f32 v57, v56;
	v57 =	vadd.f32 v60, v61;
	v60 =	vand.u32 v60, v11;
	v61 =	vld [tilespmem:s10+$0x2860]  }
0x1a2: {  	v53 =	vadd.f32 v63, v53;
	v52 =	vadd.f32 v60, v52;
	v60 =	vand.u32 v62, v12;
	v62 =	vld [tilespmem:s10+$0x28E0]  }
0x1a3: {  	v3 =	vxor.u32 v49, v3;
	v56 =	vadd.f32 v60, v56;
	v60 =	vand.u32 v63, v13;
	v63 =	vld [tilespmem:s10+$0x2960]  }
0x1a4: {  	v52 =	vadd.f32 v60, v52;
	v54 =	vadd.f32 v58, v54;
	v58 =	vand.u32 v58, v14;
	v60 =	vld [tilespmem:s10+$0x29E0]  }
0x1a5: {  	v56 =	vadd.f32 v58, v56;
	v57 =	vadd.f32 v59, v57;
	v58 =	vand.u32 v59, v15;
	v59 =	vld [tilespmem:s10+$0x2A60]  }
0x1a6: {  	v52 =	vadd.f32 v58, v52;
	v55 =	vadd.f32 v61, v55;
	v58 =	vand.u32 v61, v16;
	v61 =	vld [tilespmem:s10+$0x46E0]  }
0x1a7: {  	v56 =	vadd.f32 v58, v56;
	v53 =	vadd.f32 v62, v53;
	v58 =	vand.u32 v62, v17;
	v62 =	vld [tilespmem:s10+$0x4760]  }
0x1a8: {  	v52 =	vadd.f32 v58, v52;
	v54 =	vadd.f32 v63, v54;
	v58 =	vand.u32 v63, v18;
	v63 =	vld [tilespmem:s10+$0x47E0]  }
0x1a9: {  	v56 =	vadd.f32 v58, v56;
	v57 =	vadd.f32 v60, v57;
	v58 =	vand.u32 v60, v19;
	v60 =	vld [tilespmem:s10+$0x4860]  }
0x1aa: {  	v52 =	vadd.f32 v58, v52;
	v55 =	vadd.f32 v59, v55;
	v58 =	vand.u32 v59, v20;
	v59 =	vld [tilespmem:s10+$0x48E0]  }
0x1ab: {  	v56 =	vadd.f32 v58, v56;
	v53 =	vadd.f32 v61, v53;
	v58 =	vand.u32 v61, v21;
	v61 =	vld [tilespmem:s10+$0x4960]  }
0x1ac: {  	v52 =	vadd.f32 v58, v52;
	v54 =	vadd.f32 v62, v54;
	v58 =	vand.u32 v62, v22;
	v62 =	vld [tilespmem:s10+$0x49E0]  }
0x1ad: {  	v56 =	vadd.f32 v58, v56;
	v57 =	vadd.f32 v63, v57;
	v58 =	vand.u32 v63, v23;
	v63 =	vld [tilespmem:s10+$0x4A60]  }
0x1ae: {  	v52 =	vadd.f32 v58, v52;
	v55 =	vadd.f32 v60, v55;
	v58 =	vand.u32 v60, v24;
	v60 =	vld [tilespmem:s10+$0x66E0]  }
0x1af: {  	v56 =	vadd.f32 v58, v56;
	v53 =	vadd.f32 v59, v53;
	v58 =	vand.u32 v59, v25;
	v59 =	vld [tilespmem:s10+$0x6760]  }
0x1b0: {  	v52 =	vadd.f32 v58, v52;
	v54 =	vadd.f32 v61, v54;
	v58 =	vand.u32 v61, v26;
	v61 =	vld [tilespmem:s10+$0x67E0]  }
0x1b1: {  	v56 =	vadd.f32 v58, v56;
	v57 =	vadd.f32 v62, v57;
	v58 =	vand.u32 v62, v27;
	v62 =	vld [tilespmem:s10+$0x6860]  }
0x1b2: {  	v52 =	vadd.f32 v58, v52;
	v55 =	vadd.f32 v63, v55;
	v58 =	vand.u32 v63, v28;
	v63 =	vld [tilespmem:s10+$0x68E0]  }
0x1b3: {  	v56 =	vadd.f32 v58, v56;
	v53 =	vadd.f32 v60, v53;
	v58 =	vand.u32 v60, v29;
	v60 =	vld [tilespmem:s10+$0x6960]  }
0x1b4: {  	v52 =	vadd.f32 v58, v52;
	v54 =	vadd.f32 v59, v54;
	v58 =	vand.u32 v59, v30;
	v59 =	vld [tilespmem:s10+$0x69E0]  }
0x1b5: {  	v56 =	vadd.f32 v58, v56;
	v58 =	vld [tilespmem:s10+$0x6A60];
	v51 =	vadd.f32 v61, v57;
	v61 =	vand.u32 v61, v31  }
0x1b6: {  	v52 =	vadd.f32 v61, v52;
	v61 =	vand.u32 v62, v32;
	v55 =	vadd.f32 v62, v55  }
0x1b7: {  	v62 =	vld [tilespmem:s10+$0x770];
	v56 =	vadd.f32 v61, v56;
	v53 =	vadd.f32 v63, v53;
	v57 =	vand.u32 v63, v33  }
0x1b8: {  	v61 =	vld [tilespmem:s10+$0x6F0];
	v54 =	vadd.f32 v60, v54;
	v60 =	vand.u32 v60, v34;
	v52 =	vadd.f32 v57, v52  }
0x1b9: {  	v51 =	vadd.f32 v59, v51;
	v56 =	vadd.f32 v60, v56;
	v60 =	vand.u32 v59, v35;
	v59 =	vld [tilespmem:s10+$0x7F0]  }
0x1ba: {  	v55 =	vadd.f32 v58, v55;
	v58 =	vand.u32 v58, v36;
	v53 =	vadd.f32 v54, v53;
	v54 =	vld [tilespmem:s10+$0x870]  }
0x1bb: {  	v49 =	vadd.f32 v3, v50;
	v63 =	vadd.f32 v58, v56;
	v56 =	vld [tilespmem:s10+$0x8F0]  }
0x1bc: {  	v52 =	vadd.f32 v60, v52;
	v60 =	vand.u32 v62, v6;
	v51 =	vadd.f32 v55, v51;
	v55 =	vld [tilespmem:s10+$0x9F0]  }
0x1bd: {  	v3 =	vand.u32 v61, v5;
	v57 =	vadd.f32 $0.0e+00, v61;
	v61 =	vadd.f32 $0.0e+00, v62;
	v62 =	vld [tilespmem:s10+$0x26F0]  }
0x1be: {  	v3 =	vadd.f32 $0.0e+00, v3;
	v50 =	vadd.f32 v51, v53;
	v53 =	vld [tilespmem:s10+$0x970]  }
0x1bf: {  	v51 =	vadd.f32 v63, v52;
	v52 =	vadd.f32 $0.0e+00, v60;
	v58 =	vand.u32 v59, v7;
	v60 =	vld [tilespmem:s10+$0xA70]  }
0x1c0: {  	[tilespmem:v38+s10+$0x0 ss:$0x1] =	vst.idx.msk $0xffff, v44;
	v44 =	vadd.f32 $0.0e+00, v59;
	v59 =	vld [tilespmem:s10+$0x2770];
	v3 =	vadd.f32 v58, v3;
	v58 =	vand.u32 v54, v8  }
0x1c1: {  	v52 =	vadd.f32 v58, v52;
	v63 =	vand.u32 v56, v9;
	v58 =	vld [tilespmem:s10+$0x27F0];
	v56 =	vadd.f32 v56, v57  }
0x1c2: {  	[tilespmem:v38+s10+$0x10 ss:$0x1] =	vst.idx.msk $0xffff, v45;
	v45 =	vadd.f32 $0.0e+00, v54;
	v57 =	vld [tilespmem:s10+$0x2870];
	v3 =	vadd.f32 v63, v3  }
0x1c3: {  	v44 =	vadd.f32 v55, v44;
	v56 =	vadd.f32 v62, v56;
	v63 =	vand.u32 v53, v10  }
0x1c4: {  	v53 =	vadd.f32 v53, v61;
	v61 =	vld [tilespmem:s10+$0x28F0];
	v52 =	vadd.f32 v63, v52;
	v63 =	vand.u32 v55, v11  }
0x1c5: {  	v54 =	vand.u32 v60, v12;
	v45 =	vadd.f32 v60, v45;
	v60 =	vld [tilespmem:s10+$0x29F0];
	v3 =	vadd.f32 v63, v3  }
0x1c6: {  	v55 =	vld [tilespmem:s10+$0x2970];
	v53 =	vadd.f32 v59, v53;
	v44 =	vadd.f32 v58, v44  }
0x1c7: {  	v63 =	vand.u32 v62, v13;
	v62 =	vld [tilespmem:s10+$0x2A70];
	v45 =	vadd.f32 v57, v45;
	v52 =	vadd.f32 v54, v52  }
0x1c8: {  	v54 =	vand.u32 v59, v14;
	v59 =	vld [tilespmem:s10+$0x46F0];
	v3 =	vadd.f32 v63, v3;
	v63 =	vand.u32 v57, v16  }
0x1c9: {  	v57 =	vld [tilespmem:s10+$0x47F0];
	v52 =	vadd.f32 v54, v52;
	v54 =	vand.u32 v58, v15;
	v56 =	vadd.f32 v61, v56  }
0x1ca: {  	v58 =	vld [tilespmem:s10+$0x4770];
	v44 =	vadd.f32 v60, v44;
	v3 =	vadd.f32 v54, v3;
	v54 =	vand.u32 v60, v19  }
0x1cb: {  	v53 =	vadd.f32 v55, v53;
	v52 =	vadd.f32 v63, v52;
	v63 =	vand.u32 v61, v17;
	v61 =	vld [tilespmem:s10+$0x4870]  }
0x1cc: {  	v60 =	vld [tilespmem:s10+$0x4970];
	v45 =	vadd.f32 v62, v45;
	v3 =	vadd.f32 v63, v3;
	v63 =	vand.u32 v55, v18  }
0x1cd: {  	v55 =	vld [tilespmem:s10+$0x48F0];
	v56 =	vadd.f32 v59, v56;
	v52 =	vadd.f32 v63, v52;
	v63 =	vand.u32 v62, v20  }
0x1ce: {  	v62 =	vld [tilespmem:s10+$0x49F0];
	v44 =	vadd.f32 v57, v44;
	v3 =	vadd.f32 v54, v3;
	v54 =	vand.u32 v59, v21  }
0x1cf: {  	v59 =	vld [tilespmem:s10+$0x4A70];
	v53 =	vadd.f32 v58, v53;
	v52 =	vadd.f32 v63, v52;
	v63 =	vand.u32 v57, v23  }
0x1d0: {  	v57 =	vld [tilespmem:s10+$0x6770];
	v3 =	vadd.f32 v54, v3;
	v54 =	vand.u32 v58, v22;
	v45 =	vadd.f32 v61, v45  }
0x1d1: {  	v58 =	vld [tilespmem:s10+$0x66F0];
	v53 =	vadd.f32 v60, v53;
	v52 =	vadd.f32 v54, v52  }
0x1d2: {  	v54 =	vand.u32 v60, v26;
	v60 =	vld [tilespmem:s10+$0x68F0];
	v3 =	vadd.f32 v63, v3;
	v63 =	vand.u32 v61, v24  }
0x1d3: {  	v61 =	vld [tilespmem:s10+$0x67F0];
	v44 =	vadd.f32 v62, v44;
	v52 =	vadd.f32 v63, v52  }
0x1d4: {  	v63 =	vand.u32 v55, v25;
	v55 =	vadd.f32 v55, v56;
	v45 =	vadd.f32 v59, v45  }
0x1d5: {  	v56 =	vld [tilespmem:s10+$0x6870];
	v3 =	vadd.f32 v63, v3;
	v63 =	vand.u32 v62, v27;
	v52 =	vadd.f32 v54, v52  }
0x1d6: {  	v53 =	vadd.f32 v57, v53;
	v54 =	vand.u32 v59, v28;
	v55 =	vadd.f32 v58, v55  }
0x1d7: {  	v62 =	vld [tilespmem:s10+$0x6970];
	v3 =	vadd.f32 v63, v3;
	v63 =	vand.u32 v57, v30;
	v52 =	vadd.f32 v54, v52  }
0x1d8: {  	[tilespmem:s15+$0x18680] =	vst v39;
	v59 =	vld [tilespmem:s10+$0x69F0];
	v54 =	vand.u32 v58, v29;
	v44 =	vadd.f32 v61, v44;
	v39 =	vadd.f32 v60, v55  }
0x1d9: {  	v58 =	vld [tilespmem:s10+$0x6A70];
	v3 =	vadd.f32 v54, v3;
	v52 =	vadd.f32 v63, v52  }
0x1da: {  	v57 =	vand.u32 v56, v32;
	v45 =	vadd.f32 v56, v45;
	v63 =	vand.u32 v61, v31  }
0x1db: {  	v3 =	vadd.f32 v63, v3;
	v52 =	vadd.f32 v57, v52  }
0x1dc: {  	[tilespmem:s15+$0x18690] =	vst v40;
	v56 =	vld [tilespmem:s15+$0x186E0];
	v40 =	vadd.f32 v62, v53;
	v63 =	vand.u32 v60, v33;
	v57 =	vand.u32 v62, v34  }
0x1dd: {  	v3 =	vadd.f32 v63, v3;
	v52 =	vadd.f32 v57, v52  }
0x1de: {  	v61 =	vand.u32 v59, v35;
	v62 =	vsub.f32 $0.0e+00, v51;
	v63 =	vand.u32 v58, v36  }
0x1df: {  	[tilespmem:v38+s10+$0x20 ss:$0x1] =	vst.idx.msk $0xffff, v47;
	v60 =	vsel vm1, $0x3F800000, v4;
	v3 =	vadd.f32 v61, v3;
	v57 =	vadd.f32 v63, v52  }
0x1e0: {  	vm1 =	vgt.f32 v43, $0.0e+00;
	v44 =	vadd.f32 v59, v44;
	[tilespmem:v38+s10+$0x30 ss:$0x1] =	vst.idx.msk $0xffff, v60;
	v39 =	vadd.f32 v40, v39;
	v63 =	vld [tilespmem:s15+$0x186F0]  }
0x1e1: {  	[tilespmem:s15+$0x186A0] =	vst v41;
	v51 =	vadd.f32 v51, v56;
	v43 =	vxor.u32 v56, v62;
	v3 =	vadd.f32 v57, v3  }
0x1e2: {  	[tilespmem:s15+$0x186B0] =	vst v42;
	v61 =	vsel vm1, $0x3F800000, v4;
	vm1 =	vgt.f32 v48, $0.0e+00;
	v52 =	vadd.f32 v58, v45  }
0x1e3: {  	[tilespmem:v38+s10+$0x40 ss:$0x1] =	vst.idx.msk $0xffff, v61;
	v54 =	vsel vm1, $0x3F800000, v4;
	vm1 =	vgt.f32 v51, $0.0e+00;
	v55 =	vsub.f32 $0.0e+00, v3  }
0x1e4: {  	v43 =	vand.u32 v37, v43;
	[tilespmem:v38+s10+$0x50 ss:$0x1] =	vst.idx.msk $0xffff, v54;
	v61 =	vsel vm1, $0x3F800000, v4;
	v58 =	vadd.f32 v52, v44  }
0x1e5: {  	p0 =	slt.u32 s6, $0x38;
	[tilespmem:s15+$0x186C0] =	vst v46;
	v57 =	vxor.u32 v56, v43;
	v3 =	vadd.f32 v3, v63;
	v60 =	vxor.u32 v63, v55  }
.Ltmp1:
0x1e6: {  	[tilespmem:s15+$0x186D0] =	vst v49;
	v59 =	vadd.f32 v57, v50;
	v39 =	vadd.f32 v58, v39;
	v62 =	vand.u32 v37, v60;
	(pc) =	sbr.rel @p0 .LBB2_5-.Ltmp1, $4  }
0x1e7: {  	[tilespmem:v38+s10+$0x60 ss:$0x1] =	vst.idx.msk $0xffff, v61;
	vm1 =	vgt.f32 v3, $0.0e+00;
	v3 =	vxor.u32 v63, v62  }
0x1e8: {  	[tilespmem:s15+$0x186E0] =	vst v59;
	v63 =	vsel vm1, $0x3F800000, v4;
	v3 =	vadd.f32 v3, v39  }
0x1e9: {  	s26 =	sadd.s32 $0x8, s6;
	[tilespmem:v38+s10+$0x70 ss:$0x1] =	vst.idx.msk $0xffff, v63  }
0x1ea: {  	s6 =	smov.u32 s26;
	[tilespmem:s15+$0x186F0] =	vst v3  }
0x1eb: {  	p0 =	slt.s32 s0, $0x0;
	s3 =	rddreg [dreg:$0x4]  }
0x1ec: {  	s3 =	sadd.s32 @!p0 s3, s31  }
0x1ed: {  	s3 =	sshll.u32 @!p0 s3, $0xA  }
0x1ee: {  	s3 =	sand.u32 @!p0 $0xFFFFE000, s3  }
0x1ef: {  	s3 =	sor.u32 @!p0 s14, s3  }
0x1f0: {  	s4 =	rddreg [dreg:$0x2];
	s3 =	sshrl.u32 @!p0 s3, $0x3  }
0x1f1: {  	s3 =	sadd.s32 @!p0 s4, s3;
	s4 =	simm.s32 @!p0 $0x0  }
0x1f2: {  	[hbm4b:s3+s4] =	stream.linear.scatter @!p0 [tilespmem:s13], [sflag:$0x4], $0x80, $0x38;
	[tilespmem:$0x1CA80] =	vst v63  }
0x1f3: {  	s6 =	sadd.s32 @!p0 $0x400, s13;
	s10 =	sadd.s32 @!p0 $0x80, s3  }
0x1f4: {  	[hbm4b:s10+s4] =	stream.linear.scatter @!p0 [tilespmem:s6], [sflag:$0x4], $0x80, $0x38;
	[tilespmem:$0x1CA80] =	vst v63  }
0x1f5: {  	s6 =	sadd.s32 @!p0 $0x800, s13;
	s10 =	sadd.s32 @!p0 $0x100, s3  }
0x1f6: {  	[hbm4b:s10+s4] =	stream.linear.scatter @!p0 [tilespmem:s6], [sflag:$0x4], $0x80, $0x38;
	[tilespmem:$0x1CA80] =	vst v63  }
0x1f7: {  	s6 =	sadd.s32 @!p0 $0xC00, s13;
	s10 =	sadd.s32 @!p0 $0x180, s3  }
0x1f8: {  	[hbm4b:s10+s4] =	stream.linear.scatter @!p0 [tilespmem:s6], [sflag:$0x4], $0x80, $0x38;
	[tilespmem:$0x1CA80] =	vst v63  }
0x1f9: {  	s6 =	sadd.s32 @!p0 $0x1000, s13;
	s10 =	sadd.s32 @!p0 $0x200, s3  }
0x1fa: {  	[hbm4b:s10+s4] =	stream.linear.scatter @!p0 [tilespmem:s6], [sflag:$0x4], $0x80, $0x38;
	[tilespmem:$0x1CA80] =	vst v63  }
0x1fb: {  	s6 =	sadd.s32 @!p0 $0x1400, s13;
	s10 =	sadd.s32 @!p0 $0x280, s3  }
0x1fc: {  	[hbm4b:s10+s4] =	stream.linear.scatter @!p0 [tilespmem:s6], [sflag:$0x4], $0x80, $0x38;
	[tilespmem:$0x1CA80] =	vst v63  }
0x1fd: {  	s6 =	sadd.s32 @!p0 $0x1800, s13;
	s10 =	sadd.s32 @!p0 $0x300, s3  }
0x1fe: {  	[hbm4b:s10+s4] =	stream.linear.scatter @!p0 [tilespmem:s6], [sflag:$0x4], $0x80, $0x38;
	[tilespmem:$0x1CA80] =	vst v63  }
0x1ff: {  	s3 =	sadd.s32 @!p0 $0x380, s3;
	s6 =	sadd.s32 @!p0 $0x1C00, s13  }
0x200: {  	[hbm4b:s3+s4] =	stream.linear.scatter @!p0 [tilespmem:s6], [sflag:$0x4], $0x80, $0x38;
	[tilespmem:$0x1CA80] =	vst v63  }
0x201: {  	v3 =	vld [tilespmem:s30+$0x60];
	_ =	sdelay $0x4  }
0x202: {  	v5 =	vshll.u32 v3, $0x3  }
0x203: {  	v3 =	vand.u32 $0x7, v3;
	v5 =	vand.u32 $0xFFFFFFC0, v5  }
0x204: {  	v3 =	vor.u32 v3, v5  }
0x205: {  	v5 =	vperm.xlane v3, v0;
	_ =	sdelay $0x1  }
0x206: {  	v5 =	vadd.s32 v1, v5;
	_ =	sdelay $0x3  }
0x207: {  	s23 =	simm.s32 $0x680;
	s13 =	simm.s32 $0x0  }
0x208: {  	[tilespmem:s23], [sflag:$0x1] =	stream.indirect_vreg.gather [hbm4b:s2+s13], $0x80, v5, vm0, $0xb8;
	[tilespmem:$0x1CA80] =	vst v63  }
0x209: {  	s24 =	simm.s32 $0xE80;
	v3 =	vperm.xlane v3, v2  }
0x20a: {  	[tilespmem:s24], [sflag:$0x1] =	stream.indirect_vreg.gather [hbm4b:s7+s13], $0x80, v5, vm0, $0xb8;
	[tilespmem:$0x1CA80] =	vst v63  }
0x20b: {  	s25 =	simm.s32 $0x1680;
	v3 =	vadd.s32 v1, v3  }
0x20c: {  	[tilespmem:s25], [sflag:$0x1] =	stream.indirect_vreg.gather [hbm4b:s8+s13], $0x80, v5, vm0, $0xb8;
	[tilespmem:$0x1CA80] =	vst v63  }
0x20d: {  	s26 =	simm.s32 $0x1E80  }
0x20e: {  	[tilespmem:s26], [sflag:$0x1] =	stream.indirect_vreg.gather [hbm4b:s9+s13], $0x80, v5, vm0, $0xb8;
	[tilespmem:$0x1CA80] =	vst v63  }
0x20f: {  	s4 =	simm.s32 $0x2680  }
0x210: {  	[tilespmem:s4], [sflag:$0x1] =	stream.indirect_vreg.gather [hbm4b:s2+s13], $0x80, v3, vm0, $0xb8;
	[tilespmem:$0x1CA80] =	vst v63  }
0x211: {  	s5 =	simm.s32 $0x2E80  }
0x212: {  	[tilespmem:s5], [sflag:$0x1] =	stream.indirect_vreg.gather [hbm4b:s7+s13], $0x80, v3, vm0, $0xb8;
	[tilespmem:$0x1CA80] =	vst v63  }
0x213: {  	s6 =	simm.s32 $0x3680  }
0x214: {  	[tilespmem:s6], [sflag:$0x1] =	stream.indirect_vreg.gather [hbm4b:s8+s13], $0x80, v3, vm0, $0xb8;
	[tilespmem:$0x1CA80] =	vst v63  }
0x215: {  	s10 =	simm.s32 $0x3E80  }
0x216: {  	[tilespmem:s10], [sflag:$0x1] =	stream.indirect_vreg.gather [hbm4b:s9+s13], $0x80, v3, vm0, $0xb8;
	[tilespmem:$0x1CA80] =	vst v63  }
0x217: {  	s18 =	sadd.s32 $0x1, s0;
	v3 =	vld [tilespmem:s30+$0x70]  }
0x218: {  	s11 =	simm.s32 $0x4680;
	s12 =	simm.s32 $0x4E80;
	s20 =	smul.u32 $0x32, s18  }
0x219: {  	s15 =	simm.s32 $0x5E80;
	s16 =	simm.s32 $0x6680;
	s17 =	simm.s32 $0x6E80  }
0x21a: {  	s19 =	simm.s32 $0x7680;
	s21 =	simm.s32 $0x7E80;
	s0 =	sadd.s32 s1, s20  }
0x21b: {  	s1 =	sadd.s32 s31, s18;
	s14 =	simm.s32 $0x5680;
	s22 =	ssub.s32 $0x40, s0  }
0x21c: {  	s18 =	ssub.s32 $0x2A, s0;
	s20 =	ssub.s32 $0x2C, s0;
	s31 =	sshra.s32 s22, $0x1F;
	v5 =	vshll.u32 v3, $0x3  }
0x21d: {  	s18 =	sshra.s32 s18, $0x1F;
	s20 =	sshra.s32 s20, $0x1F;
	s22 =	ssub.s32 $0x2E, s0;
	v3 =	vand.u32 $0x7, v3;
	v5 =	vand.u32 $0xFFFFFFC0, v5  }
0x21e: {  	s22 =	sshra.s32 s22, $0x1F;
	v17 =	vmov s20;
	s20 =	ssub.s32 $0x3A, s0;
	s23 =	ssub.s32 $0x20, s0;
	v3 =	vor.u32 v3, v5  }
0x21f: {  	v15 =	vmov s18;
	s18 =	ssub.s32 $0x3D, s0;
	s3 =	sshra.s32 s23, $0x1F;
	s23 =	ssub.s32 $0x2F, s0;
	v5 =	vperm.xlane v3, v0  }
0x220: {  	v19 =	vmov s22;
	s22 =	ssub.s32 $0x3B, s0;
	s24 =	ssub.s32 $0x21, s0;
	s23 =	sshra.s32 s23, $0x1F  }
0x221: {  	v20 =	vmov s23;
	s23 =	ssub.s32 $0x3C, s0;
	s4 =	sshra.s32 s24, $0x1F;
	s24 =	ssub.s32 $0x30, s0;
	v5 =	vadd.s32 v1, v5  }
0x222: {  	s25 =	ssub.s32 $0x22, s0;
	s26 =	ssub.s32 $0x23, s0;
	s24 =	sshra.s32 s24, $0x1F  }
0x223: {  	s5 =	ssub.s32 $0x26, s0;
	s6 =	sshra.s32 s25, $0x1F;
	s25 =	ssub.s32 $0x31, s0  }
0x224: {  	v21 =	vmov s24;
	s24 =	ssub.s32 $0x3F, s0;
	s25 =	sshra.s32 s25, $0x1F;
	s10 =	sshra.s32 s26, $0x1F  }
0x225: {  	s26 =	ssub.s32 $0x32, s0;
	v22 =	vmov s25;
	s25 =	sshra.s32 s22, $0x1F;
	s22 =	ssub.s32 $0x3E, s0  }
0x226: {  	[tilespmem:s11], [sflag:$0x1] =	stream.indirect_vreg.gather [hbm4b:s2+s13], $0x80, v5, vm0, $0xb8;
	[tilespmem:$0x1CA80] =	vst v63  }
0x227: {  	v8 =	vmov s10;
	s10 =	ssub.s32 $0x35, s0;
	v32 =	vmov s25;
	s25 =	sshra.s32 s24, $0x1F;
	s11 =	ssub.s32 $0x24, s0  }
0x228: {  	[tilespmem:s12], [sflag:$0x1] =	stream.indirect_vreg.gather [hbm4b:s7+s13], $0x80, v5, vm0, $0xb8;
	[tilespmem:$0x1CA80] =	vst v63  }
0x229: {  	v7 =	vmov s6;
	s6 =	sshra.s32 s10, $0x1F;
	v3 =	vperm.xlane v3, v2;
	s11 =	sshra.s32 s11, $0x1F;
	s12 =	ssub.s32 $0x25, s0  }
0x22a: {  	[tilespmem:s14], [sflag:$0x1] =	stream.indirect_vreg.gather [hbm4b:s8+s13], $0x80, v5, vm0, $0xb8;
	[tilespmem:$0x1CA80] =	vst v63  }
0x22b: {  	v3 =	vadd.s32 v1, v3;
	s12 =	sshra.s32 s12, $0x1F;
	s14 =	sshra.s32 s5, $0x1F;
	s5 =	ssub.s32 $0x33, s0  }
0x22c: {  	[tilespmem:s15], [sflag:$0x1] =	stream.indirect_vreg.gather [hbm4b:s9+s13], $0x80, v5, vm0, $0xb8;
	[tilespmem:$0x1CA80] =	vst v63  }
0x22d: {  	s5 =	sshra.s32 s5, $0x1F;
	v11 =	vmov s14;
	s14 =	ssub.s32 $0x37, s0;
	s15 =	ssub.s32 $0x27, s0  }
0x22e: {  	v9 =	vmov s11;
	v5 =	vmov s3;
	s3 =	sshra.s32 s26, $0x1F;
	s26 =	ssub.s32 $0x34, s0;
	s11 =	sshra.s32 s14, $0x1F  }
0x22f: {  	v6 =	vmov s4;
	s15 =	sshra.s32 s15, $0x1F;
	s4 =	sshra.s32 s26, $0x1F;
	s26 =	ssub.s32 $0x36, s0  }
0x230: {  	[tilespmem:s16], [sflag:$0x1] =	stream.indirect_vreg.gather [hbm4b:s2+s13], $0x80, v3, vm0, $0xb8;
	[tilespmem:$0x1CA80] =	vst v63  }
0x231: {  	s2 =	simm.s32 $0x2;
	s16 =	ssub.s32 $0x28, s0;
	s10 =	sshra.s32 s26, $0x1F  }
0x232: {  	[tilespmem:s17], [sflag:$0x1] =	stream.indirect_vreg.gather [hbm4b:s7+s13], $0x80, v3, vm0, $0xb8;
	[tilespmem:$0x1CA80] =	vst v63  }
0x233: {  	v12 =	vmov s15;
	s15 =	sshra.s32 s20, $0x1F;
	s26 =	sshra.s32 s23, $0x1F;
	s20 =	sshll.u32 s1, $0xA  }
0x234: {  	[tilespmem:s19], [sflag:$0x1] =	stream.indirect_vreg.gather [hbm4b:s8+s13], $0x80, v3, vm0, $0xb8;
	[tilespmem:$0x1CA80] =	vst v63  }
0x235: {  	v24 =	vmov s5;
	s23 =	sshra.s32 s22, $0x1F;
	s16 =	sshra.s32 s16, $0x1F;
	s5 =	sand.u32 $0x2000, s20  }
0x236: {  	[tilespmem:s21], [sflag:$0x1] =	stream.indirect_vreg.gather [hbm4b:s9+s13], $0x80, v3, vm0, $0xb8;
	[tilespmem:$0x1CA80] =	vst v63  }
0x237: {  	v33 =	vmov s26;
	s26 =	sxor.u32 $0xFFFFFFFF, s31;
	s17 =	ssub.s32 $0x29, s0;
	s21 =	ssub.s32 $0x2D, s0  }
0x238: {  	v36 =	vmov s25;
	v26 =	vmov s6;
	v13 =	vmov s16;
	s16 =	ssub.s32 $0x38, s0;
	s17 =	sshra.s32 s17, $0x1F;
	s21 =	sshra.s32 s21, $0x1F  }
0x239: {  	v10 =	vmov s12;
	v23 =	vmov s3;
	s12 =	sshra.s32 s16, $0x1F;
	s19 =	ssub.s32 $0x2B, s0;
	v18 =	vmov s21;
	s21 =	sshll.u32 s1, $0x7  }
0x23a: {  	v28 =	vmov s11;
	v25 =	vmov s4;
	v14 =	vmov s17;
	s17 =	ssub.s32 $0x39, s0;
	s19 =	sshra.s32 s19, $0x1F;
	s6 =	sand.u32 $0x380, s21  }
0x23b: {  	v27 =	vmov s10;
	v31 =	vmov s15;
	v35 =	vmov s23;
	s14 =	sshra.s32 s17, $0x1F;
	_ =	swait.ge [sflag:s2], $0x8000;
	s5 =	sor.u32 s6, s5  }
0x23c: {  	v37 =	vmov s26;
	v16 =	vmov s19;
	s19 =	sshra.s32 s18, $0x1F;
	v30 =	vmov s14;
	[sflag:s2] =	ssyncset.done $0x0;
	s14 =	sadd.s32 $0x18A80, s5  }
0x23d: {  	v29 =	vmov s12;
	v34 =	vmov s19;
	[sflag:s2] =	ssyncadd.s32 $0xFFFF8000;
	v38 =	vmov s14  }
.LBB2_7:
0x23e: {  	s10 =	sshll.u32 s13, $0x7  }
0x23f: {  	v3 =	vld [tilespmem:s10+$0x8680]  }
0x240: {  	v39 =	vld [tilespmem:s10+$0x8700]  }
0x241: {  	v40 =	vld [tilespmem:s10+$0x8780]  }
0x242: {  	v41 =	vld [tilespmem:s10+$0x8800]  }
0x243: {  	v42 =	vld [tilespmem:s10+$0x8880]  }
0x244: {  	v48 =	vld [tilespmem:s10+$0x8A00]  }
0x245: {  	v44 =	vld [tilespmem:s10+$0x8900]  }
0x246: {  	v46 =	vld [tilespmem:s10+$0x8980];
	v43 =	vadd.f32 $0.0e+00, v3;
	v3 =	vand.u32 v3, v5;
	v45 =	vadd.f32 $0.0e+00, v39  }
0x247: {  	v49 =	vld [tilespmem:s10+$0xA680];
	v39 =	vand.u32 v39, v6;
	v47 =	vadd.f32 $0.0e+00, v40;
	v55 =	vadd.f32 $0.0e+00, v41  }
0x248: {  	v40 =	vand.u32 v40, v7;
	v3 =	vadd.f32 $0.0e+00, v3;
	v39 =	vadd.f32 $0.0e+00, v39  }
0x249: {  	v57 =	vld [tilespmem:s10+$0xA700];
	v41 =	vand.u32 v41, v8;
	v62 =	vand.u32 v48, v12;
	v56 =	vadd.f32 v42, v43  }
0x24a: {  	v59 =	vld [tilespmem:s10+$0xA780];
	v42 =	vand.u32 v42, v9;
	v3 =	vadd.f32 v40, v3;
	v39 =	vadd.f32 v41, v39  }
0x24b: {  	v61 =	vld [tilespmem:s10+$0xA800];
	v58 =	vadd.f32 v44, v45;
	v44 =	vand.u32 v44, v10;
	v60 =	vadd.f32 v46, v47  }
0x24c: {  	v63 =	vld [tilespmem:s10+$0xA880];
	v52 =	vand.u32 v49, v13;
	v3 =	vadd.f32 v42, v3;
	v39 =	vadd.f32 v44, v39  }
0x24d: {  	v53 =	vld [tilespmem:s10+$0xA900];
	v46 =	vand.u32 v46, v11;
	v40 =	vadd.f32 v48, v55;
	v41 =	vadd.f32 v49, v56  }
0x24e: {  	v54 =	vld [tilespmem:s10+$0xA980];
	v43 =	vand.u32 v57, v14;
	v3 =	vadd.f32 v46, v3;
	v39 =	vadd.f32 v62, v39  }
0x24f: {  	v55 =	vadd.f32 v59, v60;
	v56 =	vand.u32 v59, v15;
	v59 =	vld [tilespmem:s10+$0xC680];
	v42 =	vadd.f32 v57, v58  }
0x250: {  	v57 =	vld [tilespmem:s10+$0xAA00];
	v3 =	vadd.f32 v52, v3;
	v39 =	vadd.f32 v43, v39  }
0x251: {  	v40 =	vadd.f32 v61, v40;
	v58 =	vand.u32 v61, v16;
	v61 =	vld [tilespmem:s10+$0xC700];
	v41 =	vadd.f32 v63, v41  }
0x252: {  	v60 =	vand.u32 v63, v17;
	v63 =	vld [tilespmem:s10+$0xC780];
	v3 =	vadd.f32 v56, v3;
	v39 =	vadd.f32 v58, v39  }
0x253: {  	v42 =	vadd.f32 v53, v42;
	v62 =	vand.u32 v53, v18;
	v53 =	vld [tilespmem:s10+$0xC800];
	v43 =	vadd.f32 v54, v55  }
0x254: {  	v52 =	vand.u32 v54, v19;
	v55 =	vld [tilespmem:s10+$0xC880];
	v3 =	vadd.f32 v60, v3;
	v39 =	vadd.f32 v62, v39  }
0x255: {  	v41 =	vadd.f32 v59, v41;
	v40 =	vadd.f32 v57, v40;
	v54 =	vand.u32 v57, v20;
	v57 =	vld [tilespmem:s10+$0xC900]  }
0x256: {  	v56 =	vand.u32 v59, v21;
	v59 =	vld [tilespmem:s10+$0xC980];
	v3 =	vadd.f32 v52, v3;
	v39 =	vadd.f32 v54, v39  }
0x257: {  	v42 =	vadd.f32 v61, v42;
	v58 =	vand.u32 v61, v22;
	v43 =	vadd.f32 v63, v43;
	v61 =	vld [tilespmem:s10+$0xCA00]  }
0x258: {  	v60 =	vand.u32 v63, v23;
	v63 =	vld [tilespmem:s10+$0xE680];
	v3 =	vadd.f32 v56, v3;
	v39 =	vadd.f32 v58, v39  }
0x259: {  	v40 =	vadd.f32 v53, v40;
	v62 =	vand.u32 v53, v24;
	v41 =	vadd.f32 v55, v41;
	v52 =	vld [tilespmem:s10+$0xE700]  }
0x25a: {  	v51 =	vand.u32 v55, v25;
	v54 =	vld [tilespmem:s10+$0xE780];
	v3 =	vadd.f32 v60, v3;
	v39 =	vadd.f32 v62, v39  }
0x25b: {  	v42 =	vadd.f32 v57, v42;
	v53 =	vand.u32 v57, v26;
	v43 =	vadd.f32 v59, v43;
	v56 =	vld [tilespmem:s10+$0xE800]  }
0x25c: {  	v55 =	vand.u32 v59, v27;
	v58 =	vld [tilespmem:s10+$0xE880];
	v3 =	vadd.f32 v51, v3;
	v39 =	vadd.f32 v53, v39  }
0x25d: {  	v40 =	vadd.f32 v61, v40;
	v57 =	vand.u32 v61, v28;
	v41 =	vadd.f32 v63, v41;
	v60 =	vld [tilespmem:s10+$0xE900]  }
0x25e: {  	v59 =	vand.u32 v63, v29;
	v62 =	vld [tilespmem:s10+$0xE980];
	v3 =	vadd.f32 v55, v3;
	v39 =	vadd.f32 v57, v39  }
0x25f: {  	v50 =	vld [tilespmem:s10+$0xEA00];
	v42 =	vadd.f32 v52, v42;
	v61 =	vand.u32 v52, v30;
	v43 =	vadd.f32 v54, v43  }
0x260: {  	v63 =	vand.u32 v54, v31;
	v3 =	vadd.f32 v59, v3;
	v39 =	vadd.f32 v61, v39  }
0x261: {  	v40 =	vadd.f32 v56, v40;
	v51 =	vand.u32 v56, v32;
	v41 =	vadd.f32 v58, v41  }
0x262: {  	v52 =	vand.u32 v58, v33;
	v56 =	vld [tilespmem:s10+$0x8690];
	v3 =	vadd.f32 v63, v3;
	v39 =	vadd.f32 v51, v39  }
0x263: {  	v57 =	vld [tilespmem:s10+$0x8710];
	v42 =	vadd.f32 v60, v42;
	v53 =	vand.u32 v60, v34;
	v43 =	vadd.f32 v62, v43  }
0x264: {  	v55 =	vand.u32 v50, v36;
	v59 =	vld [tilespmem:s10+$0x8790];
	v3 =	vadd.f32 v52, v3;
	v39 =	vadd.f32 v53, v39  }
0x265: {  	v54 =	vand.u32 v62, v35;
	v40 =	vadd.f32 v50, v40;
	v60 =	vld [tilespmem:s10+$0x8890];
	v41 =	vadd.f32 v42, v41  }
0x266: {  	v62 =	vld [tilespmem:s10+$0x8910];
	v3 =	vadd.f32 v54, v3;
	v39 =	vadd.f32 v55, v39  }
0x267: {  	v58 =	vadd.f32 v40, v43;
	v61 =	vadd.f32 $0.0e+00, v56;
	v46 =	vand.u32 v56, v5;
	v56 =	vld [tilespmem:s10+$0x8990]  }
0x268: {  	v46 =	vadd.f32 $0.0e+00, v46;
	v40 =	vadd.f32 v39, v3;
	v3 =	vld [tilespmem:s10+$0x8810]  }
0x269: {  	v63 =	vadd.f32 $0.0e+00, v57;
	v50 =	vadd.f32 $0.0e+00, v59;
	v43 =	vand.u32 v59, v7;
	v59 =	vld [tilespmem:s10+$0xA710]  }
0x26a: {  	v44 =	vand.u32 v57, v6;
	v39 =	vadd.f32 v58, v41;
	v58 =	vadd.f32 v60, v61;
	v61 =	vld [tilespmem:s10+$0xA790]  }
0x26b: {  	v51 =	vld [tilespmem:s10+$0x8A10];
	v44 =	vadd.f32 $0.0e+00, v44;
	v47 =	vand.u32 v62, v10;
	v43 =	vadd.f32 v43, v46  }
0x26c: {  	v41 =	vand.u32 v60, v9;
	v60 =	vadd.f32 v62, v63;
	v62 =	vadd.f32 v56, v50  }
0x26d: {  	v52 =	vld [tilespmem:s10+$0xA690];
	v41 =	vadd.f32 v41, v43;
	v57 =	vadd.f32 $0.0e+00, v3;
	v3 =	vand.u32 v3, v8  }
0x26e: {  	v49 =	vand.u32 v56, v11;
	v63 =	vld [tilespmem:s10+$0xA810];
	v43 =	vadd.f32 v59, v60;
	v3 =	vadd.f32 v3, v44  }
0x26f: {  	v45 =	vand.u32 v59, v14;
	v59 =	vadd.f32 v61, v62;
	v60 =	vand.u32 v61, v15;
	v61 =	vld [tilespmem:s10+$0xAA10]  }
0x270: {  	v55 =	vand.u32 v51, v12;
	v46 =	vadd.f32 v51, v57;
	v51 =	vld [tilespmem:s10+$0xA890];
	v3 =	vadd.f32 v47, v3  }
0x271: {  	v41 =	vadd.f32 v49, v41;
	v57 =	vld [tilespmem:s10+$0xA910]  }
0x272: {  	v56 =	vand.u32 v52, v13;
	v44 =	vadd.f32 v52, v58;
	v58 =	vld [tilespmem:s10+$0xA990];
	v3 =	vadd.f32 v55, v3  }
0x273: {  	v41 =	vadd.f32 v56, v41  }
0x274: {  	v62 =	vand.u32 v63, v16;
	v46 =	vadd.f32 v63, v46;
	v63 =	vld [tilespmem:s10+$0xC690];
	v3 =	vadd.f32 v45, v3  }
0x275: {  	v41 =	vadd.f32 v60, v41;
	v44 =	vadd.f32 v51, v44;
	v55 =	vand.u32 v51, v17;
	v51 =	vld [tilespmem:s10+$0xC710]  }
0x276: {  	v43 =	vadd.f32 v57, v43;
	v56 =	vand.u32 v57, v18;
	v57 =	vld [tilespmem:s10+$0xC790];
	v3 =	vadd.f32 v62, v3  }
0x277: {  	v60 =	vand.u32 v61, v20;
	v45 =	vadd.f32 v58, v59;
	v59 =	vld [tilespmem:s10+$0xC810];
	v41 =	vadd.f32 v55, v41  }
0x278: {  	v46 =	vadd.f32 v61, v46;
	v61 =	vld [tilespmem:s10+$0xC890];
	v58 =	vand.u32 v58, v19;
	v3 =	vadd.f32 v56, v3  }
0x279: {  	v44 =	vadd.f32 v63, v44;
	v62 =	vand.u32 v63, v21;
	v63 =	vld [tilespmem:s10+$0xC910];
	v41 =	vadd.f32 v58, v41  }
0x27a: {  	v43 =	vadd.f32 v51, v43;
	v55 =	vand.u32 v51, v22;
	v51 =	vld [tilespmem:s10+$0xC990];
	v3 =	vadd.f32 v60, v3  }
0x27b: {  	v41 =	vadd.f32 v62, v41;
	v45 =	vadd.f32 v57, v45;
	v56 =	vand.u32 v57, v23;
	v57 =	vld [tilespmem:s10+$0xCA10]  }
0x27c: {  	v46 =	vadd.f32 v59, v46;
	v58 =	vand.u32 v59, v24;
	v59 =	vld [tilespmem:s10+$0xE690];
	v3 =	vadd.f32 v55, v3  }
0x27d: {  	v44 =	vadd.f32 v61, v44;
	v60 =	vand.u32 v61, v25;
	v61 =	vld [tilespmem:s10+$0xE710];
	v41 =	vadd.f32 v56, v41  }
0x27e: {  	v43 =	vadd.f32 v63, v43;
	v62 =	vand.u32 v63, v26;
	v63 =	vld [tilespmem:s10+$0xE790];
	v3 =	vadd.f32 v58, v3  }
0x27f: {  	v41 =	vadd.f32 v60, v41;
	v45 =	vadd.f32 v51, v45;
	v55 =	vand.u32 v51, v27;
	v51 =	vld [tilespmem:s10+$0xE810]  }
0x280: {  	v46 =	vadd.f32 v57, v46;
	v56 =	vand.u32 v57, v28;
	v57 =	vld [tilespmem:s10+$0xE890];
	v3 =	vadd.f32 v62, v3  }
0x281: {  	v44 =	vadd.f32 v59, v44;
	v58 =	vand.u32 v59, v29;
	v59 =	vld [tilespmem:s10+$0xE910];
	v41 =	vadd.f32 v55, v41  }
0x282: {  	v43 =	vadd.f32 v61, v43;
	v60 =	vand.u32 v61, v30;
	v61 =	vld [tilespmem:s10+$0xE990];
	v3 =	vadd.f32 v56, v3  }
0x283: {  	s3 =	sshll.u32 s13, $0x4;
	v42 =	vsub.f32 $0.0e+00, v40;
	v41 =	vadd.f32 v58, v41  }
0x284: {  	s15 =	sand.u32 $0x3FFFFFF0, s3;
	v45 =	vadd.f32 v63, v45;
	v62 =	vand.u32 v63, v31;
	v63 =	vld [tilespmem:s10+$0xEA10];
	v3 =	vadd.f32 v60, v3  }
0x285: {  	v53 =	vld [tilespmem:s15+$0x18680];
	v41 =	vadd.f32 v62, v41;
	v46 =	vadd.f32 v51, v46;
	v55 =	vand.u32 v51, v32  }
0x286: {  	v44 =	vadd.f32 v57, v44;
	v56 =	vand.u32 v57, v33;
	v3 =	vadd.f32 v55, v3  }
0x287: {  	v43 =	vadd.f32 v59, v43;
	v57 =	vand.u32 v59, v34;
	v45 =	vadd.f32 v61, v45  }
0x288: {  	v54 =	vld [tilespmem:s10+$0xA6A0];
	v41 =	vadd.f32 v56, v41;
	v3 =	vadd.f32 v57, v3  }
0x289: {  	v58 =	vand.u32 v61, v35;
	v60 =	vld [tilespmem:s10+$0x86A0];
	v46 =	vadd.f32 v63, v46;
	v59 =	vand.u32 v63, v36  }
0x28a: {  	v42 =	vxor.u32 v53, v42;
	v61 =	vld [tilespmem:s10+$0x8720];
	v41 =	vadd.f32 v58, v41;
	v3 =	vadd.f32 v59, v3  }
0x28b: {  	v62 =	vand.u32 v37, v42;
	v44 =	vadd.f32 v43, v44;
	v63 =	vld [tilespmem:s10+$0x87A0]  }
0x28c: {  	v56 =	vxor.u32 v53, v62;
	v45 =	vadd.f32 v46, v45;
	v43 =	vadd.f32 v3, v41;
	v3 =	vld [tilespmem:s10+$0x8820]  }
0x28d: {  	v42 =	vadd.f32 v40, v53;
	v39 =	vadd.f32 v56, v39;
	v41 =	vld [tilespmem:s10+$0x88A0]  }
0x28e: {  	v58 =	vld [tilespmem:s10+$0x8920];
	v40 =	vadd.f32 v45, v44;
	v45 =	vadd.f32 $0.0e+00, v60;
	v57 =	vand.u32 v60, v5  }
0x28f: {  	v47 =	vand.u32 v61, v6;
	v60 =	vld [tilespmem:s10+$0x89A0];
	v48 =	vadd.f32 $0.0e+00, v57;
	v59 =	vadd.f32 $0.0e+00, v61  }
0x290: {  	v62 =	vld [tilespmem:s10+$0x8A20];
	v47 =	vadd.f32 $0.0e+00, v47;
	v61 =	vadd.f32 $0.0e+00, v63;
	v46 =	vand.u32 v63, v7  }
0x291: {  	v52 =	vld [tilespmem:s10+$0xC6A0];
	v46 =	vadd.f32 v46, v48;
	v63 =	vadd.f32 $0.0e+00, v3;
	v3 =	vand.u32 v3, v8  }
0x292: {  	v45 =	vadd.f32 v41, v45;
	v41 =	vand.u32 v41, v9;
	v3 =	vadd.f32 v3, v47;
	v47 =	vld [tilespmem:s10+$0xA720]  }
0x293: {  	v49 =	vand.u32 v58, v10;
	v41 =	vadd.f32 v41, v46;
	v46 =	vadd.f32 v58, v59;
	v59 =	vld [tilespmem:s10+$0xA820]  }
0x294: {  	v44 =	vsub.f32 $0.0e+00, v43;
	v51 =	vand.u32 v60, v11;
	v58 =	vadd.f32 v60, v61;
	v61 =	vld [tilespmem:s10+$0xA8A0]  }
0x295: {  	v57 =	vld [tilespmem:s10+$0xA7A0];
	v60 =	vand.u32 v62, v12;
	v3 =	vadd.f32 v49, v3;
	v41 =	vadd.f32 v51, v41  }
0x296: {  	v48 =	vadd.f32 v62, v63;
	v45 =	vadd.f32 v54, v45;
	v62 =	vand.u32 v54, v13;
	v63 =	vld [tilespmem:s10+$0xA920]  }
0x297: {  	v55 =	vld [tilespmem:s15+$0x18690];
	v3 =	vadd.f32 v60, v3;
	v41 =	vadd.f32 v62, v41  }
0x298: {  	v51 =	vld [tilespmem:s10+$0xA9A0];
	v46 =	vadd.f32 v47, v46;
	v47 =	vand.u32 v47, v14;
	v48 =	vadd.f32 v59, v48  }
0x299: {  	v59 =	vand.u32 v59, v16;
	v45 =	vadd.f32 v61, v45;
	v60 =	vand.u32 v61, v17;
	v61 =	vld [tilespmem:s10+$0xC720]  }
0x29a: {  	v3 =	vadd.f32 v47, v3;
	v47 =	vadd.f32 v57, v58;
	v57 =	vand.u32 v57, v15;
	v58 =	vld [tilespmem:s10+$0xAA20]  }
0x29b: {  	v62 =	vand.u32 v63, v18;
	v41 =	vadd.f32 v57, v41;
	v46 =	vadd.f32 v63, v46;
	v63 =	vld [tilespmem:s10+$0xC7A0]  }
0x29c: {  	v44 =	vxor.u32 v55, v44;
	v57 =	vld [tilespmem:s10+$0xC820];
	v45 =	vadd.f32 v52, v45;
	v3 =	vadd.f32 v59, v3  }
0x29d: {  	v56 =	vand.u32 v51, v19;
	v47 =	vadd.f32 v51, v47;
	v59 =	vld [tilespmem:s10+$0xC8A0];
	v41 =	vadd.f32 v60, v41  }
0x29e: {  	v60 =	vand.u32 v52, v21;
	v52 =	vld [tilespmem:s10+$0xC920];
	v3 =	vadd.f32 v62, v3;
	v46 =	vadd.f32 v61, v46  }
0x29f: {  	v53 =	vld [tilespmem:s10+$0xC9A0];
	v41 =	vadd.f32 v56, v41;
	v48 =	vadd.f32 v58, v48;
	v58 =	vand.u32 v58, v20  }
0x2a0: {  	v3 =	vadd.f32 v58, v3;
	v47 =	vadd.f32 v63, v47;
	v62 =	vand.u32 v63, v23;
	v63 =	vld [tilespmem:s10+$0xCA20]  }
0x2a1: {  	v61 =	vand.u32 v61, v22;
	v58 =	vld [tilespmem:s10+$0xE6A0];
	v41 =	vadd.f32 v60, v41;
	v48 =	vadd.f32 v57, v48  }
0x2a2: {  	v57 =	vand.u32 v57, v24;
	v45 =	vadd.f32 v59, v45;
	v60 =	vld [tilespmem:s10+$0xE720];
	v3 =	vadd.f32 v61, v3  }
0x2a3: {  	v46 =	vadd.f32 v52, v46;
	v61 =	vand.u32 v52, v26;
	v52 =	vld [tilespmem:s10+$0xE7A0];
	v41 =	vadd.f32 v62, v41  }
0x2a4: {  	v59 =	vand.u32 v59, v25;
	v47 =	vadd.f32 v53, v47;
	v62 =	vand.u32 v53, v27;
	v53 =	vld [tilespmem:s10+$0xE820]  }
0x2a5: {  	v44 =	vand.u32 v37, v44;
	v3 =	vadd.f32 v57, v3;
	v57 =	vld [tilespmem:s10+$0xE8A0];
	v41 =	vadd.f32 v59, v41  }
0x2a6: {  	v48 =	vadd.f32 v63, v48;
	v63 =	vand.u32 v63, v28;
	v45 =	vadd.f32 v58, v45;
	v59 =	vld [tilespmem:s10+$0xE920]  }
0x2a7: {  	v58 =	vand.u32 v58, v29;
	v3 =	vadd.f32 v61, v3;
	v46 =	vadd.f32 v60, v46;
	v61 =	vld [tilespmem:s10+$0xE9A0]  }
0x2a8: {  	v60 =	vand.u32 v60, v30;
	v41 =	vadd.f32 v62, v41;
	v47 =	vadd.f32 v52, v47  }
0x2a9: {  	v62 =	vand.u32 v52, v31;
	v3 =	vadd.f32 v63, v3;
	v63 =	vld [tilespmem:s10+$0xEA20];
	v48 =	vadd.f32 v53, v48  }
0x2aa: {  	v53 =	vand.u32 v53, v32;
	v41 =	vadd.f32 v58, v41;
	v45 =	vadd.f32 v57, v45  }
0x2ab: {  	v54 =	vand.u32 v57, v33;
	v58 =	vld [tilespmem:s10+$0x86B0];
	v3 =	vadd.f32 v60, v3;
	v46 =	vadd.f32 v59, v46  }
0x2ac: {  	v51 =	vld [tilespmem:s10+$0x8930];
	v60 =	vxor.u32 v55, v44;
	v41 =	vadd.f32 v62, v41;
	v47 =	vadd.f32 v61, v47  }
0x2ad: {  	v56 =	vand.u32 v59, v34;
	v59 =	vld [tilespmem:s10+$0x8730];
	v40 =	vadd.f32 v60, v40;
	v3 =	vadd.f32 v53, v3  }
0x2ae: {  	v50 =	vand.u32 v61, v35;
	v49 =	vadd.f32 v54, v41;
	v41 =	vld [tilespmem:s15+$0x186A0];
	v48 =	vadd.f32 v63, v48  }
0x2af: {  	v46 =	vadd.f32 v46, v45;
	v57 =	vand.u32 v63, v36;
	v54 =	vld [tilespmem:s10+$0x89B0];
	v3 =	vadd.f32 v56, v3  }
0x2b0: {  	v61 =	vand.u32 v58, v5;
	v52 =	vadd.f32 $0.0e+00, v58;
	v58 =	vld [tilespmem:s10+$0xA730];
	v47 =	vadd.f32 v48, v47  }
0x2b1: {  	v49 =	vadd.f32 v50, v49;
	v48 =	vld [tilespmem:s10+$0x87B0];
	v3 =	vadd.f32 v57, v3  }
0x2b2: {  	v45 =	vadd.f32 v43, v55;
	v44 =	vadd.f32 v47, v46;
	v46 =	vld [tilespmem:s10+$0x88B0]  }
0x2b3: {  	v62 =	vand.u32 v59, v6;
	v50 =	vadd.f32 $0.0e+00, v59;
	v3 =	vadd.f32 v3, v49  }
0x2b4: {  	v53 =	vadd.f32 $0.0e+00, v62;
	v62 =	vand.u32 v51, v10;
	v47 =	vadd.f32 $0.0e+00, v61;
	v49 =	vld [tilespmem:s10+$0x8830]  }
0x2b5: {  	v57 =	vld [tilespmem:s10+$0xA6B0];
	v50 =	vadd.f32 v51, v50;
	v59 =	vand.u32 v54, v11;
	v43 =	vadd.f32 v3, v41  }
0x2b6: {  	v56 =	vld [tilespmem:s10+$0x8A30];
	v3 =	vsub.f32 $0.0e+00, v3;
	v63 =	vand.u32 v48, v7;
	v48 =	vadd.f32 $0.0e+00, v48  }
0x2b7: {  	v55 =	vld [tilespmem:s10+$0xA7B0];
	v50 =	vadd.f32 v58, v50;
	v47 =	vadd.f32 v63, v47;
	v61 =	vand.u32 v46, v9  }
0x2b8: {  	v46 =	vadd.f32 v46, v52;
	v48 =	vadd.f32 v54, v48;
	v54 =	vld [tilespmem:s10+$0xA8B0];
	v3 =	vxor.u32 v41, v3  }
0x2b9: {  	v60 =	vand.u32 v49, v8;
	v49 =	vadd.f32 $0.0e+00, v49;
	v47 =	vadd.f32 v61, v47  }
0x2ba: {  	v61 =	vand.u32 v57, v13;
	v53 =	vadd.f32 v60, v53;
	v46 =	vadd.f32 v57, v46;
	v57 =	vld [tilespmem:s10+$0xA9B0]  }
0x2bb: {  	v60 =	vand.u32 v56, v12;
	v47 =	vadd.f32 v59, v47;
	v49 =	vadd.f32 v56, v49;
	v56 =	vld [tilespmem:s10+$0xA930]  }
0x2bc: {  	v3 =	vand.u32 v37, v3;
	v48 =	vadd.f32 v55, v48;
	v63 =	vadd.f32 v62, v53;
	v53 =	vld [tilespmem:s10+$0xA830]  }
0x2bd: {  	v3 =	vxor.u32 v41, v3;
	v47 =	vadd.f32 v61, v47;
	v61 =	vand.u32 v54, v17  }
0x2be: {  	v46 =	vadd.f32 v54, v46;
	v54 =	vld [tilespmem:s10+$0xC7B0];
	v51 =	vadd.f32 v60, v63;
	v63 =	vand.u32 v55, v15  }
0x2bf: {  	v41 =	vadd.f32 v3, v44;
	v62 =	vand.u32 v58, v14;
	v58 =	vld [tilespmem:s10+$0xAA30];
	v47 =	vadd.f32 v63, v47  }
0x2c0: {  	v55 =	vld [tilespmem:s10+$0xC6B0];
	v48 =	vadd.f32 v57, v48;
	v51 =	vadd.f32 v62, v51;
	v62 =	vand.u32 v56, v18  }
0x2c1: {  	v50 =	vadd.f32 v56, v50;
	v56 =	vld [tilespmem:s10+$0xC830];
	v60 =	vand.u32 v53, v16;
	v47 =	vadd.f32 v61, v47  }
0x2c2: {  	v63 =	vand.u32 v57, v19;
	v49 =	vadd.f32 v53, v49;
	v53 =	vld [tilespmem:s10+$0xC730];
	v51 =	vadd.f32 v60, v51  }
0x2c3: {  	v57 =	vld [tilespmem:s10+$0xC8B0];
	v48 =	vadd.f32 v54, v48;
	v47 =	vadd.f32 v63, v47  }
0x2c4: {  	v60 =	vand.u32 v58, v20;
	v49 =	vadd.f32 v58, v49;
	v58 =	vld [tilespmem:s10+$0xC930];
	v51 =	vadd.f32 v62, v51  }
0x2c5: {  	v61 =	vand.u32 v55, v21;
	v46 =	vadd.f32 v55, v46;
	v55 =	vld [tilespmem:s10+$0xC9B0];
	v63 =	vand.u32 v54, v23  }
0x2c6: {  	v54 =	vld [tilespmem:s10+$0xE6B0];
	v47 =	vadd.f32 v61, v47;
	v59 =	vand.u32 v56, v24;
	v51 =	vadd.f32 v60, v51  }
0x2c7: {  	v49 =	vadd.f32 v56, v49;
	v56 =	vld [tilespmem:s10+$0xE730];
	v62 =	vand.u32 v53, v22;
	v50 =	vadd.f32 v53, v50  }
0x2c8: {  	v53 =	vld [tilespmem:s10+$0xCA30];
	v47 =	vadd.f32 v63, v47;
	v51 =	vadd.f32 v62, v51  }
0x2c9: {  	v46 =	vadd.f32 v57, v46;
	v60 =	vand.u32 v57, v25;
	v50 =	vadd.f32 v58, v50  }
0x2ca: {  	v61 =	vand.u32 v58, v26;
	v62 =	vld [tilespmem:s10+$0xE7B0];
	v47 =	vadd.f32 v60, v47;
	v51 =	vadd.f32 v59, v51  }
0x2cb: {  	v63 =	vand.u32 v55, v27;
	v58 =	vld [tilespmem:s10+$0xE830];
	v48 =	vadd.f32 v55, v48;
	v46 =	vadd.f32 v54, v46  }
0x2cc: {  	v55 =	vld [tilespmem:s10+$0xE8B0];
	v60 =	vand.u32 v54, v29;
	v47 =	vadd.f32 v63, v47;
	v51 =	vadd.f32 v61, v51  }
0x2cd: {  	v52 =	vld [tilespmem:s10+$0xEA30];
	v50 =	vadd.f32 v56, v50;
	v59 =	vand.u32 v53, v28;
	v49 =	vadd.f32 v53, v49  }
0x2ce: {  	v53 =	vld [tilespmem:s10+$0xE930];
	v47 =	vadd.f32 v60, v47;
	v51 =	vadd.f32 v59, v51  }
0x2cf: {  	v54 =	vld [tilespmem:s10+$0xE9B0];
	v61 =	vand.u32 v56, v30;
	v48 =	vadd.f32 v62, v48;
	v62 =	vand.u32 v62, v31  }
0x2d0: {  	v47 =	vadd.f32 v62, v47;
	v51 =	vadd.f32 v61, v51  }
0x2d1: {  	v3 =	vld [tilespmem:s10+$0x88C0];
	v63 =	vand.u32 v58, v32;
	v49 =	vadd.f32 v58, v49;
	v60 =	vand.u32 v55, v33  }
0x2d2: {  	v47 =	vadd.f32 v60, v47;
	v60 =	vld [tilespmem:s10+$0x86C0];
	v51 =	vadd.f32 v63, v51  }
0x2d3: {  	v46 =	vadd.f32 v55, v46;
	v55 =	vld [tilespmem:s10+$0x8740];
	v49 =	vadd.f32 v52, v49;
	v61 =	vand.u32 v53, v34  }
0x2d4: {  	v56 =	vld [tilespmem:s10+$0x89C0];
	v62 =	vand.u32 v54, v35;
	v50 =	vadd.f32 v53, v50;
	v51 =	vadd.f32 v61, v51  }
0x2d5: {  	v63 =	vand.u32 v52, v36;
	v47 =	vadd.f32 v62, v47;
	v62 =	vld [tilespmem:s10+$0x87C0];
	v61 =	vadd.f32 v54, v48  }
0x2d6: {  	v58 =	vld [tilespmem:s10+$0x8A40];
	v48 =	vadd.f32 v50, v46;
	v51 =	vadd.f32 v63, v51  }
0x2d7: {  	v63 =	vld [tilespmem:s10+$0x8840];
	v49 =	vadd.f32 v49, v61;
	v59 =	vand.u32 v60, v5;
	v52 =	vadd.f32 $0.0e+00, v60  }
0x2d8: {  	v46 =	vld [tilespmem:s10+$0x8940];
	v60 =	vand.u32 v55, v6;
	v55 =	vadd.f32 $0.0e+00, v55;
	v44 =	vadd.f32 $0.0e+00, v59  }
0x2d9: {  	v57 =	vand.u32 v3, v9;
	v53 =	vadd.f32 $0.0e+00, v60;
	v59 =	vld [tilespmem:s10+$0xA6C0];
	v47 =	vadd.f32 v51, v47  }
0x2da: {  	v60 =	vld [tilespmem:s10+$0xA740];
	v61 =	vand.u32 v62, v7;
	v54 =	vadd.f32 $0.0e+00, v62;
	v3 =	vadd.f32 v3, v52  }
0x2db: {  	v49 =	vadd.f32 v49, v48;
	v44 =	vadd.f32 v61, v44;
	v61 =	vand.u32 v56, v11  }
0x2dc: {  	v54 =	vadd.f32 v56, v54;
	v56 =	vld [tilespmem:s10+$0xA8C0];
	v62 =	vand.u32 v63, v8;
	v51 =	vadd.f32 $0.0e+00, v63  }
0x2dd: {  	v44 =	vadd.f32 v57, v44;
	v63 =	vand.u32 v46, v10;
	v57 =	vld [tilespmem:s10+$0xA7C0];
	v46 =	vadd.f32 v46, v55  }
0x2de: {  	v55 =	vld [tilespmem:s10+$0xA840];
	v53 =	vadd.f32 v62, v53;
	v62 =	vand.u32 v58, v12;
	v3 =	vadd.f32 v59, v3  }
0x2df: {  	v44 =	vadd.f32 v61, v44;
	v51 =	vadd.f32 v58, v51;
	v58 =	vld [tilespmem:s10+$0xA940];
	v61 =	vand.u32 v60, v14  }
0x2e0: {  	v46 =	vadd.f32 v60, v46;
	v60 =	vld [tilespmem:s10+$0xAA40];
	v52 =	vadd.f32 v63, v53;
	v63 =	vand.u32 v59, v13  }
0x2e1: {  	v50 =	vsub.f32 $0.0e+00, v47;
	v44 =	vadd.f32 v63, v44  }
0x2e2: {  	v59 =	vld [tilespmem:s10+$0xA9C0];
	v3 =	vadd.f32 v56, v3;
	v52 =	vadd.f32 v62, v52  }
0x2e3: {  	v53 =	vand.u32 v57, v15;
	v54 =	vadd.f32 v57, v54;
	v57 =	vld [tilespmem:s10+$0xC6C0];
	v51 =	vadd.f32 v55, v51  }
0x2e4: {  	v62 =	vand.u32 v55, v16;
	v55 =	vld [tilespmem:s10+$0xC740];
	v44 =	vadd.f32 v53, v44;
	v52 =	vadd.f32 v61, v52  }
0x2e5: {  	v63 =	vand.u32 v56, v17;
	v56 =	vld [tilespmem:s10+$0xC7C0];
	v46 =	vadd.f32 v58, v46;
	v51 =	vadd.f32 v60, v51  }
0x2e6: {  	v61 =	vand.u32 v58, v18;
	v58 =	vld [tilespmem:s10+$0xC840];
	v44 =	vadd.f32 v63, v44;
	v52 =	vadd.f32 v62, v52  }
0x2e7: {  	v54 =	vadd.f32 v59, v54;
	v63 =	vand.u32 v60, v20;
	v60 =	vld [tilespmem:s10+$0xC940];
	v62 =	vand.u32 v59, v19  }
0x2e8: {  	v59 =	vld [tilespmem:s10+$0xC8C0];
	v44 =	vadd.f32 v62, v44;
	v52 =	vadd.f32 v61, v52  }
0x2e9: {  	v53 =	vand.u32 v57, v21;
	v3 =	vadd.f32 v57, v3;
	v57 =	vld [tilespmem:s10+$0xC9C0];
	v46 =	vadd.f32 v55, v46  }
0x2ea: {  	v62 =	vand.u32 v56, v23;
	v54 =	vadd.f32 v56, v54;
	v56 =	vld [tilespmem:s10+$0xE6C0];
	v52 =	vadd.f32 v63, v52  }
0x2eb: {  	v61 =	vand.u32 v55, v22;
	v55 =	vld [tilespmem:s10+$0xCA40];
	v44 =	vadd.f32 v53, v44;
	v51 =	vadd.f32 v58, v51  }
0x2ec: {  	v46 =	vadd.f32 v60, v46;
	v52 =	vadd.f32 v61, v52  }
0x2ed: {  	v63 =	vand.u32 v58, v24;
	v58 =	vld [tilespmem:s10+$0xE740];
	v44 =	vadd.f32 v62, v44;
	v3 =	vadd.f32 v59, v3  }
0x2ee: {  	v62 =	vand.u32 v60, v26;
	v60 =	vld [tilespmem:s10+$0xE840];
	v61 =	vand.u32 v59, v25;
	v52 =	vadd.f32 v63, v52  }
0x2ef: {  	v59 =	vld [tilespmem:s10+$0xE7C0];
	v53 =	vand.u32 v57, v27;
	v54 =	vadd.f32 v57, v54;
	v44 =	vadd.f32 v61, v44  }
0x2f0: {  	v57 =	vld [tilespmem:s10+$0xE8C0];
	v51 =	vadd.f32 v55, v51;
	v61 =	vand.u32 v56, v29;
	v52 =	vadd.f32 v62, v52  }
0x2f1: {  	v3 =	vadd.f32 v56, v3;
	v56 =	vld [tilespmem:s10+$0xE9C0];
	v63 =	vand.u32 v55, v28;
	v44 =	vadd.f32 v53, v44  }
0x2f2: {  	vm1 =	vgt.f32 v42, $0.0e+00;
	v55 =	vld [tilespmem:s10+$0xE940];
	v46 =	vadd.f32 v58, v46;
	v52 =	vadd.f32 v63, v52  }
0x2f3: {  	v62 =	vand.u32 v58, v30;
	v42 =	vadd.f32 v60, v51;
	v44 =	vadd.f32 v61, v44  }
0x2f4: {  	v58 =	vld [tilespmem:s10+$0xEA40];
	v54 =	vadd.f32 v59, v54;
	v52 =	vadd.f32 v62, v52  }
0x2f5: {  	v61 =	vand.u32 v60, v32;
	v3 =	vadd.f32 v57, v3;
	v63 =	vand.u32 v59, v31  }
0x2f6: {  	v57 =	vand.u32 v57, v33;
	v53 =	vadd.f32 v63, v44;
	v62 =	vadd.f32 v61, v52;
	v52 =	vld [tilespmem:s15+$0x186B0]  }
0x2f7: {  	v60 =	vand.u32 v56, v35;
	v63 =	vand.u32 v55, v34;
	v55 =	vadd.f32 v55, v46  }
0x2f8: {  	v44 =	vsel vm1, $0x3F800000, v4;
	v53 =	vadd.f32 v57, v53;
	v51 =	vadd.f32 v63, v62;
	v62 =	vld [tilespmem:s10+$0x86D0]  }
0x2f9: {  	v54 =	vadd.f32 v56, v54;
	v42 =	vadd.f32 v58, v42;
	v61 =	vand.u32 v58, v36;
	v63 =	vld [tilespmem:s10+$0x8750]  }
0x2fa: {  	v46 =	vld [tilespmem:s15+$0x186C0];
	vm1 =	vgt.f32 v45, $0.0e+00;
	v53 =	vadd.f32 v60, v53;
	v51 =	vadd.f32 v61, v51  }
0x2fb: {  	v3 =	vadd.f32 v55, v3;
	v55 =	vld [tilespmem:s10+$0x8850];
	v54 =	vadd.f32 v42, v54;
	v58 =	vxor.u32 v52, v50  }
0x2fc: {  	v45 =	vsel vm1, $0x3F800000, v4;
	v51 =	vadd.f32 v51, v53;
	v53 =	vld [tilespmem:s10+$0x87D0];
	v50 =	vand.u32 v37, v58  }
0x2fd: {  	v48 =	vadd.f32 v47, v52;
	v58 =	vld [tilespmem:s10+$0x8A50];
	v59 =	vxor.u32 v52, v50;
	v50 =	vadd.f32 v54, v3  }
0x2fe: {  	vm1 =	vgt.f32 v43, $0.0e+00;
	v3 =	vld [tilespmem:s10+$0x8950];
	v54 =	vadd.f32 $0.0e+00, v62;
	v56 =	vadd.f32 $0.0e+00, v63  }
0x2ff: {  	v52 =	vld [tilespmem:s10+$0x88D0];
	v61 =	vand.u32 v62, v5;
	v60 =	vsub.f32 $0.0e+00, v51;
	v42 =	vadd.f32 v59, v49  }
0x300: {  	v62 =	vand.u32 v63, v6;
	v43 =	vadd.f32 v51, v46;
	v51 =	vld [tilespmem:s10+$0x89D0];
	v49 =	vadd.f32 $0.0e+00, v61  }
0x301: {  	v57 =	vadd.f32 $0.0e+00, v62;
	v61 =	vld [tilespmem:s10+$0xA750];
	v47 =	vxor.u32 v46, v60;
	v59 =	vand.u32 v53, v7  }
0x302: {  	v62 =	vld [tilespmem:s10+$0xA7D0];
	v53 =	vadd.f32 $0.0e+00, v53;
	v49 =	vadd.f32 v59, v49;
	v59 =	vand.u32 v55, v8  }
0x303: {  	v60 =	vld [tilespmem:s10+$0xA6D0];
	v55 =	vadd.f32 $0.0e+00, v55;
	v63 =	vand.u32 v3, v10;
	v3 =	vadd.f32 v3, v56  }
0x304: {  	v56 =	vld [tilespmem:s10+$0xA950];
	v57 =	vadd.f32 v59, v57;
	v59 =	vand.u32 v52, v9;
	v52 =	vadd.f32 v52, v54  }
0x305: {  	v49 =	vadd.f32 v59, v49;
	v59 =	vld [tilespmem:s10+$0xA850];
	v55 =	vadd.f32 v58, v55  }
0x306: {  	v3 =	vadd.f32 v61, v3;
	v54 =	vadd.f32 v63, v57;
	v63 =	vand.u32 v51, v11;
	v57 =	vld [tilespmem:s10+$0xA8D0]  }
0x307: {  	v51 =	vadd.f32 v51, v53;
	v49 =	vadd.f32 v63, v49;
	v63 =	vand.u32 v58, v12;
	v58 =	vld [tilespmem:s10+$0xA9D0]  }
0x308: {  	v52 =	vadd.f32 v60, v52;
	v53 =	vadd.f32 v63, v54;
	v63 =	vand.u32 v60, v13;
	v60 =	vld [tilespmem:s10+$0xAA50]  }
0x309: {  	v54 =	vand.u32 v61, v14;
	v61 =	vld [tilespmem:s10+$0xC6D0];
	v51 =	vadd.f32 v62, v51;
	v49 =	vadd.f32 v63, v49  }
0x30a: {  	v3 =	vadd.f32 v56, v3;
	v53 =	vadd.f32 v54, v53;
	v54 =	vand.u32 v62, v15;
	v62 =	vld [tilespmem:s10+$0xC750]  }
0x30b: {  	v55 =	vadd.f32 v59, v55;
	v49 =	vadd.f32 v54, v49;
	v54 =	vand.u32 v59, v16;
	v59 =	vld [tilespmem:s10+$0xC7D0]  }
0x30c: {  	v63 =	vand.u32 v57, v17;
	v52 =	vadd.f32 v57, v52;
	v57 =	vld [tilespmem:s10+$0xC850];
	v53 =	vadd.f32 v54, v53  }
0x30d: {  	v51 =	vadd.f32 v58, v51;
	v49 =	vadd.f32 v63, v49  }
0x30e: {  	v63 =	vand.u32 v56, v18;
	v56 =	vld [tilespmem:s10+$0xC8D0];
	v55 =	vadd.f32 v60, v55;
	v54 =	vand.u32 v61, v21  }
0x30f: {  	v52 =	vadd.f32 v61, v52;
	v61 =	vld [tilespmem:s10+$0xCA50];
	v53 =	vadd.f32 v63, v53;
	v63 =	vand.u32 v58, v19  }
0x310: {  	v58 =	vld [tilespmem:s10+$0xC950];
	v49 =	vadd.f32 v63, v49;
	v63 =	vand.u32 v60, v20;
	v3 =	vadd.f32 v62, v3  }
0x311: {  	v60 =	vld [tilespmem:s10+$0xC9D0];
	v53 =	vadd.f32 v63, v53;
	v51 =	vadd.f32 v59, v51;
	v63 =	vand.u32 v57, v24  }
0x312: {  	v55 =	vadd.f32 v57, v55;
	v57 =	vld [tilespmem:s10+$0xE7D0];
	v49 =	vadd.f32 v54, v49;
	v54 =	vand.u32 v62, v22  }
0x313: {  	v62 =	vld [tilespmem:s10+$0xE6D0];
	v53 =	vadd.f32 v54, v53;
	v54 =	vand.u32 v59, v23;
	v52 =	vadd.f32 v56, v52  }
0x314: {  	v47 =	vand.u32 v37, v47;
	v59 =	vld [tilespmem:s10+$0xE750];
	v55 =	vadd.f32 v61, v55;
	v49 =	vadd.f32 v54, v49  }
0x315: {  	v54 =	vand.u32 v61, v28;
	v61 =	vld [tilespmem:s10+$0xE9D0];
	v53 =	vadd.f32 v63, v53;
	v63 =	vand.u32 v56, v25  }
0x316: {  	v3 =	vadd.f32 v58, v3;
	v56 =	vld [tilespmem:s10+$0xE850];
	v49 =	vadd.f32 v63, v49;
	v63 =	vand.u32 v58, v26  }
0x317: {  	v51 =	vadd.f32 v60, v51;
	v58 =	vld [tilespmem:s10+$0xE8D0];
	v53 =	vadd.f32 v63, v53;
	v63 =	vand.u32 v60, v27  }
0x318: {  	v46 =	vxor.u32 v46, v47;
	v60 =	vld [tilespmem:s10+$0xE950];
	v52 =	vadd.f32 v62, v52;
	v49 =	vadd.f32 v63, v49  }
0x319: {  	v51 =	vadd.f32 v57, v51;
	v53 =	vadd.f32 v54, v53;
	v54 =	vand.u32 v62, v29;
	v62 =	vld [tilespmem:s10+$0xEA50]  }
0x31a: {  	v3 =	vadd.f32 v59, v3;
	v49 =	vadd.f32 v54, v49;
	v54 =	vand.u32 v59, v30  }
0x31b: {  	v63 =	vand.u32 v57, v31;
	v51 =	vadd.f32 v61, v51;
	v53 =	vadd.f32 v54, v53  }
0x31c: {  	v59 =	vand.u32 v56, v32;
	v55 =	vadd.f32 v56, v55;
	v52 =	vadd.f32 v58, v52  }
0x31d: {  	v56 =	vld [tilespmem:s10+$0x8960];
	v54 =	vadd.f32 v63, v49;
	v63 =	vand.u32 v58, v33;
	v53 =	vadd.f32 v59, v53  }
0x31e: {  	v3 =	vadd.f32 v60, v3;
	v60 =	vand.u32 v60, v34;
	v58 =	vld [tilespmem:s10+$0x86E0];
	v55 =	vadd.f32 v62, v55  }
0x31f: {  	v54 =	vadd.f32 v63, v54;
	v63 =	vand.u32 v61, v35;
	v53 =	vadd.f32 v60, v53;
	v60 =	vld [tilespmem:s10+$0x8760]  }
0x320: {  	v61 =	vand.u32 v62, v36;
	v3 =	vadd.f32 v3, v52;
	v52 =	vld [tilespmem:s10+$0x87E0];
	v51 =	vadd.f32 v55, v51  }
0x321: {  	v47 =	vsel vm1, $0x3F800000, v4;
	v54 =	vadd.f32 v63, v54;
	v55 =	vld [tilespmem:s10+$0x8860];
	v53 =	vadd.f32 v61, v53  }
0x322: {  	vm1 =	vgt.f32 v48, $0.0e+00;
	v46 =	vadd.f32 v46, v50;
	v50 =	vadd.f32 v51, v3;
	v3 =	vld [tilespmem:s10+$0x88E0]  }
0x323: {  	v49 =	vld [tilespmem:s15+$0x186D0];
	v62 =	vand.u32 v58, v5;
	v51 =	vadd.f32 v53, v54;
	v53 =	vadd.f32 $0.0e+00, v58  }
0x324: {  	v59 =	vld [tilespmem:s10+$0x89E0];
	v54 =	vadd.f32 $0.0e+00, v62;
	v58 =	vadd.f32 $0.0e+00, v60;
	v57 =	vand.u32 v60, v6  }
0x325: {  	v61 =	vld [tilespmem:s10+$0x8A60];
	v60 =	vadd.f32 $0.0e+00, v52;
	v52 =	vand.u32 v52, v7;
	v57 =	vadd.f32 $0.0e+00, v57  }
0x326: {  	v62 =	vld [tilespmem:s10+$0xA6E0];
	v52 =	vadd.f32 v52, v54;
	v54 =	vadd.f32 $0.0e+00, v55;
	v55 =	vand.u32 v55, v8  }
0x327: {  	v55 =	vadd.f32 v55, v57;
	v53 =	vadd.f32 v3, v53;
	v3 =	vand.u32 v3, v9;
	v57 =	vld [tilespmem:s10+$0xA760]  }
0x328: {  	v3 =	vadd.f32 v3, v52;
	v52 =	vadd.f32 v56, v58;
	v56 =	vand.u32 v56, v10;
	v58 =	vld [tilespmem:s10+$0xA7E0]  }
0x329: {  	v55 =	vadd.f32 v56, v55;
	v56 =	vadd.f32 v59, v60;
	v59 =	vand.u32 v59, v11;
	v60 =	vld [tilespmem:s10+$0xA860]  }
0x32a: {  	v54 =	vadd.f32 v61, v54;
	v3 =	vadd.f32 v59, v3;
	v59 =	vand.u32 v61, v12;
	v61 =	vld [tilespmem:s10+$0xA8E0]  }
0x32b: {  	v53 =	vadd.f32 v62, v53;
	v55 =	vadd.f32 v59, v55;
	v59 =	vand.u32 v62, v13;
	v62 =	vld [tilespmem:s10+$0xA960]  }
0x32c: {  	v3 =	vadd.f32 v59, v3;
	v52 =	vadd.f32 v57, v52;
	v57 =	vand.u32 v57, v14;
	v59 =	vld [tilespmem:s10+$0xA9E0]  }
0x32d: {  	v55 =	vadd.f32 v57, v55;
	v56 =	vadd.f32 v58, v56;
	v63 =	vand.u32 v58, v15;
	v58 =	vld [tilespmem:s10+$0xAA60]  }
0x32e: {  	v3 =	vadd.f32 v63, v3;
	v54 =	vadd.f32 v60, v54;
	v57 =	vand.u32 v60, v16;
	v60 =	vld [tilespmem:s10+$0xC6E0]  }
0x32f: {  	v55 =	vadd.f32 v57, v55;
	v53 =	vadd.f32 v61, v53;
	v57 =	vand.u32 v61, v17;
	v61 =	vld [tilespmem:s10+$0xC760]  }
0x330: {  	v3 =	vadd.f32 v57, v3;
	v52 =	vadd.f32 v62, v52;
	v57 =	vand.u32 v62, v18;
	v62 =	vld [tilespmem:s10+$0xC7E0]  }
0x331: {  	v55 =	vadd.f32 v57, v55;
	v56 =	vadd.f32 v59, v56;
	v63 =	vand.u32 v59, v19;
	v59 =	vld [tilespmem:s10+$0xC860]  }
0x332: {  	v3 =	vadd.f32 v63, v3;
	v54 =	vadd.f32 v58, v54;
	v63 =	vand.u32 v58, v20;
	v58 =	vld [tilespmem:s10+$0xC8E0]  }
0x333: {  	v55 =	vadd.f32 v63, v55;
	v53 =	vadd.f32 v60, v53;
	v57 =	vand.u32 v60, v21;
	v60 =	vld [tilespmem:s10+$0xC960]  }
0x334: {  	v3 =	vadd.f32 v57, v3;
	v52 =	vadd.f32 v61, v52;
	v57 =	vand.u32 v61, v22;
	v61 =	vld [tilespmem:s10+$0xC9E0]  }
0x335: {  	v55 =	vadd.f32 v57, v55;
	v56 =	vadd.f32 v62, v56;
	v57 =	vand.u32 v62, v23;
	v62 =	vld [tilespmem:s10+$0xCA60]  }
0x336: {  	v3 =	vadd.f32 v57, v3;
	v54 =	vadd.f32 v59, v54;
	v63 =	vand.u32 v59, v24;
	v59 =	vld [tilespmem:s10+$0xE6E0]  }
0x337: {  	v48 =	vadd.f32 v51, v49;
	v55 =	vadd.f32 v63, v55;
	v63 =	vand.u32 v58, v25  }
0x338: {  	v53 =	vadd.f32 v58, v53;
	v58 =	vld [tilespmem:s10+$0xE760];
	v3 =	vadd.f32 v63, v3;
	v57 =	vand.u32 v60, v26  }
0x339: {  	v52 =	vadd.f32 v60, v52;
	v60 =	vld [tilespmem:s10+$0xE7E0];
	v55 =	vadd.f32 v57, v55;
	v57 =	vand.u32 v61, v27  }
0x33a: {  	v56 =	vadd.f32 v61, v56;
	v61 =	vld [tilespmem:s10+$0xE860];
	v3 =	vadd.f32 v57, v3;
	v57 =	vand.u32 v62, v28  }
0x33b: {  	v54 =	vadd.f32 v62, v54;
	v62 =	vld [tilespmem:s10+$0xE8E0];
	v55 =	vadd.f32 v57, v55;
	v63 =	vand.u32 v59, v29  }
0x33c: {  	v53 =	vadd.f32 v59, v53;
	v59 =	vld [tilespmem:s10+$0xE960];
	v3 =	vadd.f32 v63, v3  }
0x33d: {  	v52 =	vadd.f32 v58, v52;
	v57 =	vand.u32 v58, v30;
	v58 =	vld [tilespmem:s10+$0xE9E0];
	v63 =	vsub.f32 $0.0e+00, v51  }
0x33e: {  	v55 =	vadd.f32 v57, v55;
	v57 =	vld [tilespmem:s10+$0xEA60];
	v51 =	vadd.f32 v60, v56;
	v56 =	vand.u32 v60, v31  }
0x33f: {  	v60 =	vxor.u32 v49, v63;
	v3 =	vadd.f32 v56, v3;
	v56 =	vand.u32 v61, v32  }
0x340: {  	v54 =	vadd.f32 v61, v54;
	v60 =	vand.u32 v37, v60;
	v55 =	vadd.f32 v56, v55  }
0x341: {  	v61 =	vld [tilespmem:s10+$0x86F0];
	v53 =	vadd.f32 v62, v53;
	v56 =	vand.u32 v62, v33;
	v52 =	vadd.f32 v59, v52  }
0x342: {  	v62 =	vld [tilespmem:s10+$0x8770];
	v59 =	vand.u32 v59, v34;
	v3 =	vadd.f32 v56, v3;
	v51 =	vadd.f32 v58, v51  }
0x343: {  	v49 =	vxor.u32 v49, v60;
	v56 =	vld [tilespmem:s10+$0x8970];
	v55 =	vadd.f32 v59, v55;
	v54 =	vadd.f32 v57, v54  }
0x344: {  	v63 =	vand.u32 v58, v35;
	v58 =	vld [tilespmem:s10+$0x87F0];
	v49 =	vadd.f32 v49, v50;
	v52 =	vadd.f32 v52, v53  }
0x345: {  	v57 =	vand.u32 v57, v36;
	v53 =	vld [tilespmem:s10+$0x8870];
	v3 =	vadd.f32 v63, v3;
	v51 =	vadd.f32 v54, v51  }
0x346: {  	v60 =	vadd.f32 v57, v55;
	v55 =	vld [tilespmem:s10+$0x88F0];
	v57 =	vadd.f32 $0.0e+00, v61  }
0x347: {  	v63 =	vand.u32 v61, v5;
	v54 =	vld [tilespmem:s10+$0x89F0];
	v61 =	vadd.f32 $0.0e+00, v62;
	v50 =	vadd.f32 v51, v52  }
0x348: {  	v51 =	vadd.f32 v60, v3;
	v3 =	vadd.f32 $0.0e+00, v63;
	v60 =	vand.u32 v62, v6;
	v62 =	vld [tilespmem:s10+$0xA6F0]  }
0x349: {  	[tilespmem:v38+s10+$0x0 ss:$0x1] =	vst.idx.msk $0xffff, v44;
	v59 =	vand.u32 v58, v7;
	v44 =	vadd.f32 $0.0e+00, v58;
	v52 =	vadd.f32 $0.0e+00, v60;
	v60 =	vld [tilespmem:s10+$0x8A70]  }
0x34a: {  	[tilespmem:v38+s10+$0x10 ss:$0x1] =	vst.idx.msk $0xffff, v45;
	v58 =	vld [tilespmem:s10+$0xA7F0];
	v45 =	vadd.f32 $0.0e+00, v53;
	v3 =	vadd.f32 v59, v3;
	v59 =	vand.u32 v53, v8  }
0x34b: {  	v63 =	vand.u32 v55, v9;
	v55 =	vadd.f32 v55, v57;
	v52 =	vadd.f32 v59, v52;
	v59 =	vld [tilespmem:s10+$0xA770]  }
0x34c: {  	v57 =	vld [tilespmem:s10+$0xA870];
	v44 =	vadd.f32 v54, v44;
	v3 =	vadd.f32 v63, v3;
	v63 =	vand.u32 v56, v10  }
0x34d: {  	v56 =	vadd.f32 v56, v61;
	v61 =	vld [tilespmem:s10+$0xA8F0];
	v52 =	vadd.f32 v63, v52;
	v63 =	vand.u32 v54, v11  }
0x34e: {  	v3 =	vadd.f32 v63, v3;
	v53 =	vand.u32 v60, v12;
	v45 =	vadd.f32 v60, v45;
	v60 =	vld [tilespmem:s10+$0xA9F0]  }
0x34f: {  	v55 =	vadd.f32 v62, v55;
	v63 =	vand.u32 v62, v13;
	v62 =	vld [tilespmem:s10+$0xAA70];
	v52 =	vadd.f32 v53, v52  }
0x350: {  	v54 =	vld [tilespmem:s10+$0xA970];
	v44 =	vadd.f32 v58, v44;
	v3 =	vadd.f32 v63, v3;
	v53 =	vand.u32 v59, v14  }
0x351: {  	v56 =	vadd.f32 v59, v56;
	v63 =	vand.u32 v57, v16;
	v59 =	vld [tilespmem:s10+$0xC6F0];
	v52 =	vadd.f32 v53, v52  }
0x352: {  	v45 =	vadd.f32 v57, v45;
	v57 =	vld [tilespmem:s10+$0xC7F0];
	v53 =	vand.u32 v58, v15;
	v55 =	vadd.f32 v61, v55  }
0x353: {  	v58 =	vld [tilespmem:s10+$0xC770];
	v3 =	vadd.f32 v53, v3;
	v52 =	vadd.f32 v63, v52;
	v63 =	vand.u32 v61, v17  }
0x354: {  	v53 =	vand.u32 v60, v19;
	v61 =	vld [tilespmem:s10+$0xC870];
	v44 =	vadd.f32 v60, v44;
	v45 =	vadd.f32 v62, v45  }
0x355: {  	v60 =	vld [tilespmem:s10+$0xC970];
	v3 =	vadd.f32 v63, v3;
	v63 =	vand.u32 v54, v18;
	v54 =	vadd.f32 v54, v56  }
0x356: {  	v56 =	vld [tilespmem:s10+$0xC8F0];
	v52 =	vadd.f32 v63, v52;
	v63 =	vand.u32 v62, v20;
	v55 =	vadd.f32 v59, v55  }
0x357: {  	v62 =	vld [tilespmem:s10+$0xC9F0];
	v44 =	vadd.f32 v57, v44;
	v3 =	vadd.f32 v53, v3;
	v53 =	vand.u32 v59, v21  }
0x358: {  	v59 =	vld [tilespmem:s10+$0xCA70];
	v54 =	vadd.f32 v58, v54;
	v52 =	vadd.f32 v63, v52;
	v63 =	vand.u32 v57, v23  }
0x359: {  	v57 =	vld [tilespmem:s10+$0xE770];
	v3 =	vadd.f32 v53, v3;
	v53 =	vand.u32 v58, v22;
	v45 =	vadd.f32 v61, v45  }
0x35a: {  	v58 =	vld [tilespmem:s10+$0xE6F0];
	v54 =	vadd.f32 v60, v54;
	v52 =	vadd.f32 v53, v52  }
0x35b: {  	v53 =	vand.u32 v60, v26;
	v60 =	vld [tilespmem:s10+$0xE8F0];
	v3 =	vadd.f32 v63, v3;
	v63 =	vand.u32 v61, v24  }
0x35c: {  	v55 =	vadd.f32 v56, v55;
	v61 =	vld [tilespmem:s10+$0xE7F0];
	v52 =	vadd.f32 v63, v52  }
0x35d: {  	v44 =	vadd.f32 v62, v44;
	v63 =	vand.u32 v56, v25;
	v45 =	vadd.f32 v59, v45  }
0x35e: {  	v56 =	vld [tilespmem:s10+$0xE870];
	v3 =	vadd.f32 v63, v3;
	v63 =	vand.u32 v62, v27;
	v52 =	vadd.f32 v53, v52  }
0x35f: {  	v54 =	vadd.f32 v57, v54;
	v53 =	vand.u32 v59, v28;
	v55 =	vadd.f32 v58, v55  }
0x360: {  	v62 =	vld [tilespmem:s10+$0xE970];
	v3 =	vadd.f32 v63, v3;
	v63 =	vand.u32 v57, v30;
	v52 =	vadd.f32 v53, v52  }
0x361: {  	[tilespmem:s15+$0x18680] =	vst v39;
	v59 =	vld [tilespmem:s10+$0xE9F0];
	v53 =	vand.u32 v58, v29;
	v44 =	vadd.f32 v61, v44;
	v39 =	vadd.f32 v60, v55  }
0x362: {  	v58 =	vld [tilespmem:s10+$0xEA70];
	v3 =	vadd.f32 v53, v3;
	v52 =	vadd.f32 v63, v52  }
0x363: {  	v57 =	vand.u32 v56, v32;
	v45 =	vadd.f32 v56, v45;
	v63 =	vand.u32 v61, v31  }
0x364: {  	v3 =	vadd.f32 v63, v3;
	v52 =	vadd.f32 v57, v52  }
0x365: {  	[tilespmem:s15+$0x18690] =	vst v40;
	v56 =	vld [tilespmem:s15+$0x186E0];
	v40 =	vadd.f32 v62, v54;
	v63 =	vand.u32 v60, v33;
	v57 =	vand.u32 v62, v34  }
0x366: {  	v3 =	vadd.f32 v63, v3;
	v52 =	vadd.f32 v57, v52  }
0x367: {  	v61 =	vand.u32 v59, v35;
	v62 =	vsub.f32 $0.0e+00, v51;
	v63 =	vand.u32 v58, v36  }
0x368: {  	[tilespmem:v38+s10+$0x20 ss:$0x1] =	vst.idx.msk $0xffff, v47;
	v60 =	vsel vm1, $0x3F800000, v4;
	v3 =	vadd.f32 v61, v3;
	v57 =	vadd.f32 v63, v52  }
0x369: {  	vm1 =	vgt.f32 v43, $0.0e+00;
	v44 =	vadd.f32 v59, v44;
	[tilespmem:v38+s10+$0x30 ss:$0x1] =	vst.idx.msk $0xffff, v60;
	v39 =	vadd.f32 v40, v39;
	v63 =	vld [tilespmem:s15+$0x186F0]  }
0x36a: {  	[tilespmem:s15+$0x186A0] =	vst v41;
	v51 =	vadd.f32 v51, v56;
	v43 =	vxor.u32 v56, v62;
	v3 =	vadd.f32 v57, v3  }
0x36b: {  	[tilespmem:s15+$0x186B0] =	vst v42;
	v61 =	vsel vm1, $0x3F800000, v4;
	vm1 =	vgt.f32 v48, $0.0e+00;
	v52 =	vadd.f32 v58, v45  }
0x36c: {  	[tilespmem:v38+s10+$0x40 ss:$0x1] =	vst.idx.msk $0xffff, v61;
	v54 =	vsel vm1, $0x3F800000, v4;
	vm1 =	vgt.f32 v51, $0.0e+00;
	v55 =	vsub.f32 $0.0e+00, v3  }
0x36d: {  	v43 =	vand.u32 v37, v43;
	[tilespmem:v38+s10+$0x50 ss:$0x1] =	vst.idx.msk $0xffff, v54;
	v61 =	vsel vm1, $0x3F800000, v4;
	v58 =	vadd.f32 v52, v44  }
0x36e: {  	p0 =	slt.u32 s13, $0x38;
	[tilespmem:s15+$0x186C0] =	vst v46;
	v57 =	vxor.u32 v56, v43;
	v3 =	vadd.f32 v3, v63;
	v60 =	vxor.u32 v63, v55  }
.Ltmp2:
0x36f: {  	[tilespmem:s15+$0x186D0] =	vst v49;
	v59 =	vadd.f32 v57, v50;
	v39 =	vadd.f32 v58, v39;
	v62 =	vand.u32 v37, v60;
	(pc) =	sbr.rel @p0 .LBB2_7-.Ltmp2, $4  }
0x370: {  	[tilespmem:v38+s10+$0x60 ss:$0x1] =	vst.idx.msk $0xffff, v61;
	vm1 =	vgt.f32 v3, $0.0e+00;
	v3 =	vxor.u32 v63, v62  }
0x371: {  	[tilespmem:s15+$0x186E0] =	vst v59;
	v63 =	vsel vm1, $0x3F800000, v4;
	v3 =	vadd.f32 v3, v39  }
0x372: {  	s26 =	sadd.s32 $0x8, s13;
	[tilespmem:v38+s10+$0x70 ss:$0x1] =	vst.idx.msk $0xffff, v63  }
0x373: {  	s13 =	smov.u32 s26;
	[tilespmem:s15+$0x186F0] =	vst v3  }
0x374: {  	p0 =	slt.s32 s31, $0x0;
	s3 =	rddreg [dreg:$0x4]  }
0x375: {  	s3 =	sadd.s32 @!p0 s3, s1  }
0x376: {  	s3 =	sshll.u32 @!p0 s3, $0xA  }
0x377: {  	s3 =	sand.u32 @!p0 $0xFFFFE000, s3  }
0x378: {  	s3 =	sor.u32 @!p0 s6, s3  }
0x379: {  	s4 =	rddreg [dreg:$0x2];
	s3 =	sshrl.u32 @!p0 s3, $0x3  }
0x37a: {  	s3 =	sadd.s32 @!p0 s4, s3;
	s4 =	simm.s32 @!p0 $0x0  }
0x37b: {  	[hbm4b:s3+s4] =	stream.linear.scatter @!p0 [tilespmem:s14], [sflag:$0x4], $0x80, $0x38;
	[tilespmem:$0x1CA80] =	vst v63  }
0x37c: {  	s5 =	sadd.s32 @!p0 $0x400, s14;
	s6 =	sadd.s32 @!p0 $0x80, s3  }
0x37d: {  	[hbm4b:s6+s4] =	stream.linear.scatter @!p0 [tilespmem:s5], [sflag:$0x4], $0x80, $0x38;
	[tilespmem:$0x1CA80] =	vst v63  }
0x37e: {  	s5 =	sadd.s32 @!p0 $0x800, s14;
	s6 =	sadd.s32 @!p0 $0x100, s3  }
0x37f: {  	[hbm4b:s6+s4] =	stream.linear.scatter @!p0 [tilespmem:s5], [sflag:$0x4], $0x80, $0x38;
	[tilespmem:$0x1CA80] =	vst v63  }
0x380: {  	s5 =	sadd.s32 @!p0 $0xC00, s14;
	s6 =	sadd.s32 @!p0 $0x180, s3  }
0x381: {  	[hbm4b:s6+s4] =	stream.linear.scatter @!p0 [tilespmem:s5], [sflag:$0x4], $0x80, $0x38;
	[tilespmem:$0x1CA80] =	vst v63  }
0x382: {  	s5 =	sadd.s32 @!p0 $0x1000, s14;
	s6 =	sadd.s32 @!p0 $0x200, s3  }
0x383: {  	[hbm4b:s6+s4] =	stream.linear.scatter @!p0 [tilespmem:s5], [sflag:$0x4], $0x80, $0x38;
	[tilespmem:$0x1CA80] =	vst v63  }
0x384: {  	s5 =	sadd.s32 @!p0 $0x1400, s14;
	s6 =	sadd.s32 @!p0 $0x280, s3  }
0x385: {  	[hbm4b:s6+s4] =	stream.linear.scatter @!p0 [tilespmem:s5], [sflag:$0x4], $0x80, $0x38;
	[tilespmem:$0x1CA80] =	vst v63  }
0x386: {  	s5 =	sadd.s32 @!p0 $0x1800, s14;
	s6 =	sadd.s32 @!p0 $0x300, s3  }
0x387: {  	[hbm4b:s6+s4] =	stream.linear.scatter @!p0 [tilespmem:s5], [sflag:$0x4], $0x80, $0x38;
	[tilespmem:$0x1CA80] =	vst v63  }
0x388: {  	s3 =	sadd.s32 @!p0 $0x380, s3;
	s5 =	sadd.s32 @!p0 $0x1C00, s14  }
0x389: {  	[hbm4b:s3+s4] =	stream.linear.scatter @!p0 [tilespmem:s5], [sflag:$0x4], $0x80, $0x38;
	[tilespmem:$0x1CA80] =	vst v63  }
0x38a: {  	v3 =	vld [tilespmem:s30+$0x80];
	_ =	sdelay $0x4  }
0x38b: {  	v5 =	vshll.u32 v3, $0x3  }
0x38c: {  	v3 =	vand.u32 $0x7, v3;
	v5 =	vand.u32 $0xFFFFFFC0, v5  }
0x38d: {  	v3 =	vor.u32 v3, v5  }
0x38e: {  	v5 =	vperm.xlane v3, v0;
	_ =	sdelay $0x1  }
0x38f: {  	v5 =	vadd.s32 v1, v5;
	_ =	sdelay $0x3  }
0x390: {  	s13 =	simm.s32 $0x0;
	s23 =	simm.s32 $0x8680;
	s2 =	rddreg [dreg:$0x1]  }
0x391: {  	[tilespmem:s23], [sflag:$0x2] =	stream.indirect_vreg.gather [hbm4b:s2+s13], $0x80, v5, vm0, $0xb8;
	[tilespmem:$0x1CA80] =	vst v63  }
0x392: {  	s24 =	simm.s32 $0x8E80;
	v3 =	vperm.xlane v3, v2  }
0x393: {  	[tilespmem:s24], [sflag:$0x2] =	stream.indirect_vreg.gather [hbm4b:s7+s13], $0x80, v5, vm0, $0xb8;
	[tilespmem:$0x1CA80] =	vst v63  }
0x394: {  	s25 =	simm.s32 $0x9680;
	v3 =	vadd.s32 v1, v3  }
0x395: {  	[tilespmem:s25], [sflag:$0x2] =	stream.indirect_vreg.gather [hbm4b:s8+s13], $0x80, v5, vm0, $0xb8;
	[tilespmem:$0x1CA80] =	vst v63  }
0x396: {  	s26 =	simm.s32 $0x9E80  }
0x397: {  	[tilespmem:s26], [sflag:$0x2] =	stream.indirect_vreg.gather [hbm4b:s9+s13], $0x80, v5, vm0, $0xb8;
	[tilespmem:$0x1CA80] =	vst v63  }
0x398: {  	s4 =	simm.s32 $0xA680  }
0x399: {  	[tilespmem:s4], [sflag:$0x2] =	stream.indirect_vreg.gather [hbm4b:s2+s13], $0x80, v3, vm0, $0xb8;
	[tilespmem:$0x1CA80] =	vst v63  }
0x39a: {  	s5 =	simm.s32 $0xAE80  }
0x39b: {  	[tilespmem:s5], [sflag:$0x2] =	stream.indirect_vreg.gather [hbm4b:s7+s13], $0x80, v3, vm0, $0xb8;
	[tilespmem:$0x1CA80] =	vst v63  }
0x39c: {  	s6 =	simm.s32 $0xB680  }
0x39d: {  	[tilespmem:s6], [sflag:$0x2] =	stream.indirect_vreg.gather [hbm4b:s8+s13], $0x80, v3, vm0, $0xb8;
	[tilespmem:$0x1CA80] =	vst v63  }
0x39e: {  	s10 =	simm.s32 $0xBE80  }
0x39f: {  	[tilespmem:s10], [sflag:$0x2] =	stream.indirect_vreg.gather [hbm4b:s9+s13], $0x80, v3, vm0, $0xb8;
	[tilespmem:$0x1CA80] =	vst v63  }
0x3a0: {  	v3 =	vld [tilespmem:s30+$0x90]  }
0x3a1: {  	s11 =	simm.s32 $0xC680  }
0x3a2: {  	s12 =	simm.s32 $0xCE80;
	s15 =	simm.s32 $0xDE80;
	s18 =	sadd.s32 $0x1, s31  }
0x3a3: {  	s16 =	simm.s32 $0xE680;
	s17 =	simm.s32 $0xEE80;
	s20 =	smul.u32 $0x32, s18  }
0x3a4: {  	s19 =	simm.s32 $0xF680;
	s0 =	sadd.s32 $0xFFFFFFE0, s0;
	s21 =	simm.s32 $0xFE80  }
0x3a5: {  	s14 =	simm.s32 $0xD680;
	s30 =	sadd.s32 s20, s0;
	s0 =	sadd.s32 s1, s18;
	v5 =	vshll.u32 v3, $0x3  }
0x3a6: {  	s22 =	ssub.s32 $0x40, s30;
	s23 =	ssub.s32 $0x20, s30;
	s4 =	ssub.s32 $0x21, s30;
	v3 =	vand.u32 $0x7, v3;
	v5 =	vand.u32 $0xFFFFFFC0, v5  }
0x3a7: {  	s24 =	ssub.s32 $0x22, s30;
	s25 =	ssub.s32 $0x23, s30;
	s10 =	ssub.s32 $0x24, s30;
	v3 =	vor.u32 v3, v5  }
0x3a8: {  	s26 =	ssub.s32 $0x27, s30;
	s18 =	ssub.s32 $0x2B, s30;
	s20 =	ssub.s32 $0x2D, s30;
	v5 =	vperm.xlane v3, v0  }
0x3a9: {  	s1 =	sshra.s32 s22, $0x1F;
	s3 =	sshra.s32 s23, $0x1F;
	s4 =	sshra.s32 s4, $0x1F  }
0x3aa: {  	s5 =	sshra.s32 s24, $0x1F;
	s6 =	sshra.s32 s25, $0x1F;
	s10 =	sshra.s32 s10, $0x1F;
	v5 =	vadd.s32 v1, v5  }
0x3ab: {  	s18 =	sshra.s32 s18, $0x1F;
	s20 =	sshra.s32 s20, $0x1F;
	s22 =	ssub.s32 $0x2F, s30  }
0x3ac: {  	s23 =	ssub.s32 $0x30, s30;
	s24 =	ssub.s32 $0x31, s30;
	s25 =	ssub.s32 $0x32, s30  }
0x3ad: {  	s22 =	sshra.s32 s22, $0x1F;
	s23 =	sshra.s32 s23, $0x1F;
	s24 =	sshra.s32 s24, $0x1F  }
0x3ae: {  	v8 =	vmov s6;
	s6 =	ssub.s32 $0x35, s30;
	v16 =	vmov s18;
	v18 =	vmov s20;
	s18 =	ssub.s32 $0x3D, s30;
	s20 =	sshll.u32 s0, $0xA  }
0x3af: {  	[tilespmem:s11], [sflag:$0x2] =	stream.indirect_vreg.gather [hbm4b:s2+s13], $0x80, v5, vm0, $0xb8;
	[tilespmem:$0x1CA80] =	vst v63  }
0x3b0: {  	v7 =	vmov s5;
	s5 =	sshra.s32 s6, $0x1F;
	v20 =	vmov s22;
	s22 =	ssub.s32 $0x3B, s30;
	v22 =	vmov s24;
	s24 =	ssub.s32 $0x3F, s30  }
0x3b1: {  	[tilespmem:s12], [sflag:$0x2] =	stream.indirect_vreg.gather [hbm4b:s7+s13], $0x80, v5, vm0, $0xb8;
	[tilespmem:$0x1CA80] =	vst v63  }
0x3b2: {  	v26 =	vmov s5;
	s5 =	sand.u32 $0x2000, s20;
	v3 =	vperm.xlane v3, v2;
	s11 =	ssub.s32 $0x25, s30;
	s12 =	ssub.s32 $0x26, s30  }
0x3b3: {  	[tilespmem:s14], [sflag:$0x2] =	stream.indirect_vreg.gather [hbm4b:s8+s13], $0x80, v5, vm0, $0xb8;
	[tilespmem:$0x1CA80] =	vst v63  }
0x3b4: {  	v3 =	vadd.s32 v1, v3;
	s11 =	sshra.s32 s11, $0x1F;
	s12 =	sshra.s32 s12, $0x1F;
	s14 =	sshra.s32 s26, $0x1F  }
0x3b5: {  	[tilespmem:s15], [sflag:$0x2] =	stream.indirect_vreg.gather [hbm4b:s9+s13], $0x80, v5, vm0, $0xb8;
	[tilespmem:$0x1CA80] =	vst v63  }
0x3b6: {  	s26 =	ssub.s32 $0x33, s30;
	v11 =	vmov s12;
	s12 =	ssub.s32 $0x37, s30;
	s15 =	ssub.s32 $0x28, s30  }
0x3b7: {  	v5 =	vmov s3;
	s3 =	sshra.s32 s25, $0x1F;
	s25 =	sshra.s32 s26, $0x1F;
	s26 =	ssub.s32 $0x34, s30  }
0x3b8: {  	v6 =	vmov s4;
	v9 =	vmov s10;
	s10 =	sshra.s32 s12, $0x1F;
	s15 =	sshra.s32 s15, $0x1F;
	s4 =	sshra.s32 s26, $0x1F  }
0x3b9: {  	[tilespmem:s16], [sflag:$0x2] =	stream.indirect_vreg.gather [hbm4b:s2+s13], $0x80, v3, vm0, $0xb8;
	[tilespmem:$0x1CA80] =	vst v63  }
0x3ba: {  	s26 =	ssub.s32 $0x36, s30;
	v24 =	vmov s25;
	s25 =	sshra.s32 s24, $0x1F;
	s16 =	ssub.s32 $0x29, s30  }
0x3bb: {  	s6 =	sshra.s32 s26, $0x1F;
	v13 =	vmov s15;
	s15 =	ssub.s32 $0x38, s30;
	s26 =	ssub.s32 $0x3C, s30  }
0x3bc: {  	[tilespmem:s17], [sflag:$0x2] =	stream.indirect_vreg.gather [hbm4b:s7+s13], $0x80, v3, vm0, $0xb8;
	[tilespmem:$0x1CA80] =	vst v63  }
0x3bd: {  	v10 =	vmov s11;
	s16 =	sshra.s32 s16, $0x1F;
	s11 =	sshra.s32 s15, $0x1F;
	s15 =	sshra.s32 s22, $0x1F  }
0x3be: {  	[tilespmem:s19], [sflag:$0x2] =	stream.indirect_vreg.gather [hbm4b:s8+s13], $0x80, v3, vm0, $0xb8;
	[tilespmem:$0x1CA80] =	vst v63  }
0x3bf: {  	s22 =	ssub.s32 $0x3E, s30;
	s17 =	ssub.s32 $0x2A, s30;
	v14 =	vmov s16;
	s16 =	ssub.s32 $0x39, s30  }
0x3c0: {  	[tilespmem:s21], [sflag:$0x2] =	stream.indirect_vreg.gather [hbm4b:s9+s13], $0x80, v3, vm0, $0xb8;
	[tilespmem:$0x1CA80] =	vst v63  }
0x3c1: {  	v21 =	vmov s23;
	s23 =	sshra.s32 s22, $0x1F;
	s17 =	sshra.s32 s17, $0x1F;
	s21 =	ssub.s32 $0x2E, s30  }
0x3c2: {  	v12 =	vmov s14;
	v28 =	vmov s10;
	v23 =	vmov s3;
	s12 =	sshra.s32 s16, $0x1F;
	s19 =	ssub.s32 $0x2C, s30;
	s21 =	sshra.s32 s21, $0x1F  }
0x3c3: {  	v25 =	vmov s4;
	v15 =	vmov s17;
	s17 =	sshra.s32 s26, $0x1F;
	s19 =	sshra.s32 s19, $0x1F;
	v19 =	vmov s21;
	s21 =	sshll.u32 s0, $0x7  }
0x3c4: {  	v36 =	vmov s25;
	v27 =	vmov s6;
	s26 =	sxor.u32 $0xFFFFFFFF, s1;
	v17 =	vmov s19;
	s19 =	ssub.s32 $0x3A, s30;
	s6 =	sand.u32 $0x380, s21  }
0x3c5: {  	v29 =	vmov s11;
	v32 =	vmov s15;
	v35 =	vmov s23;
	_ =	swait.ge [sflag:s28], $0x8000;
	s14 =	sshra.s32 s19, $0x1F;
	s5 =	sor.u32 s6, s5  }
0x3c6: {  	v30 =	vmov s12;
	v33 =	vmov s17;
	v37 =	vmov s26;
	s19 =	sshra.s32 s18, $0x1F;
	[sflag:s28] =	ssyncset.done $0x0;
	s31 =	sadd.s32 $0x18A80, s5  }
0x3c7: {  	v31 =	vmov s14;
	v34 =	vmov s19;
	[sflag:s28] =	ssyncadd.s32 $0xFFFF8000;
	v38 =	vmov s31  }
.LBB2_9:
0x3c8: {  	s10 =	sshll.u32 s13, $0x7  }
0x3c9: {  	v3 =	vld [tilespmem:s10+$0x10680]  }
0x3ca: {  	v39 =	vld [tilespmem:s10+$0x10700]  }
0x3cb: {  	v40 =	vld [tilespmem:s10+$0x10780]  }
0x3cc: {  	v41 =	vld [tilespmem:s10+$0x10800]  }
0x3cd: {  	v42 =	vld [tilespmem:s10+$0x10880]  }
0x3ce: {  	v48 =	vld [tilespmem:s10+$0x10A00]  }
0x3cf: {  	v44 =	vld [tilespmem:s10+$0x10900]  }
0x3d0: {  	v46 =	vld [tilespmem:s10+$0x10980];
	v43 =	vadd.f32 $0.0e+00, v3;
	v3 =	vand.u32 v3, v5;
	v45 =	vadd.f32 $0.0e+00, v39  }
0x3d1: {  	v49 =	vld [tilespmem:s10+$0x12680];
	v39 =	vand.u32 v39, v6;
	v47 =	vadd.f32 $0.0e+00, v40;
	v55 =	vadd.f32 $0.0e+00, v41  }
0x3d2: {  	v40 =	vand.u32 v40, v7;
	v3 =	vadd.f32 $0.0e+00, v3;
	v39 =	vadd.f32 $0.0e+00, v39  }
0x3d3: {  	v57 =	vld [tilespmem:s10+$0x12700];
	v41 =	vand.u32 v41, v8;
	v62 =	vand.u32 v48, v12;
	v56 =	vadd.f32 v42, v43  }
0x3d4: {  	v59 =	vld [tilespmem:s10+$0x12780];
	v42 =	vand.u32 v42, v9;
	v3 =	vadd.f32 v40, v3;
	v39 =	vadd.f32 v41, v39  }
0x3d5: {  	v61 =	vld [tilespmem:s10+$0x12800];
	v58 =	vadd.f32 v44, v45;
	v44 =	vand.u32 v44, v10;
	v60 =	vadd.f32 v46, v47  }
0x3d6: {  	v63 =	vld [tilespmem:s10+$0x12880];
	v52 =	vand.u32 v49, v13;
	v3 =	vadd.f32 v42, v3;
	v39 =	vadd.f32 v44, v39  }
0x3d7: {  	v53 =	vld [tilespmem:s10+$0x12900];
	v46 =	vand.u32 v46, v11;
	v40 =	vadd.f32 v48, v55;
	v41 =	vadd.f32 v49, v56  }
0x3d8: {  	v54 =	vld [tilespmem:s10+$0x12980];
	v43 =	vand.u32 v57, v14;
	v3 =	vadd.f32 v46, v3;
	v39 =	vadd.f32 v62, v39  }
0x3d9: {  	v55 =	vadd.f32 v59, v60;
	v56 =	vand.u32 v59, v15;
	v59 =	vld [tilespmem:s10+$0x14680];
	v42 =	vadd.f32 v57, v58  }
0x3da: {  	v57 =	vld [tilespmem:s10+$0x12A00];
	v3 =	vadd.f32 v52, v3;
	v39 =	vadd.f32 v43, v39  }
0x3db: {  	v40 =	vadd.f32 v61, v40;
	v58 =	vand.u32 v61, v16;
	v61 =	vld [tilespmem:s10+$0x14700];
	v41 =	vadd.f32 v63, v41  }
0x3dc: {  	v60 =	vand.u32 v63, v17;
	v63 =	vld [tilespmem:s10+$0x14780];
	v3 =	vadd.f32 v56, v3;
	v39 =	vadd.f32 v58, v39  }
0x3dd: {  	v42 =	vadd.f32 v53, v42;
	v62 =	vand.u32 v53, v18;
	v53 =	vld [tilespmem:s10+$0x14800];
	v43 =	vadd.f32 v54, v55  }
0x3de: {  	v52 =	vand.u32 v54, v19;
	v55 =	vld [tilespmem:s10+$0x14880];
	v3 =	vadd.f32 v60, v3;
	v39 =	vadd.f32 v62, v39  }
0x3df: {  	v41 =	vadd.f32 v59, v41;
	v40 =	vadd.f32 v57, v40;
	v54 =	vand.u32 v57, v20;
	v57 =	vld [tilespmem:s10+$0x14900]  }
0x3e0: {  	v56 =	vand.u32 v59, v21;
	v59 =	vld [tilespmem:s10+$0x14980];
	v3 =	vadd.f32 v52, v3;
	v39 =	vadd.f32 v54, v39  }
0x3e1: {  	v42 =	vadd.f32 v61, v42;
	v58 =	vand.u32 v61, v22;
	v43 =	vadd.f32 v63, v43;
	v61 =	vld [tilespmem:s10+$0x14A00]  }
0x3e2: {  	v60 =	vand.u32 v63, v23;
	v63 =	vld [tilespmem:s10+$0x16680];
	v3 =	vadd.f32 v56, v3;
	v39 =	vadd.f32 v58, v39  }
0x3e3: {  	v40 =	vadd.f32 v53, v40;
	v62 =	vand.u32 v53, v24;
	v41 =	vadd.f32 v55, v41;
	v52 =	vld [tilespmem:s10+$0x16700]  }
0x3e4: {  	v51 =	vand.u32 v55, v25;
	v54 =	vld [tilespmem:s10+$0x16780];
	v3 =	vadd.f32 v60, v3;
	v39 =	vadd.f32 v62, v39  }
0x3e5: {  	v42 =	vadd.f32 v57, v42;
	v53 =	vand.u32 v57, v26;
	v43 =	vadd.f32 v59, v43;
	v56 =	vld [tilespmem:s10+$0x16800]  }
0x3e6: {  	v55 =	vand.u32 v59, v27;
	v58 =	vld [tilespmem:s10+$0x16880];
	v3 =	vadd.f32 v51, v3;
	v39 =	vadd.f32 v53, v39  }
0x3e7: {  	v40 =	vadd.f32 v61, v40;
	v57 =	vand.u32 v61, v28;
	v41 =	vadd.f32 v63, v41;
	v60 =	vld [tilespmem:s10+$0x16900]  }
0x3e8: {  	v59 =	vand.u32 v63, v29;
	v62 =	vld [tilespmem:s10+$0x16980];
	v3 =	vadd.f32 v55, v3;
	v39 =	vadd.f32 v57, v39  }
0x3e9: {  	v50 =	vld [tilespmem:s10+$0x16A00];
	v42 =	vadd.f32 v52, v42;
	v61 =	vand.u32 v52, v30;
	v43 =	vadd.f32 v54, v43  }
0x3ea: {  	v63 =	vand.u32 v54, v31;
	v3 =	vadd.f32 v59, v3;
	v39 =	vadd.f32 v61, v39  }
0x3eb: {  	v40 =	vadd.f32 v56, v40;
	v51 =	vand.u32 v56, v32;
	v41 =	vadd.f32 v58, v41  }
0x3ec: {  	v52 =	vand.u32 v58, v33;
	v56 =	vld [tilespmem:s10+$0x10690];
	v3 =	vadd.f32 v63, v3;
	v39 =	vadd.f32 v51, v39  }
0x3ed: {  	v57 =	vld [tilespmem:s10+$0x10710];
	v42 =	vadd.f32 v60, v42;
	v53 =	vand.u32 v60, v34;
	v43 =	vadd.f32 v62, v43  }
0x3ee: {  	v55 =	vand.u32 v50, v36;
	v59 =	vld [tilespmem:s10+$0x10790];
	v3 =	vadd.f32 v52, v3;
	v39 =	vadd.f32 v53, v39  }
0x3ef: {  	v54 =	vand.u32 v62, v35;
	v40 =	vadd.f32 v50, v40;
	v60 =	vld [tilespmem:s10+$0x10890];
	v41 =	vadd.f32 v42, v41  }
0x3f0: {  	v62 =	vld [tilespmem:s10+$0x10910];
	v3 =	vadd.f32 v54, v3;
	v39 =	vadd.f32 v55, v39  }
0x3f1: {  	v58 =	vadd.f32 v40, v43;
	v61 =	vadd.f32 $0.0e+00, v56;
	v46 =	vand.u32 v56, v5;
	v56 =	vld [tilespmem:s10+$0x10990]  }
0x3f2: {  	v46 =	vadd.f32 $0.0e+00, v46;
	v40 =	vadd.f32 v39, v3;
	v3 =	vld [tilespmem:s10+$0x10810]  }
0x3f3: {  	v63 =	vadd.f32 $0.0e+00, v57;
	v50 =	vadd.f32 $0.0e+00, v59;
	v43 =	vand.u32 v59, v7;
	v59 =	vld [tilespmem:s10+$0x12710]  }
0x3f4: {  	v44 =	vand.u32 v57, v6;
	v39 =	vadd.f32 v58, v41;
	v58 =	vadd.f32 v60, v61;
	v61 =	vld [tilespmem:s10+$0x12790]  }
0x3f5: {  	v51 =	vld [tilespmem:s10+$0x10A10];
	v44 =	vadd.f32 $0.0e+00, v44;
	v47 =	vand.u32 v62, v10;
	v43 =	vadd.f32 v43, v46  }
0x3f6: {  	v41 =	vand.u32 v60, v9;
	v60 =	vadd.f32 v62, v63;
	v62 =	vadd.f32 v56, v50  }
0x3f7: {  	v52 =	vld [tilespmem:s10+$0x12690];
	v41 =	vadd.f32 v41, v43;
	v57 =	vadd.f32 $0.0e+00, v3;
	v3 =	vand.u32 v3, v8  }
0x3f8: {  	v49 =	vand.u32 v56, v11;
	v63 =	vld [tilespmem:s10+$0x12810];
	v43 =	vadd.f32 v59, v60;
	v3 =	vadd.f32 v3, v44  }
0x3f9: {  	v45 =	vand.u32 v59, v14;
	v59 =	vadd.f32 v61, v62;
	v60 =	vand.u32 v61, v15;
	v61 =	vld [tilespmem:s10+$0x12A10]  }
0x3fa: {  	v55 =	vand.u32 v51, v12;
	v46 =	vadd.f32 v51, v57;
	v51 =	vld [tilespmem:s10+$0x12890];
	v3 =	vadd.f32 v47, v3  }
0x3fb: {  	v41 =	vadd.f32 v49, v41;
	v57 =	vld [tilespmem:s10+$0x12910]  }
0x3fc: {  	v56 =	vand.u32 v52, v13;
	v44 =	vadd.f32 v52, v58;
	v58 =	vld [tilespmem:s10+$0x12990];
	v3 =	vadd.f32 v55, v3  }
0x3fd: {  	v41 =	vadd.f32 v56, v41  }
0x3fe: {  	v62 =	vand.u32 v63, v16;
	v46 =	vadd.f32 v63, v46;
	v63 =	vld [tilespmem:s10+$0x14690];
	v3 =	vadd.f32 v45, v3  }
0x3ff: {  	v41 =	vadd.f32 v60, v41;
	v44 =	vadd.f32 v51, v44;
	v55 =	vand.u32 v51, v17;
	v51 =	vld [tilespmem:s10+$0x14710]  }
0x400: {  	v43 =	vadd.f32 v57, v43;
	v56 =	vand.u32 v57, v18;
	v57 =	vld [tilespmem:s10+$0x14790];
	v3 =	vadd.f32 v62, v3  }
0x401: {  	v60 =	vand.u32 v61, v20;
	v45 =	vadd.f32 v58, v59;
	v59 =	vld [tilespmem:s10+$0x14810];
	v41 =	vadd.f32 v55, v41  }
0x402: {  	v46 =	vadd.f32 v61, v46;
	v61 =	vld [tilespmem:s10+$0x14890];
	v58 =	vand.u32 v58, v19;
	v3 =	vadd.f32 v56, v3  }
0x403: {  	v44 =	vadd.f32 v63, v44;
	v62 =	vand.u32 v63, v21;
	v63 =	vld [tilespmem:s10+$0x14910];
	v41 =	vadd.f32 v58, v41  }
0x404: {  	v43 =	vadd.f32 v51, v43;
	v55 =	vand.u32 v51, v22;
	v51 =	vld [tilespmem:s10+$0x14990];
	v3 =	vadd.f32 v60, v3  }
0x405: {  	v41 =	vadd.f32 v62, v41;
	v45 =	vadd.f32 v57, v45;
	v56 =	vand.u32 v57, v23;
	v57 =	vld [tilespmem:s10+$0x14A10]  }
0x406: {  	v46 =	vadd.f32 v59, v46;
	v58 =	vand.u32 v59, v24;
	v59 =	vld [tilespmem:s10+$0x16690];
	v3 =	vadd.f32 v55, v3  }
0x407: {  	v44 =	vadd.f32 v61, v44;
	v60 =	vand.u32 v61, v25;
	v61 =	vld [tilespmem:s10+$0x16710];
	v41 =	vadd.f32 v56, v41  }
0x408: {  	v43 =	vadd.f32 v63, v43;
	v62 =	vand.u32 v63, v26;
	v63 =	vld [tilespmem:s10+$0x16790];
	v3 =	vadd.f32 v58, v3  }
0x409: {  	v41 =	vadd.f32 v60, v41;
	v45 =	vadd.f32 v51, v45;
	v55 =	vand.u32 v51, v27;
	v51 =	vld [tilespmem:s10+$0x16810]  }
0x40a: {  	v46 =	vadd.f32 v57, v46;
	v56 =	vand.u32 v57, v28;
	v57 =	vld [tilespmem:s10+$0x16890];
	v3 =	vadd.f32 v62, v3  }
0x40b: {  	v44 =	vadd.f32 v59, v44;
	v58 =	vand.u32 v59, v29;
	v59 =	vld [tilespmem:s10+$0x16910];
	v41 =	vadd.f32 v55, v41  }
0x40c: {  	v43 =	vadd.f32 v61, v43;
	v60 =	vand.u32 v61, v30;
	v61 =	vld [tilespmem:s10+$0x16990];
	v3 =	vadd.f32 v56, v3  }
0x40d: {  	s3 =	sshll.u32 s13, $0x4;
	v42 =	vsub.f32 $0.0e+00, v40;
	v41 =	vadd.f32 v58, v41  }
0x40e: {  	s14 =	sand.u32 $0x3FFFFFF0, s3;
	v45 =	vadd.f32 v63, v45;
	v62 =	vand.u32 v63, v31;
	v63 =	vld [tilespmem:s10+$0x16A10];
	v3 =	vadd.f32 v60, v3  }
0x40f: {  	v53 =	vld [tilespmem:s14+$0x18680];
	v41 =	vadd.f32 v62, v41;
	v46 =	vadd.f32 v51, v46;
	v55 =	vand.u32 v51, v32  }
0x410: {  	v44 =	vadd.f32 v57, v44;
	v56 =	vand.u32 v57, v33;
	v3 =	vadd.f32 v55, v3  }
0x411: {  	v43 =	vadd.f32 v59, v43;
	v57 =	vand.u32 v59, v34;
	v45 =	vadd.f32 v61, v45  }
0x412: {  	v54 =	vld [tilespmem:s10+$0x126A0];
	v41 =	vadd.f32 v56, v41;
	v3 =	vadd.f32 v57, v3  }
0x413: {  	v58 =	vand.u32 v61, v35;
	v60 =	vld [tilespmem:s10+$0x106A0];
	v46 =	vadd.f32 v63, v46;
	v59 =	vand.u32 v63, v36  }
0x414: {  	v42 =	vxor.u32 v53, v42;
	v61 =	vld [tilespmem:s10+$0x10720];
	v41 =	vadd.f32 v58, v41;
	v3 =	vadd.f32 v59, v3  }
0x415: {  	v62 =	vand.u32 v37, v42;
	v44 =	vadd.f32 v43, v44;
	v63 =	vld [tilespmem:s10+$0x107A0]  }
0x416: {  	v56 =	vxor.u32 v53, v62;
	v45 =	vadd.f32 v46, v45;
	v43 =	vadd.f32 v3, v41;
	v3 =	vld [tilespmem:s10+$0x10820]  }
0x417: {  	v42 =	vadd.f32 v40, v53;
	v39 =	vadd.f32 v56, v39;
	v41 =	vld [tilespmem:s10+$0x108A0]  }
0x418: {  	v58 =	vld [tilespmem:s10+$0x10920];
	v40 =	vadd.f32 v45, v44;
	v45 =	vadd.f32 $0.0e+00, v60;
	v57 =	vand.u32 v60, v5  }
0x419: {  	v47 =	vand.u32 v61, v6;
	v60 =	vld [tilespmem:s10+$0x109A0];
	v48 =	vadd.f32 $0.0e+00, v57;
	v59 =	vadd.f32 $0.0e+00, v61  }
0x41a: {  	v62 =	vld [tilespmem:s10+$0x10A20];
	v47 =	vadd.f32 $0.0e+00, v47;
	v61 =	vadd.f32 $0.0e+00, v63;
	v46 =	vand.u32 v63, v7  }
0x41b: {  	v52 =	vld [tilespmem:s10+$0x146A0];
	v46 =	vadd.f32 v46, v48;
	v63 =	vadd.f32 $0.0e+00, v3;
	v3 =	vand.u32 v3, v8  }
0x41c: {  	v45 =	vadd.f32 v41, v45;
	v41 =	vand.u32 v41, v9;
	v3 =	vadd.f32 v3, v47;
	v47 =	vld [tilespmem:s10+$0x12720]  }
0x41d: {  	v49 =	vand.u32 v58, v10;
	v41 =	vadd.f32 v41, v46;
	v46 =	vadd.f32 v58, v59;
	v59 =	vld [tilespmem:s10+$0x12820]  }
0x41e: {  	v44 =	vsub.f32 $0.0e+00, v43;
	v51 =	vand.u32 v60, v11;
	v58 =	vadd.f32 v60, v61;
	v61 =	vld [tilespmem:s10+$0x128A0]  }
0x41f: {  	v57 =	vld [tilespmem:s10+$0x127A0];
	v60 =	vand.u32 v62, v12;
	v3 =	vadd.f32 v49, v3;
	v41 =	vadd.f32 v51, v41  }
0x420: {  	v48 =	vadd.f32 v62, v63;
	v45 =	vadd.f32 v54, v45;
	v62 =	vand.u32 v54, v13;
	v63 =	vld [tilespmem:s10+$0x12920]  }
0x421: {  	v55 =	vld [tilespmem:s14+$0x18690];
	v3 =	vadd.f32 v60, v3;
	v41 =	vadd.f32 v62, v41  }
0x422: {  	v51 =	vld [tilespmem:s10+$0x129A0];
	v46 =	vadd.f32 v47, v46;
	v47 =	vand.u32 v47, v14;
	v48 =	vadd.f32 v59, v48  }
0x423: {  	v59 =	vand.u32 v59, v16;
	v45 =	vadd.f32 v61, v45;
	v60 =	vand.u32 v61, v17;
	v61 =	vld [tilespmem:s10+$0x14720]  }
0x424: {  	v3 =	vadd.f32 v47, v3;
	v47 =	vadd.f32 v57, v58;
	v57 =	vand.u32 v57, v15;
	v58 =	vld [tilespmem:s10+$0x12A20]  }
0x425: {  	v62 =	vand.u32 v63, v18;
	v41 =	vadd.f32 v57, v41;
	v46 =	vadd.f32 v63, v46;
	v63 =	vld [tilespmem:s10+$0x147A0]  }
0x426: {  	v44 =	vxor.u32 v55, v44;
	v57 =	vld [tilespmem:s10+$0x14820];
	v45 =	vadd.f32 v52, v45;
	v3 =	vadd.f32 v59, v3  }
0x427: {  	v56 =	vand.u32 v51, v19;
	v47 =	vadd.f32 v51, v47;
	v59 =	vld [tilespmem:s10+$0x148A0];
	v41 =	vadd.f32 v60, v41  }
0x428: {  	v60 =	vand.u32 v52, v21;
	v52 =	vld [tilespmem:s10+$0x14920];
	v3 =	vadd.f32 v62, v3;
	v46 =	vadd.f32 v61, v46  }
0x429: {  	v53 =	vld [tilespmem:s10+$0x149A0];
	v41 =	vadd.f32 v56, v41;
	v48 =	vadd.f32 v58, v48;
	v58 =	vand.u32 v58, v20  }
0x42a: {  	v3 =	vadd.f32 v58, v3;
	v47 =	vadd.f32 v63, v47;
	v62 =	vand.u32 v63, v23;
	v63 =	vld [tilespmem:s10+$0x14A20]  }
0x42b: {  	v61 =	vand.u32 v61, v22;
	v58 =	vld [tilespmem:s10+$0x166A0];
	v41 =	vadd.f32 v60, v41;
	v48 =	vadd.f32 v57, v48  }
0x42c: {  	v57 =	vand.u32 v57, v24;
	v45 =	vadd.f32 v59, v45;
	v60 =	vld [tilespmem:s10+$0x16720];
	v3 =	vadd.f32 v61, v3  }
0x42d: {  	v46 =	vadd.f32 v52, v46;
	v61 =	vand.u32 v52, v26;
	v52 =	vld [tilespmem:s10+$0x167A0];
	v41 =	vadd.f32 v62, v41  }
0x42e: {  	v59 =	vand.u32 v59, v25;
	v47 =	vadd.f32 v53, v47;
	v62 =	vand.u32 v53, v27;
	v53 =	vld [tilespmem:s10+$0x16820]  }
0x42f: {  	v44 =	vand.u32 v37, v44;
	v3 =	vadd.f32 v57, v3;
	v57 =	vld [tilespmem:s10+$0x168A0];
	v41 =	vadd.f32 v59, v41  }
0x430: {  	v48 =	vadd.f32 v63, v48;
	v63 =	vand.u32 v63, v28;
	v45 =	vadd.f32 v58, v45;
	v59 =	vld [tilespmem:s10+$0x16920]  }
0x431: {  	v58 =	vand.u32 v58, v29;
	v3 =	vadd.f32 v61, v3;
	v46 =	vadd.f32 v60, v46;
	v61 =	vld [tilespmem:s10+$0x169A0]  }
0x432: {  	v60 =	vand.u32 v60, v30;
	v41 =	vadd.f32 v62, v41;
	v47 =	vadd.f32 v52, v47  }
0x433: {  	v62 =	vand.u32 v52, v31;
	v3 =	vadd.f32 v63, v3;
	v63 =	vld [tilespmem:s10+$0x16A20];
	v48 =	vadd.f32 v53, v48  }
0x434: {  	v53 =	vand.u32 v53, v32;
	v41 =	vadd.f32 v58, v41;
	v45 =	vadd.f32 v57, v45  }
0x435: {  	v54 =	vand.u32 v57, v33;
	v58 =	vld [tilespmem:s10+$0x106B0];
	v3 =	vadd.f32 v60, v3;
	v46 =	vadd.f32 v59, v46  }
0x436: {  	v51 =	vld [tilespmem:s10+$0x10930];
	v60 =	vxor.u32 v55, v44;
	v41 =	vadd.f32 v62, v41;
	v47 =	vadd.f32 v61, v47  }
0x437: {  	v56 =	vand.u32 v59, v34;
	v59 =	vld [tilespmem:s10+$0x10730];
	v40 =	vadd.f32 v60, v40;
	v3 =	vadd.f32 v53, v3  }
0x438: {  	v50 =	vand.u32 v61, v35;
	v49 =	vadd.f32 v54, v41;
	v41 =	vld [tilespmem:s14+$0x186A0];
	v48 =	vadd.f32 v63, v48  }
0x439: {  	v46 =	vadd.f32 v46, v45;
	v57 =	vand.u32 v63, v36;
	v54 =	vld [tilespmem:s10+$0x109B0];
	v3 =	vadd.f32 v56, v3  }
0x43a: {  	v61 =	vand.u32 v58, v5;
	v52 =	vadd.f32 $0.0e+00, v58;
	v58 =	vld [tilespmem:s10+$0x12730];
	v47 =	vadd.f32 v48, v47  }
0x43b: {  	v49 =	vadd.f32 v50, v49;
	v48 =	vld [tilespmem:s10+$0x107B0];
	v3 =	vadd.f32 v57, v3  }
0x43c: {  	v45 =	vadd.f32 v43, v55;
	v44 =	vadd.f32 v47, v46;
	v46 =	vld [tilespmem:s10+$0x108B0]  }
0x43d: {  	v62 =	vand.u32 v59, v6;
	v50 =	vadd.f32 $0.0e+00, v59;
	v3 =	vadd.f32 v3, v49  }
0x43e: {  	v53 =	vadd.f32 $0.0e+00, v62;
	v62 =	vand.u32 v51, v10;
	v47 =	vadd.f32 $0.0e+00, v61;
	v49 =	vld [tilespmem:s10+$0x10830]  }
0x43f: {  	v57 =	vld [tilespmem:s10+$0x126B0];
	v50 =	vadd.f32 v51, v50;
	v59 =	vand.u32 v54, v11;
	v43 =	vadd.f32 v3, v41  }
0x440: {  	v56 =	vld [tilespmem:s10+$0x10A30];
	v3 =	vsub.f32 $0.0e+00, v3;
	v63 =	vand.u32 v48, v7;
	v48 =	vadd.f32 $0.0e+00, v48  }
0x441: {  	v55 =	vld [tilespmem:s10+$0x127B0];
	v50 =	vadd.f32 v58, v50;
	v47 =	vadd.f32 v63, v47;
	v61 =	vand.u32 v46, v9  }
0x442: {  	v46 =	vadd.f32 v46, v52;
	v48 =	vadd.f32 v54, v48;
	v54 =	vld [tilespmem:s10+$0x128B0];
	v3 =	vxor.u32 v41, v3  }
0x443: {  	v60 =	vand.u32 v49, v8;
	v49 =	vadd.f32 $0.0e+00, v49;
	v47 =	vadd.f32 v61, v47  }
0x444: {  	v61 =	vand.u32 v57, v13;
	v53 =	vadd.f32 v60, v53;
	v46 =	vadd.f32 v57, v46;
	v57 =	vld [tilespmem:s10+$0x129B0]  }
0x445: {  	v60 =	vand.u32 v56, v12;
	v47 =	vadd.f32 v59, v47;
	v49 =	vadd.f32 v56, v49;
	v56 =	vld [tilespmem:s10+$0x12930]  }
0x446: {  	v3 =	vand.u32 v37, v3;
	v48 =	vadd.f32 v55, v48;
	v63 =	vadd.f32 v62, v53;
	v53 =	vld [tilespmem:s10+$0x12830]  }
0x447: {  	v3 =	vxor.u32 v41, v3;
	v47 =	vadd.f32 v61, v47;
	v61 =	vand.u32 v54, v17  }
0x448: {  	v46 =	vadd.f32 v54, v46;
	v54 =	vld [tilespmem:s10+$0x147B0];
	v51 =	vadd.f32 v60, v63;
	v63 =	vand.u32 v55, v15  }
0x449: {  	v41 =	vadd.f32 v3, v44;
	v62 =	vand.u32 v58, v14;
	v58 =	vld [tilespmem:s10+$0x12A30];
	v47 =	vadd.f32 v63, v47  }
0x44a: {  	v55 =	vld [tilespmem:s10+$0x146B0];
	v48 =	vadd.f32 v57, v48;
	v51 =	vadd.f32 v62, v51;
	v62 =	vand.u32 v56, v18  }
0x44b: {  	v50 =	vadd.f32 v56, v50;
	v56 =	vld [tilespmem:s10+$0x14830];
	v60 =	vand.u32 v53, v16;
	v47 =	vadd.f32 v61, v47  }
0x44c: {  	v63 =	vand.u32 v57, v19;
	v49 =	vadd.f32 v53, v49;
	v53 =	vld [tilespmem:s10+$0x14730];
	v51 =	vadd.f32 v60, v51  }
0x44d: {  	v57 =	vld [tilespmem:s10+$0x148B0];
	v48 =	vadd.f32 v54, v48;
	v47 =	vadd.f32 v63, v47  }
0x44e: {  	v60 =	vand.u32 v58, v20;
	v49 =	vadd.f32 v58, v49;
	v58 =	vld [tilespmem:s10+$0x14930];
	v51 =	vadd.f32 v62, v51  }
0x44f: {  	v61 =	vand.u32 v55, v21;
	v46 =	vadd.f32 v55, v46;
	v55 =	vld [tilespmem:s10+$0x149B0];
	v63 =	vand.u32 v54, v23  }
0x450: {  	v54 =	vld [tilespmem:s10+$0x166B0];
	v47 =	vadd.f32 v61, v47;
	v59 =	vand.u32 v56, v24;
	v51 =	vadd.f32 v60, v51  }
0x451: {  	v49 =	vadd.f32 v56, v49;
	v56 =	vld [tilespmem:s10+$0x16730];
	v62 =	vand.u32 v53, v22;
	v50 =	vadd.f32 v53, v50  }
0x452: {  	v53 =	vld [tilespmem:s10+$0x14A30];
	v47 =	vadd.f32 v63, v47;
	v51 =	vadd.f32 v62, v51  }
0x453: {  	v46 =	vadd.f32 v57, v46;
	v60 =	vand.u32 v57, v25;
	v50 =	vadd.f32 v58, v50  }
0x454: {  	v61 =	vand.u32 v58, v26;
	v62 =	vld [tilespmem:s10+$0x167B0];
	v47 =	vadd.f32 v60, v47;
	v51 =	vadd.f32 v59, v51  }
0x455: {  	v63 =	vand.u32 v55, v27;
	v58 =	vld [tilespmem:s10+$0x16830];
	v48 =	vadd.f32 v55, v48;
	v46 =	vadd.f32 v54, v46  }
0x456: {  	v55 =	vld [tilespmem:s10+$0x168B0];
	v60 =	vand.u32 v54, v29;
	v47 =	vadd.f32 v63, v47;
	v51 =	vadd.f32 v61, v51  }
0x457: {  	v52 =	vld [tilespmem:s10+$0x16A30];
	v50 =	vadd.f32 v56, v50;
	v59 =	vand.u32 v53, v28;
	v49 =	vadd.f32 v53, v49  }
0x458: {  	v53 =	vld [tilespmem:s10+$0x16930];
	v47 =	vadd.f32 v60, v47;
	v51 =	vadd.f32 v59, v51  }
0x459: {  	v54 =	vld [tilespmem:s10+$0x169B0];
	v61 =	vand.u32 v56, v30;
	v48 =	vadd.f32 v62, v48;
	v62 =	vand.u32 v62, v31  }
0x45a: {  	v47 =	vadd.f32 v62, v47;
	v51 =	vadd.f32 v61, v51  }
0x45b: {  	v3 =	vld [tilespmem:s10+$0x108C0];
	v63 =	vand.u32 v58, v32;
	v49 =	vadd.f32 v58, v49;
	v60 =	vand.u32 v55, v33  }
0x45c: {  	v47 =	vadd.f32 v60, v47;
	v60 =	vld [tilespmem:s10+$0x106C0];
	v51 =	vadd.f32 v63, v51  }
0x45d: {  	v46 =	vadd.f32 v55, v46;
	v55 =	vld [tilespmem:s10+$0x10740];
	v49 =	vadd.f32 v52, v49;
	v61 =	vand.u32 v53, v34  }
0x45e: {  	v56 =	vld [tilespmem:s10+$0x109C0];
	v62 =	vand.u32 v54, v35;
	v50 =	vadd.f32 v53, v50;
	v51 =	vadd.f32 v61, v51  }
0x45f: {  	v63 =	vand.u32 v52, v36;
	v47 =	vadd.f32 v62, v47;
	v62 =	vld [tilespmem:s10+$0x107C0];
	v61 =	vadd.f32 v54, v48  }
0x460: {  	v58 =	vld [tilespmem:s10+$0x10A40];
	v48 =	vadd.f32 v50, v46;
	v51 =	vadd.f32 v63, v51  }
0x461: {  	v63 =	vld [tilespmem:s10+$0x10840];
	v49 =	vadd.f32 v49, v61;
	v59 =	vand.u32 v60, v5;
	v52 =	vadd.f32 $0.0e+00, v60  }
0x462: {  	v46 =	vld [tilespmem:s10+$0x10940];
	v60 =	vand.u32 v55, v6;
	v55 =	vadd.f32 $0.0e+00, v55;
	v44 =	vadd.f32 $0.0e+00, v59  }
0x463: {  	v57 =	vand.u32 v3, v9;
	v53 =	vadd.f32 $0.0e+00, v60;
	v59 =	vld [tilespmem:s10+$0x126C0];
	v47 =	vadd.f32 v51, v47  }
0x464: {  	v60 =	vld [tilespmem:s10+$0x12740];
	v61 =	vand.u32 v62, v7;
	v54 =	vadd.f32 $0.0e+00, v62;
	v3 =	vadd.f32 v3, v52  }
0x465: {  	v49 =	vadd.f32 v49, v48;
	v44 =	vadd.f32 v61, v44;
	v61 =	vand.u32 v56, v11  }
0x466: {  	v54 =	vadd.f32 v56, v54;
	v56 =	vld [tilespmem:s10+$0x128C0];
	v62 =	vand.u32 v63, v8;
	v51 =	vadd.f32 $0.0e+00, v63  }
0x467: {  	v44 =	vadd.f32 v57, v44;
	v63 =	vand.u32 v46, v10;
	v57 =	vld [tilespmem:s10+$0x127C0];
	v46 =	vadd.f32 v46, v55  }
0x468: {  	v55 =	vld [tilespmem:s10+$0x12840];
	v53 =	vadd.f32 v62, v53;
	v62 =	vand.u32 v58, v12;
	v3 =	vadd.f32 v59, v3  }
0x469: {  	v44 =	vadd.f32 v61, v44;
	v51 =	vadd.f32 v58, v51;
	v58 =	vld [tilespmem:s10+$0x12940];
	v61 =	vand.u32 v60, v14  }
0x46a: {  	v46 =	vadd.f32 v60, v46;
	v60 =	vld [tilespmem:s10+$0x12A40];
	v52 =	vadd.f32 v63, v53;
	v63 =	vand.u32 v59, v13  }
0x46b: {  	v50 =	vsub.f32 $0.0e+00, v47;
	v44 =	vadd.f32 v63, v44  }
0x46c: {  	v59 =	vld [tilespmem:s10+$0x129C0];
	v3 =	vadd.f32 v56, v3;
	v52 =	vadd.f32 v62, v52  }
0x46d: {  	v53 =	vand.u32 v57, v15;
	v54 =	vadd.f32 v57, v54;
	v57 =	vld [tilespmem:s10+$0x146C0];
	v51 =	vadd.f32 v55, v51  }
0x46e: {  	v62 =	vand.u32 v55, v16;
	v55 =	vld [tilespmem:s10+$0x14740];
	v44 =	vadd.f32 v53, v44;
	v52 =	vadd.f32 v61, v52  }
0x46f: {  	v63 =	vand.u32 v56, v17;
	v56 =	vld [tilespmem:s10+$0x147C0];
	v46 =	vadd.f32 v58, v46;
	v51 =	vadd.f32 v60, v51  }
0x470: {  	v61 =	vand.u32 v58, v18;
	v58 =	vld [tilespmem:s10+$0x14840];
	v44 =	vadd.f32 v63, v44;
	v52 =	vadd.f32 v62, v52  }
0x471: {  	v54 =	vadd.f32 v59, v54;
	v63 =	vand.u32 v60, v20;
	v60 =	vld [tilespmem:s10+$0x14940];
	v62 =	vand.u32 v59, v19  }
0x472: {  	v59 =	vld [tilespmem:s10+$0x148C0];
	v44 =	vadd.f32 v62, v44;
	v52 =	vadd.f32 v61, v52  }
0x473: {  	v53 =	vand.u32 v57, v21;
	v3 =	vadd.f32 v57, v3;
	v57 =	vld [tilespmem:s10+$0x149C0];
	v46 =	vadd.f32 v55, v46  }
0x474: {  	v62 =	vand.u32 v56, v23;
	v54 =	vadd.f32 v56, v54;
	v56 =	vld [tilespmem:s10+$0x166C0];
	v52 =	vadd.f32 v63, v52  }
0x475: {  	v61 =	vand.u32 v55, v22;
	v55 =	vld [tilespmem:s10+$0x14A40];
	v44 =	vadd.f32 v53, v44;
	v51 =	vadd.f32 v58, v51  }
0x476: {  	v46 =	vadd.f32 v60, v46;
	v52 =	vadd.f32 v61, v52  }
0x477: {  	v63 =	vand.u32 v58, v24;
	v58 =	vld [tilespmem:s10+$0x16740];
	v44 =	vadd.f32 v62, v44;
	v3 =	vadd.f32 v59, v3  }
0x478: {  	v62 =	vand.u32 v60, v26;
	v60 =	vld [tilespmem:s10+$0x16840];
	v61 =	vand.u32 v59, v25;
	v52 =	vadd.f32 v63, v52  }
0x479: {  	v59 =	vld [tilespmem:s10+$0x167C0];
	v53 =	vand.u32 v57, v27;
	v54 =	vadd.f32 v57, v54;
	v44 =	vadd.f32 v61, v44  }
0x47a: {  	v57 =	vld [tilespmem:s10+$0x168C0];
	v51 =	vadd.f32 v55, v51;
	v61 =	vand.u32 v56, v29;
	v52 =	vadd.f32 v62, v52  }
0x47b: {  	v3 =	vadd.f32 v56, v3;
	v56 =	vld [tilespmem:s10+$0x169C0];
	v63 =	vand.u32 v55, v28;
	v44 =	vadd.f32 v53, v44  }
0x47c: {  	vm1 =	vgt.f32 v42, $0.0e+00;
	v55 =	vld [tilespmem:s10+$0x16940];
	v46 =	vadd.f32 v58, v46;
	v52 =	vadd.f32 v63, v52  }
0x47d: {  	v62 =	vand.u32 v58, v30;
	v42 =	vadd.f32 v60, v51;
	v44 =	vadd.f32 v61, v44  }
0x47e: {  	v58 =	vld [tilespmem:s10+$0x16A40];
	v54 =	vadd.f32 v59, v54;
	v52 =	vadd.f32 v62, v52  }
0x47f: {  	v61 =	vand.u32 v60, v32;
	v3 =	vadd.f32 v57, v3;
	v63 =	vand.u32 v59, v31  }
0x480: {  	v57 =	vand.u32 v57, v33;
	v53 =	vadd.f32 v63, v44;
	v62 =	vadd.f32 v61, v52;
	v52 =	vld [tilespmem:s14+$0x186B0]  }
0x481: {  	v60 =	vand.u32 v56, v35;
	v63 =	vand.u32 v55, v34;
	v55 =	vadd.f32 v55, v46  }
0x482: {  	v44 =	vsel vm1, $0x3F800000, v4;
	v53 =	vadd.f32 v57, v53;
	v51 =	vadd.f32 v63, v62;
	v62 =	vld [tilespmem:s10+$0x106D0]  }
0x483: {  	v54 =	vadd.f32 v56, v54;
	v42 =	vadd.f32 v58, v42;
	v61 =	vand.u32 v58, v36;
	v63 =	vld [tilespmem:s10+$0x10750]  }
0x484: {  	v46 =	vld [tilespmem:s14+$0x186C0];
	vm1 =	vgt.f32 v45, $0.0e+00;
	v53 =	vadd.f32 v60, v53;
	v51 =	vadd.f32 v61, v51  }
0x485: {  	v3 =	vadd.f32 v55, v3;
	v55 =	vld [tilespmem:s10+$0x10850];
	v54 =	vadd.f32 v42, v54;
	v58 =	vxor.u32 v52, v50  }
0x486: {  	v45 =	vsel vm1, $0x3F800000, v4;
	v51 =	vadd.f32 v51, v53;
	v53 =	vld [tilespmem:s10+$0x107D0];
	v50 =	vand.u32 v37, v58  }
0x487: {  	v48 =	vadd.f32 v47, v52;
	v58 =	vld [tilespmem:s10+$0x10A50];
	v59 =	vxor.u32 v52, v50;
	v50 =	vadd.f32 v54, v3  }
0x488: {  	vm1 =	vgt.f32 v43, $0.0e+00;
	v3 =	vld [tilespmem:s10+$0x10950];
	v54 =	vadd.f32 $0.0e+00, v62;
	v56 =	vadd.f32 $0.0e+00, v63  }
0x489: {  	v52 =	vld [tilespmem:s10+$0x108D0];
	v61 =	vand.u32 v62, v5;
	v60 =	vsub.f32 $0.0e+00, v51;
	v42 =	vadd.f32 v59, v49  }
0x48a: {  	v62 =	vand.u32 v63, v6;
	v43 =	vadd.f32 v51, v46;
	v51 =	vld [tilespmem:s10+$0x109D0];
	v49 =	vadd.f32 $0.0e+00, v61  }
0x48b: {  	v57 =	vadd.f32 $0.0e+00, v62;
	v61 =	vld [tilespmem:s10+$0x12750];
	v47 =	vxor.u32 v46, v60;
	v59 =	vand.u32 v53, v7  }
0x48c: {  	v62 =	vld [tilespmem:s10+$0x127D0];
	v53 =	vadd.f32 $0.0e+00, v53;
	v49 =	vadd.f32 v59, v49;
	v59 =	vand.u32 v55, v8  }
0x48d: {  	v60 =	vld [tilespmem:s10+$0x126D0];
	v55 =	vadd.f32 $0.0e+00, v55;
	v63 =	vand.u32 v3, v10;
	v3 =	vadd.f32 v3, v56  }
0x48e: {  	v56 =	vld [tilespmem:s10+$0x12950];
	v57 =	vadd.f32 v59, v57;
	v59 =	vand.u32 v52, v9;
	v52 =	vadd.f32 v52, v54  }
0x48f: {  	v49 =	vadd.f32 v59, v49;
	v59 =	vld [tilespmem:s10+$0x12850];
	v55 =	vadd.f32 v58, v55  }
0x490: {  	v3 =	vadd.f32 v61, v3;
	v54 =	vadd.f32 v63, v57;
	v63 =	vand.u32 v51, v11;
	v57 =	vld [tilespmem:s10+$0x128D0]  }
0x491: {  	v51 =	vadd.f32 v51, v53;
	v49 =	vadd.f32 v63, v49;
	v63 =	vand.u32 v58, v12;
	v58 =	vld [tilespmem:s10+$0x129D0]  }
0x492: {  	v52 =	vadd.f32 v60, v52;
	v53 =	vadd.f32 v63, v54;
	v63 =	vand.u32 v60, v13;
	v60 =	vld [tilespmem:s10+$0x12A50]  }
0x493: {  	v54 =	vand.u32 v61, v14;
	v61 =	vld [tilespmem:s10+$0x146D0];
	v51 =	vadd.f32 v62, v51;
	v49 =	vadd.f32 v63, v49  }
0x494: {  	v3 =	vadd.f32 v56, v3;
	v53 =	vadd.f32 v54, v53;
	v54 =	vand.u32 v62, v15;
	v62 =	vld [tilespmem:s10+$0x14750]  }
0x495: {  	v55 =	vadd.f32 v59, v55;
	v49 =	vadd.f32 v54, v49;
	v54 =	vand.u32 v59, v16;
	v59 =	vld [tilespmem:s10+$0x147D0]  }
0x496: {  	v63 =	vand.u32 v57, v17;
	v52 =	vadd.f32 v57, v52;
	v57 =	vld [tilespmem:s10+$0x14850];
	v53 =	vadd.f32 v54, v53  }
0x497: {  	v51 =	vadd.f32 v58, v51;
	v49 =	vadd.f32 v63, v49  }
0x498: {  	v63 =	vand.u32 v56, v18;
	v56 =	vld [tilespmem:s10+$0x148D0];
	v55 =	vadd.f32 v60, v55;
	v54 =	vand.u32 v61, v21  }
0x499: {  	v52 =	vadd.f32 v61, v52;
	v61 =	vld [tilespmem:s10+$0x14A50];
	v53 =	vadd.f32 v63, v53;
	v63 =	vand.u32 v58, v19  }
0x49a: {  	v58 =	vld [tilespmem:s10+$0x14950];
	v49 =	vadd.f32 v63, v49;
	v63 =	vand.u32 v60, v20;
	v3 =	vadd.f32 v62, v3  }
0x49b: {  	v60 =	vld [tilespmem:s10+$0x149D0];
	v53 =	vadd.f32 v63, v53;
	v51 =	vadd.f32 v59, v51;
	v63 =	vand.u32 v57, v24  }
0x49c: {  	v55 =	vadd.f32 v57, v55;
	v57 =	vld [tilespmem:s10+$0x167D0];
	v49 =	vadd.f32 v54, v49;
	v54 =	vand.u32 v62, v22  }
0x49d: {  	v62 =	vld [tilespmem:s10+$0x166D0];
	v53 =	vadd.f32 v54, v53;
	v54 =	vand.u32 v59, v23;
	v52 =	vadd.f32 v56, v52  }
0x49e: {  	v47 =	vand.u32 v37, v47;
	v59 =	vld [tilespmem:s10+$0x16750];
	v55 =	vadd.f32 v61, v55;
	v49 =	vadd.f32 v54, v49  }
0x49f: {  	v54 =	vand.u32 v61, v28;
	v61 =	vld [tilespmem:s10+$0x169D0];
	v53 =	vadd.f32 v63, v53;
	v63 =	vand.u32 v56, v25  }
0x4a0: {  	v3 =	vadd.f32 v58, v3;
	v56 =	vld [tilespmem:s10+$0x16850];
	v49 =	vadd.f32 v63, v49;
	v63 =	vand.u32 v58, v26  }
0x4a1: {  	v51 =	vadd.f32 v60, v51;
	v58 =	vld [tilespmem:s10+$0x168D0];
	v53 =	vadd.f32 v63, v53;
	v63 =	vand.u32 v60, v27  }
0x4a2: {  	v46 =	vxor.u32 v46, v47;
	v60 =	vld [tilespmem:s10+$0x16950];
	v52 =	vadd.f32 v62, v52;
	v49 =	vadd.f32 v63, v49  }
0x4a3: {  	v51 =	vadd.f32 v57, v51;
	v53 =	vadd.f32 v54, v53;
	v54 =	vand.u32 v62, v29;
	v62 =	vld [tilespmem:s10+$0x16A50]  }
0x4a4: {  	v3 =	vadd.f32 v59, v3;
	v49 =	vadd.f32 v54, v49;
	v54 =	vand.u32 v59, v30  }
0x4a5: {  	v63 =	vand.u32 v57, v31;
	v51 =	vadd.f32 v61, v51;
	v53 =	vadd.f32 v54, v53  }
0x4a6: {  	v59 =	vand.u32 v56, v32;
	v55 =	vadd.f32 v56, v55;
	v52 =	vadd.f32 v58, v52  }
0x4a7: {  	v56 =	vld [tilespmem:s10+$0x10960];
	v54 =	vadd.f32 v63, v49;
	v63 =	vand.u32 v58, v33;
	v53 =	vadd.f32 v59, v53  }
0x4a8: {  	v3 =	vadd.f32 v60, v3;
	v60 =	vand.u32 v60, v34;
	v58 =	vld [tilespmem:s10+$0x106E0];
	v55 =	vadd.f32 v62, v55  }
0x4a9: {  	v54 =	vadd.f32 v63, v54;
	v63 =	vand.u32 v61, v35;
	v53 =	vadd.f32 v60, v53;
	v60 =	vld [tilespmem:s10+$0x10760]  }
0x4aa: {  	v61 =	vand.u32 v62, v36;
	v3 =	vadd.f32 v3, v52;
	v52 =	vld [tilespmem:s10+$0x107E0];
	v51 =	vadd.f32 v55, v51  }
0x4ab: {  	v47 =	vsel vm1, $0x3F800000, v4;
	v54 =	vadd.f32 v63, v54;
	v55 =	vld [tilespmem:s10+$0x10860];
	v53 =	vadd.f32 v61, v53  }
0x4ac: {  	vm1 =	vgt.f32 v48, $0.0e+00;
	v46 =	vadd.f32 v46, v50;
	v50 =	vadd.f32 v51, v3;
	v3 =	vld [tilespmem:s10+$0x108E0]  }
0x4ad: {  	v49 =	vld [tilespmem:s14+$0x186D0];
	v62 =	vand.u32 v58, v5;
	v51 =	vadd.f32 v53, v54;
	v53 =	vadd.f32 $0.0e+00, v58  }
0x4ae: {  	v59 =	vld [tilespmem:s10+$0x109E0];
	v54 =	vadd.f32 $0.0e+00, v62;
	v58 =	vadd.f32 $0.0e+00, v60;
	v57 =	vand.u32 v60, v6  }
0x4af: {  	v61 =	vld [tilespmem:s10+$0x10A60];
	v60 =	vadd.f32 $0.0e+00, v52;
	v52 =	vand.u32 v52, v7;
	v57 =	vadd.f32 $0.0e+00, v57  }
0x4b0: {  	v62 =	vld [tilespmem:s10+$0x126E0];
	v52 =	vadd.f32 v52, v54;
	v54 =	vadd.f32 $0.0e+00, v55;
	v55 =	vand.u32 v55, v8  }
0x4b1: {  	v55 =	vadd.f32 v55, v57;
	v53 =	vadd.f32 v3, v53;
	v3 =	vand.u32 v3, v9;
	v57 =	vld [tilespmem:s10+$0x12760]  }
0x4b2: {  	v3 =	vadd.f32 v3, v52;
	v52 =	vadd.f32 v56, v58;
	v56 =	vand.u32 v56, v10;
	v58 =	vld [tilespmem:s10+$0x127E0]  }
0x4b3: {  	v55 =	vadd.f32 v56, v55;
	v56 =	vadd.f32 v59, v60;
	v59 =	vand.u32 v59, v11;
	v60 =	vld [tilespmem:s10+$0x12860]  }
0x4b4: {  	v54 =	vadd.f32 v61, v54;
	v3 =	vadd.f32 v59, v3;
	v59 =	vand.u32 v61, v12;
	v61 =	vld [tilespmem:s10+$0x128E0]  }
0x4b5: {  	v53 =	vadd.f32 v62, v53;
	v55 =	vadd.f32 v59, v55;
	v59 =	vand.u32 v62, v13;
	v62 =	vld [tilespmem:s10+$0x12960]  }
0x4b6: {  	v3 =	vadd.f32 v59, v3;
	v52 =	vadd.f32 v57, v52;
	v57 =	vand.u32 v57, v14;
	v59 =	vld [tilespmem:s10+$0x129E0]  }
0x4b7: {  	v55 =	vadd.f32 v57, v55;
	v56 =	vadd.f32 v58, v56;
	v63 =	vand.u32 v58, v15;
	v58 =	vld [tilespmem:s10+$0x12A60]  }
0x4b8: {  	v3 =	vadd.f32 v63, v3;
	v54 =	vadd.f32 v60, v54;
	v57 =	vand.u32 v60, v16;
	v60 =	vld [tilespmem:s10+$0x146E0]  }
0x4b9: {  	v55 =	vadd.f32 v57, v55;
	v53 =	vadd.f32 v61, v53;
	v57 =	vand.u32 v61, v17;
	v61 =	vld [tilespmem:s10+$0x14760]  }
0x4ba: {  	v3 =	vadd.f32 v57, v3;
	v52 =	vadd.f32 v62, v52;
	v57 =	vand.u32 v62, v18;
	v62 =	vld [tilespmem:s10+$0x147E0]  }
0x4bb: {  	v55 =	vadd.f32 v57, v55;
	v56 =	vadd.f32 v59, v56;
	v63 =	vand.u32 v59, v19;
	v59 =	vld [tilespmem:s10+$0x14860]  }
0x4bc: {  	v3 =	vadd.f32 v63, v3;
	v54 =	vadd.f32 v58, v54;
	v63 =	vand.u32 v58, v20;
	v58 =	vld [tilespmem:s10+$0x148E0]  }
0x4bd: {  	v55 =	vadd.f32 v63, v55;
	v53 =	vadd.f32 v60, v53;
	v57 =	vand.u32 v60, v21;
	v60 =	vld [tilespmem:s10+$0x14960]  }
0x4be: {  	v3 =	vadd.f32 v57, v3;
	v52 =	vadd.f32 v61, v52;
	v57 =	vand.u32 v61, v22;
	v61 =	vld [tilespmem:s10+$0x149E0]  }
0x4bf: {  	v55 =	vadd.f32 v57, v55;
	v56 =	vadd.f32 v62, v56;
	v57 =	vand.u32 v62, v23;
	v62 =	vld [tilespmem:s10+$0x14A60]  }
0x4c0: {  	v3 =	vadd.f32 v57, v3;
	v54 =	vadd.f32 v59, v54;
	v63 =	vand.u32 v59, v24;
	v59 =	vld [tilespmem:s10+$0x166E0]  }
0x4c1: {  	v48 =	vadd.f32 v51, v49;
	v55 =	vadd.f32 v63, v55;
	v63 =	vand.u32 v58, v25  }
0x4c2: {  	v53 =	vadd.f32 v58, v53;
	v58 =	vld [tilespmem:s10+$0x16760];
	v3 =	vadd.f32 v63, v3;
	v57 =	vand.u32 v60, v26  }
0x4c3: {  	v52 =	vadd.f32 v60, v52;
	v60 =	vld [tilespmem:s10+$0x167E0];
	v55 =	vadd.f32 v57, v55;
	v57 =	vand.u32 v61, v27  }
0x4c4: {  	v56 =	vadd.f32 v61, v56;
	v61 =	vld [tilespmem:s10+$0x16860];
	v3 =	vadd.f32 v57, v3;
	v57 =	vand.u32 v62, v28  }
0x4c5: {  	v54 =	vadd.f32 v62, v54;
	v62 =	vld [tilespmem:s10+$0x168E0];
	v55 =	vadd.f32 v57, v55;
	v63 =	vand.u32 v59, v29  }
0x4c6: {  	v53 =	vadd.f32 v59, v53;
	v59 =	vld [tilespmem:s10+$0x16960];
	v3 =	vadd.f32 v63, v3  }
0x4c7: {  	v52 =	vadd.f32 v58, v52;
	v57 =	vand.u32 v58, v30;
	v58 =	vld [tilespmem:s10+$0x169E0];
	v63 =	vsub.f32 $0.0e+00, v51  }
0x4c8: {  	v55 =	vadd.f32 v57, v55;
	v57 =	vld [tilespmem:s10+$0x16A60];
	v51 =	vadd.f32 v60, v56;
	v56 =	vand.u32 v60, v31  }
0x4c9: {  	v60 =	vxor.u32 v49, v63;
	v3 =	vadd.f32 v56, v3;
	v56 =	vand.u32 v61, v32  }
0x4ca: {  	v54 =	vadd.f32 v61, v54;
	v60 =	vand.u32 v37, v60;
	v55 =	vadd.f32 v56, v55  }
0x4cb: {  	v61 =	vld [tilespmem:s10+$0x106F0];
	v53 =	vadd.f32 v62, v53;
	v56 =	vand.u32 v62, v33;
	v52 =	vadd.f32 v59, v52  }
0x4cc: {  	v62 =	vld [tilespmem:s10+$0x10770];
	v59 =	vand.u32 v59, v34;
	v3 =	vadd.f32 v56, v3;
	v51 =	vadd.f32 v58, v51  }
0x4cd: {  	v49 =	vxor.u32 v49, v60;
	v56 =	vld [tilespmem:s10+$0x10970];
	v55 =	vadd.f32 v59, v55;
	v54 =	vadd.f32 v57, v54  }
0x4ce: {  	v63 =	vand.u32 v58, v35;
	v58 =	vld [tilespmem:s10+$0x107F0];
	v49 =	vadd.f32 v49, v50;
	v52 =	vadd.f32 v52, v53  }
0x4cf: {  	v57 =	vand.u32 v57, v36;
	v53 =	vld [tilespmem:s10+$0x10870];
	v3 =	vadd.f32 v63, v3;
	v51 =	vadd.f32 v54, v51  }
0x4d0: {  	v60 =	vadd.f32 v57, v55;
	v55 =	vld [tilespmem:s10+$0x108F0];
	v57 =	vadd.f32 $0.0e+00, v61  }
0x4d1: {  	v63 =	vand.u32 v61, v5;
	v54 =	vld [tilespmem:s10+$0x109F0];
	v61 =	vadd.f32 $0.0e+00, v62;
	v50 =	vadd.f32 v51, v52  }
0x4d2: {  	v51 =	vadd.f32 v60, v3;
	v3 =	vadd.f32 $0.0e+00, v63;
	v60 =	vand.u32 v62, v6;
	v62 =	vld [tilespmem:s10+$0x126F0]  }
0x4d3: {  	[tilespmem:v38+s10+$0x0 ss:$0x1] =	vst.idx.msk $0xffff, v44;
	v59 =	vand.u32 v58, v7;
	v44 =	vadd.f32 $0.0e+00, v58;
	v52 =	vadd.f32 $0.0e+00, v60;
	v60 =	vld [tilespmem:s10+$0x10A70]  }
0x4d4: {  	[tilespmem:v38+s10+$0x10 ss:$0x1] =	vst.idx.msk $0xffff, v45;
	v58 =	vld [tilespmem:s10+$0x127F0];
	v45 =	vadd.f32 $0.0e+00, v53;
	v3 =	vadd.f32 v59, v3;
	v59 =	vand.u32 v53, v8  }
0x4d5: {  	v63 =	vand.u32 v55, v9;
	v55 =	vadd.f32 v55, v57;
	v52 =	vadd.f32 v59, v52;
	v59 =	vld [tilespmem:s10+$0x12770]  }
0x4d6: {  	v57 =	vld [tilespmem:s10+$0x12870];
	v44 =	vadd.f32 v54, v44;
	v3 =	vadd.f32 v63, v3;
	v63 =	vand.u32 v56, v10  }
0x4d7: {  	v56 =	vadd.f32 v56, v61;
	v61 =	vld [tilespmem:s10+$0x128F0];
	v52 =	vadd.f32 v63, v52;
	v63 =	vand.u32 v54, v11  }
0x4d8: {  	v3 =	vadd.f32 v63, v3;
	v53 =	vand.u32 v60, v12;
	v45 =	vadd.f32 v60, v45;
	v60 =	vld [tilespmem:s10+$0x129F0]  }
0x4d9: {  	v55 =	vadd.f32 v62, v55;
	v63 =	vand.u32 v62, v13;
	v62 =	vld [tilespmem:s10+$0x12A70];
	v52 =	vadd.f32 v53, v52  }
0x4da: {  	v54 =	vld [tilespmem:s10+$0x12970];
	v44 =	vadd.f32 v58, v44;
	v3 =	vadd.f32 v63, v3;
	v53 =	vand.u32 v59, v14  }
0x4db: {  	v56 =	vadd.f32 v59, v56;
	v63 =	vand.u32 v57, v16;
	v59 =	vld [tilespmem:s10+$0x146F0];
	v52 =	vadd.f32 v53, v52  }
0x4dc: {  	v45 =	vadd.f32 v57, v45;
	v57 =	vld [tilespmem:s10+$0x147F0];
	v53 =	vand.u32 v58, v15;
	v55 =	vadd.f32 v61, v55  }
0x4dd: {  	v58 =	vld [tilespmem:s10+$0x14770];
	v3 =	vadd.f32 v53, v3;
	v52 =	vadd.f32 v63, v52;
	v63 =	vand.u32 v61, v17  }
0x4de: {  	v53 =	vand.u32 v60, v19;
	v61 =	vld [tilespmem:s10+$0x14870];
	v44 =	vadd.f32 v60, v44;
	v45 =	vadd.f32 v62, v45  }
0x4df: {  	v60 =	vld [tilespmem:s10+$0x14970];
	v3 =	vadd.f32 v63, v3;
	v63 =	vand.u32 v54, v18;
	v54 =	vadd.f32 v54, v56  }
0x4e0: {  	v56 =	vld [tilespmem:s10+$0x148F0];
	v52 =	vadd.f32 v63, v52;
	v63 =	vand.u32 v62, v20;
	v55 =	vadd.f32 v59, v55  }
0x4e1: {  	v62 =	vld [tilespmem:s10+$0x149F0];
	v44 =	vadd.f32 v57, v44;
	v3 =	vadd.f32 v53, v3;
	v53 =	vand.u32 v59, v21  }
0x4e2: {  	v59 =	vld [tilespmem:s10+$0x14A70];
	v54 =	vadd.f32 v58, v54;
	v52 =	vadd.f32 v63, v52;
	v63 =	vand.u32 v57, v23  }
0x4e3: {  	v57 =	vld [tilespmem:s10+$0x16770];
	v3 =	vadd.f32 v53, v3;
	v53 =	vand.u32 v58, v22;
	v45 =	vadd.f32 v61, v45  }
0x4e4: {  	v58 =	vld [tilespmem:s10+$0x166F0];
	v54 =	vadd.f32 v60, v54;
	v52 =	vadd.f32 v53, v52  }
0x4e5: {  	v53 =	vand.u32 v60, v26;
	v60 =	vld [tilespmem:s10+$0x168F0];
	v3 =	vadd.f32 v63, v3;
	v63 =	vand.u32 v61, v24  }
0x4e6: {  	v55 =	vadd.f32 v56, v55;
	v61 =	vld [tilespmem:s10+$0x167F0];
	v52 =	vadd.f32 v63, v52  }
0x4e7: {  	v44 =	vadd.f32 v62, v44;
	v63 =	vand.u32 v56, v25;
	v45 =	vadd.f32 v59, v45  }
0x4e8: {  	v56 =	vld [tilespmem:s10+$0x16870];
	v3 =	vadd.f32 v63, v3;
	v63 =	vand.u32 v62, v27;
	v52 =	vadd.f32 v53, v52  }
0x4e9: {  	v54 =	vadd.f32 v57, v54;
	v53 =	vand.u32 v59, v28;
	v55 =	vadd.f32 v58, v55  }
0x4ea: {  	v62 =	vld [tilespmem:s10+$0x16970];
	v3 =	vadd.f32 v63, v3;
	v63 =	vand.u32 v57, v30;
	v52 =	vadd.f32 v53, v52  }
0x4eb: {  	[tilespmem:s14+$0x18680] =	vst v39;
	v59 =	vld [tilespmem:s10+$0x169F0];
	v53 =	vand.u32 v58, v29;
	v44 =	vadd.f32 v61, v44;
	v39 =	vadd.f32 v60, v55  }
0x4ec: {  	v58 =	vld [tilespmem:s10+$0x16A70];
	v3 =	vadd.f32 v53, v3;
	v52 =	vadd.f32 v63, v52  }
0x4ed: {  	v57 =	vand.u32 v56, v32;
	v45 =	vadd.f32 v56, v45;
	v63 =	vand.u32 v61, v31  }
0x4ee: {  	v3 =	vadd.f32 v63, v3;
	v52 =	vadd.f32 v57, v52  }
0x4ef: {  	[tilespmem:s14+$0x18690] =	vst v40;
	v56 =	vld [tilespmem:s14+$0x186E0];
	v40 =	vadd.f32 v62, v54;
	v63 =	vand.u32 v60, v33;
	v57 =	vand.u32 v62, v34  }
0x4f0: {  	v3 =	vadd.f32 v63, v3;
	v52 =	vadd.f32 v57, v52  }
0x4f1: {  	v61 =	vand.u32 v59, v35;
	v62 =	vsub.f32 $0.0e+00, v51;
	v63 =	vand.u32 v58, v36  }
0x4f2: {  	[tilespmem:v38+s10+$0x20 ss:$0x1] =	vst.idx.msk $0xffff, v47;
	v60 =	vsel vm1, $0x3F800000, v4;
	v3 =	vadd.f32 v61, v3;
	v57 =	vadd.f32 v63, v52  }
0x4f3: {  	vm1 =	vgt.f32 v43, $0.0e+00;
	v44 =	vadd.f32 v59, v44;
	[tilespmem:v38+s10+$0x30 ss:$0x1] =	vst.idx.msk $0xffff, v60;
	v39 =	vadd.f32 v40, v39;
	v63 =	vld [tilespmem:s14+$0x186F0]  }
0x4f4: {  	[tilespmem:s14+$0x186A0] =	vst v41;
	v51 =	vadd.f32 v51, v56;
	v43 =	vxor.u32 v56, v62;
	v3 =	vadd.f32 v57, v3  }
0x4f5: {  	[tilespmem:s14+$0x186B0] =	vst v42;
	v61 =	vsel vm1, $0x3F800000, v4;
	vm1 =	vgt.f32 v48, $0.0e+00;
	v52 =	vadd.f32 v58, v45  }
0x4f6: {  	[tilespmem:v38+s10+$0x40 ss:$0x1] =	vst.idx.msk $0xffff, v61;
	v54 =	vsel vm1, $0x3F800000, v4;
	vm1 =	vgt.f32 v51, $0.0e+00;
	v55 =	vsub.f32 $0.0e+00, v3  }
0x4f7: {  	v43 =	vand.u32 v37, v43;
	[tilespmem:v38+s10+$0x50 ss:$0x1] =	vst.idx.msk $0xffff, v54;
	v61 =	vsel vm1, $0x3F800000, v4;
	v58 =	vadd.f32 v52, v44  }
0x4f8: {  	p0 =	slt.u32 s13, $0x38;
	[tilespmem:s14+$0x186C0] =	vst v46;
	v57 =	vxor.u32 v56, v43;
	v3 =	vadd.f32 v3, v63;
	v60 =	vxor.u32 v63, v55  }
.Ltmp3:
0x4f9: {  	[tilespmem:s14+$0x186D0] =	vst v49;
	v59 =	vadd.f32 v57, v50;
	v39 =	vadd.f32 v58, v39;
	v62 =	vand.u32 v37, v60;
	(pc) =	sbr.rel @p0 .LBB2_9-.Ltmp3, $4  }
0x4fa: {  	[tilespmem:v38+s10+$0x60 ss:$0x1] =	vst.idx.msk $0xffff, v61;
	vm1 =	vgt.f32 v3, $0.0e+00;
	v3 =	vxor.u32 v63, v62  }
0x4fb: {  	[tilespmem:s14+$0x186E0] =	vst v59;
	v63 =	vsel vm1, $0x3F800000, v4;
	v3 =	vadd.f32 v3, v39  }
0x4fc: {  	s26 =	sadd.s32 $0x8, s13;
	[tilespmem:v38+s10+$0x70 ss:$0x1] =	vst.idx.msk $0xffff, v63  }
0x4fd: {  	s13 =	smov.u32 s26;
	[tilespmem:s14+$0x186F0] =	vst v3  }
0x4fe: {  	p0 =	slt.s32 s1, $0x0;
	s3 =	rddreg [dreg:$0x4]  }
0x4ff: {  	s3 =	sadd.s32 @!p0 s3, s0  }
0x500: {  	s3 =	sshll.u32 @!p0 s3, $0xA  }
0x501: {  	s3 =	sand.u32 @!p0 $0xFFFFE000, s3  }
0x502: {  	s3 =	sor.u32 @!p0 s6, s3  }
0x503: {  	s4 =	rddreg [dreg:$0x2];
	s3 =	sshrl.u32 @!p0 s3, $0x3  }
0x504: {  	s3 =	sadd.s32 @!p0 s4, s3;
	s4 =	simm.s32 @!p0 $0x0  }
0x505: {  	[hbm4b:s3+s4] =	stream.linear.scatter @!p0 [tilespmem:s31], [sflag:$0x4], $0x80, $0x38;
	[tilespmem:$0x1CA80] =	vst v63  }
0x506: {  	s5 =	sadd.s32 @!p0 $0x400, s31;
	s6 =	sadd.s32 @!p0 $0x80, s3  }
0x507: {  	[hbm4b:s6+s4] =	stream.linear.scatter @!p0 [tilespmem:s5], [sflag:$0x4], $0x80, $0x38;
	[tilespmem:$0x1CA80] =	vst v63  }
0x508: {  	s5 =	sadd.s32 @!p0 $0x800, s31;
	s6 =	sadd.s32 @!p0 $0x100, s3  }
0x509: {  	[hbm4b:s6+s4] =	stream.linear.scatter @!p0 [tilespmem:s5], [sflag:$0x4], $0x80, $0x38;
	[tilespmem:$0x1CA80] =	vst v63  }
0x50a: {  	s5 =	sadd.s32 @!p0 $0xC00, s31;
	s6 =	sadd.s32 @!p0 $0x180, s3  }
0x50b: {  	[hbm4b:s6+s4] =	stream.linear.scatter @!p0 [tilespmem:s5], [sflag:$0x4], $0x80, $0x38;
	[tilespmem:$0x1CA80] =	vst v63  }
0x50c: {  	s5 =	sadd.s32 @!p0 $0x1000, s31;
	s6 =	sadd.s32 @!p0 $0x200, s3  }
0x50d: {  	[hbm4b:s6+s4] =	stream.linear.scatter @!p0 [tilespmem:s5], [sflag:$0x4], $0x80, $0x38;
	[tilespmem:$0x1CA80] =	vst v63  }
0x50e: {  	s5 =	sadd.s32 @!p0 $0x1400, s31;
	s6 =	sadd.s32 @!p0 $0x280, s3  }
0x50f: {  	[hbm4b:s6+s4] =	stream.linear.scatter @!p0 [tilespmem:s5], [sflag:$0x4], $0x80, $0x38;
	[tilespmem:$0x1CA80] =	vst v63  }
0x510: {  	s5 =	sadd.s32 @!p0 $0x1800, s31;
	s6 =	sadd.s32 @!p0 $0x300, s3  }
0x511: {  	[hbm4b:s6+s4] =	stream.linear.scatter @!p0 [tilespmem:s5], [sflag:$0x4], $0x80, $0x38;
	[tilespmem:$0x1CA80] =	vst v63  }
0x512: {  	s29 =	sadd.s32 $0x1, s29;
	s3 =	sadd.s32 @!p0 $0x380, s3;
	s5 =	sadd.s32 @!p0 $0x1C00, s31  }
0x513: {  	[hbm4b:s3+s4] =	stream.linear.scatter @!p0 [tilespmem:s5], [sflag:$0x4], $0x80, $0x38;
	[tilespmem:$0x1CA80] =	vst v63  }
0x514: {  	p0 =	sne.s32 s29, $0x10  }
.Ltmp4:
0x515: {  	s25 =	sadd.s32 $0x1, s1;
	(pc) =	sbr.rel @p0 .LBB2_4-.Ltmp4, $3  }
0x516: {  	s26 =	smul.u32 $0x32, s25;
	_ =	sdelay $0x1  }
0x517: {  	s3 =	sadd.s32 s26, s30  }
0x518: {  	s31 =	sadd.s32 s0, s25;
	s1 =	sadd.s32 $0xFFFFFFC0, s3  }
0x519: {  	s0 =	simm.s32 $0x1  }
0x51a: {  	_ =	swait.ge [sflag:s0], $0x8000  }
0x51b: {  	[sflag:s0] =	ssyncset.done $0x0  }
0x51c: {  	[sflag:s0] =	ssyncadd.s32 $0xFFFF8000;
	s0 =	simm.s32 $0x0  }
.LBB2_12:
0x51d: {  	s1 =	sshll.u32 s0, $0x7  }
0x51e: {  	v3 =	vld [tilespmem:s1+$0x680]  }
0x51f: {  	v5 =	vld [tilespmem:s1+$0x700]  }
0x520: {  	v6 =	vld [tilespmem:s1+$0x780]  }
0x521: {  	v7 =	vld [tilespmem:s1+$0x800]  }
0x522: {  	v21 =	vld [tilespmem:s1+$0x880]  }
0x523: {  	v22 =	vld [tilespmem:s1+$0x900]  }
0x524: {  	v23 =	vld [tilespmem:s1+$0x980]  }
0x525: {  	v24 =	vld [tilespmem:s1+$0xA00]  }
0x526: {  	v25 =	vld [tilespmem:s1+$0x2680]  }
0x527: {  	v26 =	vld [tilespmem:s1+$0x2700]  }
0x528: {  	v27 =	vld [tilespmem:s1+$0x2780]  }
0x529: {  	v28 =	vld [tilespmem:s1+$0x2800]  }
0x52a: {  	v29 =	vld [tilespmem:s1+$0x2880]  }
0x52b: {  	v30 =	vld [tilespmem:s1+$0x2900]  }
0x52c: {  	v31 =	vld [tilespmem:s1+$0x2980]  }
0x52d: {  	v32 =	vld [tilespmem:s1+$0x2A00]  }
0x52e: {  	v33 =	vld [tilespmem:s1+$0x4680]  }
0x52f: {  	v34 =	vld [tilespmem:s1+$0x4700]  }
0x530: {  	v35 =	vld [tilespmem:s1+$0x4780]  }
0x531: {  	v36 =	vld [tilespmem:s1+$0x4800]  }
0x532: {  	v37 =	vld [tilespmem:s1+$0x4880]  }
0x533: {  	v38 =	vld [tilespmem:s1+$0x4900]  }
0x534: {  	v39 =	vld [tilespmem:s1+$0x4980]  }
0x535: {  	v40 =	vld [tilespmem:s1+$0x4A00]  }
0x536: {  	v41 =	vld [tilespmem:s1+$0x6680]  }
0x537: {  	v42 =	vld [tilespmem:s1+$0x6700]  }
0x538: {  	v43 =	vld [tilespmem:s1+$0x6780]  }
0x539: {  	v44 =	vld [tilespmem:s1+$0x6800]  }
0x53a: {  	v45 =	vld [tilespmem:s1+$0x6880]  }
0x53b: {  	v46 =	vld [tilespmem:s1+$0x6900]  }
0x53c: {  	v47 =	vld [tilespmem:s1+$0x6980]  }
0x53d: {  	v48 =	vld [tilespmem:s1+$0x6A00]  }
0x53e: {  	v50 =	vld [tilespmem:s1+$0x690]  }
0x53f: {  	v51 =	vld [tilespmem:s1+$0x710]  }
0x540: {  	v52 =	vld [tilespmem:s1+$0x790]  }
0x541: {  	v53 =	vld [tilespmem:s1+$0x810]  }
0x542: {  	v54 =	vld [tilespmem:s1+$0x890]  }
0x543: {  	v55 =	vld [tilespmem:s1+$0x910]  }
0x544: {  	v56 =	vld [tilespmem:s1+$0x990]  }
0x545: {  	v57 =	vld [tilespmem:s1+$0xA10]  }
0x546: {  	v58 =	vld [tilespmem:s1+$0x2690]  }
0x547: {  	v59 =	vld [tilespmem:s1+$0x2710]  }
0x548: {  	v60 =	vld [tilespmem:s1+$0x2790]  }
0x549: {  	v61 =	vld [tilespmem:s1+$0x2810]  }
0x54a: {  	v8 =	vld [tilespmem:s1+$0x2890]  }
0x54b: {  	v9 =	vld [tilespmem:s1+$0x2910]  }
0x54c: {  	v62 =	vld [tilespmem:s1+$0x2990]  }
0x54d: {  	v63 =	vld [tilespmem:s1+$0x2A10]  }
0x54e: {  	v19 =	vld [tilespmem:s1+$0x4690]  }
0x54f: {  	v20 =	vld [tilespmem:s1+$0x4710]  }
0x550: {  	v16 =	vld [tilespmem:s1+$0x4790]  }
0x551: {  	v17 =	vld [tilespmem:s1+$0x4810]  }
0x552: {  	v13 =	vld [tilespmem:s1+$0x4890]  }
0x553: {  	v14 =	vld [tilespmem:s1+$0x4910]  }
0x554: {  	v10 =	vld [tilespmem:s1+$0x4990]  }
0x555: {  	v11 =	vld [tilespmem:s1+$0x4A10]  }
0x556: {  	v12 =	vld [tilespmem:s1+$0x6690]  }
0x557: {  	v15 =	vld [tilespmem:s1+$0x6710];
	v3 =	vadd.f32 $0.0e+00, v3;
	v5 =	vadd.f32 $0.0e+00, v5  }
0x558: {  	s3 =	sshll.u32 s0, $0x4;
	v18 =	vld [tilespmem:s1+$0x6790];
	v0 =	vadd.f32 $0.0e+00, v6;
	v2 =	vadd.f32 $0.0e+00, v7  }
0x559: {  	s6 =	sand.u32 $0x3FFFFFF0, s3;
	v1 =	vld [tilespmem:s1+$0x6810];
	v6 =	vadd.f32 v6, v3;
	v7 =	vadd.f32 v7, v5  }
0x55a: {  	v49 =	vld [tilespmem:s6+$0x18680];
	v3 =	vadd.f32 v21, v3;
	v5 =	vadd.f32 v22, v5  }
0x55b: {  	v0 =	vadd.f32 v23, v0;
	v6 =	vadd.f32 v21, v6;
	v21 =	vld [tilespmem:s1+$0x6890]  }
0x55c: {  	v2 =	vadd.f32 v24, v2;
	v7 =	vadd.f32 v22, v7;
	v22 =	vld [tilespmem:s1+$0x6910]  }
0x55d: {  	v0 =	vadd.f32 v27, v0;
	v6 =	vadd.f32 v23, v6;
	v23 =	vld [tilespmem:s1+$0x6990]  }
0x55e: {  	v2 =	vadd.f32 v28, v2;
	v24 =	vadd.f32 v24, v7;
	v7 =	vld [tilespmem:s1+$0x6A10]  }
0x55f: {  	v3 =	vadd.f32 v25, v3;
	v0 =	vadd.f32 v31, v0;
	v31 =	vld [tilespmem:s1+$0x920]  }
0x560: {  	v5 =	vadd.f32 v26, v5;
	v2 =	vadd.f32 v32, v2;
	v32 =	vld [tilespmem:s1+$0x9A0]  }
0x561: {  	v3 =	vadd.f32 v29, v3;
	v6 =	vadd.f32 v25, v6;
	v25 =	vld [tilespmem:s6+$0x18690]  }
0x562: {  	v5 =	vadd.f32 v30, v5;
	v24 =	vadd.f32 v26, v24;
	v26 =	vld [tilespmem:s1+$0x6A0]  }
0x563: {  	v3 =	vadd.f32 v33, v3;
	v33 =	vld [tilespmem:s1+$0xA20]  }
0x564: {  	v5 =	vadd.f32 v34, v5;
	v34 =	vld [tilespmem:s1+$0x26A0]  }
0x565: {  	v0 =	vadd.f32 v35, v0;
	v35 =	vld [tilespmem:s1+$0x2720]  }
0x566: {  	v2 =	vadd.f32 v36, v2;
	v36 =	vld [tilespmem:s1+$0x27A0]  }
0x567: {  	v6 =	vadd.f32 v27, v6;
	v27 =	vld [tilespmem:s1+$0x720]  }
0x568: {  	v24 =	vadd.f32 v28, v24;
	v28 =	vld [tilespmem:s1+$0x7A0]  }
0x569: {  	v3 =	vadd.f32 v37, v3;
	v5 =	vadd.f32 v38, v5;
	v37 =	vld [tilespmem:s1+$0x2820]  }
0x56a: {  	v0 =	vadd.f32 v39, v0;
	v2 =	vadd.f32 v40, v2;
	v38 =	vld [tilespmem:s1+$0x28A0]  }
0x56b: {  	v39 =	vld [tilespmem:s1+$0x2920];
	v6 =	vadd.f32 v29, v6;
	v24 =	vadd.f32 v30, v24  }
0x56c: {  	v40 =	vld [tilespmem:s1+$0x29A0];
	v3 =	vadd.f32 v41, v3;
	v5 =	vadd.f32 v42, v5  }
0x56d: {  	v29 =	vld [tilespmem:s1+$0x820];
	v0 =	vadd.f32 v43, v0;
	v2 =	vadd.f32 v44, v2  }
0x56e: {  	v30 =	vld [tilespmem:s1+$0x8A0];
	v6 =	vadd.f32 $0.0e+00, v6;
	v24 =	vadd.f32 $0.0e+00, v24  }
0x56f: {  	v41 =	vld [tilespmem:s1+$0x2A20];
	v3 =	vadd.f32 v45, v3;
	v5 =	vadd.f32 v46, v5  }
0x570: {  	v42 =	vld [tilespmem:s1+$0x4720];
	v0 =	vadd.f32 v47, v0;
	v2 =	vadd.f32 v48, v2  }
0x571: {  	v43 =	vld [tilespmem:s1+$0x47A0];
	v45 =	vadd.f32 $0.0e+00, v52;
	v3 =	vadd.f32 v5, v3  }
0x572: {  	v44 =	vld [tilespmem:s1+$0x4820];
	v0 =	vadd.f32 v2, v0;
	v48 =	vadd.f32 v24, v6  }
0x573: {  	v47 =	vld [tilespmem:s1+$0x4920];
	v2 =	vadd.f32 $0.0e+00, v50;
	v45 =	vadd.f32 v56, v45  }
0x574: {  	v24 =	vld [tilespmem:s1+$0x46A0];
	v0 =	vadd.f32 v0, v3;
	v3 =	vsub.f32 $0.0e+00, v48  }
0x575: {  	v50 =	vld [tilespmem:s1+$0x49A0];
	v6 =	vadd.f32 v48, v49;
	v52 =	vadd.f32 v52, v2  }
0x576: {  	v48 =	vadd.f32 $0.0e+00, v53;
	v5 =	vadd.f32 v3, v0;
	v3 =	vld [tilespmem:s1+$0x48A0]  }
0x577: {  	v2 =	vadd.f32 v54, v2;
	v0 =	vadd.f32 $0.0e+00, v51;
	v51 =	vld [tilespmem:s1+$0x4A20]  }
0x578: {  	v45 =	vadd.f32 v60, v45;
	v46 =	vadd.f32 v54, v52;
	v52 =	vld [tilespmem:s1+$0x66A0]  }
0x579: {  	v48 =	vadd.f32 v57, v48;
	v54 =	vld [tilespmem:s1+$0x67A0];
	v2 =	vadd.f32 v58, v2  }
0x57a: {  	v45 =	vadd.f32 v62, v45;
	v49 =	vadd.f32 v53, v0;
	v53 =	vld [tilespmem:s1+$0x6720]  }
0x57b: {  	v0 =	vadd.f32 v55, v0;
	v46 =	vadd.f32 v56, v46;
	v56 =	vld [tilespmem:s1+$0x68A0]  }
0x57c: {  	v2 =	vadd.f32 v8, v2;
	v49 =	vadd.f32 v55, v49;
	v55 =	vld [tilespmem:s1+$0x6820]  }
0x57d: {  	v16 =	vadd.f32 v16, v45;
	v46 =	vadd.f32 v58, v46;
	v58 =	vld [tilespmem:s1+$0x69A0]  }
0x57e: {  	v48 =	vadd.f32 v61, v48;
	v2 =	vadd.f32 v19, v2;
	v19 =	vld [tilespmem:s1+$0x6B0]  }
0x57f: {  	v10 =	vadd.f32 v10, v16;
	v16 =	vld [tilespmem:s1+$0x830]  }
0x580: {  	v48 =	vadd.f32 v63, v48;
	v63 =	vadd.f32 $0.0e+00, v26;
	v26 =	vld [tilespmem:s1+$0x2830]  }
0x581: {  	v45 =	vadd.f32 $0.0e+00, v27;
	v49 =	vadd.f32 v57, v49;
	v57 =	vld [tilespmem:s1+$0x6920]  }
0x582: {  	v0 =	vadd.f32 v59, v0;
	v46 =	vadd.f32 v60, v46;
	v60 =	vld [tilespmem:s6+$0x186A0]  }
0x583: {  	v27 =	vadd.f32 v29, v45;
	v10 =	vadd.f32 v18, v10;
	v18 =	vld [tilespmem:s1+$0x9B0]  }
0x584: {  	v17 =	vadd.f32 v17, v48;
	v2 =	vadd.f32 v13, v2;
	v13 =	vld [tilespmem:s1+$0x2930]  }
0x585: {  	v0 =	vadd.f32 v9, v0;
	v49 =	vadd.f32 v59, v49;
	v59 =	vld [tilespmem:s1+$0x6A20]  }
0x586: {  	v48 =	vadd.f32 v28, v63;
	v11 =	vadd.f32 v11, v17;
	v17 =	vld [tilespmem:s1+$0x930]  }
0x587: {  	v27 =	vadd.f32 v31, v27;
	v10 =	vadd.f32 v23, v10;
	v23 =	vld [tilespmem:s1+$0x27B0]  }
0x588: {  	v0 =	vadd.f32 v20, v0;
	v2 =	vadd.f32 v12, v2;
	v12 =	vld [tilespmem:s1+$0x28B0]  }
0x589: {  	v27 =	vadd.f32 v33, v27;
	v20 =	vld [tilespmem:s1+$0xA40];
	v19 =	vadd.f32 $0.0e+00, v19  }
0x58a: {  	v49 =	vadd.f32 v61, v49;
	v61 =	vld [tilespmem:s1+$0x730];
	v0 =	vadd.f32 v14, v0  }
0x58b: {  	v14 =	vld [tilespmem:s1+$0x7B0];
	v1 =	vadd.f32 v1, v11;
	v2 =	vadd.f32 v21, v2  }
0x58c: {  	v21 =	vld [tilespmem:s1+$0xA30];
	v27 =	vadd.f32 v35, v27;
	v0 =	vadd.f32 v15, v0  }
0x58d: {  	v15 =	vld [tilespmem:s1+$0x8B0];
	v1 =	vadd.f32 v7, v1;
	v7 =	vadd.f32 v8, v46  }
0x58e: {  	v62 =	vadd.f32 v9, v49;
	v46 =	vadd.f32 $0.0e+00, v28;
	v28 =	vld [tilespmem:s1+$0x29B0]  }
0x58f: {  	v49 =	vadd.f32 $0.0e+00, v29;
	v29 =	vld [tilespmem:s1+$0x2A30];
	v27 =	vadd.f32 v37, v27  }
0x590: {  	v0 =	vadd.f32 v22, v0;
	v22 =	vld [tilespmem:s1+$0x26B0];
	v1 =	vadd.f32 v1, v10  }
0x591: {  	v7 =	vadd.f32 $0.0e+00, v7;
	v11 =	vadd.f32 v33, v49;
	v33 =	vld [tilespmem:s1+$0x4830]  }
0x592: {  	v8 =	vadd.f32 $0.0e+00, v62;
	v10 =	vadd.f32 v30, v48;
	v49 =	vld [tilespmem:s1+$0x26C0]  }
0x593: {  	v9 =	vadd.f32 v32, v46;
	v27 =	vadd.f32 v39, v27;
	v48 =	vld [tilespmem:s1+$0x8D0]  }
0x594: {  	v62 =	vadd.f32 $0.0e+00, v14;
	v0 =	vadd.f32 v0, v2;
	v2 =	vld [tilespmem:s1+$0x2730]  }
0x595: {  	v7 =	vadd.f32 v8, v7;
	v8 =	vadd.f32 v31, v45;
	v31 =	vld [tilespmem:s1+$0x4730]  }
0x596: {  	v14 =	vadd.f32 v14, v19;
	v10 =	vadd.f32 v32, v10;
	v32 =	vld [tilespmem:s1+$0x47B0]  }
0x597: {  	v9 =	vadd.f32 v36, v9;
	v11 =	vadd.f32 v37, v11;
	v37 =	vld [tilespmem:s1+$0x4A30]  }
0x598: {  	v19 =	vadd.f32 v15, v19;
	v14 =	vadd.f32 v15, v14;
	v15 =	vld [tilespmem:s1+$0x27C0]  }
0x599: {  	v0 =	vadd.f32 v1, v0;
	v1 =	vadd.f32 v30, v63;
	v30 =	vld [tilespmem:s1+$0x46B0]  }
0x59a: {  	v61 =	vadd.f32 $0.0e+00, v61;
	v8 =	vadd.f32 v35, v8;
	v35 =	vld [tilespmem:s1+$0x4930]  }
0x59b: {  	v10 =	vadd.f32 v34, v10;
	v9 =	vadd.f32 v40, v9;
	v40 =	vld [tilespmem:s1+$0x6830]  }
0x59c: {  	v11 =	vadd.f32 v41, v11;
	v41 =	vld [tilespmem:s1+$0x6930];
	v63 =	vadd.f32 $0.0e+00, v16  }
0x59d: {  	v16 =	vadd.f32 v16, v61;
	v1 =	vadd.f32 v34, v1;
	v34 =	vld [tilespmem:s1+$0x48B0]  }
0x59e: {  	v14 =	vadd.f32 v18, v14;
	v10 =	vadd.f32 v36, v10;
	v36 =	vld [tilespmem:s1+$0x49B0]  }
0x59f: {  	v19 =	vadd.f32 v22, v19;
	v8 =	vadd.f32 v39, v8;
	v39 =	vld [tilespmem:s1+$0x6730]  }
0x5a0: {  	v9 =	vadd.f32 v43, v9;
	v11 =	vadd.f32 v44, v11;
	v43 =	vld [tilespmem:s1+$0x6A30]  }
0x5a1: {  	v16 =	vadd.f32 v17, v16;
	v14 =	vadd.f32 v22, v14;
	v22 =	vld [tilespmem:s1+$0x29C0]  }
0x5a2: {  	v1 =	vadd.f32 v38, v1;
	v10 =	vadd.f32 v38, v10;
	v38 =	vld [tilespmem:s1+$0x66B0]  }
0x5a3: {  	v19 =	vadd.f32 v12, v19;
	v8 =	vadd.f32 v42, v8;
	v42 =	vld [tilespmem:s1+$0x69B0]  }
0x5a4: {  	v9 =	vadd.f32 v50, v9;
	v11 =	vadd.f32 v51, v11;
	v51 =	vld [tilespmem:s1+$0x2740]  }
0x5a5: {  	v50 =	vadd.f32 v21, v63;
	v16 =	vadd.f32 v21, v16;
	v21 =	vld [tilespmem:s1+$0x2940]  }
0x5a6: {  	v27 =	vadd.f32 $0.0e+00, v27;
	v63 =	vld [tilespmem:s1+$0x7D0];
	v14 =	vadd.f32 v23, v14  }
0x5a7: {  	v19 =	vadd.f32 v30, v19;
	v30 =	vld [tilespmem:s1+$0x48C0];
	v1 =	vadd.f32 v24, v1  }
0x5a8: {  	v24 =	vld [tilespmem:s1+$0x67B0];
	v10 =	vadd.f32 $0.0e+00, v10;
	v8 =	vadd.f32 v47, v8  }
0x5a9: {  	v9 =	vadd.f32 v54, v9;
	v55 =	vadd.f32 v55, v11;
	v11 =	vld [tilespmem:s6+$0x186B0]  }
0x5aa: {  	v47 =	vadd.f32 v18, v62;
	v18 =	vld [tilespmem:s1+$0x28C0];
	v50 =	vadd.f32 v26, v50  }
0x5ab: {  	v54 =	vld [tilespmem:s1+$0x69C0];
	v19 =	vadd.f32 v34, v19;
	v12 =	vadd.f32 v12, v14  }
0x5ac: {  	v62 =	vld [tilespmem:s1+$0x750];
	v1 =	vadd.f32 v3, v1;
	v8 =	vadd.f32 v53, v8  }
0x5ad: {  	v34 =	vld [tilespmem:s1+$0x66C0];
	v9 =	vadd.f32 v58, v9;
	v44 =	vadd.f32 v59, v55  }
0x5ae: {  	v14 =	vld [tilespmem:s1+$0x6940];
	v58 =	vsub.f32 $0.0e+00, v7;
	v27 =	vadd.f32 v27, v10  }
0x5af: {  	v3 =	vld [tilespmem:s1+$0x68B0];
	v10 =	vadd.f32 v7, v25;
	v1 =	vadd.f32 v52, v1  }
0x5b0: {  	v59 =	vld [tilespmem:s1+$0x7C0];
	v47 =	vadd.f32 v23, v47;
	v29 =	vadd.f32 v29, v50  }
0x5b1: {  	v25 =	vld [tilespmem:s1+$0x940];
	v8 =	vadd.f32 v57, v8;
	v1 =	vadd.f32 v56, v1  }
0x5b2: {  	v23 =	vld [tilespmem:s1+$0x46C0];
	v19 =	vadd.f32 v38, v19;
	v12 =	vadd.f32 $0.0e+00, v12  }
0x5b3: {  	v9 =	vadd.f32 v44, v9;
	v44 =	vld [tilespmem:s1+$0x840];
	v1 =	vadd.f32 v8, v1  }
0x5b4: {  	v55 =	vld [tilespmem:s1+$0x6A40];
	v28 =	vadd.f32 v28, v47;
	v29 =	vadd.f32 v33, v29  }
0x5b5: {  	v50 =	vld [tilespmem:s1+$0xA50];
	v7 =	vsub.f32 $0.0e+00, v27;
	v1 =	vadd.f32 v9, v1  }
0x5b6: {  	v57 =	vld [tilespmem:s1+$0x740];
	v28 =	vadd.f32 v32, v28;
	v29 =	vadd.f32 v37, v29  }
0x5b7: {  	v7 =	vadd.f32 v7, v1;
	v1 =	vadd.f32 v17, v61;
	v17 =	vld [tilespmem:s1+$0x2840]  }
0x5b8: {  	v52 =	vld [tilespmem:s1+$0x47C0];
	v9 =	vadd.f32 v27, v60;
	v60 =	vadd.f32 $0.0e+00, v44  }
0x5b9: {  	v1 =	vadd.f32 v2, v1;
	v2 =	vadd.f32 v2, v16;
	v16 =	vld [tilespmem:s1+$0x2A40]  }
0x5ba: {  	v47 =	vld [tilespmem:s1+$0x4840];
	v53 =	vadd.f32 v40, v29;
	v40 =	vadd.f32 v20, v60  }
0x5bb: {  	v33 =	vld [tilespmem:s1+$0x4A40];
	v3 =	vadd.f32 v3, v19;
	v1 =	vadd.f32 v13, v1  }
0x5bc: {  	v56 =	vld [tilespmem:s1+$0x6C0];
	v28 =	vadd.f32 v36, v28;
	v40 =	vadd.f32 v17, v40  }
0x5bd: {  	v32 =	vld [tilespmem:s1+$0x49C0];
	v8 =	vadd.f32 v58, v0;
	v1 =	vadd.f32 v31, v1  }
0x5be: {  	v19 =	vld [tilespmem:s1+$0x67C0];
	v24 =	vadd.f32 v24, v28;
	v16 =	vadd.f32 v16, v40  }
0x5bf: {  	v28 =	vadd.f32 v43, v53;
	v1 =	vadd.f32 v35, v1;
	v35 =	vld [tilespmem:s1+$0x6840]  }
0x5c0: {  	v0 =	vld [tilespmem:s1+$0x8C0];
	v2 =	vadd.f32 v26, v2;
	v16 =	vadd.f32 v47, v16  }
0x5c1: {  	v29 =	vld [tilespmem:s1+$0x6740];
	v24 =	vadd.f32 v42, v24;
	v1 =	vadd.f32 v39, v1  }
0x5c2: {  	v36 =	vld [tilespmem:s6+$0x186C0];
	v2 =	vadd.f32 v13, v2;
	v16 =	vadd.f32 v33, v16  }
0x5c3: {  	v27 =	vld [tilespmem:s1+$0x9C0];
	v60 =	vadd.f32 $0.0e+00, v62;
	v1 =	vadd.f32 v41, v1  }
0x5c4: {  	v2 =	vadd.f32 $0.0e+00, v2;
	v41 =	vld [tilespmem:s1+$0x850];
	v16 =	vadd.f32 v35, v16  }
0x5c5: {  	v43 =	vld [tilespmem:s1+$0x9D0];
	v1 =	vadd.f32 v1, v3;
	v3 =	vadd.f32 v28, v24  }
0x5c6: {  	v53 =	vld [tilespmem:s1+$0x27D0];
	v2 =	vadd.f32 v2, v12;
	v55 =	vadd.f32 v55, v16  }
0x5c7: {  	v42 =	vld [tilespmem:s1+$0x7F0];
	v1 =	vadd.f32 v3, v1;
	v3 =	vadd.f32 $0.0e+00, v56  }
0x5c8: {  	v26 =	vld [tilespmem:s1+$0x4740];
	v56 =	vadd.f32 $0.0e+00, v57;
	v57 =	vadd.f32 $0.0e+00, v59  }
0x5c9: {  	v31 =	vld [tilespmem:s1+$0x4940];
	v45 =	vadd.f32 $0.0e+00, v41;
	v46 =	vadd.f32 v41, v60  }
0x5ca: {  	v13 =	vld [tilespmem:s1+$0x68C0];
	v58 =	vadd.f32 v59, v3;
	v61 =	vadd.f32 v44, v56  }
0x5cb: {  	v47 =	vld [tilespmem:s1+$0x6950];
	v3 =	vadd.f32 v0, v3;
	v12 =	vadd.f32 v25, v56  }
0x5cc: {  	v33 =	vld [tilespmem:s1+$0x48D0];
	v37 =	vadd.f32 v27, v57;
	v56 =	vsub.f32 $0.0e+00, v2  }
0x5cd: {  	v35 =	vld [tilespmem:s1+$0x4970];
	v38 =	vadd.f32 v50, v45;
	v0 =	vadd.f32 v0, v58  }
0x5ce: {  	v59 =	vld [tilespmem:s1+$0x6D0];
	v25 =	vadd.f32 v25, v61;
	v3 =	vadd.f32 v49, v3  }
0x5cf: {  	v24 =	vld [tilespmem:s1+$0x49D0];
	v12 =	vadd.f32 v51, v12;
	v37 =	vadd.f32 v15, v37  }
0x5d0: {  	v28 =	vld [tilespmem:s1+$0x67D0];
	v61 =	vadd.f32 $0.0e+00, v63;
	v0 =	vadd.f32 v27, v0  }
0x5d1: {  	v16 =	vld [tilespmem:s1+$0x4950];
	v20 =	vadd.f32 v20, v25;
	v3 =	vadd.f32 v18, v3  }
0x5d2: {  	v41 =	vld [tilespmem:s6+$0x186D0];
	v12 =	vadd.f32 v21, v12;
	v22 =	vadd.f32 v22, v37  }
0x5d3: {  	v45 =	vld [tilespmem:s1+$0x4760];
	v59 =	vadd.f32 $0.0e+00, v59;
	v0 =	vadd.f32 v49, v0  }
0x5d4: {  	v25 =	vld [tilespmem:s1+$0x950];
	v20 =	vadd.f32 v51, v20;
	v3 =	vadd.f32 v23, v3  }
0x5d5: {  	v37 =	vld [tilespmem:s1+$0x28D0];
	v12 =	vadd.f32 v26, v12;
	v22 =	vadd.f32 v52, v22  }
0x5d6: {  	v51 =	vld [tilespmem:s1+$0x26D0];
	v62 =	vadd.f32 v63, v59;
	v0 =	vadd.f32 v15, v0  }
0x5d7: {  	v23 =	vld [tilespmem:s1+$0x2950];
	v17 =	vadd.f32 v17, v20;
	v3 =	vadd.f32 v30, v3  }
0x5d8: {  	v26 =	vld [tilespmem:s1+$0x29D0];
	v12 =	vadd.f32 v31, v12;
	v22 =	vadd.f32 v32, v22  }
0x5d9: {  	v49 =	vld [tilespmem:s1+$0x6A50];
	v27 =	vadd.f32 v48, v62;
	v0 =	vadd.f32 v18, v0  }
0x5da: {  	v52 =	vld [tilespmem:s1+$0x7E0];
	v17 =	vadd.f32 v21, v17;
	v3 =	vadd.f32 v34, v3  }
0x5db: {  	v63 =	vld [tilespmem:s1+$0x68D0];
	v12 =	vadd.f32 v29, v12;
	v19 =	vadd.f32 v19, v22  }
0x5dc: {  	v20 =	vld [tilespmem:s1+$0x2750];
	v34 =	vadd.f32 v43, v61;
	v27 =	vadd.f32 v43, v27  }
0x5dd: {  	v30 =	vld [tilespmem:s1+$0x2A50];
	v0 =	vadd.f32 $0.0e+00, v0;
	v17 =	vadd.f32 $0.0e+00, v17  }
0x5de: {  	v31 =	vld [tilespmem:s1+$0x46D0];
	v3 =	vadd.f32 v13, v3;
	v12 =	vadd.f32 v14, v12  }
0x5df: {  	v32 =	vld [tilespmem:s1+$0x4750];
	v54 =	vadd.f32 v54, v19;
	v14 =	vadd.f32 v2, v11  }
0x5e0: {  	v21 =	vld [tilespmem:s1+$0x2850];
	v11 =	vadd.f32 v56, v1;
	v2 =	vadd.f32 v25, v60  }
0x5e1: {  	v29 =	vld [tilespmem:s1+$0x47D0];
	v25 =	vadd.f32 v25, v46;
	v34 =	vadd.f32 v53, v34  }
0x5e2: {  	v22 =	vld [tilespmem:s1+$0x4850];
	v15 =	vadd.f32 v51, v27;
	v3 =	vadd.f32 v12, v3  }
0x5e3: {  	v61 =	vld [tilespmem:s1+$0x2860];
	v57 =	vadd.f32 v55, v54;
	v0 =	vadd.f32 v17, v0  }
0x5e4: {  	v43 =	vld [tilespmem:s1+$0x870];
	v25 =	vadd.f32 v50, v25;
	v2 =	vadd.f32 v20, v2  }
0x5e5: {  	v1 =	vld [tilespmem:s1+$0x66D0];
	v26 =	vadd.f32 v26, v34;
	v15 =	vadd.f32 v53, v15  }
0x5e6: {  	v19 =	vld [tilespmem:s1+$0x6750];
	v38 =	vadd.f32 v21, v38;
	v58 =	vadd.f32 v57, v3  }
0x5e7: {  	v56 =	vld [tilespmem:s1+$0x9E0];
	v3 =	vsub.f32 $0.0e+00, v0;
	v13 =	vadd.f32 v0, v36  }
0x5e8: {  	v17 =	vld [tilespmem:s1+$0x4A50];
	v0 =	vadd.f32 v48, v59;
	v20 =	vadd.f32 v20, v25  }
0x5e9: {  	v50 =	vld [tilespmem:s1+$0x6E0];
	v2 =	vadd.f32 v23, v2;
	v26 =	vadd.f32 v29, v26  }
0x5ea: {  	v54 =	vld [tilespmem:s1+$0x8E0];
	v30 =	vadd.f32 v30, v38;
	v15 =	vadd.f32 v37, v15  }
0x5eb: {  	v55 =	vld [tilespmem:s1+$0x960];
	v12 =	vadd.f32 v3, v58;
	v0 =	vadd.f32 v51, v0  }
0x5ec: {  	v34 =	vld [tilespmem:s1+$0x48F0];
	v20 =	vadd.f32 v21, v20;
	v2 =	vadd.f32 v32, v2  }
0x5ed: {  	v53 =	vld [tilespmem:s1+$0x860];
	v24 =	vadd.f32 v24, v26;
	v22 =	vadd.f32 v22, v30  }
0x5ee: {  	v48 =	vld [tilespmem:s1+$0x69D0];
	v15 =	vadd.f32 $0.0e+00, v15;
	v46 =	vadd.f32 $0.0e+00, v50  }
0x5ef: {  	v57 =	vld [tilespmem:s1+$0xA60];
	v50 =	vadd.f32 $0.0e+00, v52;
	v0 =	vadd.f32 v37, v0  }
0x5f0: {  	v3 =	vld [tilespmem:s1+$0x6850];
	v2 =	vadd.f32 v16, v2;
	v62 =	vadd.f32 v28, v24  }
0x5f1: {  	v51 =	vld [tilespmem:s1+$0x760];
	v20 =	vadd.f32 v23, v20;
	v17 =	vadd.f32 v17, v22  }
0x5f2: {  	v59 =	vld [tilespmem:s1+$0x2760];
	v25 =	vadd.f32 v52, v46;
	v52 =	vadd.f32 $0.0e+00, v53  }
0x5f3: {  	v38 =	vld [tilespmem:s1+$0x6F0];
	v30 =	vadd.f32 v56, v50;
	v0 =	vadd.f32 v31, v0  }
0x5f4: {  	v58 =	vld [tilespmem:s1+$0x26E0];
	v60 =	vadd.f32 v19, v2;
	v19 =	vadd.f32 v48, v62  }
0x5f5: {  	v26 =	vld [tilespmem:s1+$0x29E0];
	v44 =	vadd.f32 $0.0e+00, v20;
	v3 =	vadd.f32 v3, v17  }
0x5f6: {  	v22 =	vld [tilespmem:s1+$0x27E0];
	v48 =	vadd.f32 $0.0e+00, v51;
	v21 =	vadd.f32 v54, v25  }
0x5f7: {  	v24 =	vld [tilespmem:s1+$0x2960];
	v0 =	vadd.f32 v33, v0;
	v15 =	vadd.f32 v44, v15  }
0x5f8: {  	v37 =	vld [tilespmem:s1+$0x49F0];
	v33 =	vadd.f32 v57, v52;
	v52 =	vadd.f32 $0.0e+00, v38  }
0x5f9: {  	v50 =	vld [tilespmem:s1+$0x27F0];
	v3 =	vadd.f32 v49, v3;
	v18 =	vadd.f32 v53, v48  }
0x5fa: {  	v62 =	vld [tilespmem:s1+$0x69E0];
	v21 =	vadd.f32 v56, v21;
	v0 =	vadd.f32 v1, v0  }
0x5fb: {  	v17 =	vld [tilespmem:s1+$0x28E0];
	v1 =	vadd.f32 v47, v60;
	v30 =	vadd.f32 v22, v30  }
0x5fc: {  	v51 =	vld [tilespmem:s1+$0x48E0];
	v33 =	vadd.f32 v61, v33;
	v28 =	vadd.f32 v15, v41  }
0x5fd: {  	v44 =	vld [tilespmem:s1+$0x8F0];
	v15 =	vsub.f32 $0.0e+00, v15;
	v27 =	vadd.f32 v42, v52  }
0x5fe: {  	v49 =	vld [tilespmem:s1+$0x4860];
	v40 =	vadd.f32 v3, v19;
	v19 =	vadd.f32 v55, v48  }
0x5ff: {  	v53 =	vld [tilespmem:s1+$0x4960];
	v18 =	vadd.f32 v55, v18;
	v21 =	vadd.f32 v58, v21  }
0x600: {  	v47 =	vld [tilespmem:s1+$0x47E0];
	v0 =	vadd.f32 v63, v0;
	v26 =	vadd.f32 v26, v30  }
0x601: {  	v56 =	vld [tilespmem:s1+$0x66E0];
	v18 =	vadd.f32 v57, v18;
	v19 =	vadd.f32 v59, v19  }
0x602: {  	v63 =	vld [tilespmem:s1+$0x2A60];
	v21 =	vadd.f32 v22, v21;
	v27 =	vadd.f32 v44, v27  }
0x603: {  	v60 =	vld [tilespmem:s1+$0x68E0];
	v0 =	vadd.f32 v1, v0;
	v1 =	vadd.f32 v54, v46  }
0x604: {  	v3 =	vld [tilespmem:s1+$0x46E0];
	v16 =	vadd.f32 v59, v18;
	v19 =	vadd.f32 v24, v19  }
0x605: {  	v54 =	vld [tilespmem:s1+$0x49E0];
	v39 =	vadd.f32 v47, v26;
	v1 =	vadd.f32 v58, v1  }
0x606: {  	v55 =	vld [tilespmem:s1+$0x4A60];
	v0 =	vadd.f32 v40, v0;
	v2 =	vadd.f32 v61, v16  }
0x607: {  	v48 =	vld [tilespmem:s1+$0x26F0];
	v23 =	vadd.f32 v63, v33;
	v1 =	vadd.f32 v17, v1  }
0x608: {  	v58 =	vld [tilespmem:s1+$0x67E0];
	v17 =	vadd.f32 v17, v21;
	v0 =	vadd.f32 v15, v0  }
0x609: {  	v40 =	vld [tilespmem:s1+$0x770];
	v15 =	vadd.f32 v44, v52;
	v23 =	vadd.f32 v49, v23  }
0x60a: {  	v57 =	vld [tilespmem:s1+$0x6760];
	v20 =	vadd.f32 v54, v39;
	v2 =	vadd.f32 v24, v2  }
0x60b: {  	v59 =	vld [tilespmem:s1+$0x6860];
	v1 =	vadd.f32 v3, v1;
	v3 =	vadd.f32 v45, v19  }
0x60c: {  	v46 =	vld [tilespmem:s1+$0x9F0];
	v17 =	vadd.f32 $0.0e+00, v17;
	v15 =	vadd.f32 v48, v15  }
0x60d: {  	v47 =	vld [tilespmem:s1+$0xA70];
	v23 =	vadd.f32 v55, v23;
	v20 =	vadd.f32 v58, v20  }
0x60e: {  	v61 =	vld [tilespmem:s1+$0x6960];
	v2 =	vadd.f32 $0.0e+00, v2;
	v54 =	vadd.f32 $0.0e+00, v40  }
0x60f: {  	v63 =	vld [tilespmem:s1+$0x6A60];
	v55 =	vadd.f32 $0.0e+00, v42;
	v1 =	vadd.f32 v51, v1  }
0x610: {  	v45 =	vld [tilespmem:s1+$0x970];
	v3 =	vadd.f32 v53, v3;
	v18 =	vadd.f32 v59, v23  }
0x611: {  	v44 =	vld [tilespmem:s1+$0x67F0];
	v20 =	vadd.f32 v62, v20;
	v2 =	vadd.f32 v2, v17  }
0x612: {  	v49 =	vld [tilespmem:s1+$0x2770];
	v25 =	vadd.f32 v43, v54;
	v24 =	vadd.f32 v46, v55  }
0x613: {  	v39 =	vld [tilespmem:s1+$0x4A70];
	v23 =	vadd.f32 v46, v27;
	v1 =	vadd.f32 v56, v1  }
0x614: {  	v58 =	vld [tilespmem:s1+$0x2A70];
	v3 =	vadd.f32 v57, v3;
	v57 =	vadd.f32 $0.0e+00, v43  }
0x615: {  	v40 =	vld [tilespmem:s1+$0x66F0];
	v18 =	vadd.f32 v63, v18;
	v19 =	vadd.f32 v45, v54  }
0x616: {  	v51 =	vld [tilespmem:s1+$0x2870];
	v25 =	vadd.f32 v45, v25;
	v22 =	vadd.f32 v48, v23  }
0x617: {  	v56 =	vld [tilespmem:s1+$0x29F0];
	v36 =	vadd.f32 v50, v24;
	v1 =	vadd.f32 v60, v1  }
0x618: {  	v53 =	vld [tilespmem:s1+$0x2970];
	v3 =	vadd.f32 v61, v3;
	v62 =	vadd.f32 v47, v57  }
0x619: {  	v61 =	vld [tilespmem:s1+$0x47F0];
	v16 =	vadd.f32 v47, v25;
	v19 =	vadd.f32 v49, v19  }
0x61a: {  	v63 =	vld [tilespmem:s1+$0x4870];
	v1 =	vadd.f32 v3, v1;
	v3 =	vadd.f32 v18, v20  }
0x61b: {  	v42 =	vld [tilespmem:s1+$0x6770];
	v38 =	vadd.f32 v51, v62;
	v16 =	vadd.f32 v49, v16  }
0x61c: {  	v43 =	vadd.f32 v56, v36;
	v1 =	vadd.f32 v3, v1;
	v3 =	vld [tilespmem:s1+$0x28F0]  }
0x61d: {  	vm1 =	vgt.f32 v6, $0.0e+00;
	v60 =	vld [tilespmem:s1+$0x4770];
	v18 =	vadd.f32 v50, v22;
	v6 =	vadd.f32 v58, v38  }
0x61e: {  	v59 =	vld [tilespmem:s1+$0x46F0];
	v16 =	vadd.f32 v51, v16;
	v17 =	vadd.f32 v61, v43  }
0x61f: {  	v46 =	vsel vm1, $0x3F800000, v4;
	v45 =	vld [tilespmem:s1+$0x6870];
	v41 =	vadd.f32 v53, v19;
	v6 =	vadd.f32 v63, v6  }
0x620: {  	vm1 =	vgt.f32 v10, $0.0e+00;
	v55 =	vld [tilespmem:s6+$0x186E0];
	v16 =	vadd.f32 v53, v16;
	v17 =	vadd.f32 v37, v17  }
0x621: {  	v50 =	vsel vm1, $0x3F800000, v4;
	v51 =	vld [tilespmem:s1+$0x69F0];
	v6 =	vadd.f32 v39, v6;
	v15 =	vadd.f32 v3, v15  }
0x622: {  	[tilespmem:s1+$0x1AD80] =	vst v46;
	v47 =	vld [tilespmem:s1+$0x68F0];
	vm1 =	vgt.f32 v9, $0.0e+00;
	v3 =	vadd.f32 v3, v18;
	v18 =	vadd.f32 v60, v41  }
0x623: {  	[tilespmem:s6+$0x18680] =	vst v5;
	v54 =	vsel vm1, $0x3F800000, v4;
	v53 =	vld [tilespmem:s1+$0x6A70];
	v17 =	vadd.f32 v44, v17;
	v15 =	vadd.f32 v59, v15  }
0x624: {  	v49 =	vld [tilespmem:s1+$0x6970];
	vm1 =	vgt.f32 v14, $0.0e+00;
	[tilespmem:s1+$0x1ADA0] =	vst v54;
	v56 =	vadd.f32 $0.0e+00, v16;
	v6 =	vadd.f32 v45, v6  }
0x625: {  	[tilespmem:s6+$0x186A0] =	vst v7;
	v7 =	vsel vm1, $0x3F800000, v4;
	v5 =	vadd.f32 v35, v18;
	v48 =	vadd.f32 v34, v15  }
0x626: {  	[tilespmem:s1+$0x1ADB0] =	vst v7;
	v3 =	vadd.f32 $0.0e+00, v3;
	v7 =	vadd.f32 v51, v17  }
0x627: {  	v57 =	vld [tilespmem:s6+$0x186F0];
	[tilespmem:s1+$0x1AD90] =	vst v50;
	v5 =	vadd.f32 v42, v5;
	v52 =	vadd.f32 v40, v48  }
0x628: {  	[tilespmem:s6+$0x18690] =	vst v8;
	vm1 =	vgt.f32 v13, $0.0e+00;
	v59 =	vadd.f32 v2, v55;
	v6 =	vadd.f32 v53, v6  }
0x629: {  	v58 =	vsel vm1, $0x3F800000, v4;
	[tilespmem:s6+$0x186B0] =	vst v11;
	v5 =	vadd.f32 v49, v5;
	v9 =	vadd.f32 v47, v52  }
0x62a: {  	vm1 =	vgt.f32 v28, $0.0e+00;
	[tilespmem:s1+$0x1ADC0] =	vst v58;
	v2 =	vsub.f32 $0.0e+00, v2;
	v3 =	vadd.f32 v56, v3  }
0x62b: {  	[tilespmem:s6+$0x186C0] =	vst v12;
	v6 =	vadd.f32 v6, v7;
	v7 =	vsel vm1, $0x3F800000, v4;
	v5 =	vadd.f32 v5, v9  }
0x62c: {  	p0 =	slt.u32 s0, $0x38;
	v1 =	vadd.f32 v2, v1;
	vm1 =	vgt.f32 v59, $0.0e+00;
	[tilespmem:s1+$0x1ADD0] =	vst v7;
	v60 =	vadd.f32 v3, v57  }
.Ltmp5:
0x62d: {  	v61 =	vsel vm1, $0x3F800000, v4;
	v3 =	vsub.f32 $0.0e+00, v3;
	[tilespmem:s6+$0x186D0] =	vst v0;
	v5 =	vadd.f32 v6, v5;
	(pc) =	sbr.rel @p0 .LBB2_12-.Ltmp5, $4  }
0x62e: {  	[tilespmem:s1+$0x1ADE0] =	vst v61;
	vm1 =	vgt.f32 v60, $0.0e+00  }
0x62f: {  	[tilespmem:s6+$0x186E0] =	vst v1;
	v62 =	vsel vm1, $0x3F800000, v4;
	v63 =	vadd.f32 v3, v5  }
0x630: {  	s31 =	sadd.s32 $0x8, s0;
	[tilespmem:s1+$0x1ADF0] =	vst v62  }
0x631: {  	s0 =	smov.u32 s31;
	[tilespmem:s6+$0x186F0] =	vst v63  }
0x632: {  	s0 =	simm.s32 $0x0;
	s3 =	rddreg [dreg:$0x8];
	s1 =	simm.s32 $0x1AD80  }
0x633: {  	[hbm4b:s3+s0] =	stream.linear.scatter [tilespmem:s1], [sflag:$0x4], $0x80, $0x38;
	[tilespmem:$0x1CA80] =	vst v63  }
0x634: {  	s4 =	simm.s32 $0x1B180;
	s16 =	sadd.s32 $0x80, s3  }
0x635: {  	[hbm4b:s16+s0] =	stream.linear.scatter [tilespmem:s4], [sflag:$0x4], $0x80, $0x38;
	[tilespmem:$0x1CA80] =	vst v63  }
0x636: {  	s18 =	simm.s32 $0x1B580;
	s17 =	sadd.s32 $0x100, s3  }
0x637: {  	[hbm4b:s17+s0] =	stream.linear.scatter [tilespmem:s18], [sflag:$0x4], $0x80, $0x38;
	[tilespmem:$0x1CA80] =	vst v63  }
0x638: {  	s20 =	simm.s32 $0x1B980;
	s19 =	sadd.s32 $0x180, s3  }
0x639: {  	[hbm4b:s19+s0] =	stream.linear.scatter [tilespmem:s20], [sflag:$0x4], $0x80, $0x38;
	[tilespmem:$0x1CA80] =	vst v63  }
0x63a: {  	s22 =	simm.s32 $0x1BD80;
	s21 =	sadd.s32 $0x200, s3  }
0x63b: {  	[hbm4b:s21+s0] =	stream.linear.scatter [tilespmem:s22], [sflag:$0x4], $0x80, $0x38;
	[tilespmem:$0x1CA80] =	vst v63  }
0x63c: {  	s24 =	simm.s32 $0x1C180;
	s23 =	sadd.s32 $0x280, s3  }
0x63d: {  	[hbm4b:s23+s0] =	stream.linear.scatter [tilespmem:s24], [sflag:$0x4], $0x80, $0x38;
	[tilespmem:$0x1CA80] =	vst v63  }
0x63e: {  	s26 =	simm.s32 $0x1C580;
	s25 =	sadd.s32 $0x300, s3  }
0x63f: {  	[hbm4b:s25+s0] =	stream.linear.scatter [tilespmem:s26], [sflag:$0x4], $0x80, $0x38;
	[tilespmem:$0x1CA80] =	vst v63  }
0x640: {  	s30 =	simm.s32 $0x1C980;
	s31 =	simm.s32 $0x2;
	s29 =	sadd.s32 $0x380, s3  }
0x641: {  	[hbm4b:s29+s0] =	stream.linear.scatter [tilespmem:s30], [sflag:$0x4], $0x80, $0x38;
	[tilespmem:$0x1CA80] =	vst v63  }
0x642: {  	_ =	swait.ge [sflag:s31], $0x8000  }
0x643: {  	[sflag:s31] =	ssyncset.done $0x0  }
0x644: {  	s4 =	simm.s32 $0x0;
	[sflag:s31] =	ssyncadd.s32 $0xFFFF8000  }
.LBB2_14:
0x645: {  	s1 =	sshll.u32 s0, $0x7  }
0x646: {  	v0 =	vld [tilespmem:s1+$0x8680]  }
0x647: {  	v1 =	vld [tilespmem:s1+$0x8700]  }
0x648: {  	v2 =	vld [tilespmem:s1+$0x8780]  }
0x649: {  	v3 =	vld [tilespmem:s1+$0x8800]  }
0x64a: {  	v5 =	vld [tilespmem:s1+$0x8880]  }
0x64b: {  	v6 =	vld [tilespmem:s1+$0x8900]  }
0x64c: {  	v7 =	vld [tilespmem:s1+$0x8980]  }
0x64d: {  	v8 =	vld [tilespmem:s1+$0x8A00]  }
0x64e: {  	v10 =	vld [tilespmem:s1+$0xA680]  }
0x64f: {  	v12 =	vld [tilespmem:s1+$0xA700]  }
0x650: {  	v13 =	vld [tilespmem:s1+$0xA780]  }
0x651: {  	v30 =	vld [tilespmem:s1+$0xA880]  }
0x652: {  	v31 =	vld [tilespmem:s1+$0xA900]  }
0x653: {  	v48 =	vld [tilespmem:s1+$0x8710]  }
0x654: {  	v49 =	vld [tilespmem:s1+$0x8790]  }
0x655: {  	v50 =	vld [tilespmem:s1+$0x8810]  }
0x656: {  	v32 =	vld [tilespmem:s1+$0xA980]  }
0x657: {  	v33 =	vld [tilespmem:s1+$0xAA00];
	v0 =	vadd.f32 $0.0e+00, v0  }
0x658: {  	v34 =	vld [tilespmem:s1+$0xC680];
	v1 =	vadd.f32 $0.0e+00, v1;
	v9 =	vadd.f32 $0.0e+00, v2  }
0x659: {  	v35 =	vld [tilespmem:s1+$0xC700];
	v11 =	vadd.f32 $0.0e+00, v3;
	v52 =	vadd.f32 $0.0e+00, v48  }
0x65a: {  	v36 =	vld [tilespmem:s1+$0xC800];
	v54 =	vadd.f32 $0.0e+00, v49;
	v56 =	vadd.f32 $0.0e+00, v50  }
0x65b: {  	v37 =	vld [tilespmem:s1+$0xC880];
	v2 =	vadd.f32 v2, v0;
	v3 =	vadd.f32 v3, v1  }
0x65c: {  	v38 =	vld [tilespmem:s1+$0xC900];
	v0 =	vadd.f32 v5, v0;
	v1 =	vadd.f32 v6, v1  }
0x65d: {  	v53 =	vld [tilespmem:s1+$0x8990];
	v2 =	vadd.f32 v5, v2;
	v3 =	vadd.f32 v6, v3  }
0x65e: {  	v39 =	vld [tilespmem:s1+$0xC980];
	v6 =	vadd.f32 v7, v9;
	v0 =	vadd.f32 v10, v0  }
0x65f: {  	v40 =	vld [tilespmem:s1+$0xCA00];
	v1 =	vadd.f32 v12, v1;
	v2 =	vadd.f32 v7, v2  }
0x660: {  	v58 =	vld [tilespmem:s1+$0xA790];
	v7 =	vadd.f32 v8, v11;
	v3 =	vadd.f32 v8, v3  }
0x661: {  	v5 =	vld [tilespmem:s1+$0xA800];
	v6 =	vadd.f32 v13, v6;
	v0 =	vadd.f32 v30, v0  }
0x662: {  	v41 =	vld [tilespmem:s1+$0xE680];
	v1 =	vadd.f32 v31, v1;
	v11 =	vadd.f32 v53, v54  }
0x663: {  	v55 =	vld [tilespmem:s1+$0x8A10];
	v2 =	vadd.f32 v10, v2;
	v3 =	vadd.f32 v12, v3  }
0x664: {  	v62 =	vld [tilespmem:s1+$0xA990];
	v6 =	vadd.f32 v32, v6;
	v0 =	vadd.f32 v34, v0  }
0x665: {  	v44 =	vld [tilespmem:s1+$0xE880];
	v1 =	vadd.f32 v35, v1;
	v10 =	vadd.f32 v50, v52  }
0x666: {  	v59 =	vld [tilespmem:s1+$0xA810];
	v11 =	vadd.f32 v58, v11;
	v7 =	vadd.f32 v5, v7  }
0x667: {  	v18 =	vld [tilespmem:s1+$0xC790];
	v2 =	vadd.f32 v13, v2;
	v3 =	vadd.f32 v5, v3  }
0x668: {  	v63 =	vld [tilespmem:s1+$0xAA10];
	v0 =	vadd.f32 v37, v0;
	v1 =	vadd.f32 v38, v1  }
0x669: {  	v22 =	vld [tilespmem:s1+$0xC990];
	v13 =	vadd.f32 v55, v56;
	v11 =	vadd.f32 v62, v11  }
0x66a: {  	v5 =	vld [tilespmem:s1+$0xC780];
	v7 =	vadd.f32 v33, v7;
	v2 =	vadd.f32 v30, v2  }
0x66b: {  	v19 =	vld [tilespmem:s1+$0xC810];
	v3 =	vadd.f32 v31, v3;
	v0 =	vadd.f32 v41, v0  }
0x66c: {  	v26 =	vld [tilespmem:s1+$0xE790];
	v13 =	vadd.f32 v59, v13;
	v11 =	vadd.f32 v18, v11  }
0x66d: {  	v42 =	vld [tilespmem:s1+$0xE780];
	v2 =	vadd.f32 v32, v2;
	v3 =	vadd.f32 v33, v3  }
0x66e: {  	v23 =	vld [tilespmem:s1+$0xCA10];
	v0 =	vadd.f32 v44, v0;
	v13 =	vadd.f32 v63, v13  }
0x66f: {  	v30 =	vld [tilespmem:s1+$0xE990];
	v11 =	vadd.f32 v22, v11;
	v6 =	vadd.f32 v5, v6  }
0x670: {  	v43 =	vld [tilespmem:s1+$0xE800];
	v2 =	vadd.f32 v34, v2;
	v3 =	vadd.f32 v35, v3  }
0x671: {  	v46 =	vld [tilespmem:s1+$0xE980];
	v13 =	vadd.f32 v19, v13;
	v11 =	vadd.f32 v26, v11  }
0x672: {  	v27 =	vld [tilespmem:s1+$0xE810];
	v6 =	vadd.f32 v39, v6;
	v2 =	vadd.f32 v5, v2  }
0x673: {  	v31 =	vld [tilespmem:s1+$0xEA10];
	v5 =	vadd.f32 v36, v7;
	v3 =	vadd.f32 v36, v3  }
0x674: {  	v34 =	vld [tilespmem:s1+$0x86A0];
	v13 =	vadd.f32 v23, v13;
	v11 =	vadd.f32 v30, v11  }
0x675: {  	v7 =	vld [tilespmem:s1+$0xE700];
	v6 =	vadd.f32 v42, v6;
	v2 =	vadd.f32 v37, v2  }
0x676: {  	v45 =	vld [tilespmem:s1+$0xE900];
	v3 =	vadd.f32 v38, v3;
	v5 =	vadd.f32 v40, v5  }
0x677: {  	v47 =	vld [tilespmem:s1+$0xEA00];
	v13 =	vadd.f32 v27, v13;
	v6 =	vadd.f32 v46, v6  }
0x678: {  	v2 =	vadd.f32 v39, v2;
	v3 =	vadd.f32 v40, v3  }
0x679: {  	v35 =	vld [tilespmem:s1+$0x8720];
	v5 =	vadd.f32 v43, v5;
	v13 =	vadd.f32 v31, v13  }
0x67a: {  	v40 =	vadd.f32 $0.0e+00, v34;
	v1 =	vadd.f32 v7, v1  }
0x67b: {  	v2 =	vadd.f32 v41, v2;
	v3 =	vadd.f32 v7, v3;
	v7 =	vld [tilespmem:s1+$0x8690]  }
0x67c: {  	v36 =	vld [tilespmem:s1+$0x8820];
	v5 =	vadd.f32 v47, v5;
	v1 =	vadd.f32 v45, v1  }
0x67d: {  	v2 =	vadd.f32 v42, v2;
	v3 =	vadd.f32 v43, v3  }
0x67e: {  	v51 =	vadd.f32 v5, v6;
	v5 =	vld [tilespmem:s1+$0x8890];
	v42 =	vadd.f32 $0.0e+00, v35  }
0x67f: {  	v14 =	vld [tilespmem:s1+$0xA690];
	v0 =	vadd.f32 v1, v0;
	v2 =	vadd.f32 v44, v2  }
0x680: {  	s3 =	sshll.u32 s0, $0x4;
	v15 =	vld [tilespmem:s1+$0x8920];
	v3 =	vadd.f32 v45, v3;
	v6 =	vadd.f32 $0.0e+00, v7  }
0x681: {  	s6 =	sand.u32 $0x3FFFFFF0, s3;
	v45 =	vadd.f32 $0.0e+00, v36;
	v7 =	vld [tilespmem:s1+$0x8910];
	v2 =	vadd.f32 v46, v2  }
0x682: {  	v32 =	vld [tilespmem:s6+$0x18680];
	v3 =	vadd.f32 v47, v3;
	v9 =	vadd.f32 v49, v6  }
0x683: {  	v60 =	vld [tilespmem:s1+$0xA890];
	v0 =	vadd.f32 v51, v0;
	v6 =	vadd.f32 v5, v6  }
0x684: {  	v57 =	vld [tilespmem:s1+$0xA710];
	v2 =	vadd.f32 v3, v2;
	v5 =	vadd.f32 v5, v9  }
0x685: {  	v16 =	vld [tilespmem:s1+$0xC690];
	v6 =	vadd.f32 v14, v6;
	v9 =	vadd.f32 v15, v42  }
0x686: {  	v3 =	vld [tilespmem:s1+$0x87A0];
	v1 =	vadd.f32 v7, v52;
	v7 =	vadd.f32 v7, v10  }
0x687: {  	v61 =	vld [tilespmem:s1+$0xA910];
	v8 =	vadd.f32 v2, v32;
	v2 =	vsub.f32 $0.0e+00, v2  }
0x688: {  	v20 =	vld [tilespmem:s1+$0xC890];
	v5 =	vadd.f32 v53, v5;
	v6 =	vadd.f32 v60, v6  }
0x689: {  	v17 =	vld [tilespmem:s1+$0xC710];
	v7 =	vadd.f32 v55, v7;
	v1 =	vadd.f32 v57, v1  }
0x68a: {  	v37 =	vld [tilespmem:s1+$0x88A0];
	v5 =	vadd.f32 v14, v5;
	v6 =	vadd.f32 v16, v6  }
0x68b: {  	v21 =	vld [tilespmem:s1+$0xC910];
	v43 =	vadd.f32 $0.0e+00, v3;
	v3 =	vadd.f32 v3, v40  }
0x68c: {  	v24 =	vld [tilespmem:s1+$0xE690];
	v7 =	vadd.f32 v57, v7;
	v1 =	vadd.f32 v61, v1  }
0x68d: {  	v25 =	vld [tilespmem:s1+$0xE710];
	v5 =	vadd.f32 v58, v5;
	v6 =	vadd.f32 v20, v6  }
0x68e: {  	v28 =	vld [tilespmem:s1+$0xE890];
	v7 =	vadd.f32 v59, v7;
	v1 =	vadd.f32 v17, v1  }
0x68f: {  	v29 =	vld [tilespmem:s1+$0xE910];
	v3 =	vadd.f32 v37, v3;
	v5 =	vadd.f32 v60, v5  }
0x690: {  	v39 =	vld [tilespmem:s1+$0x89A0];
	v7 =	vadd.f32 v61, v7;
	v1 =	vadd.f32 v21, v1  }
0x691: {  	v6 =	vadd.f32 v24, v6;
	v5 =	vadd.f32 v62, v5  }
0x692: {  	v7 =	vadd.f32 v63, v7;
	v1 =	vadd.f32 v25, v1  }
0x693: {  	v48 =	vld [tilespmem:s1+$0xA920];
	v6 =	vadd.f32 v28, v6;
	v5 =	vadd.f32 v16, v5  }
0x694: {  	v54 =	vld [tilespmem:s1+$0xC820];
	v7 =	vadd.f32 v17, v7;
	v1 =	vadd.f32 v29, v1  }
0x695: {  	v41 =	vld [tilespmem:s1+$0x8A20];
	v10 =	vadd.f32 v39, v43;
	v5 =	vadd.f32 v18, v5  }
0x696: {  	v16 =	vld [tilespmem:s1+$0xA720];
	v7 =	vadd.f32 v19, v7;
	v1 =	vadd.f32 v1, v6  }
0x697: {  	v17 =	vld [tilespmem:s1+$0xA7A0];
	v6 =	vadd.f32 v13, v11;
	v11 =	vadd.f32 v36, v42  }
0x698: {  	v44 =	vld [tilespmem:s1+$0xA6A0];
	v5 =	vadd.f32 v20, v5;
	v7 =	vadd.f32 v21, v7  }
0x699: {  	v46 =	vld [tilespmem:s1+$0xA820];
	v1 =	vadd.f32 v6, v1;
	v6 =	vadd.f32 v2, v0  }
0x69a: {  	v50 =	vld [tilespmem:s1+$0xAA20];
	v11 =	vadd.f32 v15, v11;
	v0 =	vadd.f32 v39, v3  }
0x69b: {  	v49 =	vld [tilespmem:s1+$0xA9A0];
	v3 =	vadd.f32 v41, v45;
	v9 =	vadd.f32 v16, v9  }
0x69c: {  	v56 =	vld [tilespmem:s1+$0xC920];
	v5 =	vadd.f32 v22, v5;
	v10 =	vadd.f32 v17, v10  }
0x69d: {  	v52 =	vld [tilespmem:s1+$0xC720];
	v7 =	vadd.f32 v23, v7;
	v2 =	vadd.f32 v41, v11  }
0x69e: {  	v53 =	vld [tilespmem:s1+$0xC7A0];
	v0 =	vadd.f32 v44, v0;
	v3 =	vadd.f32 v46, v3  }
0x69f: {  	v33 =	vld [tilespmem:s6+$0x18690];
	v9 =	vadd.f32 v48, v9;
	v5 =	vadd.f32 v24, v5  }
0x6a0: {  	v47 =	vld [tilespmem:s1+$0xA8A0];
	v10 =	vadd.f32 v49, v10;
	v7 =	vadd.f32 v25, v7  }
0x6a1: {  	v57 =	vld [tilespmem:s1+$0xC9A0];
	v2 =	vadd.f32 v16, v2;
	v0 =	vadd.f32 v17, v0  }
0x6a2: {  	v23 =	vld [tilespmem:s1+$0x86B0];
	v3 =	vadd.f32 v50, v3;
	v9 =	vadd.f32 v52, v9  }
0x6a3: {  	v58 =	vld [tilespmem:s1+$0xCA20];
	v5 =	vadd.f32 v26, v5;
	v10 =	vadd.f32 v53, v10  }
0x6a4: {  	v60 =	vld [tilespmem:s1+$0xE720];
	v7 =	vadd.f32 v27, v7;
	v2 =	vadd.f32 v46, v2  }
0x6a5: {  	v61 =	vld [tilespmem:s1+$0xE7A0];
	v0 =	vadd.f32 v47, v0;
	v3 =	vadd.f32 v54, v3  }
0x6a6: {  	v25 =	vld [tilespmem:s1+$0x87B0];
	v9 =	vadd.f32 v56, v9;
	v5 =	vadd.f32 v28, v5  }
0x6a7: {  	v51 =	vld [tilespmem:s1+$0xC6A0];
	v10 =	vadd.f32 v57, v10;
	v28 =	vadd.f32 $0.0e+00, v23  }
0x6a8: {  	v62 =	vld [tilespmem:s1+$0xE820];
	v7 =	vadd.f32 v29, v7;
	v2 =	vadd.f32 v48, v2  }
0x6a9: {  	v20 =	vld [tilespmem:s1+$0xE920];
	v0 =	vadd.f32 v49, v0;
	v3 =	vadd.f32 v58, v3  }
0x6aa: {  	v21 =	vld [tilespmem:s1+$0xE9A0];
	v9 =	vadd.f32 v60, v9;
	v5 =	vadd.f32 v30, v5  }
0x6ab: {  	v35 =	vld [tilespmem:s1+$0xA7B0];
	v10 =	vadd.f32 v61, v10;
	v14 =	vadd.f32 v25, v28  }
0x6ac: {  	v22 =	vld [tilespmem:s1+$0xEA20];
	v7 =	vadd.f32 v31, v7;
	v2 =	vadd.f32 v50, v2  }
0x6ad: {  	v55 =	vld [tilespmem:s1+$0xC8A0];
	v0 =	vadd.f32 v51, v0;
	v3 =	vadd.f32 v62, v3  }
0x6ae: {  	v26 =	vld [tilespmem:s1+$0x8830];
	v9 =	vadd.f32 v20, v9;
	v31 =	vadd.f32 $0.0e+00, v25  }
0x6af: {  	v27 =	vld [tilespmem:s1+$0x88B0];
	v10 =	vadd.f32 v21, v10;
	v5 =	vadd.f32 v7, v5  }
0x6b0: {  	v30 =	vld [tilespmem:s1+$0x89B0];
	v2 =	vadd.f32 v52, v2;
	v0 =	vadd.f32 v53, v0  }
0x6b1: {  	v32 =	vld [tilespmem:s1+$0x8A30];
	v3 =	vadd.f32 v22, v3;
	v38 =	vsub.f32 $0.0e+00, v5  }
0x6b2: {  	v43 =	vld [tilespmem:s1+$0xC7B0];
	v7 =	vadd.f32 v5, v33;
	v2 =	vadd.f32 v54, v2  }
0x6b3: {  	v18 =	vld [tilespmem:s1+$0xA6B0];
	v0 =	vadd.f32 v55, v0;
	v3 =	vadd.f32 v3, v10  }
0x6b4: {  	v59 =	vld [tilespmem:s1+$0xE6A0];
	v33 =	vadd.f32 $0.0e+00, v26;
	v10 =	vadd.f32 v27, v28  }
0x6b5: {  	v36 =	vld [tilespmem:s1+$0xA830];
	v15 =	vadd.f32 v30, v31;
	v5 =	vadd.f32 v38, v1  }
0x6b6: {  	v39 =	vld [tilespmem:s1+$0xA9B0];
	v1 =	vadd.f32 v37, v40;
	v2 =	vadd.f32 v56, v2  }
0x6b7: {  	v63 =	vld [tilespmem:s1+$0xE8A0];
	v0 =	vadd.f32 v57, v0;
	v17 =	vadd.f32 v32, v33  }
0x6b8: {  	v37 =	vld [tilespmem:s1+$0xA8B0];
	v10 =	vadd.f32 v18, v10;
	v15 =	vadd.f32 v35, v15  }
0x6b9: {  	v40 =	vld [tilespmem:s1+$0xAA30];
	v1 =	vadd.f32 v44, v1;
	v2 =	vadd.f32 v58, v2  }
0x6ba: {  	v41 =	vld [tilespmem:s1+$0xC6B0];
	v0 =	vadd.f32 v59, v0;
	v17 =	vadd.f32 v36, v17  }
0x6bb: {  	v15 =	vadd.f32 v39, v15;
	v44 =	vld [tilespmem:s1+$0xC830];
	v1 =	vadd.f32 v47, v1  }
0x6bc: {  	v45 =	vld [tilespmem:s1+$0xC8B0];
	v2 =	vadd.f32 v60, v2;
	v0 =	vadd.f32 v61, v0  }
0x6bd: {  	v48 =	vld [tilespmem:s1+$0xCA30];
	v15 =	vadd.f32 v43, v15;
	v10 =	vadd.f32 v37, v10  }
0x6be: {  	v47 =	vld [tilespmem:s1+$0xC9B0];
	v17 =	vadd.f32 v40, v17;
	v1 =	vadd.f32 v51, v1  }
0x6bf: {  	v49 =	vld [tilespmem:s1+$0xE6B0];
	v2 =	vadd.f32 v62, v2;
	v0 =	vadd.f32 v63, v0  }
0x6c0: {  	v52 =	vld [tilespmem:s1+$0xE830];
	v10 =	vadd.f32 v41, v10;
	v17 =	vadd.f32 v44, v17  }
0x6c1: {  	v51 =	vld [tilespmem:s1+$0xE7B0];
	v1 =	vadd.f32 v55, v1;
	v2 =	vadd.f32 v20, v2  }
0x6c2: {  	v34 =	vld [tilespmem:s1+$0xA730];
	v0 =	vadd.f32 v21, v0;
	v10 =	vadd.f32 v45, v10  }
0x6c3: {  	v55 =	vld [tilespmem:s1+$0xE9B0];
	v15 =	vadd.f32 v47, v15;
	v1 =	vadd.f32 v59, v1  }
0x6c4: {  	v56 =	vld [tilespmem:s1+$0xEA30];
	v17 =	vadd.f32 v48, v17;
	v2 =	vadd.f32 v22, v2  }
0x6c5: {  	v24 =	vld [tilespmem:s1+$0x8730];
	v10 =	vadd.f32 v49, v10;
	v1 =	vadd.f32 v63, v1  }
0x6c6: {  	v53 =	vld [tilespmem:s1+$0xE8B0];
	v15 =	vadd.f32 v51, v15;
	v17 =	vadd.f32 v52, v17  }
0x6c7: {  	v29 =	vld [tilespmem:s1+$0x8930];
	v0 =	vadd.f32 v2, v0;
	v1 =	vadd.f32 v9, v1  }
0x6c8: {  	v59 =	vld [tilespmem:s1+$0x86C0];
	v15 =	vadd.f32 v55, v15;
	v9 =	vadd.f32 v27, v14  }
0x6c9: {  	v42 =	vld [tilespmem:s1+$0xC730];
	v17 =	vadd.f32 v56, v17;
	v1 =	vadd.f32 v3, v1  }
0x6ca: {  	v60 =	vld [tilespmem:s1+$0x8740];
	v3 =	vadd.f32 $0.0e+00, v24;
	v9 =	vadd.f32 v30, v9  }
0x6cb: {  	v38 =	vld [tilespmem:s1+$0xA930];
	v10 =	vadd.f32 v53, v10;
	v62 =	vadd.f32 v17, v15  }
0x6cc: {  	v63 =	vld [tilespmem:s1+$0x8840];
	v13 =	vadd.f32 v26, v3;
	v9 =	vadd.f32 v18, v9  }
0x6cd: {  	v19 =	vld [tilespmem:s1+$0x8940];
	v27 =	vadd.f32 $0.0e+00, v59;
	v3 =	vadd.f32 v29, v3  }
0x6ce: {  	v46 =	vld [tilespmem:s1+$0xC930];
	v12 =	vadd.f32 v29, v13;
	v9 =	vadd.f32 v35, v9  }
0x6cf: {  	v50 =	vld [tilespmem:s1+$0xE730];
	v3 =	vadd.f32 v34, v3;
	v29 =	vadd.f32 $0.0e+00, v60  }
0x6d0: {  	v20 =	vld [tilespmem:s1+$0xA740];
	v12 =	vadd.f32 v32, v12;
	v9 =	vadd.f32 v37, v9  }
0x6d1: {  	v54 =	vld [tilespmem:s1+$0xE930];
	v3 =	vadd.f32 v38, v3;
	v32 =	vadd.f32 $0.0e+00, v63  }
0x6d2: {  	v57 =	vld [tilespmem:s6+$0x186A0];
	v15 =	vadd.f32 v63, v29;
	v13 =	vadd.f32 v19, v29  }
0x6d3: {  	v28 =	vld [tilespmem:s1+$0x8A40];
	v12 =	vadd.f32 v34, v12;
	v9 =	vadd.f32 v39, v9  }
0x6d4: {  	v35 =	vld [tilespmem:s1+$0xA940];
	v3 =	vadd.f32 v42, v3;
	v15 =	vadd.f32 v19, v15  }
0x6d5: {  	v31 =	vld [tilespmem:s1+$0xA6C0];
	v13 =	vadd.f32 v20, v13;
	v11 =	vadd.f32 v36, v12  }
0x6d6: {  	v39 =	vld [tilespmem:s1+$0xC740];
	v9 =	vadd.f32 v41, v9;
	v3 =	vadd.f32 v46, v3  }
0x6d7: {  	v33 =	vld [tilespmem:s1+$0xA840];
	v12 =	vadd.f32 v0, v57;
	v0 =	vsub.f32 $0.0e+00, v0  }
0x6d8: {  	v24 =	vld [tilespmem:s1+$0x88C0];
	v11 =	vadd.f32 v38, v11;
	v9 =	vadd.f32 v43, v9  }
0x6d9: {  	v13 =	vadd.f32 v35, v13;
	v3 =	vadd.f32 v50, v3;
	v43 =	vld [tilespmem:s1+$0xC940]  }
0x6da: {  	v58 =	vld [tilespmem:s6+$0x186B0];
	v11 =	vadd.f32 v40, v11;
	v9 =	vadd.f32 v45, v9  }
0x6db: {  	v21 =	vld [tilespmem:s1+$0xA7C0];
	v13 =	vadd.f32 v39, v13;
	v3 =	vadd.f32 v54, v3  }
0x6dc: {  	v34 =	vld [tilespmem:s1+$0xA8C0];
	v11 =	vadd.f32 v42, v11;
	v9 =	vadd.f32 v47, v9  }
0x6dd: {  	v61 =	vadd.f32 v3, v10;
	v3 =	vld [tilespmem:s1+$0x87C0];
	v10 =	vadd.f32 v0, v1  }
0x6de: {  	v1 =	vadd.f32 v24, v27;
	v47 =	vld [tilespmem:s1+$0xE740];
	v13 =	vadd.f32 v43, v13  }
0x6df: {  	v26 =	vld [tilespmem:s1+$0x89C0];
	v11 =	vadd.f32 v44, v11;
	v9 =	vadd.f32 v49, v9  }
0x6e0: {  	v38 =	vld [tilespmem:s1+$0xC6C0];
	v2 =	vadd.f32 v62, v61;
	v1 =	vadd.f32 v31, v1  }
0x6e1: {  	v57 =	vld [tilespmem:s1+$0x8850];
	v11 =	vadd.f32 v46, v11;
	v9 =	vadd.f32 v51, v9  }
0x6e2: {  	v37 =	vld [tilespmem:s1+$0xAA40];
	v1 =	vadd.f32 v34, v1;
	v30 =	vadd.f32 $0.0e+00, v3  }
0x6e3: {  	v42 =	vld [tilespmem:s1+$0xC8C0];
	v3 =	vadd.f32 v3, v27;
	v13 =	vadd.f32 v47, v13  }
0x6e4: {  	v63 =	vld [tilespmem:s1+$0x8A50];
	v11 =	vadd.f32 v48, v11;
	v9 =	vadd.f32 v53, v9  }
0x6e5: {  	v51 =	vld [tilespmem:s1+$0xE940];
	v1 =	vadd.f32 v38, v1;
	v3 =	vadd.f32 v24, v3  }
0x6e6: {  	v46 =	vld [tilespmem:s1+$0xE6C0];
	v14 =	vadd.f32 v26, v30;
	v24 =	vadd.f32 $0.0e+00, v57  }
0x6e7: {  	v36 =	vld [tilespmem:s1+$0xA9C0];
	v11 =	vadd.f32 v50, v11;
	v9 =	vadd.f32 v55, v9  }
0x6e8: {  	v41 =	vld [tilespmem:s1+$0xC840];
	v1 =	vadd.f32 v42, v1;
	v0 =	vadd.f32 v26, v3  }
0x6e9: {  	v40 =	vld [tilespmem:s1+$0xC7C0];
	v3 =	vadd.f32 v28, v32;
	v14 =	vadd.f32 v21, v14  }
0x6ea: {  	v50 =	vld [tilespmem:s1+$0xE8C0];
	v13 =	vadd.f32 v51, v13;
	v11 =	vadd.f32 v52, v11  }
0x6eb: {  	v45 =	vld [tilespmem:s1+$0xCA40];
	v1 =	vadd.f32 v46, v1;
	v0 =	vadd.f32 v31, v0  }
0x6ec: {  	v44 =	vld [tilespmem:s1+$0xC9C0];
	v3 =	vadd.f32 v33, v3;
	v14 =	vadd.f32 v36, v14  }
0x6ed: {  	v27 =	vld [tilespmem:s1+$0xA850];
	v11 =	vadd.f32 v54, v11;
	v0 =	vadd.f32 v21, v0  }
0x6ee: {  	v48 =	vld [tilespmem:s1+$0xE7C0];
	v3 =	vadd.f32 v37, v3;
	v14 =	vadd.f32 v40, v14  }
0x6ef: {  	v31 =	vld [tilespmem:s1+$0xAA50];
	v1 =	vadd.f32 v50, v1;
	v21 =	vadd.f32 v63, v24  }
0x6f0: {  	v54 =	vld [tilespmem:s1+$0x86D0];
	v11 =	vadd.f32 v56, v11;
	v0 =	vadd.f32 v34, v0  }
0x6f1: {  	v49 =	vld [tilespmem:s1+$0xE840];
	v3 =	vadd.f32 v41, v3;
	v14 =	vadd.f32 v44, v14  }
0x6f2: {  	v52 =	vld [tilespmem:s1+$0xE9C0];
	v1 =	vadd.f32 v13, v1;
	v21 =	vadd.f32 v27, v21  }
0x6f3: {  	v56 =	vld [tilespmem:s1+$0x87D0];
	v9 =	vadd.f32 v11, v9;
	v0 =	vadd.f32 v36, v0  }
0x6f4: {  	v3 =	vadd.f32 v45, v3;
	v14 =	vadd.f32 v48, v14  }
0x6f5: {  	v61 =	vld [tilespmem:s1+$0x89D0];
	v59 =	vadd.f32 $0.0e+00, v54;
	v21 =	vadd.f32 v31, v21  }
0x6f6: {  	v53 =	vld [tilespmem:s1+$0xEA40];
	v25 =	vsub.f32 $0.0e+00, v9;
	v11 =	vadd.f32 v9, v58  }
0x6f7: {  	v0 =	vadd.f32 v38, v0;
	v3 =	vadd.f32 v49, v3  }
0x6f8: {  	v58 =	vld [tilespmem:s1+$0x88D0];
	v14 =	vadd.f32 v52, v14;
	v62 =	vadd.f32 $0.0e+00, v56  }
0x6f9: {  	v26 =	vld [tilespmem:s1+$0xA7D0];
	v18 =	vadd.f32 v56, v59;
	v9 =	vadd.f32 v25, v2  }
0x6fa: {  	v2 =	vadd.f32 v28, v15;
	v0 =	vadd.f32 v40, v0  }
0x6fb: {  	v55 =	vld [tilespmem:s1+$0x8750];
	v3 =	vadd.f32 v53, v3;
	v19 =	vadd.f32 v61, v62  }
0x6fc: {  	v22 =	vld [tilespmem:s1+$0xA6D0];
	v2 =	vadd.f32 v20, v2;
	v0 =	vadd.f32 v42, v0  }
0x6fd: {  	v30 =	vld [tilespmem:s1+$0xA9D0];
	v3 =	vadd.f32 v3, v14;
	v14 =	vadd.f32 v58, v59  }
0x6fe: {  	v60 =	vld [tilespmem:s1+$0x8950];
	v13 =	vadd.f32 v58, v18;
	v19 =	vadd.f32 v26, v19  }
0x6ff: {  	v34 =	vld [tilespmem:s1+$0xC7D0];
	v2 =	vadd.f32 v33, v2;
	v0 =	vadd.f32 v44, v0  }
0x700: {  	v28 =	vld [tilespmem:s1+$0xA8D0];
	v1 =	vadd.f32 v3, v1;
	v3 =	vadd.f32 $0.0e+00, v55  }
0x701: {  	v29 =	vld [tilespmem:s1+$0xA950];
	v13 =	vadd.f32 v61, v13;
	v14 =	vadd.f32 v22, v14  }
0x702: {  	v25 =	vld [tilespmem:s1+$0xA750];
	v19 =	vadd.f32 v30, v19;
	v2 =	vadd.f32 v35, v2  }
0x703: {  	v32 =	vld [tilespmem:s1+$0xC6D0];
	v0 =	vadd.f32 v46, v0;
	v17 =	vadd.f32 v57, v3  }
0x704: {  	v38 =	vld [tilespmem:s1+$0xC9D0];
	v3 =	vadd.f32 v60, v3;
	v13 =	vadd.f32 v22, v13  }
0x705: {  	v36 =	vld [tilespmem:s1+$0xC8D0];
	v14 =	vadd.f32 v28, v14;
	v19 =	vadd.f32 v34, v19  }
0x706: {  	v54 =	vld [tilespmem:s1+$0x8860];
	v2 =	vadd.f32 v37, v2;
	v0 =	vadd.f32 v48, v0  }
0x707: {  	v35 =	vld [tilespmem:s1+$0xC850];
	v16 =	vadd.f32 v60, v17;
	v3 =	vadd.f32 v25, v3  }
0x708: {  	v42 =	vld [tilespmem:s1+$0xE7D0];
	v13 =	vadd.f32 v26, v13;
	v14 =	vadd.f32 v32, v14  }
0x709: {  	v19 =	vadd.f32 v38, v19;
	v2 =	vadd.f32 v39, v2  }
0x70a: {  	v40 =	vld [tilespmem:s1+$0xE6D0];
	v0 =	vadd.f32 v50, v0;
	v16 =	vadd.f32 v63, v16  }
0x70b: {  	v33 =	vld [tilespmem:s1+$0xC750];
	v13 =	vadd.f32 v28, v13;
	v3 =	vadd.f32 v29, v3  }
0x70c: {  	v46 =	vld [tilespmem:s1+$0xE9D0];
	v21 =	vadd.f32 v35, v21;
	v14 =	vadd.f32 v36, v14  }
0x70d: {  	v37 =	vld [tilespmem:s1+$0xC950];
	v19 =	vadd.f32 v42, v19;
	v63 =	vadd.f32 $0.0e+00, v54  }
0x70e: {  	v39 =	vld [tilespmem:s1+$0xCA50];
	v2 =	vadd.f32 v41, v2;
	v0 =	vadd.f32 v52, v0  }
0x70f: {  	v44 =	vld [tilespmem:s1+$0xE8D0];
	v16 =	vadd.f32 v25, v16;
	v13 =	vadd.f32 v30, v13  }
0x710: {  	v50 =	vld [tilespmem:s1+$0x86E0];
	v3 =	vadd.f32 v33, v3;
	v14 =	vadd.f32 v40, v14  }
0x711: {  	v41 =	vld [tilespmem:s1+$0xE750];
	v19 =	vadd.f32 v46, v19;
	v2 =	vadd.f32 v43, v2  }
0x712: {  	v15 =	vadd.f32 v27, v16;
	v13 =	vadd.f32 v32, v13  }
0x713: {  	v43 =	vld [tilespmem:s1+$0xE850];
	v3 =	vadd.f32 v37, v3;
	v21 =	vadd.f32 v39, v21  }
0x714: {  	v23 =	vld [tilespmem:s1+$0x8960];
	v14 =	vadd.f32 v44, v14;
	v2 =	vadd.f32 v45, v2  }
0x715: {  	v45 =	vld [tilespmem:s1+$0xE950];
	v58 =	vadd.f32 $0.0e+00, v50;
	v15 =	vadd.f32 v29, v15  }
0x716: {  	v24 =	vld [tilespmem:s1+$0xA760];
	v13 =	vadd.f32 v34, v13;
	v3 =	vadd.f32 v41, v3  }
0x717: {  	v2 =	vadd.f32 v47, v2;
	v47 =	vld [tilespmem:s1+$0xEA50];
	v15 =	vadd.f32 v31, v15  }
0x718: {  	v62 =	vld [tilespmem:s1+$0xA6E0];
	v13 =	vadd.f32 v36, v13;
	v21 =	vadd.f32 v43, v21  }
0x719: {  	v59 =	vld [tilespmem:s1+$0x8A60];
	v2 =	vadd.f32 v49, v2;
	v15 =	vadd.f32 v33, v15  }
0x71a: {  	v55 =	vld [tilespmem:s1+$0x88E0];
	v13 =	vadd.f32 v38, v13;
	v3 =	vadd.f32 v45, v3  }
0x71b: {  	v57 =	vld [tilespmem:s1+$0x89E0];
	v2 =	vadd.f32 v51, v2;
	v15 =	vadd.f32 v35, v15  }
0x71c: {  	v51 =	vld [tilespmem:s1+$0x8760];
	v13 =	vadd.f32 v40, v13;
	v21 =	vadd.f32 v47, v21  }
0x71d: {  	v48 =	vld [tilespmem:s6+$0x186C0];
	v52 =	vadd.f32 v3, v14;
	v2 =	vadd.f32 v53, v2  }
0x71e: {  	v3 =	vld [tilespmem:s1+$0x87E0];
	v15 =	vadd.f32 v37, v15;
	v13 =	vadd.f32 v42, v13  }
0x71f: {  	v28 =	vld [tilespmem:s1+$0xA860];
	v53 =	vadd.f32 v21, v19;
	v0 =	vadd.f32 v2, v0  }
0x720: {  	v25 =	vld [tilespmem:s1+$0xA7E0];
	v15 =	vadd.f32 v39, v15;
	v13 =	vadd.f32 v44, v13  }
0x721: {  	v30 =	vld [tilespmem:s1+$0xA960];
	v2 =	vadd.f32 v53, v52;
	v60 =	vadd.f32 $0.0e+00, v51  }
0x722: {  	v32 =	vld [tilespmem:s1+$0xAA60];
	v16 =	vadd.f32 v0, v48;
	v0 =	vsub.f32 $0.0e+00, v0  }
0x723: {  	v50 =	vld [tilespmem:s1+$0x8770];
	v61 =	vadd.f32 $0.0e+00, v3;
	v3 =	vadd.f32 v3, v58  }
0x724: {  	v29 =	vld [tilespmem:s1+$0xA8E0];
	v15 =	vadd.f32 v41, v15;
	v13 =	vadd.f32 v46, v13  }
0x725: {  	v34 =	vld [tilespmem:s1+$0xC760];
	v19 =	vadd.f32 v54, v60;
	v17 =	vadd.f32 v23, v60  }
0x726: {  	v51 =	vld [tilespmem:s1+$0x87F0];
	v14 =	vadd.f32 v0, v1;
	v1 =	vadd.f32 v55, v58  }
0x727: {  	v52 =	vld [tilespmem:s1+$0x8870];
	v3 =	vadd.f32 v55, v3;
	v18 =	vadd.f32 v57, v61  }
0x728: {  	v31 =	vld [tilespmem:s1+$0xA9E0];
	v15 =	vadd.f32 v43, v15;
	v19 =	vadd.f32 v23, v19  }
0x729: {  	v36 =	vld [tilespmem:s1+$0xC860];
	v17 =	vadd.f32 v24, v17;
	v0 =	vadd.f32 v57, v3  }
0x72a: {  	v49 =	vld [tilespmem:s6+$0x186D0];
	v3 =	vadd.f32 v59, v63;
	v1 =	vadd.f32 v62, v1  }
0x72b: {  	v33 =	vld [tilespmem:s1+$0xC6E0];
	v18 =	vadd.f32 v25, v18;
	v60 =	vadd.f32 $0.0e+00, v51  }
0x72c: {  	v38 =	vld [tilespmem:s1+$0xC960];
	v23 =	vadd.f32 $0.0e+00, v52;
	v15 =	vadd.f32 v45, v15  }
0x72d: {  	v35 =	vld [tilespmem:s1+$0xC7E0];
	v17 =	vadd.f32 v30, v17;
	v0 =	vadd.f32 v62, v0  }
0x72e: {  	v40 =	vld [tilespmem:s1+$0xCA60];
	v3 =	vadd.f32 v28, v3;
	v1 =	vadd.f32 v29, v1  }
0x72f: {  	v37 =	vld [tilespmem:s1+$0xC8E0];
	v18 =	vadd.f32 v31, v18;
	v15 =	vadd.f32 v47, v15  }
0x730: {  	v39 =	vld [tilespmem:s1+$0xC9E0];
	v17 =	vadd.f32 v34, v17;
	v0 =	vadd.f32 v25, v0  }
0x731: {  	v42 =	vld [tilespmem:s1+$0xE760];
	v3 =	vadd.f32 v32, v3;
	v1 =	vadd.f32 v33, v1  }
0x732: {  	v41 =	vld [tilespmem:s1+$0xE6E0];
	v18 =	vadd.f32 v35, v18;
	v13 =	vadd.f32 v15, v13  }
0x733: {  	v43 =	vld [tilespmem:s1+$0xE7E0];
	v17 =	vadd.f32 v38, v17;
	v0 =	vadd.f32 v29, v0  }
0x734: {  	v44 =	vld [tilespmem:s1+$0xE860];
	v3 =	vadd.f32 v36, v3;
	v1 =	vadd.f32 v37, v1  }
0x735: {  	v46 =	vld [tilespmem:s1+$0xE960];
	v18 =	vadd.f32 v39, v18;
	v56 =	vsub.f32 $0.0e+00, v13  }
0x736: {  	v45 =	vld [tilespmem:s1+$0xE8E0];
	v15 =	vadd.f32 v13, v49;
	v17 =	vadd.f32 v42, v17  }
0x737: {  	v47 =	vld [tilespmem:s1+$0xE9E0];
	v0 =	vadd.f32 v31, v0;
	v3 =	vadd.f32 v40, v3  }
0x738: {  	v1 =	vadd.f32 v41, v1;
	v18 =	vadd.f32 v43, v18  }
0x739: {  	v48 =	vld [tilespmem:s1+$0xEA60];
	v13 =	vadd.f32 v56, v2;
	v2 =	vadd.f32 v59, v19  }
0x73a: {  	v49 =	vld [tilespmem:s1+$0x86F0];
	v17 =	vadd.f32 v46, v17;
	v56 =	vadd.f32 $0.0e+00, v50  }
0x73b: {  	v54 =	vld [tilespmem:s1+$0x8970];
	v0 =	vadd.f32 v33, v0;
	v3 =	vadd.f32 v44, v3  }
0x73c: {  	v1 =	vadd.f32 v45, v1;
	v18 =	vadd.f32 v47, v18  }
0x73d: {  	v53 =	vld [tilespmem:s1+$0x88F0];
	v2 =	vadd.f32 v24, v2;
	v59 =	vadd.f32 v52, v56  }
0x73e: {  	v61 =	vld [tilespmem:s1+$0xA770];
	v0 =	vadd.f32 v35, v0;
	v3 =	vadd.f32 v48, v3  }
0x73f: {  	v1 =	vadd.f32 v17, v1;
	v55 =	vadd.f32 $0.0e+00, v49  }
0x740: {  	v26 =	vld [tilespmem:s1+$0xA6F0];
	v17 =	vadd.f32 v54, v56;
	v2 =	vadd.f32 v28, v2  }
0x741: {  	v63 =	vld [tilespmem:s1+$0xA970];
	v25 =	vadd.f32 v54, v59;
	v0 =	vadd.f32 v37, v0  }
0x742: {  	v57 =	vld [tilespmem:s1+$0x89F0];
	v3 =	vadd.f32 v3, v18;
	v58 =	vadd.f32 v51, v55  }
0x743: {  	v28 =	vld [tilespmem:s1+$0xA8F0];
	v18 =	vadd.f32 v53, v55;
	v17 =	vadd.f32 v61, v17  }
0x744: {  	v35 =	vld [tilespmem:s1+$0xC770];
	v2 =	vadd.f32 v30, v2;
	v0 =	vadd.f32 v39, v0  }
0x745: {  	v1 =	vadd.f32 v3, v1;
	v24 =	vadd.f32 v53, v58  }
0x746: {  	v3 =	vld [tilespmem:s1+$0x8A70];
	v18 =	vadd.f32 v26, v18;
	v17 =	vadd.f32 v63, v17  }
0x747: {  	v2 =	vadd.f32 v32, v2;
	v0 =	vadd.f32 v41, v0  }
0x748: {  	v27 =	vld [tilespmem:s1+$0xA7F0];
	v24 =	vadd.f32 v57, v24;
	v18 =	vadd.f32 v28, v18  }
0x749: {  	v62 =	vld [tilespmem:s1+$0xA870];
	v17 =	vadd.f32 v35, v17;
	v2 =	vadd.f32 v34, v2  }
0x74a: {  	v0 =	vadd.f32 v43, v0;
	v30 =	vadd.f32 v26, v24  }
0x74b: {  	v34 =	vld [tilespmem:s1+$0xC6F0];
	v2 =	vadd.f32 v36, v2;
	v25 =	vadd.f32 v3, v25  }
0x74c: {  	v39 =	vld [tilespmem:s1+$0xC970];
	v3 =	vadd.f32 v3, v23;
	v0 =	vadd.f32 v45, v0  }
0x74d: {  	v33 =	vld [tilespmem:s1+$0xAA70];
	v22 =	vadd.f32 v27, v30;
	v2 =	vadd.f32 v38, v2  }
0x74e: {  	v32 =	vld [tilespmem:s1+$0xA9F0];
	v31 =	vadd.f32 v61, v25;
	v3 =	vadd.f32 v62, v3  }
0x74f: {  	v43 =	vld [tilespmem:s1+$0xE770];
	v0 =	vadd.f32 v47, v0;
	v22 =	vadd.f32 v28, v22  }
0x750: {  	vm1 =	vgt.f32 v8, $0.0e+00;
	v37 =	vld [tilespmem:s1+$0xC870];
	v18 =	vadd.f32 v34, v18;
	v2 =	vadd.f32 v40, v2  }
0x751: {  	v49 =	vsel vm1, $0x3F800000, v4;
	v47 =	vadd.f32 v39, v17;
	v24 =	vadd.f32 v62, v31  }
0x752: {  	vm1 =	vgt.f32 v7, $0.0e+00;
	[tilespmem:s1+$0x1AE00] =	vst v49;
	v38 =	vld [tilespmem:s1+$0xC8F0];
	v3 =	vadd.f32 v33, v3;
	v2 =	vadd.f32 v42, v2  }
0x753: {  	[tilespmem:s6+$0x18680] =	vst v6;
	v6 =	vsel vm1, $0x3F800000, v4;
	v41 =	vld [tilespmem:s1+$0xCA70];
	v22 =	vadd.f32 v32, v22;
	v24 =	vadd.f32 v63, v24  }
0x754: {  	[tilespmem:s1+$0x1AE10] =	vst v6;
	v36 =	vld [tilespmem:s1+$0xC7F0];
	v6 =	vadd.f32 v43, v47;
	v2 =	vadd.f32 v44, v2  }
0x755: {  	v3 =	vadd.f32 v37, v3;
	v24 =	vadd.f32 v33, v24  }
0x756: {  	v22 =	vadd.f32 v34, v22;
	v2 =	vadd.f32 v46, v2  }
0x757: {  	v45 =	vld [tilespmem:s1+$0xE870];
	v18 =	vadd.f32 v38, v18;
	v24 =	vadd.f32 v35, v24  }
0x758: {  	v40 =	vld [tilespmem:s1+$0xC9F0];
	v3 =	vadd.f32 v41, v3;
	v2 =	vadd.f32 v48, v2  }
0x759: {  	v42 =	vld [tilespmem:s1+$0xE6F0];
	v22 =	vadd.f32 v36, v22;
	v24 =	vadd.f32 v37, v24  }
0x75a: {  	v0 =	vadd.f32 v2, v0;
	v2 =	vadd.f32 v57, v60  }
0x75b: {  	v51 =	vld [tilespmem:s1+$0xEA70];
	v22 =	vadd.f32 v38, v22;
	v24 =	vadd.f32 v39, v24  }
0x75c: {  	v44 =	vld [tilespmem:s1+$0xE7F0];
	v3 =	vadd.f32 v45, v3;
	v2 =	vadd.f32 v27, v2  }
0x75d: {  	v46 =	vld [tilespmem:s1+$0xE8F0];
	v22 =	vadd.f32 v40, v22;
	v24 =	vadd.f32 v41, v24  }
0x75e: {  	v7 =	vadd.f32 v42, v18;
	v48 =	vld [tilespmem:s1+$0xE970];
	v2 =	vadd.f32 v32, v2  }
0x75f: {  	v54 =	vld [tilespmem:s6+$0x186E0];
	v22 =	vadd.f32 v42, v22;
	v24 =	vadd.f32 v43, v24  }
0x760: {  	v50 =	vld [tilespmem:s1+$0xE9F0];
	vm1 =	vgt.f32 v12, $0.0e+00;
	v3 =	vadd.f32 v51, v3;
	v2 =	vadd.f32 v36, v2  }
0x761: {  	[tilespmem:s6+$0x18690] =	vst v5;
	v5 =	vsel vm1, $0x3F800000, v4;
	v52 =	vadd.f32 v44, v22;
	v53 =	vadd.f32 v45, v24  }
0x762: {  	[tilespmem:s1+$0x1AE20] =	vst v5;
	v5 =	vadd.f32 v46, v7;
	v2 =	vadd.f32 v40, v2  }
0x763: {  	vm1 =	vgt.f32 v11, $0.0e+00;
	v55 =	vadd.f32 v46, v52;
	v56 =	vadd.f32 v48, v53  }
0x764: {  	v59 =	vld [tilespmem:s6+$0x186F0];
	[tilespmem:s6+$0x186A0] =	vst v10;
	v7 =	vsel vm1, $0x3F800000, v4;
	v8 =	vadd.f32 v0, v54;
	v2 =	vadd.f32 v44, v2  }
0x765: {  	vm1 =	vgt.f32 v16, $0.0e+00;
	[tilespmem:s1+$0x1AE30] =	vst v7;
	v57 =	vadd.f32 v50, v55;
	v58 =	vadd.f32 v51, v56  }
0x766: {  	v60 =	vsel vm1, $0x3F800000, v4;
	v6 =	vadd.f32 v48, v6;
	[tilespmem:s6+$0x186B0] =	vst v9;
	v2 =	vadd.f32 v50, v2  }
0x767: {  	vm1 =	vgt.f32 v15, $0.0e+00;
	v0 =	vsub.f32 $0.0e+00, v0;
	[tilespmem:s1+$0x1AE40] =	vst v60;
	v7 =	vadd.f32 v58, v57  }
0x768: {  	[tilespmem:s6+$0x186C0] =	vst v14;
	v5 =	vadd.f32 v6, v5;
	v2 =	vadd.f32 v3, v2;
	v3 =	vsel vm1, $0x3F800000, v4  }
0x769: {  	p0 =	slt.u32 s0, $0x38;
	v0 =	vadd.f32 v0, v1;
	vm1 =	vgt.f32 v8, $0.0e+00;
	v61 =	vadd.f32 v7, v59;
	[tilespmem:s1+$0x1AE50] =	vst v3  }
.Ltmp6:
0x76a: {  	v3 =	vsel vm1, $0x3F800000, v4;
	[tilespmem:s6+$0x186D0] =	vst v13;
	v2 =	vadd.f32 v2, v5;
	v5 =	vsub.f32 $0.0e+00, v7;
	(pc) =	sbr.rel @p0 .LBB2_14-.Ltmp6, $4  }
0x76b: {  	[tilespmem:s1+$0x1AE60] =	vst v3;
	vm1 =	vgt.f32 v61, $0.0e+00  }
0x76c: {  	[tilespmem:s6+$0x186E0] =	vst v0;
	v62 =	vsel vm1, $0x3F800000, v4;
	v63 =	vadd.f32 v5, v2  }
0x76d: {  	s31 =	sadd.s32 $0x8, s0;
	[tilespmem:s1+$0x1AE70] =	vst v62  }
0x76e: {  	s0 =	smov.u32 s31;
	[tilespmem:s6+$0x186F0] =	vst v63  }
0x76f: {  	s1 =	rddreg [dreg:$0x7];
	s0 =	simm.s32 $0x1AE00  }
0x770: {  	[hbm4b:s1+s4] =	stream.linear.scatter [tilespmem:s0], [sflag:$0x4], $0x80, $0x38;
	[tilespmem:$0x1CA80] =	vst v63  }
0x771: {  	s3 =	simm.s32 $0x1B200;
	s14 =	sadd.s32 $0x80, s1  }
0x772: {  	[hbm4b:s14+s4] =	stream.linear.scatter [tilespmem:s3], [sflag:$0x4], $0x80, $0x38;
	[tilespmem:$0x1CA80] =	vst v63  }
0x773: {  	s16 =	simm.s32 $0x1B600;
	s15 =	sadd.s32 $0x100, s1  }
0x774: {  	[hbm4b:s15+s4] =	stream.linear.scatter [tilespmem:s16], [sflag:$0x4], $0x80, $0x38;
	[tilespmem:$0x1CA80] =	vst v63  }
0x775: {  	s18 =	simm.s32 $0x1BA00;
	s17 =	sadd.s32 $0x180, s1  }
0x776: {  	[hbm4b:s17+s4] =	stream.linear.scatter [tilespmem:s18], [sflag:$0x4], $0x80, $0x38;
	[tilespmem:$0x1CA80] =	vst v63  }
0x777: {  	s20 =	simm.s32 $0x1BE00;
	s19 =	sadd.s32 $0x200, s1  }
0x778: {  	[hbm4b:s19+s4] =	stream.linear.scatter [tilespmem:s20], [sflag:$0x4], $0x80, $0x38;
	[tilespmem:$0x1CA80] =	vst v63  }
0x779: {  	s22 =	simm.s32 $0x1C200;
	s21 =	sadd.s32 $0x280, s1  }
0x77a: {  	[hbm4b:s21+s4] =	stream.linear.scatter [tilespmem:s22], [sflag:$0x4], $0x80, $0x38;
	[tilespmem:$0x1CA80] =	vst v63  }
0x77b: {  	s24 =	simm.s32 $0x1C600;
	s23 =	sadd.s32 $0x300, s1  }
0x77c: {  	[hbm4b:s23+s4] =	stream.linear.scatter [tilespmem:s24], [sflag:$0x4], $0x80, $0x38;
	[tilespmem:$0x1CA80] =	vst v63  }
0x77d: {  	s26 =	simm.s32 $0x1CA00;
	s29 =	simm.s32 $0x4;
	s25 =	sadd.s32 $0x380, s1  }
0x77e: {  	[hbm4b:s25+s4] =	stream.linear.scatter [tilespmem:s26], [sflag:$0x4], $0x80, $0x38;
	[tilespmem:$0x1CA80] =	vst v63  }
0x77f: {  	_ =	swait.ge [sflag:s29], $0x4000  }
0x780: {  	[sflag:s29] =	ssyncset.done $0x0  }
0x781: {  	[sflag:s29] =	ssyncadd.s32 $0xFFFFC000  }
0x782: {  	_ =	swait.ge [sflag:s29], $0x4000  }
0x783: {  	s30 =	rddreg [dreg:$0x9]  }
0x784: {  	s31 =	rddreg [dreg:$0x6];
	s3 =	sadd.s32 $0x1, s30  }
0x785: {  	p0 =	sne.s32 s3, s31  }
.Ltmp7:
0x786: {  	_ = 	snop;
	(pc) =	sbr.rel @p0 .LBB2_1-.Ltmp7, $4  }
0x787: {  	_ = 	snop  }
0x788: {  	v0 =	vld [tilespmem:$0x1FFD0]  }
0x789: {  	[sflag:s29] =	ssyncset.done $0x0;
	v1 =	vld [tilespmem:$0x1FFE0]  }
0x78a: {  	v3 =	vimm.f32 $0.0e+00;
	v2 =	vld [tilespmem:$0x1FFF0];
	[sflag:s29] =	ssyncadd.s32 $0xFFFFC000  }
0x78b: {  	_ =	sfence.sel $0x180000  }
0x78c: {  	[bflag:$0x0] =	sbarrier.arrive $0xFFFF  }
0x78d: {  	_ =	strace $0x90000047  }
0x78e: {  	s0 =	stileid.u32;
	[bflag:$0x2] =	sbarrier.arrive $0xFFFF  }
0x78f: {  	p0 =	sne.s32 s0, $0x0;
	s0 =	rddreg [dreg:$0x3]  }
0x790: {  	s0 =	sadd.s32 @!p0 $0x100000, s0  }
0x791: {  	[sflag:s0] =	ssyncadd.tile.s32 @!p0 $0x1;
	_ =	shalt  }
.Lfunc_end2:
_tile_overlayer_lowered:
.L_overlay_start_2:
0x792: {  	(tag) =	ssettag $0x2  }
0x793: {  	s0 =	rddreg [dreg:$0x0];
	s2 =	stileid.u32  }
0x794: {  	s1 =	rddreg [dreg:$0x1];
	p0 =	sne.s32 s2, $0x0  }
0x795: {  	s3 =	rddreg [dreg:$0x2];
	[bflag:$0x3] =	sbarrier.arrive $0xFFFF;
	s2 =	simm.s32 @!p0 $0x1C05  }
0x796: {  	[timem:s3], [sflag:s2] =	dma.local @!p0 [hbm:s0], s1  }
0x797: {  	s0 =	simm.s32 @!p0 $0x5  }
0x798: {  	_ =	swait.ge @!p0 [sflag:s0], s1  }
0x799: {  	s1 =	ssub.s32 @!p0 $0x0, s1;
	[sflag:s0] =	ssyncset.done @!p0 $0x0  }
0x79a: {  	[sflag:s0] =	ssyncadd.s32 @!p0 s1  }
0x79b: {  	[bflag:$0x3] =	sbarrier.arrive $0xFFFF  }
0x79c: {  	_ =	shalt  }

</sc_bundles>
